<compile_context>
chip_gen: v7x
topology: tpu7x:2x2x1
jax: 0.10.2.dev20260603
libtpu: 0.0.44.dev20260713+nightly
codegen_flags: <defaults>
</compile_context>

<pallas_src>
import functools

import jax
import jax.numpy as jnp
from jax import lax
from jax.experimental import pallas as pl
from jax.experimental.pallas import tpu as pltpu
from jax.experimental.pallas import tpu_sc as plsc

N = 100000
E = 3200000
K = 5
OUT = 16

NC = 2
NS = 16
NW = NC * NS
EPT = E // NW
CHUNK = 400
NCHUNK = EPT // CHUNK
GROUPS = CHUNK // 16
SCAT_ROWS = 5
SCAT_C = CHUNK // SCAT_ROWS
ROWS_PT = 6256
NPAD = NS * ROWS_PT
ZBLK = 136


def _sc_body(src_hbm, dst_hbm, cellw_hbm, f0_hbm, f1_hbm, f2_hbm,
             x_hbm, w2_hbm, out_hbm,
             w2, srcb0, srcb1, dstb0, dstb1, cwb0, cwb1, fb0, fb1,
             xc0, xc1, msg0, msg1,
             in_sem0, in_sem1, x_sem, sc_sem0, sc_sem1,
             xsh, agg):
  c = lax.axis_index("c")
  s = lax.axis_index("s")
  wid = c * NS + s
  srcb = (srcb0, srcb1)
  dstb = (dstb0, dstb1)
  cwb = (cwb0, cwb1)
  fb = (fb0, fb1)
  xc = (xc0, xc1)
  msg = (msg0, msg1)
  in_sem = (in_sem0, in_sem1)
  sc_sem = (sc_sem0, sc_sem1)

  pltpu.sync_copy(w2_hbm, w2)

  @pl.when(s == 0)
  def _():
    pltpu.sync_copy(x_hbm.at[pl.ds(0, N)], xsh)

  def zrow(i, _):
    msg0[i, :] = jnp.zeros((16,), jnp.float32)
    return 0
  lax.fori_loop(0, ZBLK, zrow, 0)
  rows0 = s * ROWS_PT
  def zcopy(k, _):
    pltpu.sync_copy(msg0.at[pl.ds(0, ZBLK)],
                    agg.at[pl.ds(rows0 + k * ZBLK, ZBLK)])
    return 0
  lax.fori_loop(0, ROWS_PT // ZBLK, zcopy, 0)
  plsc.subcore_barrier()

  iota = lax.iota(jnp.int32, 16)
  ebase = wid * EPT

  def load_handles(j, b, make):
    off = ebase + j * CHUNK
    f = pltpu.make_async_copy if make else (
        lambda a, d, m: pltpu.async_copy(a, d, m))
    hs = [f(src_hbm.at[pl.ds(off, CHUNK)], srcb[b], in_sem[b]),
          f(cellw_hbm.at[pl.ds(off, CHUNK)], cwb[b], in_sem[b]),
          f(f0_hbm.at[pl.ds(off, CHUNK)], fb[b].at[0], in_sem[b]),
          f(f1_hbm.at[pl.ds(off, CHUNK)], fb[b].at[1], in_sem[b]),
          f(f2_hbm.at[pl.ds(off, CHUNK)], fb[b].at[2], in_sem[b])]
    hs += [f(dst_hbm.at[pl.ds(off + r * SCAT_C, SCAT_C)], dstb[b].at[r],
             in_sem[b]) for r in range(SCAT_ROWS)]
    return hs

  def scat_handles(b, make):
    if make:
      return [pltpu.make_async_copy(msg[b].at[pl.ds(r * SCAT_C, SCAT_C)],
                                    agg.at[dstb[b].at[r]], sc_sem[b])
              for r in range(SCAT_ROWS)]
    return [pltpu.async_copy(msg[b].at[pl.ds(r * SCAT_C, SCAT_C)],
                             agg.at[dstb[b].at[r]], sc_sem[b], add=True)
            for r in range(SCAT_ROWS)]

  def compute(b):
    def group(i):
      base = i * 16
      e = base + iota
      x_v = xc[b][pl.ds(base, 16)]
      cellw = cwb[b][pl.ds(base, 16)]
      f0 = fb[b][0, pl.ds(base, 16)]
      f1 = fb[b][1, pl.ds(base, 16)]
      f2 = fb[b][2, pl.ds(base, 16)]
      g0 = 1.0 - f0
      g1 = 1.0 - f1
      g2 = 1.0 - f2
      msgs = [jnp.zeros((16,), jnp.float32) for _ in range(OUT)]
      for bits in range(8):
        dx, dy, dz = bits & 1, (bits >> 1) & 1, (bits >> 2) & 1
        bv = ((f0 if dx else g0) * (f1 if dy else g1) * (f2 if dz else g2))
        bx = bv * x_v
        widx = cellw + (dx + 5 * dy + 25 * dz) * 16
        for o in range(OUT):
          w = plsc.load_gather(w2, [widx + o])
          msgs[o] = msgs[o] + w * bx
      for o in range(OUT):
        plsc.store_scatter(msg[b], [e, jnp.full((16,), o, jnp.int32)],
                           msgs[o])
    plsc.parallel_loop(0, GROUPS, 1, unroll=2)(group)

  load_handles(0, 0, False)

  def outer(jo, _):
    for b in range(2):
      j = 2 * jo + b
      nb = 1 - b
      for h in load_handles(j, b, True):
        h.wait()
      xh = [pltpu.async_copy(
          xsh.at[srcb[b].at[pl.ds(r * SCAT_C, SCAT_C)]],
          xc[b].at[pl.ds(r * SCAT_C, SCAT_C)], x_sem)
          for r in range(SCAT_ROWS)]

      @pl.when(j >= 1)
      def _():
        for h in scat_handles(nb, True):
          h.wait()

      @pl.when(j + 1 < NCHUNK)
      def _():
        load_handles(j + 1, nb, False)

      for h in xh:
        h.wait()
      compute(b)
      scat_handles(b, False)
    return 0
  lax.fori_loop(0, NCHUNK // 2, outer, 0)
  for h in scat_handles(1, True):
    h.wait()

  plsc.subcore_barrier()
  pltpu.sync_copy(agg.at[pl.ds(rows0, ROWS_PT)],
                  out_hbm.at[c].at[pl.ds(rows0, ROWS_PT)])


def _sc_aggregate(src, dst, cellw, f0, f1, f2, x_flat, w2_flat):
  mesh = plsc.VectorSubcoreMesh(core_axis_name="c", subcore_axis_name="s")
  f = pl.kernel(
      _sc_body,
      out_type=jax.ShapeDtypeStruct((NC, NPAD, OUT), jnp.float32),
      mesh=mesh,
      scratch_types=(
          [pltpu.VMEM((K ** 3 * OUT,), jnp.float32)] +
          [pltpu.VMEM((CHUNK,), jnp.int32)] * 2 +
          [pltpu.VMEM((SCAT_ROWS, SCAT_C), jnp.int32)] * 2 +
          [pltpu.VMEM((CHUNK,), jnp.int32)] * 2 +
          [pltpu.VMEM((3, CHUNK), jnp.float32)] * 2 +
          [pltpu.VMEM((CHUNK,), jnp.float32)] * 2 +
          [pltpu.VMEM((CHUNK, OUT), jnp.float32)] * 2 +
          [pltpu.SemaphoreType.DMA] * 5 +
          [pltpu.VMEM_SHARED((N,), jnp.float32),
           pltpu.VMEM_SHARED((NPAD, OUT), jnp.float32)]
      ),
      compiler_params=pltpu.CompilerParams(needs_layout_passes=False,
                                           use_tc_tiling_on_sc=False),
  )
  return f(src, dst, cellw, f0, f1, f2, x_flat, w2_flat)


EB = 25600
XB = 10240
NXPAD = 102400


def _prep_body(ei_ref, p_ref, src_ref, dst_ref, cw_ref,
               f0_ref, f1_ref, f2_ref):
  src_ref[...] = ei_ref[0, :]
  dst_ref[...] = ei_ref[1, :]
  pt = p_ref[...].T
  cw = jnp.zeros((EB,), jnp.int32)
  fs = [f0_ref, f1_ref, f2_ref]
  strides = (1, K, K * K)
  for d in range(3):
    pd = pt[d, :] * (K - 1.0)
    lo = jnp.minimum(pd.astype(jnp.int32), K - 2)
    fs[d][...] = pd - lo.astype(jnp.float32)
    cw = cw + lo * (strides[d] * OUT)
  cw_ref[...] = cw


def _x_prep_body(x_ref, o_ref):
  o_ref[...] = x_ref[...].T[0, :]


def _prep(edge_index, pseudo, x):
  src, dst, cellw, f0, f1, f2 = pl.pallas_call(
      _prep_body,
      grid=(E // EB,),
      in_specs=[pl.BlockSpec((2, EB), lambda i: (0, i)),
                pl.BlockSpec((EB, 3), lambda i: (i, 0))],
      out_specs=[pl.BlockSpec((EB,), lambda i: (i,)) for _ in range(6)],
      out_shape=[jax.ShapeDtypeStruct((E,), jnp.int32)] * 3 +
                [jax.ShapeDtypeStruct((E,), jnp.float32)] * 3,
  )(edge_index, pseudo)
  x_flat = pl.pallas_call(
      _x_prep_body,
      grid=(NXPAD // XB,),
      in_specs=[pl.BlockSpec((XB, 1), lambda i: (i, 0))],
      out_specs=pl.BlockSpec((XB,), lambda i: (i,)),
      out_shape=jax.ShapeDtypeStruct((NXPAD,), jnp.float32),
  )(x)
  return src, dst, cellw, f0, f1, f2, x_flat


def _head_body(p0_ref, p1_ref, x_ref, wr_ref, b_ref, lw_ref, lb_ref, o_ref):
  h = p0_ref[...] + p1_ref[...] + x_ref[...] * wr_ref[...] + b_ref[...]
  h = jnp.where(h > 0, h, jnp.exp(jnp.minimum(h, 0.0)) - 1.0)
  q = jnp.dot(h, lw_ref[...], preferred_element_type=jnp.float32) + lb_ref[...]
  sq = jnp.sum(q * q, axis=-1, keepdims=True)
  o_ref[...] = q / (jnp.sqrt(sq) + 1e-4)


def _head(p0, p1, x, w_root, bias, lin_w, lin_b):
  blk = 2000
  grid = (N // blk,)
  return pl.pallas_call(
      _head_body,
      grid=grid,
      in_specs=[
          pl.BlockSpec((blk, OUT), lambda i: (i, 0)),
          pl.BlockSpec((blk, OUT), lambda i: (i, 0)),
          pl.BlockSpec((blk, 1), lambda i: (i, 0)),
          pl.BlockSpec((1, OUT), lambda i: (0, 0)),
          pl.BlockSpec((1, OUT), lambda i: (0, 0)),
          pl.BlockSpec((OUT, 4), lambda i: (0, 0)),
          pl.BlockSpec((1, 4), lambda i: (0, 0)),
      ],
      out_specs=pl.BlockSpec((blk, 4), lambda i: (i, 0)),
      out_shape=jax.ShapeDtypeStruct((N, 4), jnp.float32),
  )(p0, p1, x, w_root, bias, lin_w, lin_b)


@jax.jit
def _run(x, edge_index, pseudo, W, W_root, bias, lin_W, lin_b):
  src, dst, cellw, f0, f1, f2, x_flat = _prep(edge_index, pseudo, x)
  w2_flat = W.reshape(-1)
  partials = _sc_aggregate(src, dst, cellw, f0, f1, f2, x_flat, w2_flat)
  out = _head(partials[0, :N], partials[1, :N], x,
              W_root.reshape(1, OUT), bias.reshape(1, OUT),
              lin_W, lin_b.reshape(1, 4))
  return out.reshape(N, 1, 4)


def kernel(x, edge_index, pseudo, W, W_root, bias, lin_W, lin_b):
  return _run(x, edge_index, pseudo, W, W_root, bias, lin_W, lin_b)

# --- scband reference (transcript-rebuilt; emitter-appended) ---
"""Pipeline reference for scband-net-44023414784339 (READ-ONLY COPY).

The authoritative reference and input builder live on the scoring server;
editing this copy changes nothing except your own understanding.
"""

import jax, jax.numpy as jnp
import numpy as np

N = 100000
E = 3200000
K = 5      # kernel_size
DIM = 3    # pseudo-coordinate dim
IN = 1
OUT = 16
NUM_CAPS_IN = 1


def setup_inputs(seed: int = 0) -> dict:
    key = jax.random.key(seed)
    ks = jax.random.split(key, 8)
    x = jax.random.normal(ks[0], (N, IN), dtype=jnp.float32)
    edge_index = jax.random.randint(ks[1], (2, E), 0, N)
    pseudo = jax.random.uniform(ks[2], (E, DIM), dtype=jnp.float32)
    # SplineConv parameters: weight [kernel_size**dim, in, out], root weight, bias
    W = 0.1 * jax.random.normal(ks[3], (K ** DIM, IN, OUT), dtype=jnp.float32)
    W_root = 0.1 * jax.random.normal(ks[4], (IN, OUT), dtype=jnp.float32)
    bias = jnp.zeros((OUT,), dtype=jnp.float32)
    # self.lin = Linear(16, 4)
    lin_W = 0.1 * jax.random.normal(ks[5], (OUT, 4), dtype=jnp.float32)
    lin_b = jnp.zeros((4,), dtype=jnp.float32)
    return {"x": x, "edge_index": edge_index, "pseudo": pseudo,
            "W": W, "W_root": W_root, "bias": bias,
            "lin_W": lin_W, "lin_b": lin_b}


def _spline_conv(x, edge_index, pseudo, W, W_root, bias):
    # Degree-1 (linear) open B-spline basis SplineConv, faithful to
    # torch_geometric SplineConv(1, 16, dim=3, kernel_size=5) with degree=1.
    src = edge_index[0]
    dst = edge_index[1]
    p = pseudo * (K - 1)                          # [E, DIM]
    lo = jnp.clip(jnp.floor(p), 0, K - 2).astype(jnp.int32)
    frac = p - lo                                 # [E, DIM]
    x_src = jnp.take(x, src, axis=0)              # [E, IN] gather
    strides = jnp.array([1, K, K * K], dtype=jnp.int32)
    msg = jnp.zeros((E, OUT), dtype=jnp.float32)
    for bits in range(2 ** DIM):
        offs = jnp.array([(bits >> d) & 1 for d in range(DIM)], dtype=jnp.int32)
        b = jnp.prod(jnp.where(offs.astype(bool), frac, 1.0 - frac), axis=1)  # [E]
        idx = jnp.sum((lo + offs) * strides, axis=1)                          # [E]
        w = jnp.take(W, idx, axis=0)              # [E, IN, OUT] gather
        msg = msg + b[:, None] * jnp.einsum('ei,eio->eo', x_src, w)
    agg = jax.ops.segment_sum(msg, dst, num_segments=N)   # scatter-add
    return agg + x @ W_root + bias


def reference(x, edge_index, pseudo, W, W_root, bias, lin_W, lin_b):
    h = jax.nn.elu(_spline_conv(x, edge_index, pseudo, W, W_root, bias))
    quats = h @ lin_W + lin_b                     # [N, 4]
    q = quats.reshape(-1, NUM_CAPS_IN, 4)
    sq = jnp.sum(q ** 2, axis=-1, keepdims=True)
    return q / (jnp.sqrt(sq) + 1e-4)

if __name__ == "__main__":
    import jax
    _d = setup_inputs()
    print(jax.jit(kernel)(*tuple(_d.values())))

</pallas_src>

<mosaic_0001>
#map = affine_map<(d0, d1) -> (0)>
#map1 = affine_map<(d0, d1) -> (0, 0, 0)>
module attributes {stable_mosaic.version = 14 : i64} {
  func.func @_sc_body(%arg0: i32, %arg1: i32, %arg2: memref<3200000xi32, #tpu.memory_space<hbm>>, %arg3: memref<3200000xi32, #tpu.memory_space<hbm>>, %arg4: memref<3200000xi32, #tpu.memory_space<hbm>>, %arg5: memref<3200000xf32, #tpu.memory_space<hbm>>, %arg6: memref<3200000xf32, #tpu.memory_space<hbm>>, %arg7: memref<3200000xf32, #tpu.memory_space<hbm>>, %arg8: memref<102400xf32, #tpu.memory_space<hbm>>, %arg9: memref<2000xf32, #tpu.memory_space<hbm>>, %arg10: memref<2x100096x16xf32, #tpu.memory_space<hbm>>, %arg11: memref<2000xf32, #tpu.memory_space<vmem>>, %arg12: memref<400xi32, #tpu.memory_space<vmem>>, %arg13: memref<400xi32, #tpu.memory_space<vmem>>, %arg14: memref<5x80xi32, #tpu.memory_space<vmem>>, %arg15: memref<5x80xi32, #tpu.memory_space<vmem>>, %arg16: memref<400xi32, #tpu.memory_space<vmem>>, %arg17: memref<400xi32, #tpu.memory_space<vmem>>, %arg18: memref<3x400xf32, #tpu.memory_space<vmem>>, %arg19: memref<3x400xf32, #tpu.memory_space<vmem>>, %arg20: memref<400xf32, #tpu.memory_space<vmem>>, %arg21: memref<400xf32, #tpu.memory_space<vmem>>, %arg22: memref<400x16xf32, #tpu.memory_space<vmem>>, %arg23: memref<400x16xf32, #tpu.memory_space<vmem>>, %arg24: memref<!tpu.dma_semaphore, #tpu.memory_space<semaphore_mem>>, %arg25: memref<!tpu.dma_semaphore, #tpu.memory_space<semaphore_mem>>, %arg26: memref<!tpu.dma_semaphore, #tpu.memory_space<semaphore_mem>>, %arg27: memref<!tpu.dma_semaphore, #tpu.memory_space<semaphore_mem>>, %arg28: memref<!tpu.dma_semaphore, #tpu.memory_space<semaphore_mem>>, %arg29: memref<100000xf32, #tpu.memory_space<vmem_shared>>, %arg30: memref<100096x16xf32, #tpu.memory_space<vmem_shared>>) attributes {dimension_semantics = [#tpu.dimension_semantics<core_parallel>, #tpu.dimension_semantics<subcore_parallel>], iteration_bounds = array<i64: 2, 16>, scalar_prefetch = 0 : i64, scratch_operands = 20 : i64, tpu.core_type = #tpu.core_type<sc_vector_subcore>, window_params = [{transform_indices = #map}, {transform_indices = #map}, {transform_indices = #map}, {transform_indices = #map}, {transform_indices = #map}, {transform_indices = #map}, {transform_indices = #map}, {transform_indices = #map}, {transform_indices = #map1}]} {
    %mul3A = arith.constant 16 : i32
    %mul3A_0 = arith.muli %arg0, %mul3A : i32
    %add3A = arith.addi %mul3A_0, %arg1 : i32
    "tpu.region"() ({
      %run_scoped3A = tpu.sem_alloc : memref<!tpu.dma_semaphore, #tpu.memory_space<semaphore_mem>>
      tpu.enqueue_dma source(%arg9 : memref<2000xf32, #tpu.memory_space<hbm>>) target(%arg11 : memref<2000xf32, #tpu.memory_space<vmem>>) target_semaphore(%run_scoped3A : memref<!tpu.dma_semaphore, #tpu.memory_space<semaphore_mem>>)
      tpu.wait_dma2 semaphore(%run_scoped3A : memref<!tpu.dma_semaphore, #tpu.memory_space<semaphore_mem>>) src(%arg9 : memref<2000xf32, #tpu.memory_space<hbm>>) dst(%arg11 : memref<2000xf32, #tpu.memory_space<vmem>>)
      tpu.yield
    }) : () -> ()
    %eq3A = arith.constant 0 : i32
    %eq3A_1 = arith.cmpi eq, %arg1, %eq3A : i32
    %convert_element_type3A = arith.extui %eq3A_1 : i1 to i32
    %cond3A = arith.constant 0 : i32
    %cond3A_2 = arith.cmpi ne, %convert_element_type3A, %cond3A : i32
    scf.if %cond3A_2 {
      "tpu.region"() ({
        %run_scoped3A = tpu.sem_alloc : memref<!tpu.dma_semaphore, #tpu.memory_space<semaphore_mem>>
        %dma_start3A_164 = arith.constant 0 : i32
        %dma_start3A_165 = tpu.memref_slice %arg8[%dma_start3A_164] : memref<102400xf32, #tpu.memory_space<hbm>> -> memref<100000xf32, #tpu.memory_space<hbm>>
        tpu.enqueue_dma source(%dma_start3A_165 : memref<100000xf32, #tpu.memory_space<hbm>>) target(%arg29 : memref<100000xf32, #tpu.memory_space<vmem_shared>>) target_semaphore(%run_scoped3A : memref<!tpu.dma_semaphore, #tpu.memory_space<semaphore_mem>>)
        %dma_wait3A_166 = arith.constant 0 : i32
        %dma_wait3A_167 = tpu.memref_slice %arg8[%dma_wait3A_166] : memref<102400xf32, #tpu.memory_space<hbm>> -> memref<100000xf32, #tpu.memory_space<hbm>>
        tpu.wait_dma2 semaphore(%run_scoped3A : memref<!tpu.dma_semaphore, #tpu.memory_space<semaphore_mem>>) src(%dma_wait3A_167 : memref<100000xf32, #tpu.memory_space<hbm>>) dst(%arg29 : memref<100000xf32, #tpu.memory_space<vmem_shared>>)
        tpu.yield
      }) : () -> ()
    } else {
    }
    %scan3A = arith.constant 0 : i32
    %scan3A_3 = arith.constant 0 : i32
    %scan3A_4 = arith.constant 136 : i32
    %scan3A_5 = arith.addi %scan3A_3, %scan3A_4 : i32
    %scan3A_6 = arith.constant 1 : i32
    %scan3A_7 = scf.for %scan3A_164 = %scan3A_3 to %scan3A_5 step %scan3A_6 iter_args(%scan3A_165 = %scan3A) -> (i32)  : i32 {
      %broadcast_in_dim3A = arith.constant 0.000000e+00 : f32
      %broadcast_in_dim3A_166 = vector.broadcast %broadcast_in_dim3A : f32 to vector<16xf32>
      %swap3A = arith.index_cast %scan3A_164 : i32 to index
      %swap3A_167 = arith.constant 0 : index
      %swap3A_168 = tpu.vector_load %arg22[%swap3A, %swap3A_167] {strides = array<i32>} : memref<400x16xf32, #tpu.memory_space<vmem>>, vector<16xf32>,
      tpu.vector_store %arg22[%swap3A, %swap3A_167], %broadcast_in_dim3A_166 {strides = array<i32>} : memref<400x16xf32, #tpu.memory_space<vmem>>, vector<16xf32>,
      %scan3A_169 = arith.constant 0 : i32
      scf.yield %scan3A_169 : i32
    }
    %scan3A_8 = arith.constant 136 : i32
    %mul3A_9 = arith.constant 6256 : i32
    %mul3A_10 = arith.muli %arg1, %mul3A_9 : i32
    %scan3A_11 = arith.constant 0 : i32
    %scan3A_12 = arith.constant 0 : i32
    %scan3A_13 = arith.constant 46 : i32
    %scan3A_14 = arith.addi %scan3A_12, %scan3A_13 : i32
    %scan3A_15 = arith.constant 1 : i32
    %scan3A_16 = scf.for %scan3A_164 = %scan3A_12 to %scan3A_14 step %scan3A_15 iter_args(%scan3A_165 = %scan3A_11) -> (i32)  : i32 {
      %mul3A_166 = arith.constant 136 : i32
      %mul3A_167 = arith.muli %scan3A_164, %mul3A_166 : i32
      %add3A_168 = arith.addi %mul3A_10, %mul3A_167 : i32
      "tpu.region"() ({
        %run_scoped3A = tpu.sem_alloc : memref<!tpu.dma_semaphore, #tpu.memory_space<semaphore_mem>>
        %dma_start3A_170 = arith.constant 0 : i32
        %dma_start3A_171 = arith.constant 0 : i32
        %dma_start3A_172 = tpu.memref_slice %arg22[%dma_start3A_170, %dma_start3A_171] : memref<400x16xf32, #tpu.memory_space<vmem>> -> memref<136x16xf32, #tpu.memory_space<vmem>>
        %dma_start3A_173 = arith.constant 0 : i32
        %dma_start3A_174 = tpu.memref_slice %arg30[%add3A_168, %dma_start3A_173] : memref<100096x16xf32, #tpu.memory_space<vmem_shared>> -> memref<136x16xf32, #tpu.memory_space<vmem_shared>>
        %dma_start3A_175 = arith.constant 0 : i32
        %dma_start3A_176 = tpu.memref_slice %arg30[%add3A_168, %dma_start3A_175] : memref<100096x16xf32, #tpu.memory_space<vmem_shared>> -> memref<136x16xf32, #tpu.memory_space<vmem_shared>>
        %dma_start3A_177 = arith.constant 0 : i32
        %dma_start3A_178 = arith.constant 0 : i32
        %dma_start3A_179 = tpu.memref_slice %arg22[%dma_start3A_177, %dma_start3A_178] : memref<400x16xf32, #tpu.memory_space<vmem>> -> memref<136x16xf32, #tpu.memory_space<vmem>>
        tpu.enqueue_dma source(%dma_start3A_179 : memref<136x16xf32, #tpu.memory_space<vmem>>) target(%dma_start3A_176 : memref<136x16xf32, #tpu.memory_space<vmem_shared>>) target_semaphore(%run_scoped3A : memref<!tpu.dma_semaphore, #tpu.memory_space<semaphore_mem>>)
        %dma_wait3A_180 = arith.constant 0 : i32
        %dma_wait3A_181 = arith.constant 0 : i32
        %dma_wait3A_182 = tpu.memref_slice %arg22[%dma_wait3A_180, %dma_wait3A_181] : memref<400x16xf32, #tpu.memory_space<vmem>> -> memref<136x16xf32, #tpu.memory_space<vmem>>
        %dma_wait3A_183 = arith.constant 0 : i32
        %dma_wait3A_184 = tpu.memref_slice %arg30[%add3A_168, %dma_wait3A_183] : memref<100096x16xf32, #tpu.memory_space<vmem_shared>> -> memref<136x16xf32, #tpu.memory_space<vmem_shared>>
        %dma_wait3A_185 = arith.constant 0 : i32
        %dma_wait3A_186 = tpu.memref_slice %arg30[%add3A_168, %dma_wait3A_185] : memref<100096x16xf32, #tpu.memory_space<vmem_shared>> -> memref<136x16xf32, #tpu.memory_space<vmem_shared>>
        %dma_wait3A_187 = arith.constant 0 : i32
        %dma_wait3A_188 = arith.constant 0 : i32
        %dma_wait3A_189 = tpu.memref_slice %arg22[%dma_wait3A_187, %dma_wait3A_188] : memref<400x16xf32, #tpu.memory_space<vmem>> -> memref<136x16xf32, #tpu.memory_space<vmem>>
        tpu.wait_dma2 semaphore(%run_scoped3A : memref<!tpu.dma_semaphore, #tpu.memory_space<semaphore_mem>>) src(%dma_wait3A_189 : memref<136x16xf32, #tpu.memory_space<vmem>>) dst(%dma_wait3A_186 : memref<136x16xf32, #tpu.memory_space<vmem_shared>>)
        tpu.yield
      }) : () -> ()
      %scan3A_169 = arith.constant 0 : i32
      scf.yield %scan3A_169 : i32
    }
    %scan3A_17 = arith.constant 46 : i32
    %barrier3A = arith.constant 0 : index
    tpu.barrier barrier_id(%barrier3A)
    %iota3A = tpu.iota {dimensions = array<i32: 0>} : vector<16xi32>
    %mul3A_18 = arith.constant 100000 : i32
    %mul3A_19 = arith.muli %add3A, %mul3A_18 : i32
    %add3A_20 = arith.constant 0 : i32
    %add3A_21 = arith.addi %mul3A_19, %add3A_20 : i32
    %dma_start3A = tpu.memref_slice %arg2[%add3A_21] : memref<3200000xi32, #tpu.memory_space<hbm>> -> memref<400xi32, #tpu.memory_space<hbm>>
    %dma_start3A_22 = tpu.memref_slice %arg2[%add3A_21] : memref<3200000xi32, #tpu.memory_space<hbm>> -> memref<400xi32, #tpu.memory_space<hbm>>
    tpu.enqueue_dma source(%dma_start3A_22 : memref<400xi32, #tpu.memory_space<hbm>>) target(%arg12 : memref<400xi32, #tpu.memory_space<vmem>>) target_semaphore(%arg24 : memref<!tpu.dma_semaphore, #tpu.memory_space<semaphore_mem>>)
    %dma_start3A_23 = tpu.memref_slice %arg4[%add3A_21] : memref<3200000xi32, #tpu.memory_space<hbm>> -> memref<400xi32, #tpu.memory_space<hbm>>
    %dma_start3A_24 = tpu.memref_slice %arg4[%add3A_21] : memref<3200000xi32, #tpu.memory_space<hbm>> -> memref<400xi32, #tpu.memory_space<hbm>>
    tpu.enqueue_dma source(%dma_start3A_24 : memref<400xi32, #tpu.memory_space<hbm>>) target(%arg16 : memref<400xi32, #tpu.memory_space<vmem>>) target_semaphore(%arg24 : memref<!tpu.dma_semaphore, #tpu.memory_space<semaphore_mem>>)
    %dma_start3A_25 = arith.constant 0 : i32
    %dma_start3A_26 = arith.constant 0 : i32
    %dma_start3A_27 = tpu.memref_slice %arg18[%dma_start3A_25, %dma_start3A_26] : memref<3x400xf32, #tpu.memory_space<vmem>> -> memref<1x400xf32, #tpu.memory_space<vmem>>
    %dma_start3A_28 = tpu.memref_squeeze %dma_start3A_27 : memref<1x400xf32, #tpu.memory_space<vmem>> -> memref<400xf32, #tpu.memory_space<vmem>>
    %dma_start3A_29 = tpu.memref_slice %arg5[%add3A_21] : memref<3200000xf32, #tpu.memory_space<hbm>> -> memref<400xf32, #tpu.memory_space<hbm>>
    %dma_start3A_30 = arith.constant 0 : i32
    %dma_start3A_31 = tpu.memref_slice %arg18[%dma_start3A_25, %dma_start3A_30] : memref<3x400xf32, #tpu.memory_space<vmem>> -> memref<1x400xf32, #tpu.memory_space<vmem>>
    %dma_start3A_32 = tpu.memref_squeeze %dma_start3A_31 : memref<1x400xf32, #tpu.memory_space<vmem>> -> memref<400xf32, #tpu.memory_space<vmem>>
    %dma_start3A_33 = tpu.memref_slice %arg5[%add3A_21] : memref<3200000xf32, #tpu.memory_space<hbm>> -> memref<400xf32, #tpu.memory_space<hbm>>
    tpu.enqueue_dma source(%dma_start3A_33 : memref<400xf32, #tpu.memory_space<hbm>>) target(%dma_start3A_32 : memref<400xf32, #tpu.memory_space<vmem>>) target_semaphore(%arg24 : memref<!tpu.dma_semaphore, #tpu.memory_space<semaphore_mem>>)
    %dma_start3A_34 = arith.constant 1 : i32
    %dma_start3A_35 = arith.constant 0 : i32
    %dma_start3A_36 = tpu.memref_slice %arg18[%dma_start3A_34, %dma_start3A_35] : memref<3x400xf32, #tpu.memory_space<vmem>> -> memref<1x400xf32, #tpu.memory_space<vmem>>
    %dma_start3A_37 = tpu.memref_squeeze %dma_start3A_36 : memref<1x400xf32, #tpu.memory_space<vmem>> -> memref<400xf32, #tpu.memory_space<vmem>>
    %dma_start3A_38 = tpu.memref_slice %arg6[%add3A_21] : memref<3200000xf32, #tpu.memory_space<hbm>> -> memref<400xf32, #tpu.memory_space<hbm>>
    %dma_start3A_39 = arith.constant 0 : i32
    %dma_start3A_40 = tpu.memref_slice %arg18[%dma_start3A_34, %dma_start3A_39] : memref<3x400xf32, #tpu.memory_space<vmem>> -> memref<1x400xf32, #tpu.memory_space<vmem>>
    %dma_start3A_41 = tpu.memref_squeeze %dma_start3A_40 : memref<1x400xf32, #tpu.memory_space<vmem>> -> memref<400xf32, #tpu.memory_space<vmem>>
    %dma_start3A_42 = tpu.memref_slice %arg6[%add3A_21] : memref<3200000xf32, #tpu.memory_space<hbm>> -> memref<400xf32, #tpu.memory_space<hbm>>
    tpu.enqueue_dma source(%dma_start3A_42 : memref<400xf32, #tpu.memory_space<hbm>>) target(%dma_start3A_41 : memref<400xf32, #tpu.memory_space<vmem>>) target_semaphore(%arg24 : memref<!tpu.dma_semaphore, #tpu.memory_space<semaphore_mem>>)
    %dma_start3A_43 = arith.constant 2 : i32
    %dma_start3A_44 = arith.constant 0 : i32
    %dma_start3A_45 = tpu.memref_slice %arg18[%dma_start3A_43, %dma_start3A_44] : memref<3x400xf32, #tpu.memory_space<vmem>> -> memref<1x400xf32, #tpu.memory_space<vmem>>
    %dma_start3A_46 = tpu.memref_squeeze %dma_start3A_45 : memref<1x400xf32, #tpu.memory_space<vmem>> -> memref<400xf32, #tpu.memory_space<vmem>>
    %dma_start3A_47 = tpu.memref_slice %arg7[%add3A_21] : memref<3200000xf32, #tpu.memory_space<hbm>> -> memref<400xf32, #tpu.memory_space<hbm>>
    %dma_start3A_48 = arith.constant 0 : i32
    %dma_start3A_49 = tpu.memref_slice %arg18[%dma_start3A_43, %dma_start3A_48] : memref<3x400xf32, #tpu.memory_space<vmem>> -> memref<1x400xf32, #tpu.memory_space<vmem>>
    %dma_start3A_50 = tpu.memref_squeeze %dma_start3A_49 : memref<1x400xf32, #tpu.memory_space<vmem>> -> memref<400xf32, #tpu.memory_space<vmem>>
    %dma_start3A_51 = tpu.memref_slice %arg7[%add3A_21] : memref<3200000xf32, #tpu.memory_space<hbm>> -> memref<400xf32, #tpu.memory_space<hbm>>
    tpu.enqueue_dma source(%dma_start3A_51 : memref<400xf32, #tpu.memory_space<hbm>>) target(%dma_start3A_50 : memref<400xf32, #tpu.memory_space<vmem>>) target_semaphore(%arg24 : memref<!tpu.dma_semaphore, #tpu.memory_space<semaphore_mem>>)
    %add3A_52 = arith.constant 0 : i32
    %add3A_53 = arith.addi %add3A_21, %add3A_52 : i32
    %dma_start3A_54 = arith.constant 0 : i32
    %dma_start3A_55 = arith.constant 0 : i32
    %dma_start3A_56 = tpu.memref_slice %arg14[%dma_start3A_54, %dma_start3A_55] : memref<5x80xi32, #tpu.memory_space<vmem>> -> memref<1x80xi32, #tpu.memory_space<vmem>>
    %dma_start3A_57 = tpu.memref_squeeze %dma_start3A_56 : memref<1x80xi32, #tpu.memory_space<vmem>> -> memref<80xi32, #tpu.memory_space<vmem>>
    %dma_start3A_58 = tpu.memref_slice %arg3[%add3A_53] : memref<3200000xi32, #tpu.memory_space<hbm>> -> memref<80xi32, #tpu.memory_space<hbm>>
    %dma_start3A_59 = arith.constant 0 : i32
    %dma_start3A_60 = tpu.memref_slice %arg14[%dma_start3A_54, %dma_start3A_59] : memref<5x80xi32, #tpu.memory_space<vmem>> -> memref<1x80xi32, #tpu.memory_space<vmem>>
    %dma_start3A_61 = tpu.memref_squeeze %dma_start3A_60 : memref<1x80xi32, #tpu.memory_space<vmem>> -> memref<80xi32, #tpu.memory_space<vmem>>
    %dma_start3A_62 = tpu.memref_slice %arg3[%add3A_53] : memref<3200000xi32, #tpu.memory_space<hbm>> -> memref<80xi32, #tpu.memory_space<hbm>>
    tpu.enqueue_dma source(%dma_start3A_62 : memref<80xi32, #tpu.memory_space<hbm>>) target(%dma_start3A_61 : memref<80xi32, #tpu.memory_space<vmem>>) target_semaphore(%arg24 : memref<!tpu.dma_semaphore, #tpu.memory_space<semaphore_mem>>)
    %add3A_63 = arith.constant 80 : i32
    %add3A_64 = arith.addi %add3A_21, %add3A_63 : i32
    %dma_start3A_65 = arith.constant 1 : i32
    %dma_start3A_66 = arith.constant 0 : i32
    %dma_start3A_67 = tpu.memref_slice %arg14[%dma_start3A_65, %dma_start3A_66] : memref<5x80xi32, #tpu.memory_space<vmem>> -> memref<1x80xi32, #tpu.memory_space<vmem>>
    %dma_start3A_68 = tpu.memref_squeeze %dma_start3A_67 : memref<1x80xi32, #tpu.memory_space<vmem>> -> memref<80xi32, #tpu.memory_space<vmem>>
    %dma_start3A_69 = tpu.memref_slice %arg3[%add3A_64] : memref<3200000xi32, #tpu.memory_space<hbm>> -> memref<80xi32, #tpu.memory_space<hbm>>
    %dma_start3A_70 = arith.constant 0 : i32
    %dma_start3A_71 = tpu.memref_slice %arg14[%dma_start3A_65, %dma_start3A_70] : memref<5x80xi32, #tpu.memory_space<vmem>> -> memref<1x80xi32, #tpu.memory_space<vmem>>
    %dma_start3A_72 = tpu.memref_squeeze %dma_start3A_71 : memref<1x80xi32, #tpu.memory_space<vmem>> -> memref<80xi32, #tpu.memory_space<vmem>>
    %dma_start3A_73 = tpu.memref_slice %arg3[%add3A_64] : memref<3200000xi32, #tpu.memory_space<hbm>> -> memref<80xi32, #tpu.memory_space<hbm>>
    tpu.enqueue_dma source(%dma_start3A_73 : memref<80xi32, #tpu.memory_space<hbm>>) target(%dma_start3A_72 : memref<80xi32, #tpu.memory_space<vmem>>) target_semaphore(%arg24 : memref<!tpu.dma_semaphore, #tpu.memory_space<semaphore_mem>>)
    %add3A_74 = arith.constant 160 : i32
    %add3A_75 = arith.addi %add3A_21, %add3A_74 : i32
    %dma_start3A_76 = arith.constant 2 : i32
    %dma_start3A_77 = arith.constant 0 : i32
    %dma_start3A_78 = tpu.memref_slice %arg14[%dma_start3A_76, %dma_start3A_77] : memref<5x80xi32, #tpu.memory_space<vmem>> -> memref<1x80xi32, #tpu.memory_space<vmem>>
    %dma_start3A_79 = tpu.memref_squeeze %dma_start3A_78 : memref<1x80xi32, #tpu.memory_space<vmem>> -> memref<80xi32, #tpu.memory_space<vmem>>
    %dma_start3A_80 = tpu.memref_slice %arg3[%add3A_75] : memref<3200000xi32, #tpu.memory_space<hbm>> -> memref<80xi32, #tpu.memory_space<hbm>>
    %dma_start3A_81 = arith.constant 0 : i32
    %dma_start3A_82 = tpu.memref_slice %arg14[%dma_start3A_76, %dma_start3A_81] : memref<5x80xi32, #tpu.memory_space<vmem>> -> memref<1x80xi32, #tpu.memory_space<vmem>>
    %dma_start3A_83 = tpu.memref_squeeze %dma_start3A_82 : memref<1x80xi32, #tpu.memory_space<vmem>> -> memref<80xi32, #tpu.memory_space<vmem>>
    %dma_start3A_84 = tpu.memref_slice %arg3[%add3A_75] : memref<3200000xi32, #tpu.memory_space<hbm>> -> memref<80xi32, #tpu.memory_space<hbm>>
    tpu.enqueue_dma source(%dma_start3A_84 : memref<80xi32, #tpu.memory_space<hbm>>) target(%dma_start3A_83 : memref<80xi32, #tpu.memory_space<vmem>>) target_semaphore(%arg24 : memref<!tpu.dma_semaphore, #tpu.memory_space<semaphore_mem>>)
    %add3A_85 = arith.constant 240 : i32
    %add3A_86 = arith.addi %add3A_21, %add3A_85 : i32
    %dma_start3A_87 = arith.constant 3 : i32
    %dma_start3A_88 = arith.constant 0 : i32
    %dma_start3A_89 = tpu.memref_slice %arg14[%dma_start3A_87, %dma_start3A_88] : memref<5x80xi32, #tpu.memory_space<vmem>> -> memref<1x80xi32, #tpu.memory_space<vmem>>
    %dma_start3A_90 = tpu.memref_squeeze %dma_start3A_89 : memref<1x80xi32, #tpu.memory_space<vmem>> -> memref<80xi32, #tpu.memory_space<vmem>>
    %dma_start3A_91 = tpu.memref_slice %arg3[%add3A_86] : memref<3200000xi32, #tpu.memory_space<hbm>> -> memref<80xi32, #tpu.memory_space<hbm>>
    %dma_start3A_92 = arith.constant 0 : i32
    %dma_start3A_93 = tpu.memref_slice %arg14[%dma_start3A_87, %dma_start3A_92] : memref<5x80xi32, #tpu.memory_space<vmem>> -> memref<1x80xi32, #tpu.memory_space<vmem>>
    %dma_start3A_94 = tpu.memref_squeeze %dma_start3A_93 : memref<1x80xi32, #tpu.memory_space<vmem>> -> memref<80xi32, #tpu.memory_space<vmem>>
    %dma_start3A_95 = tpu.memref_slice %arg3[%add3A_86] : memref<3200000xi32, #tpu.memory_space<hbm>> -> memref<80xi32, #tpu.memory_space<hbm>>
    tpu.enqueue_dma source(%dma_start3A_95 : memref<80xi32, #tpu.memory_space<hbm>>) target(%dma_start3A_94 : memref<80xi32, #tpu.memory_space<vmem>>) target_semaphore(%arg24 : memref<!tpu.dma_semaphore, #tpu.memory_space<semaphore_mem>>)
    %add3A_96 = arith.constant 320 : i32
    %add3A_97 = arith.addi %add3A_21, %add3A_96 : i32
    %dma_start3A_98 = arith.constant 4 : i32
    %dma_start3A_99 = arith.constant 0 : i32
    %dma_start3A_100 = tpu.memref_slice %arg14[%dma_start3A_98, %dma_start3A_99] : memref<5x80xi32, #tpu.memory_space<vmem>> -> memref<1x80xi32, #tpu.memory_space<vmem>>
    %dma_start3A_101 = tpu.memref_squeeze %dma_start3A_100 : memref<1x80xi32, #tpu.memory_space<vmem>> -> memref<80xi32, #tpu.memory_space<vmem>>
    %dma_start3A_102 = tpu.memref_slice %arg3[%add3A_97] : memref<3200000xi32, #tpu.memory_space<hbm>> -> memref<80xi32, #tpu.memory_space<hbm>>
    %dma_start3A_103 = arith.constant 0 : i32
    %dma_start3A_104 = tpu.memref_slice %arg14[%dma_start3A_98, %dma_start3A_103] : memref<5x80xi32, #tpu.memory_space<vmem>> -> memref<1x80xi32, #tpu.memory_space<vmem>>
    %dma_start3A_105 = tpu.memref_squeeze %dma_start3A_104 : memref<1x80xi32, #tpu.memory_space<vmem>> -> memref<80xi32, #tpu.memory_space<vmem>>
    %dma_start3A_106 = tpu.memref_slice %arg3[%add3A_97] : memref<3200000xi32, #tpu.memory_space<hbm>> -> memref<80xi32, #tpu.memory_space<hbm>>
    tpu.enqueue_dma source(%dma_start3A_106 : memref<80xi32, #tpu.memory_space<hbm>>) target(%dma_start3A_105 : memref<80xi32, #tpu.memory_space<vmem>>) target_semaphore(%arg24 : memref<!tpu.dma_semaphore, #tpu.memory_space<semaphore_mem>>)
    %scan3A_107 = arith.constant 0 : i32
    %scan3A_108 = arith.constant 0 : i32
    %scan3A_109 = arith.constant 125 : i32
    %scan3A_110 = arith.addi %scan3A_108, %scan3A_109 : i32
    %scan3A_111 = arith.constant 1 : i32
    %scan3A_112 = scf.for %scan3A_164 = %scan3A_108 to %scan3A_110 step %scan3A_111 iter_args(%scan3A_165 = %scan3A_107) -> (i32)  : i32 {
      %mul3A_166 = arith.constant 2 : i32
      %mul3A_167 = arith.muli %mul3A_166, %scan3A_164 : i32
      %add3A_168 = arith.constant 0 : i32
      %add3A_169 = arith.addi %mul3A_167, %add3A_168 : i32
      %mul3A_170 = arith.constant 400 : i32
      %mul3A_171 = arith.muli %add3A_169, %mul3A_170 : i32
      %add3A_172 = arith.addi %mul3A_19, %mul3A_171 : i32
      %add3A_173 = arith.constant 0 : i32
      %add3A_174 = arith.addi %add3A_172, %add3A_173 : i32
      %add3A_175 = arith.constant 80 : i32
      %add3A_176 = arith.addi %add3A_172, %add3A_175 : i32
      %add3A_177 = arith.constant 160 : i32
      %add3A_178 = arith.addi %add3A_172, %add3A_177 : i32
      %add3A_179 = arith.constant 240 : i32
      %add3A_180 = arith.addi %add3A_172, %add3A_179 : i32
      %add3A_181 = arith.constant 320 : i32
      %add3A_182 = arith.addi %add3A_172, %add3A_181 : i32
      %dma_wait3A_183 = tpu.memref_slice %arg2[%add3A_172] : memref<3200000xi32, #tpu.memory_space<hbm>> -> memref<400xi32, #tpu.memory_space<hbm>>
      %dma_wait3A_184 = tpu.memref_slice %arg2[%add3A_172] : memref<3200000xi32, #tpu.memory_space<hbm>> -> memref<400xi32, #tpu.memory_space<hbm>>
      tpu.wait_dma2 semaphore(%arg24 : memref<!tpu.dma_semaphore, #tpu.memory_space<semaphore_mem>>) src(%dma_wait3A_184 : memref<400xi32, #tpu.memory_space<hbm>>) dst(%arg12 : memref<400xi32, #tpu.memory_space<vmem>>)
      %dma_wait3A_185 = tpu.memref_slice %arg4[%add3A_172] : memref<3200000xi32, #tpu.memory_space<hbm>> -> memref<400xi32, #tpu.memory_space<hbm>>
      %dma_wait3A_186 = tpu.memref_slice %arg4[%add3A_172] : memref<3200000xi32, #tpu.memory_space<hbm>> -> memref<400xi32, #tpu.memory_space<hbm>>
      tpu.wait_dma2 semaphore(%arg24 : memref<!tpu.dma_semaphore, #tpu.memory_space<semaphore_mem>>) src(%dma_wait3A_186 : memref<400xi32, #tpu.memory_space<hbm>>) dst(%arg16 : memref<400xi32, #tpu.memory_space<vmem>>)
      %dma_wait3A_187 = arith.constant 0 : i32
      %dma_wait3A_188 = arith.constant 0 : i32
      %dma_wait3A_189 = tpu.memref_slice %arg18[%dma_wait3A_187, %dma_wait3A_188] : memref<3x400xf32, #tpu.memory_space<vmem>> -> memref<1x400xf32, #tpu.memory_space<vmem>>
      %dma_wait3A_190 = tpu.memref_squeeze %dma_wait3A_189 : memref<1x400xf32, #tpu.memory_space<vmem>> -> memref<400xf32, #tpu.memory_space<vmem>>
      %dma_wait3A_191 = tpu.memref_slice %arg5[%add3A_172] : memref<3200000xf32, #tpu.memory_space<hbm>> -> memref<400xf32, #tpu.memory_space<hbm>>
      %dma_wait3A_192 = arith.constant 0 : i32
      %dma_wait3A_193 = tpu.memref_slice %arg18[%dma_wait3A_187, %dma_wait3A_192] : memref<3x400xf32, #tpu.memory_space<vmem>> -> memref<1x400xf32, #tpu.memory_space<vmem>>
      %dma_wait3A_194 = tpu.memref_squeeze %dma_wait3A_193 : memref<1x400xf32, #tpu.memory_space<vmem>> -> memref<400xf32, #tpu.memory_space<vmem>>
      %dma_wait3A_195 = tpu.memref_slice %arg5[%add3A_172] : memref<3200000xf32, #tpu.memory_space<hbm>> -> memref<400xf32, #tpu.memory_space<hbm>>
      tpu.wait_dma2 semaphore(%arg24 : memref<!tpu.dma_semaphore, #tpu.memory_space<semaphore_mem>>) src(%dma_wait3A_195 : memref<400xf32, #tpu.memory_space<hbm>>) dst(%dma_wait3A_194 : memref<400xf32, #tpu.memory_space<vmem>>)
      %dma_wait3A_196 = arith.constant 1 : i32
      %dma_wait3A_197 = arith.constant 0 : i32
      %dma_wait3A_198 = tpu.memref_slice %arg18[%dma_wait3A_196, %dma_wait3A_197] : memref<3x400xf32, #tpu.memory_space<vmem>> -> memref<1x400xf32, #tpu.memory_space<vmem>>
      %dma_wait3A_199 = tpu.memref_squeeze %dma_wait3A_198 : memref<1x400xf32, #tpu.memory_space<vmem>> -> memref<400xf32, #tpu.memory_space<vmem>>
      %dma_wait3A_200 = tpu.memref_slice %arg6[%add3A_172] : memref<3200000xf32, #tpu.memory_space<hbm>> -> memref<400xf32, #tpu.memory_space<hbm>>
      %dma_wait3A_201 = arith.constant 0 : i32
      %dma_wait3A_202 = tpu.memref_slice %arg18[%dma_wait3A_196, %dma_wait3A_201] : memref<3x400xf32, #tpu.memory_space<vmem>> -> memref<1x400xf32, #tpu.memory_space<vmem>>
      %dma_wait3A_203 = tpu.memref_squeeze %dma_wait3A_202 : memref<1x400xf32, #tpu.memory_space<vmem>> -> memref<400xf32, #tpu.memory_space<vmem>>
      %dma_wait3A_204 = tpu.memref_slice %arg6[%add3A_172] : memref<3200000xf32, #tpu.memory_space<hbm>> -> memref<400xf32, #tpu.memory_space<hbm>>
      tpu.wait_dma2 semaphore(%arg24 : memref<!tpu.dma_semaphore, #tpu.memory_space<semaphore_mem>>) src(%dma_wait3A_204 : memref<400xf32, #tpu.memory_space<hbm>>) dst(%dma_wait3A_203 : memref<400xf32, #tpu.memory_space<vmem>>)
      %dma_wait3A_205 = arith.constant 2 : i32
      %dma_wait3A_206 = arith.constant 0 : i32
      %dma_wait3A_207 = tpu.memref_slice %arg18[%dma_wait3A_205, %dma_wait3A_206] : memref<3x400xf32, #tpu.memory_space<vmem>> -> memref<1x400xf32, #tpu.memory_space<vmem>>
      %dma_wait3A_208 = tpu.memref_squeeze %dma_wait3A_207 : memref<1x400xf32, #tpu.memory_space<vmem>> -> memref<400xf32, #tpu.memory_space<vmem>>
      %dma_wait3A_209 = tpu.memref_slice %arg7[%add3A_172] : memref<3200000xf32, #tpu.memory_space<hbm>> -> memref<400xf32, #tpu.memory_space<hbm>>
      %dma_wait3A_210 = arith.constant 0 : i32
      %dma_wait3A_211 = tpu.memref_slice %arg18[%dma_wait3A_205, %dma_wait3A_210] : memref<3x400xf32, #tpu.memory_space<vmem>> -> memref<1x400xf32, #tpu.memory_space<vmem>>
      %dma_wait3A_212 = tpu.memref_squeeze %dma_wait3A_211 : memref<1x400xf32, #tpu.memory_space<vmem>> -> memref<400xf32, #tpu.memory_space<vmem>>
      %dma_wait3A_213 = tpu.memref_slice %arg7[%add3A_172] : memref<3200000xf32, #tpu.memory_space<hbm>> -> memref<400xf32, #tpu.memory_space<hbm>>
      tpu.wait_dma2 semaphore(%arg24 : memref<!tpu.dma_semaphore, #tpu.memory_space<semaphore_mem>>) src(%dma_wait3A_213 : memref<400xf32, #tpu.memory_space<hbm>>) dst(%dma_wait3A_212 : memref<400xf32, #tpu.memory_space<vmem>>)
      %dma_wait3A_214 = arith.constant 0 : i32
      %dma_wait3A_215 = arith.constant 0 : i32
      %dma_wait3A_216 = tpu.memref_slice %arg14[%dma_wait3A_214, %dma_wait3A_215] : memref<5x80xi32, #tpu.memory_space<vmem>> -> memref<1x80xi32, #tpu.memory_space<vmem>>
      %dma_wait3A_217 = tpu.memref_squeeze %dma_wait3A_216 : memref<1x80xi32, #tpu.memory_space<vmem>> -> memref<80xi32, #tpu.memory_space<vmem>>
      %dma_wait3A_218 = tpu.memref_slice %arg3[%add3A_174] : memref<3200000xi32, #tpu.memory_space<hbm>> -> memref<80xi32, #tpu.memory_space<hbm>>
      %dma_wait3A_219 = arith.constant 0 : i32
      %dma_wait3A_220 = tpu.memref_slice %arg14[%dma_wait3A_214, %dma_wait3A_219] : memref<5x80xi32, #tpu.memory_space<vmem>> -> memref<1x80xi32, #tpu.memory_space<vmem>>
      %dma_wait3A_221 = tpu.memref_squeeze %dma_wait3A_220 : memref<1x80xi32, #tpu.memory_space<vmem>> -> memref<80xi32, #tpu.memory_space<vmem>>
      %dma_wait3A_222 = tpu.memref_slice %arg3[%add3A_174] : memref<3200000xi32, #tpu.memory_space<hbm>> -> memref<80xi32, #tpu.memory_space<hbm>>
      tpu.wait_dma2 semaphore(%arg24 : memref<!tpu.dma_semaphore, #tpu.memory_space<semaphore_mem>>) src(%dma_wait3A_222 : memref<80xi32, #tpu.memory_space<hbm>>) dst(%dma_wait3A_221 : memref<80xi32, #tpu.memory_space<vmem>>)
      %dma_wait3A_223 = arith.constant 1 : i32
      %dma_wait3A_224 = arith.constant 0 : i32
      %dma_wait3A_225 = tpu.memref_slice %arg14[%dma_wait3A_223, %dma_wait3A_224] : memref<5x80xi32, #tpu.memory_space<vmem>> -> memref<1x80xi32, #tpu.memory_space<vmem>>
      %dma_wait3A_226 = tpu.memref_squeeze %dma_wait3A_225 : memref<1x80xi32, #tpu.memory_space<vmem>> -> memref<80xi32, #tpu.memory_space<vmem>>
      %dma_wait3A_227 = tpu.memref_slice %arg3[%add3A_176] : memref<3200000xi32, #tpu.memory_space<hbm>> -> memref<80xi32, #tpu.memory_space<hbm>>
      %dma_wait3A_228 = arith.constant 0 : i32
      %dma_wait3A_229 = tpu.memref_slice %arg14[%dma_wait3A_223, %dma_wait3A_228] : memref<5x80xi32, #tpu.memory_space<vmem>> -> memref<1x80xi32, #tpu.memory_space<vmem>>
      %dma_wait3A_230 = tpu.memref_squeeze %dma_wait3A_229 : memref<1x80xi32, #tpu.memory_space<vmem>> -> memref<80xi32, #tpu.memory_space<vmem>>
      %dma_wait3A_231 = tpu.memref_slice %arg3[%add3A_176] : memref<3200000xi32, #tpu.memory_space<hbm>> -> memref<80xi32, #tpu.memory_space<hbm>>
      tpu.wait_dma2 semaphore(%arg24 : memref<!tpu.dma_semaphore, #tpu.memory_space<semaphore_mem>>) src(%dma_wait3A_231 : memref<80xi32, #tpu.memory_space<hbm>>) dst(%dma_wait3A_230 : memref<80xi32, #tpu.memory_space<vmem>>)
      %dma_wait3A_232 = arith.constant 2 : i32
      %dma_wait3A_233 = arith.constant 0 : i32
      %dma_wait3A_234 = tpu.memref_slice %arg14[%dma_wait3A_232, %dma_wait3A_233] : memref<5x80xi32, #tpu.memory_space<vmem>> -> memref<1x80xi32, #tpu.memory_space<vmem>>
      %dma_wait3A_235 = tpu.memref_squeeze %dma_wait3A_234 : memref<1x80xi32, #tpu.memory_space<vmem>> -> memref<80xi32, #tpu.memory_space<vmem>>
      %dma_wait3A_236 = tpu.memref_slice %arg3[%add3A_178] : memref<3200000xi32, #tpu.memory_space<hbm>> -> memref<80xi32, #tpu.memory_space<hbm>>
      %dma_wait3A_237 = arith.constant 0 : i32
      %dma_wait3A_238 = tpu.memref_slice %arg14[%dma_wait3A_232, %dma_wait3A_237] : memref<5x80xi32, #tpu.memory_space<vmem>> -> memref<1x80xi32, #tpu.memory_space<vmem>>
      %dma_wait3A_239 = tpu.memref_squeeze %dma_wait3A_238 : memref<1x80xi32, #tpu.memory_space<vmem>> -> memref<80xi32, #tpu.memory_space<vmem>>
      %dma_wait3A_240 = tpu.memref_slice %arg3[%add3A_178] : memref<3200000xi32, #tpu.memory_space<hbm>> -> memref<80xi32, #tpu.memory_space<hbm>>
      tpu.wait_dma2 semaphore(%arg24 : memref<!tpu.dma_semaphore, #tpu.memory_space<semaphore_mem>>) src(%dma_wait3A_240 : memref<80xi32, #tpu.memory_space<hbm>>) dst(%dma_wait3A_239 : memref<80xi32, #tpu.memory_space<vmem>>)
      %dma_wait3A_241 = arith.constant 3 : i32
      %dma_wait3A_242 = arith.constant 0 : i32
      %dma_wait3A_243 = tpu.memref_slice %arg14[%dma_wait3A_241, %dma_wait3A_242] : memref<5x80xi32, #tpu.memory_space<vmem>> -> memref<1x80xi32, #tpu.memory_space<vmem>>
      %dma_wait3A_244 = tpu.memref_squeeze %dma_wait3A_243 : memref<1x80xi32, #tpu.memory_space<vmem>> -> memref<80xi32, #tpu.memory_space<vmem>>
      %dma_wait3A_245 = tpu.memref_slice %arg3[%add3A_180] : memref<3200000xi32, #tpu.memory_space<hbm>> -> memref<80xi32, #tpu.memory_space<hbm>>
      %dma_wait3A_246 = arith.constant 0 : i32
      %dma_wait3A_247 = tpu.memref_slice %arg14[%dma_wait3A_241, %dma_wait3A_246] : memref<5x80xi32, #tpu.memory_space<vmem>> -> memref<1x80xi32, #tpu.memory_space<vmem>>
      %dma_wait3A_248 = tpu.memref_squeeze %dma_wait3A_247 : memref<1x80xi32, #tpu.memory_space<vmem>> -> memref<80xi32, #tpu.memory_space<vmem>>
      %dma_wait3A_249 = tpu.memref_slice %arg3[%add3A_180] : memref<3200000xi32, #tpu.memory_space<hbm>> -> memref<80xi32, #tpu.memory_space<hbm>>
      tpu.wait_dma2 semaphore(%arg24 : memref<!tpu.dma_semaphore, #tpu.memory_space<semaphore_mem>>) src(%dma_wait3A_249 : memref<80xi32, #tpu.memory_space<hbm>>) dst(%dma_wait3A_248 : memref<80xi32, #tpu.memory_space<vmem>>)
      %dma_wait3A_250 = arith.constant 4 : i32
      %dma_wait3A_251 = arith.constant 0 : i32
      %dma_wait3A_252 = tpu.memref_slice %arg14[%dma_wait3A_250, %dma_wait3A_251] : memref<5x80xi32, #tpu.memory_space<vmem>> -> memref<1x80xi32, #tpu.memory_space<vmem>>
      %dma_wait3A_253 = tpu.memref_squeeze %dma_wait3A_252 : memref<1x80xi32, #tpu.memory_space<vmem>> -> memref<80xi32, #tpu.memory_space<vmem>>
      %dma_wait3A_254 = tpu.memref_slice %arg3[%add3A_182] : memref<3200000xi32, #tpu.memory_space<hbm>> -> memref<80xi32, #tpu.memory_space<hbm>>
      %dma_wait3A_255 = arith.constant 0 : i32
      %dma_wait3A_256 = tpu.memref_slice %arg14[%dma_wait3A_250, %dma_wait3A_255] : memref<5x80xi32, #tpu.memory_space<vmem>> -> memref<1x80xi32, #tpu.memory_space<vmem>>
      %dma_wait3A_257 = tpu.memref_squeeze %dma_wait3A_256 : memref<1x80xi32, #tpu.memory_space<vmem>> -> memref<80xi32, #tpu.memory_space<vmem>>
      %dma_wait3A_258 = tpu.memref_slice %arg3[%add3A_182] : memref<3200000xi32, #tpu.memory_space<hbm>> -> memref<80xi32, #tpu.memory_space<hbm>>
      tpu.wait_dma2 semaphore(%arg24 : memref<!tpu.dma_semaphore, #tpu.memory_space<semaphore_mem>>) src(%dma_wait3A_258 : memref<80xi32, #tpu.memory_space<hbm>>) dst(%dma_wait3A_257 : memref<80xi32, #tpu.memory_space<vmem>>)
      %dma_start3A_259 = arith.constant 0 : i32
      %dma_start3A_260 = tpu.memref_slice %arg20[%dma_start3A_259] : memref<400xf32, #tpu.memory_space<vmem>> -> memref<80xf32, #tpu.memory_space<vmem>>
      %dma_start3A_261 = arith.constant 0 : i32
      %dma_start3A_262 = tpu.memref_slice %arg12[%dma_start3A_261] : memref<400xi32, #tpu.memory_space<vmem>> -> memref<80xi32, #tpu.memory_space<vmem>>
      %dma_start3A_263 = arith.constant 0 : i32
      %dma_start3A_264 = tpu.memref_slice %arg29[%dma_start3A_263] : memref<100000xf32, #tpu.memory_space<vmem_shared>> -> memref<100000xf32, #tpu.memory_space<vmem_shared>>
      tpu.enqueue_indirect_dma source(%dma_start3A_264 : memref<100000xf32, #tpu.memory_space<vmem_shared>>) target(%dma_start3A_260 : memref<80xf32, #tpu.memory_space<vmem>>) offsets(%dma_start3A_262 : memref<80xi32, #tpu.memory_space<vmem>>) semaphore(%arg26 : memref<!tpu.dma_semaphore, #tpu.memory_space<semaphore_mem>>)
      %dma_start3A_265 = arith.constant 80 : i32
      %dma_start3A_266 = tpu.memref_slice %arg20[%dma_start3A_265] : memref<400xf32, #tpu.memory_space<vmem>> -> memref<80xf32, #tpu.memory_space<vmem>>
      %dma_start3A_267 = arith.constant 80 : i32
      %dma_start3A_268 = tpu.memref_slice %arg12[%dma_start3A_267] : memref<400xi32, #tpu.memory_space<vmem>> -> memref<80xi32, #tpu.memory_space<vmem>>
      %dma_start3A_269 = arith.constant 0 : i32
      %dma_start3A_270 = tpu.memref_slice %arg29[%dma_start3A_269] : memref<100000xf32, #tpu.memory_space<vmem_shared>> -> memref<100000xf32, #tpu.memory_space<vmem_shared>>
      tpu.enqueue_indirect_dma source(%dma_start3A_270 : memref<100000xf32, #tpu.memory_space<vmem_shared>>) target(%dma_start3A_266 : memref<80xf32, #tpu.memory_space<vmem>>) offsets(%dma_start3A_268 : memref<80xi32, #tpu.memory_space<vmem>>) semaphore(%arg26 : memref<!tpu.dma_semaphore, #tpu.memory_space<semaphore_mem>>)
      %dma_start3A_271 = arith.constant 160 : i32
      %dma_start3A_272 = tpu.memref_slice %arg20[%dma_start3A_271] : memref<400xf32, #tpu.memory_space<vmem>> -> memref<80xf32, #tpu.memory_space<vmem>>
      %dma_start3A_273 = arith.constant 160 : i32
      %dma_start3A_274 = tpu.memref_slice %arg12[%dma_start3A_273] : memref<400xi32, #tpu.memory_space<vmem>> -> memref<80xi32, #tpu.memory_space<vmem>>
      %dma_start3A_275 = arith.constant 0 : i32
      %dma_start3A_276 = tpu.memref_slice %arg29[%dma_start3A_275] : memref<100000xf32, #tpu.memory_space<vmem_shared>> -> memref<100000xf32, #tpu.memory_space<vmem_shared>>
      tpu.enqueue_indirect_dma source(%dma_start3A_276 : memref<100000xf32, #tpu.memory_space<vmem_shared>>) target(%dma_start3A_272 : memref<80xf32, #tpu.memory_space<vmem>>) offsets(%dma_start3A_274 : memref<80xi32, #tpu.memory_space<vmem>>) semaphore(%arg26 : memref<!tpu.dma_semaphore, #tpu.memory_space<semaphore_mem>>)
      %dma_start3A_277 = arith.constant 240 : i32
      %dma_start3A_278 = tpu.memref_slice %arg20[%dma_start3A_277] : memref<400xf32, #tpu.memory_space<vmem>> -> memref<80xf32, #tpu.memory_space<vmem>>
      %dma_start3A_279 = arith.constant 240 : i32
      %dma_start3A_280 = tpu.memref_slice %arg12[%dma_start3A_279] : memref<400xi32, #tpu.memory_space<vmem>> -> memref<80xi32, #tpu.memory_space<vmem>>
      %dma_start3A_281 = arith.constant 0 : i32
      %dma_start3A_282 = tpu.memref_slice %arg29[%dma_start3A_281] : memref<100000xf32, #tpu.memory_space<vmem_shared>> -> memref<100000xf32, #tpu.memory_space<vmem_shared>>
      tpu.enqueue_indirect_dma source(%dma_start3A_282 : memref<100000xf32, #tpu.memory_space<vmem_shared>>) target(%dma_start3A_278 : memref<80xf32, #tpu.memory_space<vmem>>) offsets(%dma_start3A_280 : memref<80xi32, #tpu.memory_space<vmem>>) semaphore(%arg26 : memref<!tpu.dma_semaphore, #tpu.memory_space<semaphore_mem>>)
      %dma_start3A_283 = arith.constant 320 : i32
      %dma_start3A_284 = tpu.memref_slice %arg20[%dma_start3A_283] : memref<400xf32, #tpu.memory_space<vmem>> -> memref<80xf32, #tpu.memory_space<vmem>>
      %dma_start3A_285 = arith.constant 320 : i32
      %dma_start3A_286 = tpu.memref_slice %arg12[%dma_start3A_285] : memref<400xi32, #tpu.memory_space<vmem>> -> memref<80xi32, #tpu.memory_space<vmem>>
      %dma_start3A_287 = arith.constant 0 : i32
      %dma_start3A_288 = tpu.memref_slice %arg29[%dma_start3A_287] : memref<100000xf32, #tpu.memory_space<vmem_shared>> -> memref<100000xf32, #tpu.memory_space<vmem_shared>>
      tpu.enqueue_indirect_dma source(%dma_start3A_288 : memref<100000xf32, #tpu.memory_space<vmem_shared>>) target(%dma_start3A_284 : memref<80xf32, #tpu.memory_space<vmem>>) offsets(%dma_start3A_286 : memref<80xi32, #tpu.memory_space<vmem>>) semaphore(%arg26 : memref<!tpu.dma_semaphore, #tpu.memory_space<semaphore_mem>>)
      %ge3A = arith.constant 1 : i32
      %ge3A_289 = arith.cmpi sge, %add3A_169, %ge3A : i32
      %convert_element_type3A_290 = arith.extui %ge3A_289 : i1 to i32
      %cond3A_291 = arith.constant 0 : i32
      %cond3A_292 = arith.cmpi ne, %convert_element_type3A_290, %cond3A_291 : i32
      scf.if %cond3A_292 {
        %dma_wait3A_600 = arith.constant 0 : i32
        %dma_wait3A_601 = arith.constant 0 : i32
        %dma_wait3A_602 = arith.constant 0 : i32
        %dma_wait3A_603 = tpu.memref_slice %arg23[%dma_wait3A_601, %dma_wait3A_602] : memref<400x16xf32, #tpu.memory_space<vmem>> -> memref<80x16xf32, #tpu.memory_space<vmem>>
        %dma_wait3A_604 = arith.constant 0 : i32
        %dma_wait3A_605 = tpu.memref_slice %arg15[%dma_wait3A_600, %dma_wait3A_604] : memref<5x80xi32, #tpu.memory_space<vmem>> -> memref<1x80xi32, #tpu.memory_space<vmem>>
        %dma_wait3A_606 = tpu.memref_squeeze %dma_wait3A_605 : memref<1x80xi32, #tpu.memory_space<vmem>> -> memref<80xi32, #tpu.memory_space<vmem>>
        %dma_wait3A_607 = arith.constant 0 : i32
        %dma_wait3A_608 = arith.constant 0 : i32
        %dma_wait3A_609 = tpu.memref_slice %arg30[%dma_wait3A_607, %dma_wait3A_608] : memref<100096x16xf32, #tpu.memory_space<vmem_shared>> -> memref<100096x16xf32, #tpu.memory_space<vmem_shared>>
        tpu.wait_indirect_dma semaphore(%arg28 : memref<!tpu.dma_semaphore, #tpu.memory_space<semaphore_mem>>) src(%dma_wait3A_603 : memref<80x16xf32, #tpu.memory_space<vmem>>) dst(%dma_wait3A_609 : memref<100096x16xf32, #tpu.memory_space<vmem_shared>>)
        %dma_wait3A_610 = arith.constant 1 : i32
        %dma_wait3A_611 = arith.constant 80 : i32
        %dma_wait3A_612 = arith.constant 0 : i32
        %dma_wait3A_613 = tpu.memref_slice %arg23[%dma_wait3A_611, %dma_wait3A_612] : memref<400x16xf32, #tpu.memory_space<vmem>> -> memref<80x16xf32, #tpu.memory_space<vmem>>
        %dma_wait3A_614 = arith.constant 0 : i32
        %dma_wait3A_615 = tpu.memref_slice %arg15[%dma_wait3A_610, %dma_wait3A_614] : memref<5x80xi32, #tpu.memory_space<vmem>> -> memref<1x80xi32, #tpu.memory_space<vmem>>
        %dma_wait3A_616 = tpu.memref_squeeze %dma_wait3A_615 : memref<1x80xi32, #tpu.memory_space<vmem>> -> memref<80xi32, #tpu.memory_space<vmem>>
        %dma_wait3A_617 = arith.constant 0 : i32
        %dma_wait3A_618 = arith.constant 0 : i32
        %dma_wait3A_619 = tpu.memref_slice %arg30[%dma_wait3A_617, %dma_wait3A_618] : memref<100096x16xf32, #tpu.memory_space<vmem_shared>> -> memref<100096x16xf32, #tpu.memory_space<vmem_shared>>
        tpu.wait_indirect_dma semaphore(%arg28 : memref<!tpu.dma_semaphore, #tpu.memory_space<semaphore_mem>>) src(%dma_wait3A_613 : memref<80x16xf32, #tpu.memory_space<vmem>>) dst(%dma_wait3A_619 : memref<100096x16xf32, #tpu.memory_space<vmem_shared>>)
        %dma_wait3A_620 = arith.constant 2 : i32
        %dma_wait3A_621 = arith.constant 160 : i32
        %dma_wait3A_622 = arith.constant 0 : i32
        %dma_wait3A_623 = tpu.memref_slice %arg23[%dma_wait3A_621, %dma_wait3A_622] : memref<400x16xf32, #tpu.memory_space<vmem>> -> memref<80x16xf32, #tpu.memory_space<vmem>>
        %dma_wait3A_624 = arith.constant 0 : i32
        %dma_wait3A_625 = tpu.memref_slice %arg15[%dma_wait3A_620, %dma_wait3A_624] : memref<5x80xi32, #tpu.memory_space<vmem>> -> memref<1x80xi32, #tpu.memory_space<vmem>>
        %dma_wait3A_626 = tpu.memref_squeeze %dma_wait3A_625 : memref<1x80xi32, #tpu.memory_space<vmem>> -> memref<80xi32, #tpu.memory_space<vmem>>
        %dma_wait3A_627 = arith.constant 0 : i32
        %dma_wait3A_628 = arith.constant 0 : i32
        %dma_wait3A_629 = tpu.memref_slice %arg30[%dma_wait3A_627, %dma_wait3A_628] : memref<100096x16xf32, #tpu.memory_space<vmem_shared>> -> memref<100096x16xf32, #tpu.memory_space<vmem_shared>>
        tpu.wait_indirect_dma semaphore(%arg28 : memref<!tpu.dma_semaphore, #tpu.memory_space<semaphore_mem>>) src(%dma_wait3A_623 : memref<80x16xf32, #tpu.memory_space<vmem>>) dst(%dma_wait3A_629 : memref<100096x16xf32, #tpu.memory_space<vmem_shared>>)
        %dma_wait3A_630 = arith.constant 3 : i32
        %dma_wait3A_631 = arith.constant 240 : i32
        %dma_wait3A_632 = arith.constant 0 : i32
        %dma_wait3A_633 = tpu.memref_slice %arg23[%dma_wait3A_631, %dma_wait3A_632] : memref<400x16xf32, #tpu.memory_space<vmem>> -> memref<80x16xf32, #tpu.memory_space<vmem>>
        %dma_wait3A_634 = arith.constant 0 : i32
        %dma_wait3A_635 = tpu.memref_slice %arg15[%dma_wait3A_630, %dma_wait3A_634] : memref<5x80xi32, #tpu.memory_space<vmem>> -> memref<1x80xi32, #tpu.memory_space<vmem>>
        %dma_wait3A_636 = tpu.memref_squeeze %dma_wait3A_635 : memref<1x80xi32, #tpu.memory_space<vmem>> -> memref<80xi32, #tpu.memory_space<vmem>>
        %dma_wait3A_637 = arith.constant 0 : i32
        %dma_wait3A_638 = arith.constant 0 : i32
        %dma_wait3A_639 = tpu.memref_slice %arg30[%dma_wait3A_637, %dma_wait3A_638] : memref<100096x16xf32, #tpu.memory_space<vmem_shared>> -> memref<100096x16xf32, #tpu.memory_space<vmem_shared>>
        tpu.wait_indirect_dma semaphore(%arg28 : memref<!tpu.dma_semaphore, #tpu.memory_space<semaphore_mem>>) src(%dma_wait3A_633 : memref<80x16xf32, #tpu.memory_space<vmem>>) dst(%dma_wait3A_639 : memref<100096x16xf32, #tpu.memory_space<vmem_shared>>)
        %dma_wait3A_640 = arith.constant 4 : i32
        %dma_wait3A_641 = arith.constant 320 : i32
        %dma_wait3A_642 = arith.constant 0 : i32
        %dma_wait3A_643 = tpu.memref_slice %arg23[%dma_wait3A_641, %dma_wait3A_642] : memref<400x16xf32, #tpu.memory_space<vmem>> -> memref<80x16xf32, #tpu.memory_space<vmem>>
        %dma_wait3A_644 = arith.constant 0 : i32
        %dma_wait3A_645 = tpu.memref_slice %arg15[%dma_wait3A_640, %dma_wait3A_644] : memref<5x80xi32, #tpu.memory_space<vmem>> -> memref<1x80xi32, #tpu.memory_space<vmem>>
        %dma_wait3A_646 = tpu.memref_squeeze %dma_wait3A_645 : memref<1x80xi32, #tpu.memory_space<vmem>> -> memref<80xi32, #tpu.memory_space<vmem>>
        %dma_wait3A_647 = arith.constant 0 : i32
        %dma_wait3A_648 = arith.constant 0 : i32
        %dma_wait3A_649 = tpu.memref_slice %arg30[%dma_wait3A_647, %dma_wait3A_648] : memref<100096x16xf32, #tpu.memory_space<vmem_shared>> -> memref<100096x16xf32, #tpu.memory_space<vmem_shared>>
        tpu.wait_indirect_dma semaphore(%arg28 : memref<!tpu.dma_semaphore, #tpu.memory_space<semaphore_mem>>) src(%dma_wait3A_643 : memref<80x16xf32, #tpu.memory_space<vmem>>) dst(%dma_wait3A_649 : memref<100096x16xf32, #tpu.memory_space<vmem_shared>>)
      } else {
      }
      %add3A_293 = arith.constant 1 : i32
      %add3A_294 = arith.addi %add3A_169, %add3A_293 : i32
      %lt3A = arith.constant 250 : i32
      %lt3A_295 = arith.cmpi slt, %add3A_294, %lt3A : i32
      %convert_element_type3A_296 = arith.extui %lt3A_295 : i1 to i32
      %cond3A_297 = arith.constant 0 : i32
      %cond3A_298 = arith.cmpi ne, %convert_element_type3A_296, %cond3A_297 : i32
      scf.if %cond3A_298 {
        %add3A_600 = arith.constant 1 : i32
        %add3A_601 = arith.addi %add3A_169, %add3A_600 : i32
        %mul3A_602 = arith.constant 400 : i32
        %mul3A_603 = arith.muli %add3A_601, %mul3A_602 : i32
        %add3A_604 = arith.addi %mul3A_19, %mul3A_603 : i32
        %dma_start3A_605 = tpu.memref_slice %arg2[%add3A_604] : memref<3200000xi32, #tpu.memory_space<hbm>> -> memref<400xi32, #tpu.memory_space<hbm>>
        %dma_start3A_606 = tpu.memref_slice %arg2[%add3A_604] : memref<3200000xi32, #tpu.memory_space<hbm>> -> memref<400xi32, #tpu.memory_space<hbm>>
        tpu.enqueue_dma source(%dma_start3A_606 : memref<400xi32, #tpu.memory_space<hbm>>) target(%arg13 : memref<400xi32, #tpu.memory_space<vmem>>) target_semaphore(%arg25 : memref<!tpu.dma_semaphore, #tpu.memory_space<semaphore_mem>>)
        %dma_start3A_607 = tpu.memref_slice %arg4[%add3A_604] : memref<3200000xi32, #tpu.memory_space<hbm>> -> memref<400xi32, #tpu.memory_space<hbm>>
        %dma_start3A_608 = tpu.memref_slice %arg4[%add3A_604] : memref<3200000xi32, #tpu.memory_space<hbm>> -> memref<400xi32, #tpu.memory_space<hbm>>
        tpu.enqueue_dma source(%dma_start3A_608 : memref<400xi32, #tpu.memory_space<hbm>>) target(%arg17 : memref<400xi32, #tpu.memory_space<vmem>>) target_semaphore(%arg25 : memref<!tpu.dma_semaphore, #tpu.memory_space<semaphore_mem>>)
        %dma_start3A_609 = arith.constant 0 : i32
        %dma_start3A_610 = arith.constant 0 : i32
        %dma_start3A_611 = tpu.memref_slice %arg19[%dma_start3A_609, %dma_start3A_610] : memref<3x400xf32, #tpu.memory_space<vmem>> -> memref<1x400xf32, #tpu.memory_space<vmem>>
        %dma_start3A_612 = tpu.memref_squeeze %dma_start3A_611 : memref<1x400xf32, #tpu.memory_space<vmem>> -> memref<400xf32, #tpu.memory_space<vmem>>
        %dma_start3A_613 = tpu.memref_slice %arg5[%add3A_604] : memref<3200000xf32, #tpu.memory_space<hbm>> -> memref<400xf32, #tpu.memory_space<hbm>>
        %dma_start3A_614 = arith.constant 0 : i32
        %dma_start3A_615 = tpu.memref_slice %arg19[%dma_start3A_609, %dma_start3A_614] : memref<3x400xf32, #tpu.memory_space<vmem>> -> memref<1x400xf32, #tpu.memory_space<vmem>>
        %dma_start3A_616 = tpu.memref_squeeze %dma_start3A_615 : memref<1x400xf32, #tpu.memory_space<vmem>> -> memref<400xf32, #tpu.memory_space<vmem>>
        %dma_start3A_617 = tpu.memref_slice %arg5[%add3A_604] : memref<3200000xf32, #tpu.memory_space<hbm>> -> memref<400xf32, #tpu.memory_space<hbm>>
        tpu.enqueue_dma source(%dma_start3A_617 : memref<400xf32, #tpu.memory_space<hbm>>) target(%dma_start3A_616 : memref<400xf32, #tpu.memory_space<vmem>>) target_semaphore(%arg25 : memref<!tpu.dma_semaphore, #tpu.memory_space<semaphore_mem>>)
        %dma_start3A_618 = arith.constant 1 : i32
        %dma_start3A_619 = arith.constant 0 : i32
        %dma_start3A_620 = tpu.memref_slice %arg19[%dma_start3A_618, %dma_start3A_619] : memref<3x400xf32, #tpu.memory_space<vmem>> -> memref<1x400xf32, #tpu.memory_space<vmem>>
        %dma_start3A_621 = tpu.memref_squeeze %dma_start3A_620 : memref<1x400xf32, #tpu.memory_space<vmem>> -> memref<400xf32, #tpu.memory_space<vmem>>
        %dma_start3A_622 = tpu.memref_slice %arg6[%add3A_604] : memref<3200000xf32, #tpu.memory_space<hbm>> -> memref<400xf32, #tpu.memory_space<hbm>>
        %dma_start3A_623 = arith.constant 0 : i32
        %dma_start3A_624 = tpu.memref_slice %arg19[%dma_start3A_618, %dma_start3A_623] : memref<3x400xf32, #tpu.memory_space<vmem>> -> memref<1x400xf32, #tpu.memory_space<vmem>>
        %dma_start3A_625 = tpu.memref_squeeze %dma_start3A_624 : memref<1x400xf32, #tpu.memory_space<vmem>> -> memref<400xf32, #tpu.memory_space<vmem>>
        %dma_start3A_626 = tpu.memref_slice %arg6[%add3A_604] : memref<3200000xf32, #tpu.memory_space<hbm>> -> memref<400xf32, #tpu.memory_space<hbm>>
        tpu.enqueue_dma source(%dma_start3A_626 : memref<400xf32, #tpu.memory_space<hbm>>) target(%dma_start3A_625 : memref<400xf32, #tpu.memory_space<vmem>>) target_semaphore(%arg25 : memref<!tpu.dma_semaphore, #tpu.memory_space<semaphore_mem>>)
        %dma_start3A_627 = arith.constant 2 : i32
        %dma_start3A_628 = arith.constant 0 : i32
        %dma_start3A_629 = tpu.memref_slice %arg19[%dma_start3A_627, %dma_start3A_628] : memref<3x400xf32, #tpu.memory_space<vmem>> -> memref<1x400xf32, #tpu.memory_space<vmem>>
        %dma_start3A_630 = tpu.memref_squeeze %dma_start3A_629 : memref<1x400xf32, #tpu.memory_space<vmem>> -> memref<400xf32, #tpu.memory_space<vmem>>
        %dma_start3A_631 = tpu.memref_slice %arg7[%add3A_604] : memref<3200000xf32, #tpu.memory_space<hbm>> -> memref<400xf32, #tpu.memory_space<hbm>>
        %dma_start3A_632 = arith.constant 0 : i32
        %dma_start3A_633 = tpu.memref_slice %arg19[%dma_start3A_627, %dma_start3A_632] : memref<3x400xf32, #tpu.memory_space<vmem>> -> memref<1x400xf32, #tpu.memory_space<vmem>>
        %dma_start3A_634 = tpu.memref_squeeze %dma_start3A_633 : memref<1x400xf32, #tpu.memory_space<vmem>> -> memref<400xf32, #tpu.memory_space<vmem>>
        %dma_start3A_635 = tpu.memref_slice %arg7[%add3A_604] : memref<3200000xf32, #tpu.memory_space<hbm>> -> memref<400xf32, #tpu.memory_space<hbm>>
        tpu.enqueue_dma source(%dma_start3A_635 : memref<400xf32, #tpu.memory_space<hbm>>) target(%dma_start3A_634 : memref<400xf32, #tpu.memory_space<vmem>>) target_semaphore(%arg25 : memref<!tpu.dma_semaphore, #tpu.memory_space<semaphore_mem>>)
        %add3A_636 = arith.constant 0 : i32
        %add3A_637 = arith.addi %add3A_604, %add3A_636 : i32
        %dma_start3A_638 = arith.constant 0 : i32
        %dma_start3A_639 = arith.constant 0 : i32
        %dma_start3A_640 = tpu.memref_slice %arg15[%dma_start3A_638, %dma_start3A_639] : memref<5x80xi32, #tpu.memory_space<vmem>> -> memref<1x80xi32, #tpu.memory_space<vmem>>
        %dma_start3A_641 = tpu.memref_squeeze %dma_start3A_640 : memref<1x80xi32, #tpu.memory_space<vmem>> -> memref<80xi32, #tpu.memory_space<vmem>>
        %dma_start3A_642 = tpu.memref_slice %arg3[%add3A_637] : memref<3200000xi32, #tpu.memory_space<hbm>> -> memref<80xi32, #tpu.memory_space<hbm>>
        %dma_start3A_643 = arith.constant 0 : i32
        %dma_start3A_644 = tpu.memref_slice %arg15[%dma_start3A_638, %dma_start3A_643] : memref<5x80xi32, #tpu.memory_space<vmem>> -> memref<1x80xi32, #tpu.memory_space<vmem>>
        %dma_start3A_645 = tpu.memref_squeeze %dma_start3A_644 : memref<1x80xi32, #tpu.memory_space<vmem>> -> memref<80xi32, #tpu.memory_space<vmem>>
        %dma_start3A_646 = tpu.memref_slice %arg3[%add3A_637] : memref<3200000xi32, #tpu.memory_space<hbm>> -> memref<80xi32, #tpu.memory_space<hbm>>
        tpu.enqueue_dma source(%dma_start3A_646 : memref<80xi32, #tpu.memory_space<hbm>>) target(%dma_start3A_645 : memref<80xi32, #tpu.memory_space<vmem>>) target_semaphore(%arg25 : memref<!tpu.dma_semaphore, #tpu.memory_space<semaphore_mem>>)
        %add3A_647 = arith.constant 80 : i32
        %add3A_648 = arith.addi %add3A_604, %add3A_647 : i32
        %dma_start3A_649 = arith.constant 1 : i32
        %dma_start3A_650 = arith.constant 0 : i32
        %dma_start3A_651 = tpu.memref_slice %arg15[%dma_start3A_649, %dma_start3A_650] : memref<5x80xi32, #tpu.memory_space<vmem>> -> memref<1x80xi32, #tpu.memory_space<vmem>>
        %dma_start3A_652 = tpu.memref_squeeze %dma_start3A_651 : memref<1x80xi32, #tpu.memory_space<vmem>> -> memref<80xi32, #tpu.memory_space<vmem>>
        %dma_start3A_653 = tpu.memref_slice %arg3[%add3A_648] : memref<3200000xi32, #tpu.memory_space<hbm>> -> memref<80xi32, #tpu.memory_space<hbm>>
        %dma_start3A_654 = arith.constant 0 : i32
        %dma_start3A_655 = tpu.memref_slice %arg15[%dma_start3A_649, %dma_start3A_654] : memref<5x80xi32, #tpu.memory_space<vmem>> -> memref<1x80xi32, #tpu.memory_space<vmem>>
        %dma_start3A_656 = tpu.memref_squeeze %dma_start3A_655 : memref<1x80xi32, #tpu.memory_space<vmem>> -> memref<80xi32, #tpu.memory_space<vmem>>
        %dma_start3A_657 = tpu.memref_slice %arg3[%add3A_648] : memref<3200000xi32, #tpu.memory_space<hbm>> -> memref<80xi32, #tpu.memory_space<hbm>>
        tpu.enqueue_dma source(%dma_start3A_657 : memref<80xi32, #tpu.memory_space<hbm>>) target(%dma_start3A_656 : memref<80xi32, #tpu.memory_space<vmem>>) target_semaphore(%arg25 : memref<!tpu.dma_semaphore, #tpu.memory_space<semaphore_mem>>)
        %add3A_658 = arith.constant 160 : i32
        %add3A_659 = arith.addi %add3A_604, %add3A_658 : i32
        %dma_start3A_660 = arith.constant 2 : i32
        %dma_start3A_661 = arith.constant 0 : i32
        %dma_start3A_662 = tpu.memref_slice %arg15[%dma_start3A_660, %dma_start3A_661] : memref<5x80xi32, #tpu.memory_space<vmem>> -> memref<1x80xi32, #tpu.memory_space<vmem>>
        %dma_start3A_663 = tpu.memref_squeeze %dma_start3A_662 : memref<1x80xi32, #tpu.memory_space<vmem>> -> memref<80xi32, #tpu.memory_space<vmem>>
        %dma_start3A_664 = tpu.memref_slice %arg3[%add3A_659] : memref<3200000xi32, #tpu.memory_space<hbm>> -> memref<80xi32, #tpu.memory_space<hbm>>
        %dma_start3A_665 = arith.constant 0 : i32
        %dma_start3A_666 = tpu.memref_slice %arg15[%dma_start3A_660, %dma_start3A_665] : memref<5x80xi32, #tpu.memory_space<vmem>> -> memref<1x80xi32, #tpu.memory_space<vmem>>
        %dma_start3A_667 = tpu.memref_squeeze %dma_start3A_666 : memref<1x80xi32, #tpu.memory_space<vmem>> -> memref<80xi32, #tpu.memory_space<vmem>>
        %dma_start3A_668 = tpu.memref_slice %arg3[%add3A_659] : memref<3200000xi32, #tpu.memory_space<hbm>> -> memref<80xi32, #tpu.memory_space<hbm>>
        tpu.enqueue_dma source(%dma_start3A_668 : memref<80xi32, #tpu.memory_space<hbm>>) target(%dma_start3A_667 : memref<80xi32, #tpu.memory_space<vmem>>) target_semaphore(%arg25 : memref<!tpu.dma_semaphore, #tpu.memory_space<semaphore_mem>>)
        %add3A_669 = arith.constant 240 : i32
        %add3A_670 = arith.addi %add3A_604, %add3A_669 : i32
        %dma_start3A_671 = arith.constant 3 : i32
        %dma_start3A_672 = arith.constant 0 : i32
        %dma_start3A_673 = tpu.memref_slice %arg15[%dma_start3A_671, %dma_start3A_672] : memref<5x80xi32, #tpu.memory_space<vmem>> -> memref<1x80xi32, #tpu.memory_space<vmem>>
        %dma_start3A_674 = tpu.memref_squeeze %dma_start3A_673 : memref<1x80xi32, #tpu.memory_space<vmem>> -> memref<80xi32, #tpu.memory_space<vmem>>
        %dma_start3A_675 = tpu.memref_slice %arg3[%add3A_670] : memref<3200000xi32, #tpu.memory_space<hbm>> -> memref<80xi32, #tpu.memory_space<hbm>>
        %dma_start3A_676 = arith.constant 0 : i32
        %dma_start3A_677 = tpu.memref_slice %arg15[%dma_start3A_671, %dma_start3A_676] : memref<5x80xi32, #tpu.memory_space<vmem>> -> memref<1x80xi32, #tpu.memory_space<vmem>>
        %dma_start3A_678 = tpu.memref_squeeze %dma_start3A_677 : memref<1x80xi32, #tpu.memory_space<vmem>> -> memref<80xi32, #tpu.memory_space<vmem>>
        %dma_start3A_679 = tpu.memref_slice %arg3[%add3A_670] : memref<3200000xi32, #tpu.memory_space<hbm>> -> memref<80xi32, #tpu.memory_space<hbm>>
        tpu.enqueue_dma source(%dma_start3A_679 : memref<80xi32, #tpu.memory_space<hbm>>) target(%dma_start3A_678 : memref<80xi32, #tpu.memory_space<vmem>>) target_semaphore(%arg25 : memref<!tpu.dma_semaphore, #tpu.memory_space<semaphore_mem>>)
        %add3A_680 = arith.constant 320 : i32
        %add3A_681 = arith.addi %add3A_604, %add3A_680 : i32
        %dma_start3A_682 = arith.constant 4 : i32
        %dma_start3A_683 = arith.constant 0 : i32
        %dma_start3A_684 = tpu.memref_slice %arg15[%dma_start3A_682, %dma_start3A_683] : memref<5x80xi32, #tpu.memory_space<vmem>> -> memref<1x80xi32, #tpu.memory_space<vmem>>
        %dma_start3A_685 = tpu.memref_squeeze %dma_start3A_684 : memref<1x80xi32, #tpu.memory_space<vmem>> -> memref<80xi32, #tpu.memory_space<vmem>>
        %dma_start3A_686 = tpu.memref_slice %arg3[%add3A_681] : memref<3200000xi32, #tpu.memory_space<hbm>> -> memref<80xi32, #tpu.memory_space<hbm>>
        %dma_start3A_687 = arith.constant 0 : i32
        %dma_start3A_688 = tpu.memref_slice %arg15[%dma_start3A_682, %dma_start3A_687] : memref<5x80xi32, #tpu.memory_space<vmem>> -> memref<1x80xi32, #tpu.memory_space<vmem>>
        %dma_start3A_689 = tpu.memref_squeeze %dma_start3A_688 : memref<1x80xi32, #tpu.memory_space<vmem>> -> memref<80xi32, #tpu.memory_space<vmem>>
        %dma_start3A_690 = tpu.memref_slice %arg3[%add3A_681] : memref<3200000xi32, #tpu.memory_space<hbm>> -> memref<80xi32, #tpu.memory_space<hbm>>
        tpu.enqueue_dma source(%dma_start3A_690 : memref<80xi32, #tpu.memory_space<hbm>>) target(%dma_start3A_689 : memref<80xi32, #tpu.memory_space<vmem>>) target_semaphore(%arg25 : memref<!tpu.dma_semaphore, #tpu.memory_space<semaphore_mem>>)
      } else {
      }
      %dma_wait3A_299 = arith.constant 0 : i32
      %dma_wait3A_300 = tpu.memref_slice %arg20[%dma_wait3A_299] : memref<400xf32, #tpu.memory_space<vmem>> -> memref<80xf32, #tpu.memory_space<vmem>>
      %dma_wait3A_301 = arith.constant 0 : i32
      %dma_wait3A_302 = tpu.memref_slice %arg12[%dma_wait3A_301] : memref<400xi32, #tpu.memory_space<vmem>> -> memref<80xi32, #tpu.memory_space<vmem>>
      %dma_wait3A_303 = arith.constant 0 : i32
      %dma_wait3A_304 = tpu.memref_slice %arg29[%dma_wait3A_303] : memref<100000xf32, #tpu.memory_space<vmem_shared>> -> memref<100000xf32, #tpu.memory_space<vmem_shared>>
      tpu.wait_indirect_dma semaphore(%arg26 : memref<!tpu.dma_semaphore, #tpu.memory_space<semaphore_mem>>) src(%dma_wait3A_304 : memref<100000xf32, #tpu.memory_space<vmem_shared>>) dst(%dma_wait3A_300 : memref<80xf32, #tpu.memory_space<vmem>>)
      %dma_wait3A_305 = arith.constant 80 : i32
      %dma_wait3A_306 = tpu.memref_slice %arg20[%dma_wait3A_305] : memref<400xf32, #tpu.memory_space<vmem>> -> memref<80xf32, #tpu.memory_space<vmem>>
      %dma_wait3A_307 = arith.constant 80 : i32
      %dma_wait3A_308 = tpu.memref_slice %arg12[%dma_wait3A_307] : memref<400xi32, #tpu.memory_space<vmem>> -> memref<80xi32, #tpu.memory_space<vmem>>
      %dma_wait3A_309 = arith.constant 0 : i32
      %dma_wait3A_310 = tpu.memref_slice %arg29[%dma_wait3A_309] : memref<100000xf32, #tpu.memory_space<vmem_shared>> -> memref<100000xf32, #tpu.memory_space<vmem_shared>>
      tpu.wait_indirect_dma semaphore(%arg26 : memref<!tpu.dma_semaphore, #tpu.memory_space<semaphore_mem>>) src(%dma_wait3A_310 : memref<100000xf32, #tpu.memory_space<vmem_shared>>) dst(%dma_wait3A_306 : memref<80xf32, #tpu.memory_space<vmem>>)
      %dma_wait3A_311 = arith.constant 160 : i32
      %dma_wait3A_312 = tpu.memref_slice %arg20[%dma_wait3A_311] : memref<400xf32, #tpu.memory_space<vmem>> -> memref<80xf32, #tpu.memory_space<vmem>>
      %dma_wait3A_313 = arith.constant 160 : i32
      %dma_wait3A_314 = tpu.memref_slice %arg12[%dma_wait3A_313] : memref<400xi32, #tpu.memory_space<vmem>> -> memref<80xi32, #tpu.memory_space<vmem>>
      %dma_wait3A_315 = arith.constant 0 : i32
      %dma_wait3A_316 = tpu.memref_slice %arg29[%dma_wait3A_315] : memref<100000xf32, #tpu.memory_space<vmem_shared>> -> memref<100000xf32, #tpu.memory_space<vmem_shared>>
      tpu.wait_indirect_dma semaphore(%arg26 : memref<!tpu.dma_semaphore, #tpu.memory_space<semaphore_mem>>) src(%dma_wait3A_316 : memref<100000xf32, #tpu.memory_space<vmem_shared>>) dst(%dma_wait3A_312 : memref<80xf32, #tpu.memory_space<vmem>>)
      %dma_wait3A_317 = arith.constant 240 : i32
      %dma_wait3A_318 = tpu.memref_slice %arg20[%dma_wait3A_317] : memref<400xf32, #tpu.memory_space<vmem>> -> memref<80xf32, #tpu.memory_space<vmem>>
      %dma_wait3A_319 = arith.constant 240 : i32
      %dma_wait3A_320 = tpu.memref_slice %arg12[%dma_wait3A_319] : memref<400xi32, #tpu.memory_space<vmem>> -> memref<80xi32, #tpu.memory_space<vmem>>
      %dma_wait3A_321 = arith.constant 0 : i32
      %dma_wait3A_322 = tpu.memref_slice %arg29[%dma_wait3A_321] : memref<100000xf32, #tpu.memory_space<vmem_shared>> -> memref<100000xf32, #tpu.memory_space<vmem_shared>>
      tpu.wait_indirect_dma semaphore(%arg26 : memref<!tpu.dma_semaphore, #tpu.memory_space<semaphore_mem>>) src(%dma_wait3A_322 : memref<100000xf32, #tpu.memory_space<vmem_shared>>) dst(%dma_wait3A_318 : memref<80xf32, #tpu.memory_space<vmem>>)
      %dma_wait3A_323 = arith.constant 320 : i32
      %dma_wait3A_324 = tpu.memref_slice %arg20[%dma_wait3A_323] : memref<400xf32, #tpu.memory_space<vmem>> -> memref<80xf32, #tpu.memory_space<vmem>>
      %dma_wait3A_325 = arith.constant 320 : i32
      %dma_wait3A_326 = tpu.memref_slice %arg12[%dma_wait3A_325] : memref<400xi32, #tpu.memory_space<vmem>> -> memref<80xi32, #tpu.memory_space<vmem>>
      %dma_wait3A_327 = arith.constant 0 : i32
      %dma_wait3A_328 = tpu.memref_slice %arg29[%dma_wait3A_327] : memref<100000xf32, #tpu.memory_space<vmem_shared>> -> memref<100000xf32, #tpu.memory_space<vmem_shared>>
      tpu.wait_indirect_dma semaphore(%arg26 : memref<!tpu.dma_semaphore, #tpu.memory_space<semaphore_mem>>) src(%dma_wait3A_328 : memref<100000xf32, #tpu.memory_space<vmem_shared>>) dst(%dma_wait3A_324 : memref<80xf32, #tpu.memory_space<vmem>>)
      %parallel_loop3A = arith.constant 0 : i32
      %parallel_loop3A_329 = arith.constant 25 : i32
      %parallel_loop3A_330 = arith.constant 1 : i32
      scf.for %parallel_loop3A_600 = %parallel_loop3A to %parallel_loop3A_329 step %parallel_loop3A_330  : i32 {
        %parallel_loop3A_601 = arith.constant 16 : i32
        %parallel_loop3A_602 = arith.muli %parallel_loop3A_600, %parallel_loop3A_601 : i32
        %parallel_loop3A_603 = vector.broadcast %parallel_loop3A_602 : i32 to vector<16xi32>
        %parallel_loop3A_604 = arith.addi %parallel_loop3A_603, %iota3A : vector<16xi32>
        %parallel_loop3A_605 = arith.index_cast %parallel_loop3A_602 : i32 to index
        %parallel_loop3A_606 = tpu.vector_load %arg20[%parallel_loop3A_605] {strides = array<i32>} : memref<400xf32, #tpu.memory_space<vmem>>, vector<16xf32>,
        %parallel_loop3A_607 = arith.index_cast %parallel_loop3A_602 : i32 to index
        %parallel_loop3A_608 = tpu.vector_load %arg16[%parallel_loop3A_607] {strides = array<i32>} : memref<400xi32, #tpu.memory_space<vmem>>, vector<16xi32>,
        %parallel_loop3A_609 = arith.constant 0 : i32
        %parallel_loop3A_610 = arith.index_cast %parallel_loop3A_609 : i32 to index
        %parallel_loop3A_611 = arith.index_cast %parallel_loop3A_602 : i32 to index
        %parallel_loop3A_612 = tpu.vector_load %arg18[%parallel_loop3A_610, %parallel_loop3A_611] {strides = array<i32>} : memref<3x400xf32, #tpu.memory_space<vmem>>, vector<16xf32>,
        %parallel_loop3A_613 = arith.constant 1 : i32
        %parallel_loop3A_614 = arith.index_cast %parallel_loop3A_613 : i32 to index
        %parallel_loop3A_615 = arith.index_cast %parallel_loop3A_602 : i32 to index
        %parallel_loop3A_616 = tpu.vector_load %arg18[%parallel_loop3A_614, %parallel_loop3A_615] {strides = array<i32>} : memref<3x400xf32, #tpu.memory_space<vmem>>, vector<16xf32>,
        %parallel_loop3A_617 = arith.constant 2 : i32
        %parallel_loop3A_618 = arith.index_cast %parallel_loop3A_617 : i32 to index
        %parallel_loop3A_619 = arith.index_cast %parallel_loop3A_602 : i32 to index
        %parallel_loop3A_620 = tpu.vector_load %arg18[%parallel_loop3A_618, %parallel_loop3A_619] {strides = array<i32>} : memref<3x400xf32, #tpu.memory_space<vmem>>, vector<16xf32>,
        %parallel_loop3A_621 = arith.constant 1.000000e+00 : f32
        %parallel_loop3A_622 = vector.broadcast %parallel_loop3A_621 : f32 to vector<16xf32>
        %parallel_loop3A_623 = arith.subf %parallel_loop3A_622, %parallel_loop3A_612 : vector<16xf32>
        %parallel_loop3A_624 = arith.constant 1.000000e+00 : f32
        %parallel_loop3A_625 = vector.broadcast %parallel_loop3A_624 : f32 to vector<16xf32>
        %parallel_loop3A_626 = arith.subf %parallel_loop3A_625, %parallel_loop3A_616 : vector<16xf32>
        %parallel_loop3A_627 = arith.constant 1.000000e+00 : f32
        %parallel_loop3A_628 = vector.broadcast %parallel_loop3A_627 : f32 to vector<16xf32>
        %parallel_loop3A_629 = arith.subf %parallel_loop3A_628, %parallel_loop3A_620 : vector<16xf32>
        %parallel_loop3A_630 = arith.constant 0.000000e+00 : f32
        %parallel_loop3A_631 = vector.broadcast %parallel_loop3A_630 : f32 to vector<16xf32>
        %parallel_loop3A_632 = arith.constant 0.000000e+00 : f32
        %parallel_loop3A_633 = vector.broadcast %parallel_loop3A_632 : f32 to vector<16xf32>
        %parallel_loop3A_634 = arith.constant 0.000000e+00 : f32
        %parallel_loop3A_635 = vector.broadcast %parallel_loop3A_634 : f32 to vector<16xf32>
        %parallel_loop3A_636 = arith.constant 0.000000e+00 : f32
        %parallel_loop3A_637 = vector.broadcast %parallel_loop3A_636 : f32 to vector<16xf32>
        %parallel_loop3A_638 = arith.constant 0.000000e+00 : f32
        %parallel_loop3A_639 = vector.broadcast %parallel_loop3A_638 : f32 to vector<16xf32>
        %parallel_loop3A_640 = arith.constant 0.000000e+00 : f32
        %parallel_loop3A_641 = vector.broadcast %parallel_loop3A_640 : f32 to vector<16xf32>
        %parallel_loop3A_642 = arith.constant 0.000000e+00 : f32
        %parallel_loop3A_643 = vector.broadcast %parallel_loop3A_642 : f32 to vector<16xf32>
        %parallel_loop3A_644 = arith.constant 0.000000e+00 : f32
        %parallel_loop3A_645 = vector.broadcast %parallel_loop3A_644 : f32 to vector<16xf32>
        %parallel_loop3A_646 = arith.constant 0.000000e+00 : f32
        %parallel_loop3A_647 = vector.broadcast %parallel_loop3A_646 : f32 to vector<16xf32>
        %parallel_loop3A_648 = arith.constant 0.000000e+00 : f32
        %parallel_loop3A_649 = vector.broadcast %parallel_loop3A_648 : f32 to vector<16xf32>
        %parallel_loop3A_650 = arith.constant 0.000000e+00 : f32
        %parallel_loop3A_651 = vector.broadcast %parallel_loop3A_650 : f32 to vector<16xf32>
        %parallel_loop3A_652 = arith.constant 0.000000e+00 : f32
        %parallel_loop3A_653 = vector.broadcast %parallel_loop3A_652 : f32 to vector<16xf32>
        %parallel_loop3A_654 = arith.constant 0.000000e+00 : f32
        %parallel_loop3A_655 = vector.broadcast %parallel_loop3A_654 : f32 to vector<16xf32>
        %parallel_loop3A_656 = arith.constant 0.000000e+00 : f32
        %parallel_loop3A_657 = vector.broadcast %parallel_loop3A_656 : f32 to vector<16xf32>
        %parallel_loop3A_658 = arith.constant 0.000000e+00 : f32
        %parallel_loop3A_659 = vector.broadcast %parallel_loop3A_658 : f32 to vector<16xf32>
        %parallel_loop3A_660 = arith.constant 0.000000e+00 : f32
        %parallel_loop3A_661 = vector.broadcast %parallel_loop3A_660 : f32 to vector<16xf32>
        %parallel_loop3A_662 = arith.mulf %parallel_loop3A_623, %parallel_loop3A_626 : vector<16xf32>
        %parallel_loop3A_663 = arith.mulf %parallel_loop3A_662, %parallel_loop3A_629 : vector<16xf32>
        %parallel_loop3A_664 = arith.mulf %parallel_loop3A_663, %parallel_loop3A_606 : vector<16xf32>
        %parallel_loop3A_665 = arith.constant 0 : i32
        %parallel_loop3A_666 = vector.broadcast %parallel_loop3A_665 : i32 to vector<16xi32>
        %parallel_loop3A_667 = arith.addi %parallel_loop3A_608, %parallel_loop3A_666 : vector<16xi32>
        %parallel_loop3A_668 = arith.constant 0 : i32
        %parallel_loop3A_669 = vector.broadcast %parallel_loop3A_668 : i32 to vector<16xi32>
        %parallel_loop3A_670 = arith.addi %parallel_loop3A_667, %parallel_loop3A_669 : vector<16xi32>
        %parallel_loop3A_671 = tpu.vector_load_idx %arg11[%parallel_loop3A_670] : memref<2000xf32, #tpu.memory_space<vmem>>[vector<16xi32>], vector<16xf32>,
        %parallel_loop3A_672 = arith.mulf %parallel_loop3A_671, %parallel_loop3A_664 : vector<16xf32>
        %parallel_loop3A_673 = arith.addf %parallel_loop3A_631, %parallel_loop3A_672 : vector<16xf32>
        %parallel_loop3A_674 = arith.constant 1 : i32
        %parallel_loop3A_675 = vector.broadcast %parallel_loop3A_674 : i32 to vector<16xi32>
        %parallel_loop3A_676 = arith.addi %parallel_loop3A_667, %parallel_loop3A_675 : vector<16xi32>
        %parallel_loop3A_677 = tpu.vector_load_idx %arg11[%parallel_loop3A_676] : memref<2000xf32, #tpu.memory_space<vmem>>[vector<16xi32>], vector<16xf32>,
        %parallel_loop3A_678 = arith.mulf %parallel_loop3A_677, %parallel_loop3A_664 : vector<16xf32>
        %parallel_loop3A_679 = arith.addf %parallel_loop3A_633, %parallel_loop3A_678 : vector<16xf32>
        %parallel_loop3A_680 = arith.constant 2 : i32
        %parallel_loop3A_681 = vector.broadcast %parallel_loop3A_680 : i32 to vector<16xi32>
        %parallel_loop3A_682 = arith.addi %parallel_loop3A_667, %parallel_loop3A_681 : vector<16xi32>
        %parallel_loop3A_683 = tpu.vector_load_idx %arg11[%parallel_loop3A_682] : memref<2000xf32, #tpu.memory_space<vmem>>[vector<16xi32>], vector<16xf32>,
        %parallel_loop3A_684 = arith.mulf %parallel_loop3A_683, %parallel_loop3A_664 : vector<16xf32>
        %parallel_loop3A_685 = arith.addf %parallel_loop3A_635, %parallel_loop3A_684 : vector<16xf32>
        %parallel_loop3A_686 = arith.constant 3 : i32
        %parallel_loop3A_687 = vector.broadcast %parallel_loop3A_686 : i32 to vector<16xi32>
        %parallel_loop3A_688 = arith.addi %parallel_loop3A_667, %parallel_loop3A_687 : vector<16xi32>
        %parallel_loop3A_689 = tpu.vector_load_idx %arg11[%parallel_loop3A_688] : memref<2000xf32, #tpu.memory_space<vmem>>[vector<16xi32>], vector<16xf32>,
        %parallel_loop3A_690 = arith.mulf %parallel_loop3A_689, %parallel_loop3A_664 : vector<16xf32>
        %parallel_loop3A_691 = arith.addf %parallel_loop3A_637, %parallel_loop3A_690 : vector<16xf32>
        %parallel_loop3A_692 = arith.constant 4 : i32
        %parallel_loop3A_693 = vector.broadcast %parallel_loop3A_692 : i32 to vector<16xi32>
        %parallel_loop3A_694 = arith.addi %parallel_loop3A_667, %parallel_loop3A_693 : vector<16xi32>
        %parallel_loop3A_695 = tpu.vector_load_idx %arg11[%parallel_loop3A_694] : memref<2000xf32, #tpu.memory_space<vmem>>[vector<16xi32>], vector<16xf32>,
        %parallel_loop3A_696 = arith.mulf %parallel_loop3A_695, %parallel_loop3A_664 : vector<16xf32>
        %parallel_loop3A_697 = arith.addf %parallel_loop3A_639, %parallel_loop3A_696 : vector<16xf32>
        %parallel_loop3A_698 = arith.constant 5 : i32
        %parallel_loop3A_699 = vector.broadcast %parallel_loop3A_698 : i32 to vector<16xi32>
        %parallel_loop3A_700 = arith.addi %parallel_loop3A_667, %parallel_loop3A_699 : vector<16xi32>
        %parallel_loop3A_701 = tpu.vector_load_idx %arg11[%parallel_loop3A_700] : memref<2000xf32, #tpu.memory_space<vmem>>[vector<16xi32>], vector<16xf32>,
        %parallel_loop3A_702 = arith.mulf %parallel_loop3A_701, %parallel_loop3A_664 : vector<16xf32>
        %parallel_loop3A_703 = arith.addf %parallel_loop3A_641, %parallel_loop3A_702 : vector<16xf32>
        %parallel_loop3A_704 = arith.constant 6 : i32
        %parallel_loop3A_705 = vector.broadcast %parallel_loop3A_704 : i32 to vector<16xi32>
        %parallel_loop3A_706 = arith.addi %parallel_loop3A_667, %parallel_loop3A_705 : vector<16xi32>
        %parallel_loop3A_707 = tpu.vector_load_idx %arg11[%parallel_loop3A_706] : memref<2000xf32, #tpu.memory_space<vmem>>[vector<16xi32>], vector<16xf32>,
        %parallel_loop3A_708 = arith.mulf %parallel_loop3A_707, %parallel_loop3A_664 : vector<16xf32>
        %parallel_loop3A_709 = arith.addf %parallel_loop3A_643, %parallel_loop3A_708 : vector<16xf32>
        %parallel_loop3A_710 = arith.constant 7 : i32
        %parallel_loop3A_711 = vector.broadcast %parallel_loop3A_710 : i32 to vector<16xi32>
        %parallel_loop3A_712 = arith.addi %parallel_loop3A_667, %parallel_loop3A_711 : vector<16xi32>
        %parallel_loop3A_713 = tpu.vector_load_idx %arg11[%parallel_loop3A_712] : memref<2000xf32, #tpu.memory_space<vmem>>[vector<16xi32>], vector<16xf32>,
        %parallel_loop3A_714 = arith.mulf %parallel_loop3A_713, %parallel_loop3A_664 : vector<16xf32>
        %parallel_loop3A_715 = arith.addf %parallel_loop3A_645, %parallel_loop3A_714 : vector<16xf32>
        %parallel_loop3A_716 = arith.constant 8 : i32
        %parallel_loop3A_717 = vector.broadcast %parallel_loop3A_716 : i32 to vector<16xi32>
        %parallel_loop3A_718 = arith.addi %parallel_loop3A_667, %parallel_loop3A_717 : vector<16xi32>
        %parallel_loop3A_719 = tpu.vector_load_idx %arg11[%parallel_loop3A_718] : memref<2000xf32, #tpu.memory_space<vmem>>[vector<16xi32>], vector<16xf32>,
        %parallel_loop3A_720 = arith.mulf %parallel_loop3A_719, %parallel_loop3A_664 : vector<16xf32>
        %parallel_loop3A_721 = arith.addf %parallel_loop3A_647, %parallel_loop3A_720 : vector<16xf32>
        %parallel_loop3A_722 = arith.constant 9 : i32
        %parallel_loop3A_723 = vector.broadcast %parallel_loop3A_722 : i32 to vector<16xi32>
        %parallel_loop3A_724 = arith.addi %parallel_loop3A_667, %parallel_loop3A_723 : vector<16xi32>
        %parallel_loop3A_725 = tpu.vector_load_idx %arg11[%parallel_loop3A_724] : memref<2000xf32, #tpu.memory_space<vmem>>[vector<16xi32>], vector<16xf32>,
        %parallel_loop3A_726 = arith.mulf %parallel_loop3A_725, %parallel_loop3A_664 : vector<16xf32>
        %parallel_loop3A_727 = arith.addf %parallel_loop3A_649, %parallel_loop3A_726 : vector<16xf32>
        %parallel_loop3A_728 = arith.constant 10 : i32
        %parallel_loop3A_729 = vector.broadcast %parallel_loop3A_728 : i32 to vector<16xi32>
        %parallel_loop3A_730 = arith.addi %parallel_loop3A_667, %parallel_loop3A_729 : vector<16xi32>
        %parallel_loop3A_731 = tpu.vector_load_idx %arg11[%parallel_loop3A_730] : memref<2000xf32, #tpu.memory_space<vmem>>[vector<16xi32>], vector<16xf32>,
        %parallel_loop3A_732 = arith.mulf %parallel_loop3A_731, %parallel_loop3A_664 : vector<16xf32>
        %parallel_loop3A_733 = arith.addf %parallel_loop3A_651, %parallel_loop3A_732 : vector<16xf32>
        %parallel_loop3A_734 = arith.constant 11 : i32
        %parallel_loop3A_735 = vector.broadcast %parallel_loop3A_734 : i32 to vector<16xi32>
        %parallel_loop3A_736 = arith.addi %parallel_loop3A_667, %parallel_loop3A_735 : vector<16xi32>
        %parallel_loop3A_737 = tpu.vector_load_idx %arg11[%parallel_loop3A_736] : memref<2000xf32, #tpu.memory_space<vmem>>[vector<16xi32>], vector<16xf32>,
        %parallel_loop3A_738 = arith.mulf %parallel_loop3A_737, %parallel_loop3A_664 : vector<16xf32>
        %parallel_loop3A_739 = arith.addf %parallel_loop3A_653, %parallel_loop3A_738 : vector<16xf32>
        %parallel_loop3A_740 = arith.constant 12 : i32
        %parallel_loop3A_741 = vector.broadcast %parallel_loop3A_740 : i32 to vector<16xi32>
        %parallel_loop3A_742 = arith.addi %parallel_loop3A_667, %parallel_loop3A_741 : vector<16xi32>
        %parallel_loop3A_743 = tpu.vector_load_idx %arg11[%parallel_loop3A_742] : memref<2000xf32, #tpu.memory_space<vmem>>[vector<16xi32>], vector<16xf32>,
        %parallel_loop3A_744 = arith.mulf %parallel_loop3A_743, %parallel_loop3A_664 : vector<16xf32>
        %parallel_loop3A_745 = arith.addf %parallel_loop3A_655, %parallel_loop3A_744 : vector<16xf32>
        %parallel_loop3A_746 = arith.constant 13 : i32
        %parallel_loop3A_747 = vector.broadcast %parallel_loop3A_746 : i32 to vector<16xi32>
        %parallel_loop3A_748 = arith.addi %parallel_loop3A_667, %parallel_loop3A_747 : vector<16xi32>
        %parallel_loop3A_749 = tpu.vector_load_idx %arg11[%parallel_loop3A_748] : memref<2000xf32, #tpu.memory_space<vmem>>[vector<16xi32>], vector<16xf32>,
        %parallel_loop3A_750 = arith.mulf %parallel_loop3A_749, %parallel_loop3A_664 : vector<16xf32>
        %parallel_loop3A_751 = arith.addf %parallel_loop3A_657, %parallel_loop3A_750 : vector<16xf32>
        %parallel_loop3A_752 = arith.constant 14 : i32
        %parallel_loop3A_753 = vector.broadcast %parallel_loop3A_752 : i32 to vector<16xi32>
        %parallel_loop3A_754 = arith.addi %parallel_loop3A_667, %parallel_loop3A_753 : vector<16xi32>
        %parallel_loop3A_755 = tpu.vector_load_idx %arg11[%parallel_loop3A_754] : memref<2000xf32, #tpu.memory_space<vmem>>[vector<16xi32>], vector<16xf32>,
        %parallel_loop3A_756 = arith.mulf %parallel_loop3A_755, %parallel_loop3A_664 : vector<16xf32>
        %parallel_loop3A_757 = arith.addf %parallel_loop3A_659, %parallel_loop3A_756 : vector<16xf32>
        %parallel_loop3A_758 = arith.constant 15 : i32
        %parallel_loop3A_759 = vector.broadcast %parallel_loop3A_758 : i32 to vector<16xi32>
        %parallel_loop3A_760 = arith.addi %parallel_loop3A_667, %parallel_loop3A_759 : vector<16xi32>
        %parallel_loop3A_761 = tpu.vector_load_idx %arg11[%parallel_loop3A_760] : memref<2000xf32, #tpu.memory_space<vmem>>[vector<16xi32>], vector<16xf32>,
        %parallel_loop3A_762 = arith.mulf %parallel_loop3A_761, %parallel_loop3A_664 : vector<16xf32>
        %parallel_loop3A_763 = arith.addf %parallel_loop3A_661, %parallel_loop3A_762 : vector<16xf32>
        %parallel_loop3A_764 = arith.mulf %parallel_loop3A_612, %parallel_loop3A_626 : vector<16xf32>
        %parallel_loop3A_765 = arith.mulf %parallel_loop3A_764, %parallel_loop3A_629 : vector<16xf32>
        %parallel_loop3A_766 = arith.mulf %parallel_loop3A_765, %parallel_loop3A_606 : vector<16xf32>
        %parallel_loop3A_767 = arith.constant 16 : i32
        %parallel_loop3A_768 = vector.broadcast %parallel_loop3A_767 : i32 to vector<16xi32>
        %parallel_loop3A_769 = arith.addi %parallel_loop3A_608, %parallel_loop3A_768 : vector<16xi32>
        %parallel_loop3A_770 = arith.constant 0 : i32
        %parallel_loop3A_771 = vector.broadcast %parallel_loop3A_770 : i32 to vector<16xi32>
        %parallel_loop3A_772 = arith.addi %parallel_loop3A_769, %parallel_loop3A_771 : vector<16xi32>
        %parallel_loop3A_773 = tpu.vector_load_idx %arg11[%parallel_loop3A_772] : memref<2000xf32, #tpu.memory_space<vmem>>[vector<16xi32>], vector<16xf32>,
        %parallel_loop3A_774 = arith.mulf %parallel_loop3A_773, %parallel_loop3A_766 : vector<16xf32>
        %parallel_loop3A_775 = arith.addf %parallel_loop3A_673, %parallel_loop3A_774 : vector<16xf32>
        %parallel_loop3A_776 = arith.constant 1 : i32
        %parallel_loop3A_777 = vector.broadcast %parallel_loop3A_776 : i32 to vector<16xi32>
        %parallel_loop3A_778 = arith.addi %parallel_loop3A_769, %parallel_loop3A_777 : vector<16xi32>
        %parallel_loop3A_779 = tpu.vector_load_idx %arg11[%parallel_loop3A_778] : memref<2000xf32, #tpu.memory_space<vmem>>[vector<16xi32>], vector<16xf32>,
        %parallel_loop3A_780 = arith.mulf %parallel_loop3A_779, %parallel_loop3A_766 : vector<16xf32>
        %parallel_loop3A_781 = arith.addf %parallel_loop3A_679, %parallel_loop3A_780 : vector<16xf32>
        %parallel_loop3A_782 = arith.constant 2 : i32
        %parallel_loop3A_783 = vector.broadcast %parallel_loop3A_782 : i32 to vector<16xi32>
        %parallel_loop3A_784 = arith.addi %parallel_loop3A_769, %parallel_loop3A_783 : vector<16xi32>
        %parallel_loop3A_785 = tpu.vector_load_idx %arg11[%parallel_loop3A_784] : memref<2000xf32, #tpu.memory_space<vmem>>[vector<16xi32>], vector<16xf32>,
        %parallel_loop3A_786 = arith.mulf %parallel_loop3A_785, %parallel_loop3A_766 : vector<16xf32>
        %parallel_loop3A_787 = arith.addf %parallel_loop3A_685, %parallel_loop3A_786 : vector<16xf32>
        %parallel_loop3A_788 = arith.constant 3 : i32
        %parallel_loop3A_789 = vector.broadcast %parallel_loop3A_788 : i32 to vector<16xi32>
        %parallel_loop3A_790 = arith.addi %parallel_loop3A_769, %parallel_loop3A_789 : vector<16xi32>
        %parallel_loop3A_791 = tpu.vector_load_idx %arg11[%parallel_loop3A_790] : memref<2000xf32, #tpu.memory_space<vmem>>[vector<16xi32>], vector<16xf32>,
        %parallel_loop3A_792 = arith.mulf %parallel_loop3A_791, %parallel_loop3A_766 : vector<16xf32>
        %parallel_loop3A_793 = arith.addf %parallel_loop3A_691, %parallel_loop3A_792 : vector<16xf32>
        %parallel_loop3A_794 = arith.constant 4 : i32
        %parallel_loop3A_795 = vector.broadcast %parallel_loop3A_794 : i32 to vector<16xi32>
        %parallel_loop3A_796 = arith.addi %parallel_loop3A_769, %parallel_loop3A_795 : vector<16xi32>
        %parallel_loop3A_797 = tpu.vector_load_idx %arg11[%parallel_loop3A_796] : memref<2000xf32, #tpu.memory_space<vmem>>[vector<16xi32>], vector<16xf32>,
        %parallel_loop3A_798 = arith.mulf %parallel_loop3A_797, %parallel_loop3A_766 : vector<16xf32>
        %parallel_loop3A_799 = arith.addf %parallel_loop3A_697, %parallel_loop3A_798 : vector<16xf32>
        %parallel_loop3A_800 = arith.constant 5 : i32
        %parallel_loop3A_801 = vector.broadcast %parallel_loop3A_800 : i32 to vector<16xi32>
        %parallel_loop3A_802 = arith.addi %parallel_loop3A_769, %parallel_loop3A_801 : vector<16xi32>
        %parallel_loop3A_803 = tpu.vector_load_idx %arg11[%parallel_loop3A_802] : memref<2000xf32, #tpu.memory_space<vmem>>[vector<16xi32>], vector<16xf32>,
        %parallel_loop3A_804 = arith.mulf %parallel_loop3A_803, %parallel_loop3A_766 : vector<16xf32>
        %parallel_loop3A_805 = arith.addf %parallel_loop3A_703, %parallel_loop3A_804 : vector<16xf32>
        %parallel_loop3A_806 = arith.constant 6 : i32
        %parallel_loop3A_807 = vector.broadcast %parallel_loop3A_806 : i32 to vector<16xi32>
        %parallel_loop3A_808 = arith.addi %parallel_loop3A_769, %parallel_loop3A_807 : vector<16xi32>
        %parallel_loop3A_809 = tpu.vector_load_idx %arg11[%parallel_loop3A_808] : memref<2000xf32, #tpu.memory_space<vmem>>[vector<16xi32>], vector<16xf32>,
        %parallel_loop3A_810 = arith.mulf %parallel_loop3A_809, %parallel_loop3A_766 : vector<16xf32>
        %parallel_loop3A_811 = arith.addf %parallel_loop3A_709, %parallel_loop3A_810 : vector<16xf32>
        %parallel_loop3A_812 = arith.constant 7 : i32
        %parallel_loop3A_813 = vector.broadcast %parallel_loop3A_812 : i32 to vector<16xi32>
        %parallel_loop3A_814 = arith.addi %parallel_loop3A_769, %parallel_loop3A_813 : vector<16xi32>
        %parallel_loop3A_815 = tpu.vector_load_idx %arg11[%parallel_loop3A_814] : memref<2000xf32, #tpu.memory_space<vmem>>[vector<16xi32>], vector<16xf32>,
        %parallel_loop3A_816 = arith.mulf %parallel_loop3A_815, %parallel_loop3A_766 : vector<16xf32>
        %parallel_loop3A_817 = arith.addf %parallel_loop3A_715, %parallel_loop3A_816 : vector<16xf32>
        %parallel_loop3A_818 = arith.constant 8 : i32
        %parallel_loop3A_819 = vector.broadcast %parallel_loop3A_818 : i32 to vector<16xi32>
        %parallel_loop3A_820 = arith.addi %parallel_loop3A_769, %parallel_loop3A_819 : vector<16xi32>
        %parallel_loop3A_821 = tpu.vector_load_idx %arg11[%parallel_loop3A_820] : memref<2000xf32, #tpu.memory_space<vmem>>[vector<16xi32>], vector<16xf32>,
        %parallel_loop3A_822 = arith.mulf %parallel_loop3A_821, %parallel_loop3A_766 : vector<16xf32>
        %parallel_loop3A_823 = arith.addf %parallel_loop3A_721, %parallel_loop3A_822 : vector<16xf32>
        %parallel_loop3A_824 = arith.constant 9 : i32
        %parallel_loop3A_825 = vector.broadcast %parallel_loop3A_824 : i32 to vector<16xi32>
        %parallel_loop3A_826 = arith.addi %parallel_loop3A_769, %parallel_loop3A_825 : vector<16xi32>
        %parallel_loop3A_827 = tpu.vector_load_idx %arg11[%parallel_loop3A_826] : memref<2000xf32, #tpu.memory_space<vmem>>[vector<16xi32>], vector<16xf32>,
        %parallel_loop3A_828 = arith.mulf %parallel_loop3A_827, %parallel_loop3A_766 : vector<16xf32>
        %parallel_loop3A_829 = arith.addf %parallel_loop3A_727, %parallel_loop3A_828 : vector<16xf32>
        %parallel_loop3A_830 = arith.constant 10 : i32
        %parallel_loop3A_831 = vector.broadcast %parallel_loop3A_830 : i32 to vector<16xi32>
        %parallel_loop3A_832 = arith.addi %parallel_loop3A_769, %parallel_loop3A_831 : vector<16xi32>
        %parallel_loop3A_833 = tpu.vector_load_idx %arg11[%parallel_loop3A_832] : memref<2000xf32, #tpu.memory_space<vmem>>[vector<16xi32>], vector<16xf32>,
        %parallel_loop3A_834 = arith.mulf %parallel_loop3A_833, %parallel_loop3A_766 : vector<16xf32>
        %parallel_loop3A_835 = arith.addf %parallel_loop3A_733, %parallel_loop3A_834 : vector<16xf32>
        %parallel_loop3A_836 = arith.constant 11 : i32
        %parallel_loop3A_837 = vector.broadcast %parallel_loop3A_836 : i32 to vector<16xi32>
        %parallel_loop3A_838 = arith.addi %parallel_loop3A_769, %parallel_loop3A_837 : vector<16xi32>
        %parallel_loop3A_839 = tpu.vector_load_idx %arg11[%parallel_loop3A_838] : memref<2000xf32, #tpu.memory_space<vmem>>[vector<16xi32>], vector<16xf32>,
        %parallel_loop3A_840 = arith.mulf %parallel_loop3A_839, %parallel_loop3A_766 : vector<16xf32>
        %parallel_loop3A_841 = arith.addf %parallel_loop3A_739, %parallel_loop3A_840 : vector<16xf32>
        %parallel_loop3A_842 = arith.constant 12 : i32
        %parallel_loop3A_843 = vector.broadcast %parallel_loop3A_842 : i32 to vector<16xi32>
        %parallel_loop3A_844 = arith.addi %parallel_loop3A_769, %parallel_loop3A_843 : vector<16xi32>
        %parallel_loop3A_845 = tpu.vector_load_idx %arg11[%parallel_loop3A_844] : memref<2000xf32, #tpu.memory_space<vmem>>[vector<16xi32>], vector<16xf32>,
        %parallel_loop3A_846 = arith.mulf %parallel_loop3A_845, %parallel_loop3A_766 : vector<16xf32>
        %parallel_loop3A_847 = arith.addf %parallel_loop3A_745, %parallel_loop3A_846 : vector<16xf32>
        %parallel_loop3A_848 = arith.constant 13 : i32
        %parallel_loop3A_849 = vector.broadcast %parallel_loop3A_848 : i32 to vector<16xi32>
        %parallel_loop3A_850 = arith.addi %parallel_loop3A_769, %parallel_loop3A_849 : vector<16xi32>
        %parallel_loop3A_851 = tpu.vector_load_idx %arg11[%parallel_loop3A_850] : memref<2000xf32, #tpu.memory_space<vmem>>[vector<16xi32>], vector<16xf32>,
        %parallel_loop3A_852 = arith.mulf %parallel_loop3A_851, %parallel_loop3A_766 : vector<16xf32>
        %parallel_loop3A_853 = arith.addf %parallel_loop3A_751, %parallel_loop3A_852 : vector<16xf32>
        %parallel_loop3A_854 = arith.constant 14 : i32
        %parallel_loop3A_855 = vector.broadcast %parallel_loop3A_854 : i32 to vector<16xi32>
        %parallel_loop3A_856 = arith.addi %parallel_loop3A_769, %parallel_loop3A_855 : vector<16xi32>
        %parallel_loop3A_857 = tpu.vector_load_idx %arg11[%parallel_loop3A_856] : memref<2000xf32, #tpu.memory_space<vmem>>[vector<16xi32>], vector<16xf32>,
        %parallel_loop3A_858 = arith.mulf %parallel_loop3A_857, %parallel_loop3A_766 : vector<16xf32>
        %parallel_loop3A_859 = arith.addf %parallel_loop3A_757, %parallel_loop3A_858 : vector<16xf32>
        %parallel_loop3A_860 = arith.constant 15 : i32
        %parallel_loop3A_861 = vector.broadcast %parallel_loop3A_860 : i32 to vector<16xi32>
        %parallel_loop3A_862 = arith.addi %parallel_loop3A_769, %parallel_loop3A_861 : vector<16xi32>
        %parallel_loop3A_863 = tpu.vector_load_idx %arg11[%parallel_loop3A_862] : memref<2000xf32, #tpu.memory_space<vmem>>[vector<16xi32>], vector<16xf32>,
        %parallel_loop3A_864 = arith.mulf %parallel_loop3A_863, %parallel_loop3A_766 : vector<16xf32>
        %parallel_loop3A_865 = arith.addf %parallel_loop3A_763, %parallel_loop3A_864 : vector<16xf32>
        %parallel_loop3A_866 = arith.mulf %parallel_loop3A_623, %parallel_loop3A_616 : vector<16xf32>
        %parallel_loop3A_867 = arith.mulf %parallel_loop3A_866, %parallel_loop3A_629 : vector<16xf32>
        %parallel_loop3A_868 = arith.mulf %parallel_loop3A_867, %parallel_loop3A_606 : vector<16xf32>
        %parallel_loop3A_869 = arith.constant 80 : i32
        %parallel_loop3A_870 = vector.broadcast %parallel_loop3A_869 : i32 to vector<16xi32>
        %parallel_loop3A_871 = arith.addi %parallel_loop3A_608, %parallel_loop3A_870 : vector<16xi32>
        %parallel_loop3A_872 = arith.constant 0 : i32
        %parallel_loop3A_873 = vector.broadcast %parallel_loop3A_872 : i32 to vector<16xi32>
        %parallel_loop3A_874 = arith.addi %parallel_loop3A_871, %parallel_loop3A_873 : vector<16xi32>
        %parallel_loop3A_875 = tpu.vector_load_idx %arg11[%parallel_loop3A_874] : memref<2000xf32, #tpu.memory_space<vmem>>[vector<16xi32>], vector<16xf32>,
        %parallel_loop3A_876 = arith.mulf %parallel_loop3A_875, %parallel_loop3A_868 : vector<16xf32>
        %parallel_loop3A_877 = arith.addf %parallel_loop3A_775, %parallel_loop3A_876 : vector<16xf32>
        %parallel_loop3A_878 = arith.constant 1 : i32
        %parallel_loop3A_879 = vector.broadcast %parallel_loop3A_878 : i32 to vector<16xi32>
        %parallel_loop3A_880 = arith.addi %parallel_loop3A_871, %parallel_loop3A_879 : vector<16xi32>
        %parallel_loop3A_881 = tpu.vector_load_idx %arg11[%parallel_loop3A_880] : memref<2000xf32, #tpu.memory_space<vmem>>[vector<16xi32>], vector<16xf32>,
        %parallel_loop3A_882 = arith.mulf %parallel_loop3A_881, %parallel_loop3A_868 : vector<16xf32>
        %parallel_loop3A_883 = arith.addf %parallel_loop3A_781, %parallel_loop3A_882 : vector<16xf32>
        %parallel_loop3A_884 = arith.constant 2 : i32
        %parallel_loop3A_885 = vector.broadcast %parallel_loop3A_884 : i32 to vector<16xi32>
        %parallel_loop3A_886 = arith.addi %parallel_loop3A_871, %parallel_loop3A_885 : vector<16xi32>
        %parallel_loop3A_887 = tpu.vector_load_idx %arg11[%parallel_loop3A_886] : memref<2000xf32, #tpu.memory_space<vmem>>[vector<16xi32>], vector<16xf32>,
        %parallel_loop3A_888 = arith.mulf %parallel_loop3A_887, %parallel_loop3A_868 : vector<16xf32>
        %parallel_loop3A_889 = arith.addf %parallel_loop3A_787, %parallel_loop3A_888 : vector<16xf32>
        %parallel_loop3A_890 = arith.constant 3 : i32
        %parallel_loop3A_891 = vector.broadcast %parallel_loop3A_890 : i32 to vector<16xi32>
        %parallel_loop3A_892 = arith.addi %parallel_loop3A_871, %parallel_loop3A_891 : vector<16xi32>
        %parallel_loop3A_893 = tpu.vector_load_idx %arg11[%parallel_loop3A_892] : memref<2000xf32, #tpu.memory_space<vmem>>[vector<16xi32>], vector<16xf32>,
        %parallel_loop3A_894 = arith.mulf %parallel_loop3A_893, %parallel_loop3A_868 : vector<16xf32>
        %parallel_loop3A_895 = arith.addf %parallel_loop3A_793, %parallel_loop3A_894 : vector<16xf32>
        %parallel_loop3A_896 = arith.constant 4 : i32
        %parallel_loop3A_897 = vector.broadcast %parallel_loop3A_896 : i32 to vector<16xi32>
        %parallel_loop3A_898 = arith.addi %parallel_loop3A_871, %parallel_loop3A_897 : vector<16xi32>
        %parallel_loop3A_899 = tpu.vector_load_idx %arg11[%parallel_loop3A_898] : memref<2000xf32, #tpu.memory_space<vmem>>[vector<16xi32>], vector<16xf32>,
        %parallel_loop3A_900 = arith.mulf %parallel_loop3A_899, %parallel_loop3A_868 : vector<16xf32>
        %parallel_loop3A_901 = arith.addf %parallel_loop3A_799, %parallel_loop3A_900 : vector<16xf32>
        %parallel_loop3A_902 = arith.constant 5 : i32
        %parallel_loop3A_903 = vector.broadcast %parallel_loop3A_902 : i32 to vector<16xi32>
        %parallel_loop3A_904 = arith.addi %parallel_loop3A_871, %parallel_loop3A_903 : vector<16xi32>
        %parallel_loop3A_905 = tpu.vector_load_idx %arg11[%parallel_loop3A_904] : memref<2000xf32, #tpu.memory_space<vmem>>[vector<16xi32>], vector<16xf32>,
        %parallel_loop3A_906 = arith.mulf %parallel_loop3A_905, %parallel_loop3A_868 : vector<16xf32>
        %parallel_loop3A_907 = arith.addf %parallel_loop3A_805, %parallel_loop3A_906 : vector<16xf32>
        %parallel_loop3A_908 = arith.constant 6 : i32
        %parallel_loop3A_909 = vector.broadcast %parallel_loop3A_908 : i32 to vector<16xi32>
        %parallel_loop3A_910 = arith.addi %parallel_loop3A_871, %parallel_loop3A_909 : vector<16xi32>
        %parallel_loop3A_911 = tpu.vector_load_idx %arg11[%parallel_loop3A_910] : memref<2000xf32, #tpu.memory_space<vmem>>[vector<16xi32>], vector<16xf32>,
        %parallel_loop3A_912 = arith.mulf %parallel_loop3A_911, %parallel_loop3A_868 : vector<16xf32>
        %parallel_loop3A_913 = arith.addf %parallel_loop3A_811, %parallel_loop3A_912 : vector<16xf32>
        %parallel_loop3A_914 = arith.constant 7 : i32
        %parallel_loop3A_915 = vector.broadcast %parallel_loop3A_914 : i32 to vector<16xi32>
        %parallel_loop3A_916 = arith.addi %parallel_loop3A_871, %parallel_loop3A_915 : vector<16xi32>
        %parallel_loop3A_917 = tpu.vector_load_idx %arg11[%parallel_loop3A_916] : memref<2000xf32, #tpu.memory_space<vmem>>[vector<16xi32>], vector<16xf32>,
        %parallel_loop3A_918 = arith.mulf %parallel_loop3A_917, %parallel_loop3A_868 : vector<16xf32>
        %parallel_loop3A_919 = arith.addf %parallel_loop3A_817, %parallel_loop3A_918 : vector<16xf32>
        %parallel_loop3A_920 = arith.constant 8 : i32
        %parallel_loop3A_921 = vector.broadcast %parallel_loop3A_920 : i32 to vector<16xi32>
        %parallel_loop3A_922 = arith.addi %parallel_loop3A_871, %parallel_loop3A_921 : vector<16xi32>
        %parallel_loop3A_923 = tpu.vector_load_idx %arg11[%parallel_loop3A_922] : memref<2000xf32, #tpu.memory_space<vmem>>[vector<16xi32>], vector<16xf32>,
        %parallel_loop3A_924 = arith.mulf %parallel_loop3A_923, %parallel_loop3A_868 : vector<16xf32>
        %parallel_loop3A_925 = arith.addf %parallel_loop3A_823, %parallel_loop3A_924 : vector<16xf32>
        %parallel_loop3A_926 = arith.constant 9 : i32
        %parallel_loop3A_927 = vector.broadcast %parallel_loop3A_926 : i32 to vector<16xi32>
        %parallel_loop3A_928 = arith.addi %parallel_loop3A_871, %parallel_loop3A_927 : vector<16xi32>
        %parallel_loop3A_929 = tpu.vector_load_idx %arg11[%parallel_loop3A_928] : memref<2000xf32, #tpu.memory_space<vmem>>[vector<16xi32>], vector<16xf32>,
        %parallel_loop3A_930 = arith.mulf %parallel_loop3A_929, %parallel_loop3A_868 : vector<16xf32>
        %parallel_loop3A_931 = arith.addf %parallel_loop3A_829, %parallel_loop3A_930 : vector<16xf32>
        %parallel_loop3A_932 = arith.constant 10 : i32
        %parallel_loop3A_933 = vector.broadcast %parallel_loop3A_932 : i32 to vector<16xi32>
        %parallel_loop3A_934 = arith.addi %parallel_loop3A_871, %parallel_loop3A_933 : vector<16xi32>
        %parallel_loop3A_935 = tpu.vector_load_idx %arg11[%parallel_loop3A_934] : memref<2000xf32, #tpu.memory_space<vmem>>[vector<16xi32>], vector<16xf32>,
        %parallel_loop3A_936 = arith.mulf %parallel_loop3A_935, %parallel_loop3A_868 : vector<16xf32>
        %parallel_loop3A_937 = arith.addf %parallel_loop3A_835, %parallel_loop3A_936 : vector<16xf32>
        %parallel_loop3A_938 = arith.constant 11 : i32
        %parallel_loop3A_939 = vector.broadcast %parallel_loop3A_938 : i32 to vector<16xi32>
        %parallel_loop3A_940 = arith.addi %parallel_loop3A_871, %parallel_loop3A_939 : vector<16xi32>
        %parallel_loop3A_941 = tpu.vector_load_idx %arg11[%parallel_loop3A_940] : memref<2000xf32, #tpu.memory_space<vmem>>[vector<16xi32>], vector<16xf32>,
        %parallel_loop3A_942 = arith.mulf %parallel_loop3A_941, %parallel_loop3A_868 : vector<16xf32>
        %parallel_loop3A_943 = arith.addf %parallel_loop3A_841, %parallel_loop3A_942 : vector<16xf32>
        %parallel_loop3A_944 = arith.constant 12 : i32
        %parallel_loop3A_945 = vector.broadcast %parallel_loop3A_944 : i32 to vector<16xi32>
        %parallel_loop3A_946 = arith.addi %parallel_loop3A_871, %parallel_loop3A_945 : vector<16xi32>
        %parallel_loop3A_947 = tpu.vector_load_idx %arg11[%parallel_loop3A_946] : memref<2000xf32, #tpu.memory_space<vmem>>[vector<16xi32>], vector<16xf32>,
        %parallel_loop3A_948 = arith.mulf %parallel_loop3A_947, %parallel_loop3A_868 : vector<16xf32>
        %parallel_loop3A_949 = arith.addf %parallel_loop3A_847, %parallel_loop3A_948 : vector<16xf32>
        %parallel_loop3A_950 = arith.constant 13 : i32
        %parallel_loop3A_951 = vector.broadcast %parallel_loop3A_950 : i32 to vector<16xi32>
        %parallel_loop3A_952 = arith.addi %parallel_loop3A_871, %parallel_loop3A_951 : vector<16xi32>
        %parallel_loop3A_953 = tpu.vector_load_idx %arg11[%parallel_loop3A_952] : memref<2000xf32, #tpu.memory_space<vmem>>[vector<16xi32>], vector<16xf32>,
        %parallel_loop3A_954 = arith.mulf %parallel_loop3A_953, %parallel_loop3A_868 : vector<16xf32>
        %parallel_loop3A_955 = arith.addf %parallel_loop3A_853, %parallel_loop3A_954 : vector<16xf32>
        %parallel_loop3A_956 = arith.constant 14 : i32
        %parallel_loop3A_957 = vector.broadcast %parallel_loop3A_956 : i32 to vector<16xi32>
        %parallel_loop3A_958 = arith.addi %parallel_loop3A_871, %parallel_loop3A_957 : vector<16xi32>
        %parallel_loop3A_959 = tpu.vector_load_idx %arg11[%parallel_loop3A_958] : memref<2000xf32, #tpu.memory_space<vmem>>[vector<16xi32>], vector<16xf32>,
        %parallel_loop3A_960 = arith.mulf %parallel_loop3A_959, %parallel_loop3A_868 : vector<16xf32>
        %parallel_loop3A_961 = arith.addf %parallel_loop3A_859, %parallel_loop3A_960 : vector<16xf32>
        %parallel_loop3A_962 = arith.constant 15 : i32
        %parallel_loop3A_963 = vector.broadcast %parallel_loop3A_962 : i32 to vector<16xi32>
        %parallel_loop3A_964 = arith.addi %parallel_loop3A_871, %parallel_loop3A_963 : vector<16xi32>
        %parallel_loop3A_965 = tpu.vector_load_idx %arg11[%parallel_loop3A_964] : memref<2000xf32, #tpu.memory_space<vmem>>[vector<16xi32>], vector<16xf32>,
        %parallel_loop3A_966 = arith.mulf %parallel_loop3A_965, %parallel_loop3A_868 : vector<16xf32>
        %parallel_loop3A_967 = arith.addf %parallel_loop3A_865, %parallel_loop3A_966 : vector<16xf32>
        %parallel_loop3A_968 = arith.mulf %parallel_loop3A_612, %parallel_loop3A_616 : vector<16xf32>
        %parallel_loop3A_969 = arith.mulf %parallel_loop3A_968, %parallel_loop3A_629 : vector<16xf32>
        %parallel_loop3A_970 = arith.mulf %parallel_loop3A_969, %parallel_loop3A_606 : vector<16xf32>
        %parallel_loop3A_971 = arith.constant 96 : i32
        %parallel_loop3A_972 = vector.broadcast %parallel_loop3A_971 : i32 to vector<16xi32>
        %parallel_loop3A_973 = arith.addi %parallel_loop3A_608, %parallel_loop3A_972 : vector<16xi32>
        %parallel_loop3A_974 = arith.constant 0 : i32
        %parallel_loop3A_975 = vector.broadcast %parallel_loop3A_974 : i32 to vector<16xi32>
        %parallel_loop3A_976 = arith.addi %parallel_loop3A_973, %parallel_loop3A_975 : vector<16xi32>
        %parallel_loop3A_977 = tpu.vector_load_idx %arg11[%parallel_loop3A_976] : memref<2000xf32, #tpu.memory_space<vmem>>[vector<16xi32>], vector<16xf32>,
        %parallel_loop3A_978 = arith.mulf %parallel_loop3A_977, %parallel_loop3A_970 : vector<16xf32>
        %parallel_loop3A_979 = arith.addf %parallel_loop3A_877, %parallel_loop3A_978 : vector<16xf32>
        %parallel_loop3A_980 = arith.constant 1 : i32
        %parallel_loop3A_981 = vector.broadcast %parallel_loop3A_980 : i32 to vector<16xi32>
        %parallel_loop3A_982 = arith.addi %parallel_loop3A_973, %parallel_loop3A_981 : vector<16xi32>
        %parallel_loop3A_983 = tpu.vector_load_idx %arg11[%parallel_loop3A_982] : memref<2000xf32, #tpu.memory_space<vmem>>[vector<16xi32>], vector<16xf32>,
        %parallel_loop3A_984 = arith.mulf %parallel_loop3A_983, %parallel_loop3A_970 : vector<16xf32>
        %parallel_loop3A_985 = arith.addf %parallel_loop3A_883, %parallel_loop3A_984 : vector<16xf32>
        %parallel_loop3A_986 = arith.constant 2 : i32
        %parallel_loop3A_987 = vector.broadcast %parallel_loop3A_986 : i32 to vector<16xi32>
        %parallel_loop3A_988 = arith.addi %parallel_loop3A_973, %parallel_loop3A_987 : vector<16xi32>
        %parallel_loop3A_989 = tpu.vector_load_idx %arg11[%parallel_loop3A_988] : memref<2000xf32, #tpu.memory_space<vmem>>[vector<16xi32>], vector<16xf32>,
        %parallel_loop3A_990 = arith.mulf %parallel_loop3A_989, %parallel_loop3A_970 : vector<16xf32>
        %parallel_loop3A_991 = arith.addf %parallel_loop3A_889, %parallel_loop3A_990 : vector<16xf32>
        %parallel_loop3A_992 = arith.constant 3 : i32
        %parallel_loop3A_993 = vector.broadcast %parallel_loop3A_992 : i32 to vector<16xi32>
        %parallel_loop3A_994 = arith.addi %parallel_loop3A_973, %parallel_loop3A_993 : vector<16xi32>
        %parallel_loop3A_995 = tpu.vector_load_idx %arg11[%parallel_loop3A_994] : memref<2000xf32, #tpu.memory_space<vmem>>[vector<16xi32>], vector<16xf32>,
        %parallel_loop3A_996 = arith.mulf %parallel_loop3A_995, %parallel_loop3A_970 : vector<16xf32>
        %parallel_loop3A_997 = arith.addf %parallel_loop3A_895, %parallel_loop3A_996 : vector<16xf32>
        %parallel_loop3A_998 = arith.constant 4 : i32
        %parallel_loop3A_999 = vector.broadcast %parallel_loop3A_998 : i32 to vector<16xi32>
        %parallel_loop3A_1000 = arith.addi %parallel_loop3A_973, %parallel_loop3A_999 : vector<16xi32>
        %parallel_loop3A_1001 = tpu.vector_load_idx %arg11[%parallel_loop3A_1000] : memref<2000xf32, #tpu.memory_space<vmem>>[vector<16xi32>], vector<16xf32>,
        %parallel_loop3A_1002 = arith.mulf %parallel_loop3A_1001, %parallel_loop3A_970 : vector<16xf32>
        %parallel_loop3A_1003 = arith.addf %parallel_loop3A_901, %parallel_loop3A_1002 : vector<16xf32>
        %parallel_loop3A_1004 = arith.constant 5 : i32
        %parallel_loop3A_1005 = vector.broadcast %parallel_loop3A_1004 : i32 to vector<16xi32>
        %parallel_loop3A_1006 = arith.addi %parallel_loop3A_973, %parallel_loop3A_1005 : vector<16xi32>
        %parallel_loop3A_1007 = tpu.vector_load_idx %arg11[%parallel_loop3A_1006] : memref<2000xf32, #tpu.memory_space<vmem>>[vector<16xi32>], vector<16xf32>,
        %parallel_loop3A_1008 = arith.mulf %parallel_loop3A_1007, %parallel_loop3A_970 : vector<16xf32>
        %parallel_loop3A_1009 = arith.addf %parallel_loop3A_907, %parallel_loop3A_1008 : vector<16xf32>
        %parallel_loop3A_1010 = arith.constant 6 : i32
        %parallel_loop3A_1011 = vector.broadcast %parallel_loop3A_1010 : i32 to vector<16xi32>
        %parallel_loop3A_1012 = arith.addi %parallel_loop3A_973, %parallel_loop3A_1011 : vector<16xi32>
        %parallel_loop3A_1013 = tpu.vector_load_idx %arg11[%parallel_loop3A_1012] : memref<2000xf32, #tpu.memory_space<vmem>>[vector<16xi32>], vector<16xf32>,
        %parallel_loop3A_1014 = arith.mulf %parallel_loop3A_1013, %parallel_loop3A_970 : vector<16xf32>
        %parallel_loop3A_1015 = arith.addf %parallel_loop3A_913, %parallel_loop3A_1014 : vector<16xf32>
        %parallel_loop3A_1016 = arith.constant 7 : i32
        %parallel_loop3A_1017 = vector.broadcast %parallel_loop3A_1016 : i32 to vector<16xi32>
        %parallel_loop3A_1018 = arith.addi %parallel_loop3A_973, %parallel_loop3A_1017 : vector<16xi32>
        %parallel_loop3A_1019 = tpu.vector_load_idx %arg11[%parallel_loop3A_1018] : memref<2000xf32, #tpu.memory_space<vmem>>[vector<16xi32>], vector<16xf32>,
        %parallel_loop3A_1020 = arith.mulf %parallel_loop3A_1019, %parallel_loop3A_970 : vector<16xf32>
        %parallel_loop3A_1021 = arith.addf %parallel_loop3A_919, %parallel_loop3A_1020 : vector<16xf32>
        %parallel_loop3A_1022 = arith.constant 8 : i32
        %parallel_loop3A_1023 = vector.broadcast %parallel_loop3A_1022 : i32 to vector<16xi32>
        %parallel_loop3A_1024 = arith.addi %parallel_loop3A_973, %parallel_loop3A_1023 : vector<16xi32>
        %parallel_loop3A_1025 = tpu.vector_load_idx %arg11[%parallel_loop3A_1024] : memref<2000xf32, #tpu.memory_space<vmem>>[vector<16xi32>], vector<16xf32>,
        %parallel_loop3A_1026 = arith.mulf %parallel_loop3A_1025, %parallel_loop3A_970 : vector<16xf32>
        %parallel_loop3A_1027 = arith.addf %parallel_loop3A_925, %parallel_loop3A_1026 : vector<16xf32>
        %parallel_loop3A_1028 = arith.constant 9 : i32
        %parallel_loop3A_1029 = vector.broadcast %parallel_loop3A_1028 : i32 to vector<16xi32>
        %parallel_loop3A_1030 = arith.addi %parallel_loop3A_973, %parallel_loop3A_1029 : vector<16xi32>
        %parallel_loop3A_1031 = tpu.vector_load_idx %arg11[%parallel_loop3A_1030] : memref<2000xf32, #tpu.memory_space<vmem>>[vector<16xi32>], vector<16xf32>,
        %parallel_loop3A_1032 = arith.mulf %parallel_loop3A_1031, %parallel_loop3A_970 : vector<16xf32>
        %parallel_loop3A_1033 = arith.addf %parallel_loop3A_931, %parallel_loop3A_1032 : vector<16xf32>
        %parallel_loop3A_1034 = arith.constant 10 : i32
        %parallel_loop3A_1035 = vector.broadcast %parallel_loop3A_1034 : i32 to vector<16xi32>
        %parallel_loop3A_1036 = arith.addi %parallel_loop3A_973, %parallel_loop3A_1035 : vector<16xi32>
        %parallel_loop3A_1037 = tpu.vector_load_idx %arg11[%parallel_loop3A_1036] : memref<2000xf32, #tpu.memory_space<vmem>>[vector<16xi32>], vector<16xf32>,
        %parallel_loop3A_1038 = arith.mulf %parallel_loop3A_1037, %parallel_loop3A_970 : vector<16xf32>
        %parallel_loop3A_1039 = arith.addf %parallel_loop3A_937, %parallel_loop3A_1038 : vector<16xf32>
        %parallel_loop3A_1040 = arith.constant 11 : i32
        %parallel_loop3A_1041 = vector.broadcast %parallel_loop3A_1040 : i32 to vector<16xi32>
        %parallel_loop3A_1042 = arith.addi %parallel_loop3A_973, %parallel_loop3A_1041 : vector<16xi32>
        %parallel_loop3A_1043 = tpu.vector_load_idx %arg11[%parallel_loop3A_1042] : memref<2000xf32, #tpu.memory_space<vmem>>[vector<16xi32>], vector<16xf32>,
        %parallel_loop3A_1044 = arith.mulf %parallel_loop3A_1043, %parallel_loop3A_970 : vector<16xf32>
        %parallel_loop3A_1045 = arith.addf %parallel_loop3A_943, %parallel_loop3A_1044 : vector<16xf32>
        %parallel_loop3A_1046 = arith.constant 12 : i32
        %parallel_loop3A_1047 = vector.broadcast %parallel_loop3A_1046 : i32 to vector<16xi32>
        %parallel_loop3A_1048 = arith.addi %parallel_loop3A_973, %parallel_loop3A_1047 : vector<16xi32>
        %parallel_loop3A_1049 = tpu.vector_load_idx %arg11[%parallel_loop3A_1048] : memref<2000xf32, #tpu.memory_space<vmem>>[vector<16xi32>], vector<16xf32>,
        %parallel_loop3A_1050 = arith.mulf %parallel_loop3A_1049, %parallel_loop3A_970 : vector<16xf32>
        %parallel_loop3A_1051 = arith.addf %parallel_loop3A_949, %parallel_loop3A_1050 : vector<16xf32>
        %parallel_loop3A_1052 = arith.constant 13 : i32
        %parallel_loop3A_1053 = vector.broadcast %parallel_loop3A_1052 : i32 to vector<16xi32>
        %parallel_loop3A_1054 = arith.addi %parallel_loop3A_973, %parallel_loop3A_1053 : vector<16xi32>
        %parallel_loop3A_1055 = tpu.vector_load_idx %arg11[%parallel_loop3A_1054] : memref<2000xf32, #tpu.memory_space<vmem>>[vector<16xi32>], vector<16xf32>,
        %parallel_loop3A_1056 = arith.mulf %parallel_loop3A_1055, %parallel_loop3A_970 : vector<16xf32>
        %parallel_loop3A_1057 = arith.addf %parallel_loop3A_955, %parallel_loop3A_1056 : vector<16xf32>
        %parallel_loop3A_1058 = arith.constant 14 : i32
        %parallel_loop3A_1059 = vector.broadcast %parallel_loop3A_1058 : i32 to vector<16xi32>
        %parallel_loop3A_1060 = arith.addi %parallel_loop3A_973, %parallel_loop3A_1059 : vector<16xi32>
        %parallel_loop3A_1061 = tpu.vector_load_idx %arg11[%parallel_loop3A_1060] : memref<2000xf32, #tpu.memory_space<vmem>>[vector<16xi32>], vector<16xf32>,
        %parallel_loop3A_1062 = arith.mulf %parallel_loop3A_1061, %parallel_loop3A_970 : vector<16xf32>
        %parallel_loop3A_1063 = arith.addf %parallel_loop3A_961, %parallel_loop3A_1062 : vector<16xf32>
        %parallel_loop3A_1064 = arith.constant 15 : i32
        %parallel_loop3A_1065 = vector.broadcast %parallel_loop3A_1064 : i32 to vector<16xi32>
        %parallel_loop3A_1066 = arith.addi %parallel_loop3A_973, %parallel_loop3A_1065 : vector<16xi32>
        %parallel_loop3A_1067 = tpu.vector_load_idx %arg11[%parallel_loop3A_1066] : memref<2000xf32, #tpu.memory_space<vmem>>[vector<16xi32>], vector<16xf32>,
        %parallel_loop3A_1068 = arith.mulf %parallel_loop3A_1067, %parallel_loop3A_970 : vector<16xf32>
        %parallel_loop3A_1069 = arith.addf %parallel_loop3A_967, %parallel_loop3A_1068 : vector<16xf32>
        %parallel_loop3A_1070 = arith.mulf %parallel_loop3A_623, %parallel_loop3A_626 : vector<16xf32>
        %parallel_loop3A_1071 = arith.mulf %parallel_loop3A_1070, %parallel_loop3A_620 : vector<16xf32>
        %parallel_loop3A_1072 = arith.mulf %parallel_loop3A_1071, %parallel_loop3A_606 : vector<16xf32>
        %parallel_loop3A_1073 = arith.constant 400 : i32
        %parallel_loop3A_1074 = vector.broadcast %parallel_loop3A_1073 : i32 to vector<16xi32>
        %parallel_loop3A_1075 = arith.addi %parallel_loop3A_608, %parallel_loop3A_1074 : vector<16xi32>
        %parallel_loop3A_1076 = arith.constant 0 : i32
        %parallel_loop3A_1077 = vector.broadcast %parallel_loop3A_1076 : i32 to vector<16xi32>
        %parallel_loop3A_1078 = arith.addi %parallel_loop3A_1075, %parallel_loop3A_1077 : vector<16xi32>
        %parallel_loop3A_1079 = tpu.vector_load_idx %arg11[%parallel_loop3A_1078] : memref<2000xf32, #tpu.memory_space<vmem>>[vector<16xi32>], vector<16xf32>,
        %parallel_loop3A_1080 = arith.mulf %parallel_loop3A_1079, %parallel_loop3A_1072 : vector<16xf32>
        %parallel_loop3A_1081 = arith.addf %parallel_loop3A_979, %parallel_loop3A_1080 : vector<16xf32>
        %parallel_loop3A_1082 = arith.constant 1 : i32
        %parallel_loop3A_1083 = vector.broadcast %parallel_loop3A_1082 : i32 to vector<16xi32>
        %parallel_loop3A_1084 = arith.addi %parallel_loop3A_1075, %parallel_loop3A_1083 : vector<16xi32>
        %parallel_loop3A_1085 = tpu.vector_load_idx %arg11[%parallel_loop3A_1084] : memref<2000xf32, #tpu.memory_space<vmem>>[vector<16xi32>], vector<16xf32>,
        %parallel_loop3A_1086 = arith.mulf %parallel_loop3A_1085, %parallel_loop3A_1072 : vector<16xf32>
        %parallel_loop3A_1087 = arith.addf %parallel_loop3A_985, %parallel_loop3A_1086 : vector<16xf32>
        %parallel_loop3A_1088 = arith.constant 2 : i32
        %parallel_loop3A_1089 = vector.broadcast %parallel_loop3A_1088 : i32 to vector<16xi32>
        %parallel_loop3A_1090 = arith.addi %parallel_loop3A_1075, %parallel_loop3A_1089 : vector<16xi32>
        %parallel_loop3A_1091 = tpu.vector_load_idx %arg11[%parallel_loop3A_1090] : memref<2000xf32, #tpu.memory_space<vmem>>[vector<16xi32>], vector<16xf32>,
        %parallel_loop3A_1092 = arith.mulf %parallel_loop3A_1091, %parallel_loop3A_1072 : vector<16xf32>
        %parallel_loop3A_1093 = arith.addf %parallel_loop3A_991, %parallel_loop3A_1092 : vector<16xf32>
        %parallel_loop3A_1094 = arith.constant 3 : i32
        %parallel_loop3A_1095 = vector.broadcast %parallel_loop3A_1094 : i32 to vector<16xi32>
        %parallel_loop3A_1096 = arith.addi %parallel_loop3A_1075, %parallel_loop3A_1095 : vector<16xi32>
        %parallel_loop3A_1097 = tpu.vector_load_idx %arg11[%parallel_loop3A_1096] : memref<2000xf32, #tpu.memory_space<vmem>>[vector<16xi32>], vector<16xf32>,
        %parallel_loop3A_1098 = arith.mulf %parallel_loop3A_1097, %parallel_loop3A_1072 : vector<16xf32>
        %parallel_loop3A_1099 = arith.addf %parallel_loop3A_997, %parallel_loop3A_1098 : vector<16xf32>
        %parallel_loop3A_1100 = arith.constant 4 : i32
        %parallel_loop3A_1101 = vector.broadcast %parallel_loop3A_1100 : i32 to vector<16xi32>
        %parallel_loop3A_1102 = arith.addi %parallel_loop3A_1075, %parallel_loop3A_1101 : vector<16xi32>
        %parallel_loop3A_1103 = tpu.vector_load_idx %arg11[%parallel_loop3A_1102] : memref<2000xf32, #tpu.memory_space<vmem>>[vector<16xi32>], vector<16xf32>,
        %parallel_loop3A_1104 = arith.mulf %parallel_loop3A_1103, %parallel_loop3A_1072 : vector<16xf32>
        %parallel_loop3A_1105 = arith.addf %parallel_loop3A_1003, %parallel_loop3A_1104 : vector<16xf32>
        %parallel_loop3A_1106 = arith.constant 5 : i32
        %parallel_loop3A_1107 = vector.broadcast %parallel_loop3A_1106 : i32 to vector<16xi32>
        %parallel_loop3A_1108 = arith.addi %parallel_loop3A_1075, %parallel_loop3A_1107 : vector<16xi32>
        %parallel_loop3A_1109 = tpu.vector_load_idx %arg11[%parallel_loop3A_1108] : memref<2000xf32, #tpu.memory_space<vmem>>[vector<16xi32>], vector<16xf32>,
        %parallel_loop3A_1110 = arith.mulf %parallel_loop3A_1109, %parallel_loop3A_1072 : vector<16xf32>
        %parallel_loop3A_1111 = arith.addf %parallel_loop3A_1009, %parallel_loop3A_1110 : vector<16xf32>
        %parallel_loop3A_1112 = arith.constant 6 : i32
        %parallel_loop3A_1113 = vector.broadcast %parallel_loop3A_1112 : i32 to vector<16xi32>
        %parallel_loop3A_1114 = arith.addi %parallel_loop3A_1075, %parallel_loop3A_1113 : vector<16xi32>
        %parallel_loop3A_1115 = tpu.vector_load_idx %arg11[%parallel_loop3A_1114] : memref<2000xf32, #tpu.memory_space<vmem>>[vector<16xi32>], vector<16xf32>,
        %parallel_loop3A_1116 = arith.mulf %parallel_loop3A_1115, %parallel_loop3A_1072 : vector<16xf32>
        %parallel_loop3A_1117 = arith.addf %parallel_loop3A_1015, %parallel_loop3A_1116 : vector<16xf32>
        %parallel_loop3A_1118 = arith.constant 7 : i32
        %parallel_loop3A_1119 = vector.broadcast %parallel_loop3A_1118 : i32 to vector<16xi32>
        %parallel_loop3A_1120 = arith.addi %parallel_loop3A_1075, %parallel_loop3A_1119 : vector<16xi32>
        %parallel_loop3A_1121 = tpu.vector_load_idx %arg11[%parallel_loop3A_1120] : memref<2000xf32, #tpu.memory_space<vmem>>[vector<16xi32>], vector<16xf32>,
        %parallel_loop3A_1122 = arith.mulf %parallel_loop3A_1121, %parallel_loop3A_1072 : vector<16xf32>
        %parallel_loop3A_1123 = arith.addf %parallel_loop3A_1021, %parallel_loop3A_1122 : vector<16xf32>
        %parallel_loop3A_1124 = arith.constant 8 : i32
        %parallel_loop3A_1125 = vector.broadcast %parallel_loop3A_1124 : i32 to vector<16xi32>
        %parallel_loop3A_1126 = arith.addi %parallel_loop3A_1075, %parallel_loop3A_1125 : vector<16xi32>
        %parallel_loop3A_1127 = tpu.vector_load_idx %arg11[%parallel_loop3A_1126] : memref<2000xf32, #tpu.memory_space<vmem>>[vector<16xi32>], vector<16xf32>,
        %parallel_loop3A_1128 = arith.mulf %parallel_loop3A_1127, %parallel_loop3A_1072 : vector<16xf32>
        %parallel_loop3A_1129 = arith.addf %parallel_loop3A_1027, %parallel_loop3A_1128 : vector<16xf32>
        %parallel_loop3A_1130 = arith.constant 9 : i32
        %parallel_loop3A_1131 = vector.broadcast %parallel_loop3A_1130 : i32 to vector<16xi32>
        %parallel_loop3A_1132 = arith.addi %parallel_loop3A_1075, %parallel_loop3A_1131 : vector<16xi32>
        %parallel_loop3A_1133 = tpu.vector_load_idx %arg11[%parallel_loop3A_1132] : memref<2000xf32, #tpu.memory_space<vmem>>[vector<16xi32>], vector<16xf32>,
        %parallel_loop3A_1134 = arith.mulf %parallel_loop3A_1133, %parallel_loop3A_1072 : vector<16xf32>
        %parallel_loop3A_1135 = arith.addf %parallel_loop3A_1033, %parallel_loop3A_1134 : vector<16xf32>
        %parallel_loop3A_1136 = arith.constant 10 : i32
        %parallel_loop3A_1137 = vector.broadcast %parallel_loop3A_1136 : i32 to vector<16xi32>
        %parallel_loop3A_1138 = arith.addi %parallel_loop3A_1075, %parallel_loop3A_1137 : vector<16xi32>
        %parallel_loop3A_1139 = tpu.vector_load_idx %arg11[%parallel_loop3A_1138] : memref<2000xf32, #tpu.memory_space<vmem>>[vector<16xi32>], vector<16xf32>,
        %parallel_loop3A_1140 = arith.mulf %parallel_loop3A_1139, %parallel_loop3A_1072 : vector<16xf32>
        %parallel_loop3A_1141 = arith.addf %parallel_loop3A_1039, %parallel_loop3A_1140 : vector<16xf32>
        %parallel_loop3A_1142 = arith.constant 11 : i32
        %parallel_loop3A_1143 = vector.broadcast %parallel_loop3A_1142 : i32 to vector<16xi32>
        %parallel_loop3A_1144 = arith.addi %parallel_loop3A_1075, %parallel_loop3A_1143 : vector<16xi32>
        %parallel_loop3A_1145 = tpu.vector_load_idx %arg11[%parallel_loop3A_1144] : memref<2000xf32, #tpu.memory_space<vmem>>[vector<16xi32>], vector<16xf32>,
        %parallel_loop3A_1146 = arith.mulf %parallel_loop3A_1145, %parallel_loop3A_1072 : vector<16xf32>
        %parallel_loop3A_1147 = arith.addf %parallel_loop3A_1045, %parallel_loop3A_1146 : vector<16xf32>
        %parallel_loop3A_1148 = arith.constant 12 : i32
        %parallel_loop3A_1149 = vector.broadcast %parallel_loop3A_1148 : i32 to vector<16xi32>
        %parallel_loop3A_1150 = arith.addi %parallel_loop3A_1075, %parallel_loop3A_1149 : vector<16xi32>
        %parallel_loop3A_1151 = tpu.vector_load_idx %arg11[%parallel_loop3A_1150] : memref<2000xf32, #tpu.memory_space<vmem>>[vector<16xi32>], vector<16xf32>,
        %parallel_loop3A_1152 = arith.mulf %parallel_loop3A_1151, %parallel_loop3A_1072 : vector<16xf32>
        %parallel_loop3A_1153 = arith.addf %parallel_loop3A_1051, %parallel_loop3A_1152 : vector<16xf32>
        %parallel_loop3A_1154 = arith.constant 13 : i32
        %parallel_loop3A_1155 = vector.broadcast %parallel_loop3A_1154 : i32 to vector<16xi32>
        %parallel_loop3A_1156 = arith.addi %parallel_loop3A_1075, %parallel_loop3A_1155 : vector<16xi32>
        %parallel_loop3A_1157 = tpu.vector_load_idx %arg11[%parallel_loop3A_1156] : memref<2000xf32, #tpu.memory_space<vmem>>[vector<16xi32>], vector<16xf32>,
        %parallel_loop3A_1158 = arith.mulf %parallel_loop3A_1157, %parallel_loop3A_1072 : vector<16xf32>
        %parallel_loop3A_1159 = arith.addf %parallel_loop3A_1057, %parallel_loop3A_1158 : vector<16xf32>
        %parallel_loop3A_1160 = arith.constant 14 : i32
        %parallel_loop3A_1161 = vector.broadcast %parallel_loop3A_1160 : i32 to vector<16xi32>
        %parallel_loop3A_1162 = arith.addi %parallel_loop3A_1075, %parallel_loop3A_1161 : vector<16xi32>
        %parallel_loop3A_1163 = tpu.vector_load_idx %arg11[%parallel_loop3A_1162] : memref<2000xf32, #tpu.memory_space<vmem>>[vector<16xi32>], vector<16xf32>,
        %parallel_loop3A_1164 = arith.mulf %parallel_loop3A_1163, %parallel_loop3A_1072 : vector<16xf32>
        %parallel_loop3A_1165 = arith.addf %parallel_loop3A_1063, %parallel_loop3A_1164 : vector<16xf32>
        %parallel_loop3A_1166 = arith.constant 15 : i32
        %parallel_loop3A_1167 = vector.broadcast %parallel_loop3A_1166 : i32 to vector<16xi32>
        %parallel_loop3A_1168 = arith.addi %parallel_loop3A_1075, %parallel_loop3A_1167 : vector<16xi32>
        %parallel_loop3A_1169 = tpu.vector_load_idx %arg11[%parallel_loop3A_1168] : memref<2000xf32, #tpu.memory_space<vmem>>[vector<16xi32>], vector<16xf32>,
        %parallel_loop3A_1170 = arith.mulf %parallel_loop3A_1169, %parallel_loop3A_1072 : vector<16xf32>
        %parallel_loop3A_1171 = arith.addf %parallel_loop3A_1069, %parallel_loop3A_1170 : vector<16xf32>
        %parallel_loop3A_1172 = arith.mulf %parallel_loop3A_612, %parallel_loop3A_626 : vector<16xf32>
        %parallel_loop3A_1173 = arith.mulf %parallel_loop3A_1172, %parallel_loop3A_620 : vector<16xf32>
        %parallel_loop3A_1174 = arith.mulf %parallel_loop3A_1173, %parallel_loop3A_606 : vector<16xf32>
        %parallel_loop3A_1175 = arith.constant 416 : i32
        %parallel_loop3A_1176 = vector.broadcast %parallel_loop3A_1175 : i32 to vector<16xi32>
        %parallel_loop3A_1177 = arith.addi %parallel_loop3A_608, %parallel_loop3A_1176 : vector<16xi32>
        %parallel_loop3A_1178 = arith.constant 0 : i32
        %parallel_loop3A_1179 = vector.broadcast %parallel_loop3A_1178 : i32 to vector<16xi32>
        %parallel_loop3A_1180 = arith.addi %parallel_loop3A_1177, %parallel_loop3A_1179 : vector<16xi32>
        %parallel_loop3A_1181 = tpu.vector_load_idx %arg11[%parallel_loop3A_1180] : memref<2000xf32, #tpu.memory_space<vmem>>[vector<16xi32>], vector<16xf32>,
        %parallel_loop3A_1182 = arith.mulf %parallel_loop3A_1181, %parallel_loop3A_1174 : vector<16xf32>
        %parallel_loop3A_1183 = arith.addf %parallel_loop3A_1081, %parallel_loop3A_1182 : vector<16xf32>
        %parallel_loop3A_1184 = arith.constant 1 : i32
        %parallel_loop3A_1185 = vector.broadcast %parallel_loop3A_1184 : i32 to vector<16xi32>
        %parallel_loop3A_1186 = arith.addi %parallel_loop3A_1177, %parallel_loop3A_1185 : vector<16xi32>
        %parallel_loop3A_1187 = tpu.vector_load_idx %arg11[%parallel_loop3A_1186] : memref<2000xf32, #tpu.memory_space<vmem>>[vector<16xi32>], vector<16xf32>,
        %parallel_loop3A_1188 = arith.mulf %parallel_loop3A_1187, %parallel_loop3A_1174 : vector<16xf32>
        %parallel_loop3A_1189 = arith.addf %parallel_loop3A_1087, %parallel_loop3A_1188 : vector<16xf32>
        %parallel_loop3A_1190 = arith.constant 2 : i32
        %parallel_loop3A_1191 = vector.broadcast %parallel_loop3A_1190 : i32 to vector<16xi32>
        %parallel_loop3A_1192 = arith.addi %parallel_loop3A_1177, %parallel_loop3A_1191 : vector<16xi32>
        %parallel_loop3A_1193 = tpu.vector_load_idx %arg11[%parallel_loop3A_1192] : memref<2000xf32, #tpu.memory_space<vmem>>[vector<16xi32>], vector<16xf32>,
        %parallel_loop3A_1194 = arith.mulf %parallel_loop3A_1193, %parallel_loop3A_1174 : vector<16xf32>
        %parallel_loop3A_1195 = arith.addf %parallel_loop3A_1093, %parallel_loop3A_1194 : vector<16xf32>
        %parallel_loop3A_1196 = arith.constant 3 : i32
        %parallel_loop3A_1197 = vector.broadcast %parallel_loop3A_1196 : i32 to vector<16xi32>
        %parallel_loop3A_1198 = arith.addi %parallel_loop3A_1177, %parallel_loop3A_1197 : vector<16xi32>
        %parallel_loop3A_1199 = tpu.vector_load_idx %arg11[%parallel_loop3A_1198] : memref<2000xf32, #tpu.memory_space<vmem>>[vector<16xi32>], vector<16xf32>,
        %parallel_loop3A_1200 = arith.mulf %parallel_loop3A_1199, %parallel_loop3A_1174 : vector<16xf32>
        %parallel_loop3A_1201 = arith.addf %parallel_loop3A_1099, %parallel_loop3A_1200 : vector<16xf32>
        %parallel_loop3A_1202 = arith.constant 4 : i32
        %parallel_loop3A_1203 = vector.broadcast %parallel_loop3A_1202 : i32 to vector<16xi32>
        %parallel_loop3A_1204 = arith.addi %parallel_loop3A_1177, %parallel_loop3A_1203 : vector<16xi32>
        %parallel_loop3A_1205 = tpu.vector_load_idx %arg11[%parallel_loop3A_1204] : memref<2000xf32, #tpu.memory_space<vmem>>[vector<16xi32>], vector<16xf32>,
        %parallel_loop3A_1206 = arith.mulf %parallel_loop3A_1205, %parallel_loop3A_1174 : vector<16xf32>
        %parallel_loop3A_1207 = arith.addf %parallel_loop3A_1105, %parallel_loop3A_1206 : vector<16xf32>
        %parallel_loop3A_1208 = arith.constant 5 : i32
        %parallel_loop3A_1209 = vector.broadcast %parallel_loop3A_1208 : i32 to vector<16xi32>
        %parallel_loop3A_1210 = arith.addi %parallel_loop3A_1177, %parallel_loop3A_1209 : vector<16xi32>
        %parallel_loop3A_1211 = tpu.vector_load_idx %arg11[%parallel_loop3A_1210] : memref<2000xf32, #tpu.memory_space<vmem>>[vector<16xi32>], vector<16xf32>,
        %parallel_loop3A_1212 = arith.mulf %parallel_loop3A_1211, %parallel_loop3A_1174 : vector<16xf32>
        %parallel_loop3A_1213 = arith.addf %parallel_loop3A_1111, %parallel_loop3A_1212 : vector<16xf32>
        %parallel_loop3A_1214 = arith.constant 6 : i32
        %parallel_loop3A_1215 = vector.broadcast %parallel_loop3A_1214 : i32 to vector<16xi32>
        %parallel_loop3A_1216 = arith.addi %parallel_loop3A_1177, %parallel_loop3A_1215 : vector<16xi32>
        %parallel_loop3A_1217 = tpu.vector_load_idx %arg11[%parallel_loop3A_1216] : memref<2000xf32, #tpu.memory_space<vmem>>[vector<16xi32>], vector<16xf32>,
        %parallel_loop3A_1218 = arith.mulf %parallel_loop3A_1217, %parallel_loop3A_1174 : vector<16xf32>
        %parallel_loop3A_1219 = arith.addf %parallel_loop3A_1117, %parallel_loop3A_1218 : vector<16xf32>
        %parallel_loop3A_1220 = arith.constant 7 : i32
        %parallel_loop3A_1221 = vector.broadcast %parallel_loop3A_1220 : i32 to vector<16xi32>
        %parallel_loop3A_1222 = arith.addi %parallel_loop3A_1177, %parallel_loop3A_1221 : vector<16xi32>
        %parallel_loop3A_1223 = tpu.vector_load_idx %arg11[%parallel_loop3A_1222] : memref<2000xf32, #tpu.memory_space<vmem>>[vector<16xi32>], vector<16xf32>,
        %parallel_loop3A_1224 = arith.mulf %parallel_loop3A_1223, %parallel_loop3A_1174 : vector<16xf32>
        %parallel_loop3A_1225 = arith.addf %parallel_loop3A_1123, %parallel_loop3A_1224 : vector<16xf32>
        %parallel_loop3A_1226 = arith.constant 8 : i32
        %parallel_loop3A_1227 = vector.broadcast %parallel_loop3A_1226 : i32 to vector<16xi32>
        %parallel_loop3A_1228 = arith.addi %parallel_loop3A_1177, %parallel_loop3A_1227 : vector<16xi32>
        %parallel_loop3A_1229 = tpu.vector_load_idx %arg11[%parallel_loop3A_1228] : memref<2000xf32, #tpu.memory_space<vmem>>[vector<16xi32>], vector<16xf32>,
        %parallel_loop3A_1230 = arith.mulf %parallel_loop3A_1229, %parallel_loop3A_1174 : vector<16xf32>
        %parallel_loop3A_1231 = arith.addf %parallel_loop3A_1129, %parallel_loop3A_1230 : vector<16xf32>
        %parallel_loop3A_1232 = arith.constant 9 : i32
        %parallel_loop3A_1233 = vector.broadcast %parallel_loop3A_1232 : i32 to vector<16xi32>
        %parallel_loop3A_1234 = arith.addi %parallel_loop3A_1177, %parallel_loop3A_1233 : vector<16xi32>
        %parallel_loop3A_1235 = tpu.vector_load_idx %arg11[%parallel_loop3A_1234] : memref<2000xf32, #tpu.memory_space<vmem>>[vector<16xi32>], vector<16xf32>,
        %parallel_loop3A_1236 = arith.mulf %parallel_loop3A_1235, %parallel_loop3A_1174 : vector<16xf32>
        %parallel_loop3A_1237 = arith.addf %parallel_loop3A_1135, %parallel_loop3A_1236 : vector<16xf32>
        %parallel_loop3A_1238 = arith.constant 10 : i32
        %parallel_loop3A_1239 = vector.broadcast %parallel_loop3A_1238 : i32 to vector<16xi32>
        %parallel_loop3A_1240 = arith.addi %parallel_loop3A_1177, %parallel_loop3A_1239 : vector<16xi32>
        %parallel_loop3A_1241 = tpu.vector_load_idx %arg11[%parallel_loop3A_1240] : memref<2000xf32, #tpu.memory_space<vmem>>[vector<16xi32>], vector<16xf32>,
        %parallel_loop3A_1242 = arith.mulf %parallel_loop3A_1241, %parallel_loop3A_1174 : vector<16xf32>
        %parallel_loop3A_1243 = arith.addf %parallel_loop3A_1141, %parallel_loop3A_1242 : vector<16xf32>
        %parallel_loop3A_1244 = arith.constant 11 : i32
        %parallel_loop3A_1245 = vector.broadcast %parallel_loop3A_1244 : i32 to vector<16xi32>
        %parallel_loop3A_1246 = arith.addi %parallel_loop3A_1177, %parallel_loop3A_1245 : vector<16xi32>
        %parallel_loop3A_1247 = tpu.vector_load_idx %arg11[%parallel_loop3A_1246] : memref<2000xf32, #tpu.memory_space<vmem>>[vector<16xi32>], vector<16xf32>,
        %parallel_loop3A_1248 = arith.mulf %parallel_loop3A_1247, %parallel_loop3A_1174 : vector<16xf32>
        %parallel_loop3A_1249 = arith.addf %parallel_loop3A_1147, %parallel_loop3A_1248 : vector<16xf32>
        %parallel_loop3A_1250 = arith.constant 12 : i32
        %parallel_loop3A_1251 = vector.broadcast %parallel_loop3A_1250 : i32 to vector<16xi32>
        %parallel_loop3A_1252 = arith.addi %parallel_loop3A_1177, %parallel_loop3A_1251 : vector<16xi32>
        %parallel_loop3A_1253 = tpu.vector_load_idx %arg11[%parallel_loop3A_1252] : memref<2000xf32, #tpu.memory_space<vmem>>[vector<16xi32>], vector<16xf32>,
        %parallel_loop3A_1254 = arith.mulf %parallel_loop3A_1253, %parallel_loop3A_1174 : vector<16xf32>
        %parallel_loop3A_1255 = arith.addf %parallel_loop3A_1153, %parallel_loop3A_1254 : vector<16xf32>
        %parallel_loop3A_1256 = arith.constant 13 : i32
        %parallel_loop3A_1257 = vector.broadcast %parallel_loop3A_1256 : i32 to vector<16xi32>
        %parallel_loop3A_1258 = arith.addi %parallel_loop3A_1177, %parallel_loop3A_1257 : vector<16xi32>
        %parallel_loop3A_1259 = tpu.vector_load_idx %arg11[%parallel_loop3A_1258] : memref<2000xf32, #tpu.memory_space<vmem>>[vector<16xi32>], vector<16xf32>,
        %parallel_loop3A_1260 = arith.mulf %parallel_loop3A_1259, %parallel_loop3A_1174 : vector<16xf32>
        %parallel_loop3A_1261 = arith.addf %parallel_loop3A_1159, %parallel_loop3A_1260 : vector<16xf32>
        %parallel_loop3A_1262 = arith.constant 14 : i32
        %parallel_loop3A_1263 = vector.broadcast %parallel_loop3A_1262 : i32 to vector<16xi32>
        %parallel_loop3A_1264 = arith.addi %parallel_loop3A_1177, %parallel_loop3A_1263 : vector<16xi32>
        %parallel_loop3A_1265 = tpu.vector_load_idx %arg11[%parallel_loop3A_1264] : memref<2000xf32, #tpu.memory_space<vmem>>[vector<16xi32>], vector<16xf32>,
        %parallel_loop3A_1266 = arith.mulf %parallel_loop3A_1265, %parallel_loop3A_1174 : vector<16xf32>
        %parallel_loop3A_1267 = arith.addf %parallel_loop3A_1165, %parallel_loop3A_1266 : vector<16xf32>
        %parallel_loop3A_1268 = arith.constant 15 : i32
        %parallel_loop3A_1269 = vector.broadcast %parallel_loop3A_1268 : i32 to vector<16xi32>
        %parallel_loop3A_1270 = arith.addi %parallel_loop3A_1177, %parallel_loop3A_1269 : vector<16xi32>
        %parallel_loop3A_1271 = tpu.vector_load_idx %arg11[%parallel_loop3A_1270] : memref<2000xf32, #tpu.memory_space<vmem>>[vector<16xi32>], vector<16xf32>,
        %parallel_loop3A_1272 = arith.mulf %parallel_loop3A_1271, %parallel_loop3A_1174 : vector<16xf32>
        %parallel_loop3A_1273 = arith.addf %parallel_loop3A_1171, %parallel_loop3A_1272 : vector<16xf32>
        %parallel_loop3A_1274 = arith.mulf %parallel_loop3A_623, %parallel_loop3A_616 : vector<16xf32>
        %parallel_loop3A_1275 = arith.mulf %parallel_loop3A_1274, %parallel_loop3A_620 : vector<16xf32>
        %parallel_loop3A_1276 = arith.mulf %parallel_loop3A_1275, %parallel_loop3A_606 : vector<16xf32>
        %parallel_loop3A_1277 = arith.constant 480 : i32
        %parallel_loop3A_1278 = vector.broadcast %parallel_loop3A_1277 : i32 to vector<16xi32>
        %parallel_loop3A_1279 = arith.addi %parallel_loop3A_608, %parallel_loop3A_1278 : vector<16xi32>
        %parallel_loop3A_1280 = arith.constant 0 : i32
        %parallel_loop3A_1281 = vector.broadcast %parallel_loop3A_1280 : i32 to vector<16xi32>
        %parallel_loop3A_1282 = arith.addi %parallel_loop3A_1279, %parallel_loop3A_1281 : vector<16xi32>
        %parallel_loop3A_1283 = tpu.vector_load_idx %arg11[%parallel_loop3A_1282] : memref<2000xf32, #tpu.memory_space<vmem>>[vector<16xi32>], vector<16xf32>,
        %parallel_loop3A_1284 = arith.mulf %parallel_loop3A_1283, %parallel_loop3A_1276 : vector<16xf32>
        %parallel_loop3A_1285 = arith.addf %parallel_loop3A_1183, %parallel_loop3A_1284 : vector<16xf32>
        %parallel_loop3A_1286 = arith.constant 1 : i32
        %parallel_loop3A_1287 = vector.broadcast %parallel_loop3A_1286 : i32 to vector<16xi32>
        %parallel_loop3A_1288 = arith.addi %parallel_loop3A_1279, %parallel_loop3A_1287 : vector<16xi32>
        %parallel_loop3A_1289 = tpu.vector_load_idx %arg11[%parallel_loop3A_1288] : memref<2000xf32, #tpu.memory_space<vmem>>[vector<16xi32>], vector<16xf32>,
        %parallel_loop3A_1290 = arith.mulf %parallel_loop3A_1289, %parallel_loop3A_1276 : vector<16xf32>
        %parallel_loop3A_1291 = arith.addf %parallel_loop3A_1189, %parallel_loop3A_1290 : vector<16xf32>
        %parallel_loop3A_1292 = arith.constant 2 : i32
        %parallel_loop3A_1293 = vector.broadcast %parallel_loop3A_1292 : i32 to vector<16xi32>
        %parallel_loop3A_1294 = arith.addi %parallel_loop3A_1279, %parallel_loop3A_1293 : vector<16xi32>
        %parallel_loop3A_1295 = tpu.vector_load_idx %arg11[%parallel_loop3A_1294] : memref<2000xf32, #tpu.memory_space<vmem>>[vector<16xi32>], vector<16xf32>,
        %parallel_loop3A_1296 = arith.mulf %parallel_loop3A_1295, %parallel_loop3A_1276 : vector<16xf32>
        %parallel_loop3A_1297 = arith.addf %parallel_loop3A_1195, %parallel_loop3A_1296 : vector<16xf32>
        %parallel_loop3A_1298 = arith.constant 3 : i32
        %parallel_loop3A_1299 = vector.broadcast %parallel_loop3A_1298 : i32 to vector<16xi32>
        %parallel_loop3A_1300 = arith.addi %parallel_loop3A_1279, %parallel_loop3A_1299 : vector<16xi32>
        %parallel_loop3A_1301 = tpu.vector_load_idx %arg11[%parallel_loop3A_1300] : memref<2000xf32, #tpu.memory_space<vmem>>[vector<16xi32>], vector<16xf32>,
        %parallel_loop3A_1302 = arith.mulf %parallel_loop3A_1301, %parallel_loop3A_1276 : vector<16xf32>
        %parallel_loop3A_1303 = arith.addf %parallel_loop3A_1201, %parallel_loop3A_1302 : vector<16xf32>
        %parallel_loop3A_1304 = arith.constant 4 : i32
        %parallel_loop3A_1305 = vector.broadcast %parallel_loop3A_1304 : i32 to vector<16xi32>
        %parallel_loop3A_1306 = arith.addi %parallel_loop3A_1279, %parallel_loop3A_1305 : vector<16xi32>
        %parallel_loop3A_1307 = tpu.vector_load_idx %arg11[%parallel_loop3A_1306] : memref<2000xf32, #tpu.memory_space<vmem>>[vector<16xi32>], vector<16xf32>,
        %parallel_loop3A_1308 = arith.mulf %parallel_loop3A_1307, %parallel_loop3A_1276 : vector<16xf32>
        %parallel_loop3A_1309 = arith.addf %parallel_loop3A_1207, %parallel_loop3A_1308 : vector<16xf32>
        %parallel_loop3A_1310 = arith.constant 5 : i32
        %parallel_loop3A_1311 = vector.broadcast %parallel_loop3A_1310 : i32 to vector<16xi32>
        %parallel_loop3A_1312 = arith.addi %parallel_loop3A_1279, %parallel_loop3A_1311 : vector<16xi32>
        %parallel_loop3A_1313 = tpu.vector_load_idx %arg11[%parallel_loop3A_1312] : memref<2000xf32, #tpu.memory_space<vmem>>[vector<16xi32>], vector<16xf32>,
        %parallel_loop3A_1314 = arith.mulf %parallel_loop3A_1313, %parallel_loop3A_1276 : vector<16xf32>
        %parallel_loop3A_1315 = arith.addf %parallel_loop3A_1213, %parallel_loop3A_1314 : vector<16xf32>
        %parallel_loop3A_1316 = arith.constant 6 : i32
        %parallel_loop3A_1317 = vector.broadcast %parallel_loop3A_1316 : i32 to vector<16xi32>
        %parallel_loop3A_1318 = arith.addi %parallel_loop3A_1279, %parallel_loop3A_1317 : vector<16xi32>
        %parallel_loop3A_1319 = tpu.vector_load_idx %arg11[%parallel_loop3A_1318] : memref<2000xf32, #tpu.memory_space<vmem>>[vector<16xi32>], vector<16xf32>,
        %parallel_loop3A_1320 = arith.mulf %parallel_loop3A_1319, %parallel_loop3A_1276 : vector<16xf32>
        %parallel_loop3A_1321 = arith.addf %parallel_loop3A_1219, %parallel_loop3A_1320 : vector<16xf32>
        %parallel_loop3A_1322 = arith.constant 7 : i32
        %parallel_loop3A_1323 = vector.broadcast %parallel_loop3A_1322 : i32 to vector<16xi32>
        %parallel_loop3A_1324 = arith.addi %parallel_loop3A_1279, %parallel_loop3A_1323 : vector<16xi32>
        %parallel_loop3A_1325 = tpu.vector_load_idx %arg11[%parallel_loop3A_1324] : memref<2000xf32, #tpu.memory_space<vmem>>[vector<16xi32>], vector<16xf32>,
        %parallel_loop3A_1326 = arith.mulf %parallel_loop3A_1325, %parallel_loop3A_1276 : vector<16xf32>
        %parallel_loop3A_1327 = arith.addf %parallel_loop3A_1225, %parallel_loop3A_1326 : vector<16xf32>
        %parallel_loop3A_1328 = arith.constant 8 : i32
        %parallel_loop3A_1329 = vector.broadcast %parallel_loop3A_1328 : i32 to vector<16xi32>
        %parallel_loop3A_1330 = arith.addi %parallel_loop3A_1279, %parallel_loop3A_1329 : vector<16xi32>
        %parallel_loop3A_1331 = tpu.vector_load_idx %arg11[%parallel_loop3A_1330] : memref<2000xf32, #tpu.memory_space<vmem>>[vector<16xi32>], vector<16xf32>,
        %parallel_loop3A_1332 = arith.mulf %parallel_loop3A_1331, %parallel_loop3A_1276 : vector<16xf32>
        %parallel_loop3A_1333 = arith.addf %parallel_loop3A_1231, %parallel_loop3A_1332 : vector<16xf32>
        %parallel_loop3A_1334 = arith.constant 9 : i32
        %parallel_loop3A_1335 = vector.broadcast %parallel_loop3A_1334 : i32 to vector<16xi32>
        %parallel_loop3A_1336 = arith.addi %parallel_loop3A_1279, %parallel_loop3A_1335 : vector<16xi32>
        %parallel_loop3A_1337 = tpu.vector_load_idx %arg11[%parallel_loop3A_1336] : memref<2000xf32, #tpu.memory_space<vmem>>[vector<16xi32>], vector<16xf32>,
        %parallel_loop3A_1338 = arith.mulf %parallel_loop3A_1337, %parallel_loop3A_1276 : vector<16xf32>
        %parallel_loop3A_1339 = arith.addf %parallel_loop3A_1237, %parallel_loop3A_1338 : vector<16xf32>
        %parallel_loop3A_1340 = arith.constant 10 : i32
        %parallel_loop3A_1341 = vector.broadcast %parallel_loop3A_1340 : i32 to vector<16xi32>
        %parallel_loop3A_1342 = arith.addi %parallel_loop3A_1279, %parallel_loop3A_1341 : vector<16xi32>
        %parallel_loop3A_1343 = tpu.vector_load_idx %arg11[%parallel_loop3A_1342] : memref<2000xf32, #tpu.memory_space<vmem>>[vector<16xi32>], vector<16xf32>,
        %parallel_loop3A_1344 = arith.mulf %parallel_loop3A_1343, %parallel_loop3A_1276 : vector<16xf32>
        %parallel_loop3A_1345 = arith.addf %parallel_loop3A_1243, %parallel_loop3A_1344 : vector<16xf32>
        %parallel_loop3A_1346 = arith.constant 11 : i32
        %parallel_loop3A_1347 = vector.broadcast %parallel_loop3A_1346 : i32 to vector<16xi32>
        %parallel_loop3A_1348 = arith.addi %parallel_loop3A_1279, %parallel_loop3A_1347 : vector<16xi32>
        %parallel_loop3A_1349 = tpu.vector_load_idx %arg11[%parallel_loop3A_1348] : memref<2000xf32, #tpu.memory_space<vmem>>[vector<16xi32>], vector<16xf32>,
        %parallel_loop3A_1350 = arith.mulf %parallel_loop3A_1349, %parallel_loop3A_1276 : vector<16xf32>
        %parallel_loop3A_1351 = arith.addf %parallel_loop3A_1249, %parallel_loop3A_1350 : vector<16xf32>
        %parallel_loop3A_1352 = arith.constant 12 : i32
        %parallel_loop3A_1353 = vector.broadcast %parallel_loop3A_1352 : i32 to vector<16xi32>
        %parallel_loop3A_1354 = arith.addi %parallel_loop3A_1279, %parallel_loop3A_1353 : vector<16xi32>
        %parallel_loop3A_1355 = tpu.vector_load_idx %arg11[%parallel_loop3A_1354] : memref<2000xf32, #tpu.memory_space<vmem>>[vector<16xi32>], vector<16xf32>,
        %parallel_loop3A_1356 = arith.mulf %parallel_loop3A_1355, %parallel_loop3A_1276 : vector<16xf32>
        %parallel_loop3A_1357 = arith.addf %parallel_loop3A_1255, %parallel_loop3A_1356 : vector<16xf32>
        %parallel_loop3A_1358 = arith.constant 13 : i32
        %parallel_loop3A_1359 = vector.broadcast %parallel_loop3A_1358 : i32 to vector<16xi32>
        %parallel_loop3A_1360 = arith.addi %parallel_loop3A_1279, %parallel_loop3A_1359 : vector<16xi32>
        %parallel_loop3A_1361 = tpu.vector_load_idx %arg11[%parallel_loop3A_1360] : memref<2000xf32, #tpu.memory_space<vmem>>[vector<16xi32>], vector<16xf32>,
        %parallel_loop3A_1362 = arith.mulf %parallel_loop3A_1361, %parallel_loop3A_1276 : vector<16xf32>
        %parallel_loop3A_1363 = arith.addf %parallel_loop3A_1261, %parallel_loop3A_1362 : vector<16xf32>
        %parallel_loop3A_1364 = arith.constant 14 : i32
        %parallel_loop3A_1365 = vector.broadcast %parallel_loop3A_1364 : i32 to vector<16xi32>
        %parallel_loop3A_1366 = arith.addi %parallel_loop3A_1279, %parallel_loop3A_1365 : vector<16xi32>
        %parallel_loop3A_1367 = tpu.vector_load_idx %arg11[%parallel_loop3A_1366] : memref<2000xf32, #tpu.memory_space<vmem>>[vector<16xi32>], vector<16xf32>,
        %parallel_loop3A_1368 = arith.mulf %parallel_loop3A_1367, %parallel_loop3A_1276 : vector<16xf32>
        %parallel_loop3A_1369 = arith.addf %parallel_loop3A_1267, %parallel_loop3A_1368 : vector<16xf32>
        %parallel_loop3A_1370 = arith.constant 15 : i32
        %parallel_loop3A_1371 = vector.broadcast %parallel_loop3A_1370 : i32 to vector<16xi32>
        %parallel_loop3A_1372 = arith.addi %parallel_loop3A_1279, %parallel_loop3A_1371 : vector<16xi32>
        %parallel_loop3A_1373 = tpu.vector_load_idx %arg11[%parallel_loop3A_1372] : memref<2000xf32, #tpu.memory_space<vmem>>[vector<16xi32>], vector<16xf32>,
        %parallel_loop3A_1374 = arith.mulf %parallel_loop3A_1373, %parallel_loop3A_1276 : vector<16xf32>
        %parallel_loop3A_1375 = arith.addf %parallel_loop3A_1273, %parallel_loop3A_1374 : vector<16xf32>
        %parallel_loop3A_1376 = arith.mulf %parallel_loop3A_612, %parallel_loop3A_616 : vector<16xf32>
        %parallel_loop3A_1377 = arith.mulf %parallel_loop3A_1376, %parallel_loop3A_620 : vector<16xf32>
        %parallel_loop3A_1378 = arith.mulf %parallel_loop3A_1377, %parallel_loop3A_606 : vector<16xf32>
        %parallel_loop3A_1379 = arith.constant 496 : i32
        %parallel_loop3A_1380 = vector.broadcast %parallel_loop3A_1379 : i32 to vector<16xi32>
        %parallel_loop3A_1381 = arith.addi %parallel_loop3A_608, %parallel_loop3A_1380 : vector<16xi32>
        %parallel_loop3A_1382 = arith.constant 0 : i32
        %parallel_loop3A_1383 = vector.broadcast %parallel_loop3A_1382 : i32 to vector<16xi32>
        %parallel_loop3A_1384 = arith.addi %parallel_loop3A_1381, %parallel_loop3A_1383 : vector<16xi32>
        %parallel_loop3A_1385 = tpu.vector_load_idx %arg11[%parallel_loop3A_1384] : memref<2000xf32, #tpu.memory_space<vmem>>[vector<16xi32>], vector<16xf32>,
        %parallel_loop3A_1386 = arith.mulf %parallel_loop3A_1385, %parallel_loop3A_1378 : vector<16xf32>
        %parallel_loop3A_1387 = arith.addf %parallel_loop3A_1285, %parallel_loop3A_1386 : vector<16xf32>
        %parallel_loop3A_1388 = arith.constant 1 : i32
        %parallel_loop3A_1389 = vector.broadcast %parallel_loop3A_1388 : i32 to vector<16xi32>
        %parallel_loop3A_1390 = arith.addi %parallel_loop3A_1381, %parallel_loop3A_1389 : vector<16xi32>
        %parallel_loop3A_1391 = tpu.vector_load_idx %arg11[%parallel_loop3A_1390] : memref<2000xf32, #tpu.memory_space<vmem>>[vector<16xi32>], vector<16xf32>,
        %parallel_loop3A_1392 = arith.mulf %parallel_loop3A_1391, %parallel_loop3A_1378 : vector<16xf32>
        %parallel_loop3A_1393 = arith.addf %parallel_loop3A_1291, %parallel_loop3A_1392 : vector<16xf32>
        %parallel_loop3A_1394 = arith.constant 2 : i32
        %parallel_loop3A_1395 = vector.broadcast %parallel_loop3A_1394 : i32 to vector<16xi32>
        %parallel_loop3A_1396 = arith.addi %parallel_loop3A_1381, %parallel_loop3A_1395 : vector<16xi32>
        %parallel_loop3A_1397 = tpu.vector_load_idx %arg11[%parallel_loop3A_1396] : memref<2000xf32, #tpu.memory_space<vmem>>[vector<16xi32>], vector<16xf32>,
        %parallel_loop3A_1398 = arith.mulf %parallel_loop3A_1397, %parallel_loop3A_1378 : vector<16xf32>
        %parallel_loop3A_1399 = arith.addf %parallel_loop3A_1297, %parallel_loop3A_1398 : vector<16xf32>
        %parallel_loop3A_1400 = arith.constant 3 : i32
        %parallel_loop3A_1401 = vector.broadcast %parallel_loop3A_1400 : i32 to vector<16xi32>
        %parallel_loop3A_1402 = arith.addi %parallel_loop3A_1381, %parallel_loop3A_1401 : vector<16xi32>
        %parallel_loop3A_1403 = tpu.vector_load_idx %arg11[%parallel_loop3A_1402] : memref<2000xf32, #tpu.memory_space<vmem>>[vector<16xi32>], vector<16xf32>,
        %parallel_loop3A_1404 = arith.mulf %parallel_loop3A_1403, %parallel_loop3A_1378 : vector<16xf32>
        %parallel_loop3A_1405 = arith.addf %parallel_loop3A_1303, %parallel_loop3A_1404 : vector<16xf32>
        %parallel_loop3A_1406 = arith.constant 4 : i32
        %parallel_loop3A_1407 = vector.broadcast %parallel_loop3A_1406 : i32 to vector<16xi32>
        %parallel_loop3A_1408 = arith.addi %parallel_loop3A_1381, %parallel_loop3A_1407 : vector<16xi32>
        %parallel_loop3A_1409 = tpu.vector_load_idx %arg11[%parallel_loop3A_1408] : memref<2000xf32, #tpu.memory_space<vmem>>[vector<16xi32>], vector<16xf32>,
        %parallel_loop3A_1410 = arith.mulf %parallel_loop3A_1409, %parallel_loop3A_1378 : vector<16xf32>
        %parallel_loop3A_1411 = arith.addf %parallel_loop3A_1309, %parallel_loop3A_1410 : vector<16xf32>
        %parallel_loop3A_1412 = arith.constant 5 : i32
        %parallel_loop3A_1413 = vector.broadcast %parallel_loop3A_1412 : i32 to vector<16xi32>
        %parallel_loop3A_1414 = arith.addi %parallel_loop3A_1381, %parallel_loop3A_1413 : vector<16xi32>
        %parallel_loop3A_1415 = tpu.vector_load_idx %arg11[%parallel_loop3A_1414] : memref<2000xf32, #tpu.memory_space<vmem>>[vector<16xi32>], vector<16xf32>,
        %parallel_loop3A_1416 = arith.mulf %parallel_loop3A_1415, %parallel_loop3A_1378 : vector<16xf32>
        %parallel_loop3A_1417 = arith.addf %parallel_loop3A_1315, %parallel_loop3A_1416 : vector<16xf32>
        %parallel_loop3A_1418 = arith.constant 6 : i32
        %parallel_loop3A_1419 = vector.broadcast %parallel_loop3A_1418 : i32 to vector<16xi32>
        %parallel_loop3A_1420 = arith.addi %parallel_loop3A_1381, %parallel_loop3A_1419 : vector<16xi32>
        %parallel_loop3A_1421 = tpu.vector_load_idx %arg11[%parallel_loop3A_1420] : memref<2000xf32, #tpu.memory_space<vmem>>[vector<16xi32>], vector<16xf32>,
        %parallel_loop3A_1422 = arith.mulf %parallel_loop3A_1421, %parallel_loop3A_1378 : vector<16xf32>
        %parallel_loop3A_1423 = arith.addf %parallel_loop3A_1321, %parallel_loop3A_1422 : vector<16xf32>
        %parallel_loop3A_1424 = arith.constant 7 : i32
        %parallel_loop3A_1425 = vector.broadcast %parallel_loop3A_1424 : i32 to vector<16xi32>
        %parallel_loop3A_1426 = arith.addi %parallel_loop3A_1381, %parallel_loop3A_1425 : vector<16xi32>
        %parallel_loop3A_1427 = tpu.vector_load_idx %arg11[%parallel_loop3A_1426] : memref<2000xf32, #tpu.memory_space<vmem>>[vector<16xi32>], vector<16xf32>,
        %parallel_loop3A_1428 = arith.mulf %parallel_loop3A_1427, %parallel_loop3A_1378 : vector<16xf32>
        %parallel_loop3A_1429 = arith.addf %parallel_loop3A_1327, %parallel_loop3A_1428 : vector<16xf32>
        %parallel_loop3A_1430 = arith.constant 8 : i32
        %parallel_loop3A_1431 = vector.broadcast %parallel_loop3A_1430 : i32 to vector<16xi32>
        %parallel_loop3A_1432 = arith.addi %parallel_loop3A_1381, %parallel_loop3A_1431 : vector<16xi32>
        %parallel_loop3A_1433 = tpu.vector_load_idx %arg11[%parallel_loop3A_1432] : memref<2000xf32, #tpu.memory_space<vmem>>[vector<16xi32>], vector<16xf32>,
        %parallel_loop3A_1434 = arith.mulf %parallel_loop3A_1433, %parallel_loop3A_1378 : vector<16xf32>
        %parallel_loop3A_1435 = arith.addf %parallel_loop3A_1333, %parallel_loop3A_1434 : vector<16xf32>
        %parallel_loop3A_1436 = arith.constant 9 : i32
        %parallel_loop3A_1437 = vector.broadcast %parallel_loop3A_1436 : i32 to vector<16xi32>
        %parallel_loop3A_1438 = arith.addi %parallel_loop3A_1381, %parallel_loop3A_1437 : vector<16xi32>
        %parallel_loop3A_1439 = tpu.vector_load_idx %arg11[%parallel_loop3A_1438] : memref<2000xf32, #tpu.memory_space<vmem>>[vector<16xi32>], vector<16xf32>,
        %parallel_loop3A_1440 = arith.mulf %parallel_loop3A_1439, %parallel_loop3A_1378 : vector<16xf32>
        %parallel_loop3A_1441 = arith.addf %parallel_loop3A_1339, %parallel_loop3A_1440 : vector<16xf32>
        %parallel_loop3A_1442 = arith.constant 10 : i32
        %parallel_loop3A_1443 = vector.broadcast %parallel_loop3A_1442 : i32 to vector<16xi32>
        %parallel_loop3A_1444 = arith.addi %parallel_loop3A_1381, %parallel_loop3A_1443 : vector<16xi32>
        %parallel_loop3A_1445 = tpu.vector_load_idx %arg11[%parallel_loop3A_1444] : memref<2000xf32, #tpu.memory_space<vmem>>[vector<16xi32>], vector<16xf32>,
        %parallel_loop3A_1446 = arith.mulf %parallel_loop3A_1445, %parallel_loop3A_1378 : vector<16xf32>
        %parallel_loop3A_1447 = arith.addf %parallel_loop3A_1345, %parallel_loop3A_1446 : vector<16xf32>
        %parallel_loop3A_1448 = arith.constant 11 : i32
        %parallel_loop3A_1449 = vector.broadcast %parallel_loop3A_1448 : i32 to vector<16xi32>
        %parallel_loop3A_1450 = arith.addi %parallel_loop3A_1381, %parallel_loop3A_1449 : vector<16xi32>
        %parallel_loop3A_1451 = tpu.vector_load_idx %arg11[%parallel_loop3A_1450] : memref<2000xf32, #tpu.memory_space<vmem>>[vector<16xi32>], vector<16xf32>,
        %parallel_loop3A_1452 = arith.mulf %parallel_loop3A_1451, %parallel_loop3A_1378 : vector<16xf32>
        %parallel_loop3A_1453 = arith.addf %parallel_loop3A_1351, %parallel_loop3A_1452 : vector<16xf32>
        %parallel_loop3A_1454 = arith.constant 12 : i32
        %parallel_loop3A_1455 = vector.broadcast %parallel_loop3A_1454 : i32 to vector<16xi32>
        %parallel_loop3A_1456 = arith.addi %parallel_loop3A_1381, %parallel_loop3A_1455 : vector<16xi32>
        %parallel_loop3A_1457 = tpu.vector_load_idx %arg11[%parallel_loop3A_1456] : memref<2000xf32, #tpu.memory_space<vmem>>[vector<16xi32>], vector<16xf32>,
        %parallel_loop3A_1458 = arith.mulf %parallel_loop3A_1457, %parallel_loop3A_1378 : vector<16xf32>
        %parallel_loop3A_1459 = arith.addf %parallel_loop3A_1357, %parallel_loop3A_1458 : vector<16xf32>
        %parallel_loop3A_1460 = arith.constant 13 : i32
        %parallel_loop3A_1461 = vector.broadcast %parallel_loop3A_1460 : i32 to vector<16xi32>
        %parallel_loop3A_1462 = arith.addi %parallel_loop3A_1381, %parallel_loop3A_1461 : vector<16xi32>
        %parallel_loop3A_1463 = tpu.vector_load_idx %arg11[%parallel_loop3A_1462] : memref<2000xf32, #tpu.memory_space<vmem>>[vector<16xi32>], vector<16xf32>,
        %parallel_loop3A_1464 = arith.mulf %parallel_loop3A_1463, %parallel_loop3A_1378 : vector<16xf32>
        %parallel_loop3A_1465 = arith.addf %parallel_loop3A_1363, %parallel_loop3A_1464 : vector<16xf32>
        %parallel_loop3A_1466 = arith.constant 14 : i32
        %parallel_loop3A_1467 = vector.broadcast %parallel_loop3A_1466 : i32 to vector<16xi32>
        %parallel_loop3A_1468 = arith.addi %parallel_loop3A_1381, %parallel_loop3A_1467 : vector<16xi32>
        %parallel_loop3A_1469 = tpu.vector_load_idx %arg11[%parallel_loop3A_1468] : memref<2000xf32, #tpu.memory_space<vmem>>[vector<16xi32>], vector<16xf32>,
        %parallel_loop3A_1470 = arith.mulf %parallel_loop3A_1469, %parallel_loop3A_1378 : vector<16xf32>
        %parallel_loop3A_1471 = arith.addf %parallel_loop3A_1369, %parallel_loop3A_1470 : vector<16xf32>
        %parallel_loop3A_1472 = arith.constant 15 : i32
        %parallel_loop3A_1473 = vector.broadcast %parallel_loop3A_1472 : i32 to vector<16xi32>
        %parallel_loop3A_1474 = arith.addi %parallel_loop3A_1381, %parallel_loop3A_1473 : vector<16xi32>
        %parallel_loop3A_1475 = tpu.vector_load_idx %arg11[%parallel_loop3A_1474] : memref<2000xf32, #tpu.memory_space<vmem>>[vector<16xi32>], vector<16xf32>,
        %parallel_loop3A_1476 = arith.mulf %parallel_loop3A_1475, %parallel_loop3A_1378 : vector<16xf32>
        %parallel_loop3A_1477 = arith.addf %parallel_loop3A_1375, %parallel_loop3A_1476 : vector<16xf32>
        %parallel_loop3A_1478 = arith.constant 0 : i32
        %parallel_loop3A_1479 = vector.broadcast %parallel_loop3A_1478 : i32 to vector<16xi32>
        tpu.vector_store_idx %arg22[%parallel_loop3A_604, %parallel_loop3A_1479], %parallel_loop3A_1387 : memref<400x16xf32, #tpu.memory_space<vmem>>[vector<16xi32>, vector<16xi32>], vector<16xf32>,
        %parallel_loop3A_1480 = arith.constant 1 : i32
        %parallel_loop3A_1481 = vector.broadcast %parallel_loop3A_1480 : i32 to vector<16xi32>
        tpu.vector_store_idx %arg22[%parallel_loop3A_604, %parallel_loop3A_1481], %parallel_loop3A_1393 : memref<400x16xf32, #tpu.memory_space<vmem>>[vector<16xi32>, vector<16xi32>], vector<16xf32>,
        %parallel_loop3A_1482 = arith.constant 2 : i32
        %parallel_loop3A_1483 = vector.broadcast %parallel_loop3A_1482 : i32 to vector<16xi32>
        tpu.vector_store_idx %arg22[%parallel_loop3A_604, %parallel_loop3A_1483], %parallel_loop3A_1399 : memref<400x16xf32, #tpu.memory_space<vmem>>[vector<16xi32>, vector<16xi32>], vector<16xf32>,
        %parallel_loop3A_1484 = arith.constant 3 : i32
        %parallel_loop3A_1485 = vector.broadcast %parallel_loop3A_1484 : i32 to vector<16xi32>
        tpu.vector_store_idx %arg22[%parallel_loop3A_604, %parallel_loop3A_1485], %parallel_loop3A_1405 : memref<400x16xf32, #tpu.memory_space<vmem>>[vector<16xi32>, vector<16xi32>], vector<16xf32>,
        %parallel_loop3A_1486 = arith.constant 4 : i32
        %parallel_loop3A_1487 = vector.broadcast %parallel_loop3A_1486 : i32 to vector<16xi32>
        tpu.vector_store_idx %arg22[%parallel_loop3A_604, %parallel_loop3A_1487], %parallel_loop3A_1411 : memref<400x16xf32, #tpu.memory_space<vmem>>[vector<16xi32>, vector<16xi32>], vector<16xf32>,
        %parallel_loop3A_1488 = arith.constant 5 : i32
        %parallel_loop3A_1489 = vector.broadcast %parallel_loop3A_1488 : i32 to vector<16xi32>
        tpu.vector_store_idx %arg22[%parallel_loop3A_604, %parallel_loop3A_1489], %parallel_loop3A_1417 : memref<400x16xf32, #tpu.memory_space<vmem>>[vector<16xi32>, vector<16xi32>], vector<16xf32>,
        %parallel_loop3A_1490 = arith.constant 6 : i32
        %parallel_loop3A_1491 = vector.broadcast %parallel_loop3A_1490 : i32 to vector<16xi32>
        tpu.vector_store_idx %arg22[%parallel_loop3A_604, %parallel_loop3A_1491], %parallel_loop3A_1423 : memref<400x16xf32, #tpu.memory_space<vmem>>[vector<16xi32>, vector<16xi32>], vector<16xf32>,
        %parallel_loop3A_1492 = arith.constant 7 : i32
        %parallel_loop3A_1493 = vector.broadcast %parallel_loop3A_1492 : i32 to vector<16xi32>
        tpu.vector_store_idx %arg22[%parallel_loop3A_604, %parallel_loop3A_1493], %parallel_loop3A_1429 : memref<400x16xf32, #tpu.memory_space<vmem>>[vector<16xi32>, vector<16xi32>], vector<16xf32>,
        %parallel_loop3A_1494 = arith.constant 8 : i32
        %parallel_loop3A_1495 = vector.broadcast %parallel_loop3A_1494 : i32 to vector<16xi32>
        tpu.vector_store_idx %arg22[%parallel_loop3A_604, %parallel_loop3A_1495], %parallel_loop3A_1435 : memref<400x16xf32, #tpu.memory_space<vmem>>[vector<16xi32>, vector<16xi32>], vector<16xf32>,
        %parallel_loop3A_1496 = arith.constant 9 : i32
        %parallel_loop3A_1497 = vector.broadcast %parallel_loop3A_1496 : i32 to vector<16xi32>
        tpu.vector_store_idx %arg22[%parallel_loop3A_604, %parallel_loop3A_1497], %parallel_loop3A_1441 : memref<400x16xf32, #tpu.memory_space<vmem>>[vector<16xi32>, vector<16xi32>], vector<16xf32>,
        %parallel_loop3A_1498 = arith.constant 10 : i32
        %parallel_loop3A_1499 = vector.broadcast %parallel_loop3A_1498 : i32 to vector<16xi32>
        tpu.vector_store_idx %arg22[%parallel_loop3A_604, %parallel_loop3A_1499], %parallel_loop3A_1447 : memref<400x16xf32, #tpu.memory_space<vmem>>[vector<16xi32>, vector<16xi32>], vector<16xf32>,
        %parallel_loop3A_1500 = arith.constant 11 : i32
        %parallel_loop3A_1501 = vector.broadcast %parallel_loop3A_1500 : i32 to vector<16xi32>
        tpu.vector_store_idx %arg22[%parallel_loop3A_604, %parallel_loop3A_1501], %parallel_loop3A_1453 : memref<400x16xf32, #tpu.memory_space<vmem>>[vector<16xi32>, vector<16xi32>], vector<16xf32>,
        %parallel_loop3A_1502 = arith.constant 12 : i32
        %parallel_loop3A_1503 = vector.broadcast %parallel_loop3A_1502 : i32 to vector<16xi32>
        tpu.vector_store_idx %arg22[%parallel_loop3A_604, %parallel_loop3A_1503], %parallel_loop3A_1459 : memref<400x16xf32, #tpu.memory_space<vmem>>[vector<16xi32>, vector<16xi32>], vector<16xf32>,
        %parallel_loop3A_1504 = arith.constant 13 : i32
        %parallel_loop3A_1505 = vector.broadcast %parallel_loop3A_1504 : i32 to vector<16xi32>
        tpu.vector_store_idx %arg22[%parallel_loop3A_604, %parallel_loop3A_1505], %parallel_loop3A_1465 : memref<400x16xf32, #tpu.memory_space<vmem>>[vector<16xi32>, vector<16xi32>], vector<16xf32>,
        %parallel_loop3A_1506 = arith.constant 14 : i32
        %parallel_loop3A_1507 = vector.broadcast %parallel_loop3A_1506 : i32 to vector<16xi32>
        tpu.vector_store_idx %arg22[%parallel_loop3A_604, %parallel_loop3A_1507], %parallel_loop3A_1471 : memref<400x16xf32, #tpu.memory_space<vmem>>[vector<16xi32>, vector<16xi32>], vector<16xf32>,
        %parallel_loop3A_1508 = arith.constant 15 : i32
        %parallel_loop3A_1509 = vector.broadcast %parallel_loop3A_1508 : i32 to vector<16xi32>
        tpu.vector_store_idx %arg22[%parallel_loop3A_604, %parallel_loop3A_1509], %parallel_loop3A_1477 : memref<400x16xf32, #tpu.memory_space<vmem>>[vector<16xi32>, vector<16xi32>], vector<16xf32>,
      } {sc.loop_unroll_factor = 2 : i64, sc.parallel_access}
      %dma_start3A_331 = arith.constant 0 : i32
      %dma_start3A_332 = arith.constant 0 : i32
      %dma_start3A_333 = arith.constant 0 : i32
      %dma_start3A_334 = tpu.memref_slice %arg22[%dma_start3A_332, %dma_start3A_333] : memref<400x16xf32, #tpu.memory_space<vmem>> -> memref<80x16xf32, #tpu.memory_space<vmem>>
      %dma_start3A_335 = arith.constant 0 : i32
      %dma_start3A_336 = tpu.memref_slice %arg14[%dma_start3A_331, %dma_start3A_335] : memref<5x80xi32, #tpu.memory_space<vmem>> -> memref<1x80xi32, #tpu.memory_space<vmem>>
      %dma_start3A_337 = tpu.memref_squeeze %dma_start3A_336 : memref<1x80xi32, #tpu.memory_space<vmem>> -> memref<80xi32, #tpu.memory_space<vmem>>
      %dma_start3A_338 = arith.constant 0 : i32
      %dma_start3A_339 = arith.constant 0 : i32
      %dma_start3A_340 = tpu.memref_slice %arg30[%dma_start3A_338, %dma_start3A_339] : memref<100096x16xf32, #tpu.memory_space<vmem_shared>> -> memref<100096x16xf32, #tpu.memory_space<vmem_shared>>
      tpu.enqueue_indirect_dma source(%dma_start3A_334 : memref<80x16xf32, #tpu.memory_space<vmem>>) target(%dma_start3A_340 : memref<100096x16xf32, #tpu.memory_space<vmem_shared>>) offsets(%dma_start3A_337 : memref<80xi32, #tpu.memory_space<vmem>>) semaphore(%arg27 : memref<!tpu.dma_semaphore, #tpu.memory_space<semaphore_mem>>) {add = true}
      %dma_start3A_341 = arith.constant 1 : i32
      %dma_start3A_342 = arith.constant 80 : i32
      %dma_start3A_343 = arith.constant 0 : i32
      %dma_start3A_344 = tpu.memref_slice %arg22[%dma_start3A_342, %dma_start3A_343] : memref<400x16xf32, #tpu.memory_space<vmem>> -> memref<80x16xf32, #tpu.memory_space<vmem>>
      %dma_start3A_345 = arith.constant 0 : i32
      %dma_start3A_346 = tpu.memref_slice %arg14[%dma_start3A_341, %dma_start3A_345] : memref<5x80xi32, #tpu.memory_space<vmem>> -> memref<1x80xi32, #tpu.memory_space<vmem>>
      %dma_start3A_347 = tpu.memref_squeeze %dma_start3A_346 : memref<1x80xi32, #tpu.memory_space<vmem>> -> memref<80xi32, #tpu.memory_space<vmem>>
      %dma_start3A_348 = arith.constant 0 : i32
      %dma_start3A_349 = arith.constant 0 : i32
      %dma_start3A_350 = tpu.memref_slice %arg30[%dma_start3A_348, %dma_start3A_349] : memref<100096x16xf32, #tpu.memory_space<vmem_shared>> -> memref<100096x16xf32, #tpu.memory_space<vmem_shared>>
      tpu.enqueue_indirect_dma source(%dma_start3A_344 : memref<80x16xf32, #tpu.memory_space<vmem>>) target(%dma_start3A_350 : memref<100096x16xf32, #tpu.memory_space<vmem_shared>>) offsets(%dma_start3A_347 : memref<80xi32, #tpu.memory_space<vmem>>) semaphore(%arg27 : memref<!tpu.dma_semaphore, #tpu.memory_space<semaphore_mem>>) {add = true}
      %dma_start3A_351 = arith.constant 2 : i32
      %dma_start3A_352 = arith.constant 160 : i32
      %dma_start3A_353 = arith.constant 0 : i32
      %dma_start3A_354 = tpu.memref_slice %arg22[%dma_start3A_352, %dma_start3A_353] : memref<400x16xf32, #tpu.memory_space<vmem>> -> memref<80x16xf32, #tpu.memory_space<vmem>>
      %dma_start3A_355 = arith.constant 0 : i32
      %dma_start3A_356 = tpu.memref_slice %arg14[%dma_start3A_351, %dma_start3A_355] : memref<5x80xi32, #tpu.memory_space<vmem>> -> memref<1x80xi32, #tpu.memory_space<vmem>>
      %dma_start3A_357 = tpu.memref_squeeze %dma_start3A_356 : memref<1x80xi32, #tpu.memory_space<vmem>> -> memref<80xi32, #tpu.memory_space<vmem>>
      %dma_start3A_358 = arith.constant 0 : i32
      %dma_start3A_359 = arith.constant 0 : i32
      %dma_start3A_360 = tpu.memref_slice %arg30[%dma_start3A_358, %dma_start3A_359] : memref<100096x16xf32, #tpu.memory_space<vmem_shared>> -> memref<100096x16xf32, #tpu.memory_space<vmem_shared>>
      tpu.enqueue_indirect_dma source(%dma_start3A_354 : memref<80x16xf32, #tpu.memory_space<vmem>>) target(%dma_start3A_360 : memref<100096x16xf32, #tpu.memory_space<vmem_shared>>) offsets(%dma_start3A_357 : memref<80xi32, #tpu.memory_space<vmem>>) semaphore(%arg27 : memref<!tpu.dma_semaphore, #tpu.memory_space<semaphore_mem>>) {add = true}
      %dma_start3A_361 = arith.constant 3 : i32
      %dma_start3A_362 = arith.constant 240 : i32
      %dma_start3A_363 = arith.constant 0 : i32
      %dma_start3A_364 = tpu.memref_slice %arg22[%dma_start3A_362, %dma_start3A_363] : memref<400x16xf32, #tpu.memory_space<vmem>> -> memref<80x16xf32, #tpu.memory_space<vmem>>
      %dma_start3A_365 = arith.constant 0 : i32
      %dma_start3A_366 = tpu.memref_slice %arg14[%dma_start3A_361, %dma_start3A_365] : memref<5x80xi32, #tpu.memory_space<vmem>> -> memref<1x80xi32, #tpu.memory_space<vmem>>
      %dma_start3A_367 = tpu.memref_squeeze %dma_start3A_366 : memref<1x80xi32, #tpu.memory_space<vmem>> -> memref<80xi32, #tpu.memory_space<vmem>>
      %dma_start3A_368 = arith.constant 0 : i32
      %dma_start3A_369 = arith.constant 0 : i32
      %dma_start3A_370 = tpu.memref_slice %arg30[%dma_start3A_368, %dma_start3A_369] : memref<100096x16xf32, #tpu.memory_space<vmem_shared>> -> memref<100096x16xf32, #tpu.memory_space<vmem_shared>>
      tpu.enqueue_indirect_dma source(%dma_start3A_364 : memref<80x16xf32, #tpu.memory_space<vmem>>) target(%dma_start3A_370 : memref<100096x16xf32, #tpu.memory_space<vmem_shared>>) offsets(%dma_start3A_367 : memref<80xi32, #tpu.memory_space<vmem>>) semaphore(%arg27 : memref<!tpu.dma_semaphore, #tpu.memory_space<semaphore_mem>>) {add = true}
      %dma_start3A_371 = arith.constant 4 : i32
      %dma_start3A_372 = arith.constant 320 : i32
      %dma_start3A_373 = arith.constant 0 : i32
      %dma_start3A_374 = tpu.memref_slice %arg22[%dma_start3A_372, %dma_start3A_373] : memref<400x16xf32, #tpu.memory_space<vmem>> -> memref<80x16xf32, #tpu.memory_space<vmem>>
      %dma_start3A_375 = arith.constant 0 : i32
      %dma_start3A_376 = tpu.memref_slice %arg14[%dma_start3A_371, %dma_start3A_375] : memref<5x80xi32, #tpu.memory_space<vmem>> -> memref<1x80xi32, #tpu.memory_space<vmem>>
      %dma_start3A_377 = tpu.memref_squeeze %dma_start3A_376 : memref<1x80xi32, #tpu.memory_space<vmem>> -> memref<80xi32, #tpu.memory_space<vmem>>
      %dma_start3A_378 = arith.constant 0 : i32
      %dma_start3A_379 = arith.constant 0 : i32
      %dma_start3A_380 = tpu.memref_slice %arg30[%dma_start3A_378, %dma_start3A_379] : memref<100096x16xf32, #tpu.memory_space<vmem_shared>> -> memref<100096x16xf32, #tpu.memory_space<vmem_shared>>
      tpu.enqueue_indirect_dma source(%dma_start3A_374 : memref<80x16xf32, #tpu.memory_space<vmem>>) target(%dma_start3A_380 : memref<100096x16xf32, #tpu.memory_space<vmem_shared>>) offsets(%dma_start3A_377 : memref<80xi32, #tpu.memory_space<vmem>>) semaphore(%arg27 : memref<!tpu.dma_semaphore, #tpu.memory_space<semaphore_mem>>) {add = true}
      %mul3A_381 = arith.constant 2 : i32
      %mul3A_382 = arith.muli %mul3A_381, %scan3A_164 : i32
      %add3A_383 = arith.constant 1 : i32
      %add3A_384 = arith.addi %mul3A_382, %add3A_383 : i32
      %mul3A_385 = arith.constant 400 : i32
      %mul3A_386 = arith.muli %add3A_384, %mul3A_385 : i32
      %add3A_387 = arith.addi %mul3A_19, %mul3A_386 : i32
      %add3A_388 = arith.constant 0 : i32
      %add3A_389 = arith.addi %add3A_387, %add3A_388 : i32
      %add3A_390 = arith.constant 80 : i32
      %add3A_391 = arith.addi %add3A_387, %add3A_390 : i32
      %add3A_392 = arith.constant 160 : i32
      %add3A_393 = arith.addi %add3A_387, %add3A_392 : i32
      %add3A_394 = arith.constant 240 : i32
      %add3A_395 = arith.addi %add3A_387, %add3A_394 : i32
      %add3A_396 = arith.constant 320 : i32
      %add3A_397 = arith.addi %add3A_387, %add3A_396 : i32
      %dma_wait3A_398 = tpu.memref_slice %arg2[%add3A_387] : memref<3200000xi32, #tpu.memory_space<hbm>> -> memref<400xi32, #tpu.memory_space<hbm>>
      %dma_wait3A_399 = tpu.memref_slice %arg2[%add3A_387] : memref<3200000xi32, #tpu.memory_space<hbm>> -> memref<400xi32, #tpu.memory_space<hbm>>
      tpu.wait_dma2 semaphore(%arg25 : memref<!tpu.dma_semaphore, #tpu.memory_space<semaphore_mem>>) src(%dma_wait3A_399 : memref<400xi32, #tpu.memory_space<hbm>>) dst(%arg13 : memref<400xi32, #tpu.memory_space<vmem>>)
      %dma_wait3A_400 = tpu.memref_slice %arg4[%add3A_387] : memref<3200000xi32, #tpu.memory_space<hbm>> -> memref<400xi32, #tpu.memory_space<hbm>>
      %dma_wait3A_401 = tpu.memref_slice %arg4[%add3A_387] : memref<3200000xi32, #tpu.memory_space<hbm>> -> memref<400xi32, #tpu.memory_space<hbm>>
      tpu.wait_dma2 semaphore(%arg25 : memref<!tpu.dma_semaphore, #tpu.memory_space<semaphore_mem>>) src(%dma_wait3A_401 : memref<400xi32, #tpu.memory_space<hbm>>) dst(%arg17 : memref<400xi32, #tpu.memory_space<vmem>>)
      %dma_wait3A_402 = arith.constant 0 : i32
      %dma_wait3A_403 = arith.constant 0 : i32
      %dma_wait3A_404 = tpu.memref_slice %arg19[%dma_wait3A_402, %dma_wait3A_403] : memref<3x400xf32, #tpu.memory_space<vmem>> -> memref<1x400xf32, #tpu.memory_space<vmem>>
      %dma_wait3A_405 = tpu.memref_squeeze %dma_wait3A_404 : memref<1x400xf32, #tpu.memory_space<vmem>> -> memref<400xf32, #tpu.memory_space<vmem>>
      %dma_wait3A_406 = tpu.memref_slice %arg5[%add3A_387] : memref<3200000xf32, #tpu.memory_space<hbm>> -> memref<400xf32, #tpu.memory_space<hbm>>
      %dma_wait3A_407 = arith.constant 0 : i32
      %dma_wait3A_408 = tpu.memref_slice %arg19[%dma_wait3A_402, %dma_wait3A_407] : memref<3x400xf32, #tpu.memory_space<vmem>> -> memref<1x400xf32, #tpu.memory_space<vmem>>
      %dma_wait3A_409 = tpu.memref_squeeze %dma_wait3A_408 : memref<1x400xf32, #tpu.memory_space<vmem>> -> memref<400xf32, #tpu.memory_space<vmem>>
      %dma_wait3A_410 = tpu.memref_slice %arg5[%add3A_387] : memref<3200000xf32, #tpu.memory_space<hbm>> -> memref<400xf32, #tpu.memory_space<hbm>>
      tpu.wait_dma2 semaphore(%arg25 : memref<!tpu.dma_semaphore, #tpu.memory_space<semaphore_mem>>) src(%dma_wait3A_410 : memref<400xf32, #tpu.memory_space<hbm>>) dst(%dma_wait3A_409 : memref<400xf32, #tpu.memory_space<vmem>>)
      %dma_wait3A_411 = arith.constant 1 : i32
      %dma_wait3A_412 = arith.constant 0 : i32
      %dma_wait3A_413 = tpu.memref_slice %arg19[%dma_wait3A_411, %dma_wait3A_412] : memref<3x400xf32, #tpu.memory_space<vmem>> -> memref<1x400xf32, #tpu.memory_space<vmem>>
      %dma_wait3A_414 = tpu.memref_squeeze %dma_wait3A_413 : memref<1x400xf32, #tpu.memory_space<vmem>> -> memref<400xf32, #tpu.memory_space<vmem>>
      %dma_wait3A_415 = tpu.memref_slice %arg6[%add3A_387] : memref<3200000xf32, #tpu.memory_space<hbm>> -> memref<400xf32, #tpu.memory_space<hbm>>
      %dma_wait3A_416 = arith.constant 0 : i32
      %dma_wait3A_417 = tpu.memref_slice %arg19[%dma_wait3A_411, %dma_wait3A_416] : memref<3x400xf32, #tpu.memory_space<vmem>> -> memref<1x400xf32, #tpu.memory_space<vmem>>
      %dma_wait3A_418 = tpu.memref_squeeze %dma_wait3A_417 : memref<1x400xf32, #tpu.memory_space<vmem>> -> memref<400xf32, #tpu.memory_space<vmem>>
      %dma_wait3A_419 = tpu.memref_slice %arg6[%add3A_387] : memref<3200000xf32, #tpu.memory_space<hbm>> -> memref<400xf32, #tpu.memory_space<hbm>>
      tpu.wait_dma2 semaphore(%arg25 : memref<!tpu.dma_semaphore, #tpu.memory_space<semaphore_mem>>) src(%dma_wait3A_419 : memref<400xf32, #tpu.memory_space<hbm>>) dst(%dma_wait3A_418 : memref<400xf32, #tpu.memory_space<vmem>>)
      %dma_wait3A_420 = arith.constant 2 : i32
      %dma_wait3A_421 = arith.constant 0 : i32
      %dma_wait3A_422 = tpu.memref_slice %arg19[%dma_wait3A_420, %dma_wait3A_421] : memref<3x400xf32, #tpu.memory_space<vmem>> -> memref<1x400xf32, #tpu.memory_space<vmem>>
      %dma_wait3A_423 = tpu.memref_squeeze %dma_wait3A_422 : memref<1x400xf32, #tpu.memory_space<vmem>> -> memref<400xf32, #tpu.memory_space<vmem>>
      %dma_wait3A_424 = tpu.memref_slice %arg7[%add3A_387] : memref<3200000xf32, #tpu.memory_space<hbm>> -> memref<400xf32, #tpu.memory_space<hbm>>
      %dma_wait3A_425 = arith.constant 0 : i32
      %dma_wait3A_426 = tpu.memref_slice %arg19[%dma_wait3A_420, %dma_wait3A_425] : memref<3x400xf32, #tpu.memory_space<vmem>> -> memref<1x400xf32, #tpu.memory_space<vmem>>
      %dma_wait3A_427 = tpu.memref_squeeze %dma_wait3A_426 : memref<1x400xf32, #tpu.memory_space<vmem>> -> memref<400xf32, #tpu.memory_space<vmem>>
      %dma_wait3A_428 = tpu.memref_slice %arg7[%add3A_387] : memref<3200000xf32, #tpu.memory_space<hbm>> -> memref<400xf32, #tpu.memory_space<hbm>>
      tpu.wait_dma2 semaphore(%arg25 : memref<!tpu.dma_semaphore, #tpu.memory_space<semaphore_mem>>) src(%dma_wait3A_428 : memref<400xf32, #tpu.memory_space<hbm>>) dst(%dma_wait3A_427 : memref<400xf32, #tpu.memory_space<vmem>>)
      %dma_wait3A_429 = arith.constant 0 : i32
      %dma_wait3A_430 = arith.constant 0 : i32
      %dma_wait3A_431 = tpu.memref_slice %arg15[%dma_wait3A_429, %dma_wait3A_430] : memref<5x80xi32, #tpu.memory_space<vmem>> -> memref<1x80xi32, #tpu.memory_space<vmem>>
      %dma_wait3A_432 = tpu.memref_squeeze %dma_wait3A_431 : memref<1x80xi32, #tpu.memory_space<vmem>> -> memref<80xi32, #tpu.memory_space<vmem>>
      %dma_wait3A_433 = tpu.memref_slice %arg3[%add3A_389] : memref<3200000xi32, #tpu.memory_space<hbm>> -> memref<80xi32, #tpu.memory_space<hbm>>
      %dma_wait3A_434 = arith.constant 0 : i32
      %dma_wait3A_435 = tpu.memref_slice %arg15[%dma_wait3A_429, %dma_wait3A_434] : memref<5x80xi32, #tpu.memory_space<vmem>> -> memref<1x80xi32, #tpu.memory_space<vmem>>
      %dma_wait3A_436 = tpu.memref_squeeze %dma_wait3A_435 : memref<1x80xi32, #tpu.memory_space<vmem>> -> memref<80xi32, #tpu.memory_space<vmem>>
      %dma_wait3A_437 = tpu.memref_slice %arg3[%add3A_389] : memref<3200000xi32, #tpu.memory_space<hbm>> -> memref<80xi32, #tpu.memory_space<hbm>>
      tpu.wait_dma2 semaphore(%arg25 : memref<!tpu.dma_semaphore, #tpu.memory_space<semaphore_mem>>) src(%dma_wait3A_437 : memref<80xi32, #tpu.memory_space<hbm>>) dst(%dma_wait3A_436 : memref<80xi32, #tpu.memory_space<vmem>>)
      %dma_wait3A_438 = arith.constant 1 : i32
      %dma_wait3A_439 = arith.constant 0 : i32
      %dma_wait3A_440 = tpu.memref_slice %arg15[%dma_wait3A_438, %dma_wait3A_439] : memref<5x80xi32, #tpu.memory_space<vmem>> -> memref<1x80xi32, #tpu.memory_space<vmem>>
      %dma_wait3A_441 = tpu.memref_squeeze %dma_wait3A_440 : memref<1x80xi32, #tpu.memory_space<vmem>> -> memref<80xi32, #tpu.memory_space<vmem>>
      %dma_wait3A_442 = tpu.memref_slice %arg3[%add3A_391] : memref<3200000xi32, #tpu.memory_space<hbm>> -> memref<80xi32, #tpu.memory_space<hbm>>
      %dma_wait3A_443 = arith.constant 0 : i32
      %dma_wait3A_444 = tpu.memref_slice %arg15[%dma_wait3A_438, %dma_wait3A_443] : memref<5x80xi32, #tpu.memory_space<vmem>> -> memref<1x80xi32, #tpu.memory_space<vmem>>
      %dma_wait3A_445 = tpu.memref_squeeze %dma_wait3A_444 : memref<1x80xi32, #tpu.memory_space<vmem>> -> memref<80xi32, #tpu.memory_space<vmem>>
      %dma_wait3A_446 = tpu.memref_slice %arg3[%add3A_391] : memref<3200000xi32, #tpu.memory_space<hbm>> -> memref<80xi32, #tpu.memory_space<hbm>>
      tpu.wait_dma2 semaphore(%arg25 : memref<!tpu.dma_semaphore, #tpu.memory_space<semaphore_mem>>) src(%dma_wait3A_446 : memref<80xi32, #tpu.memory_space<hbm>>) dst(%dma_wait3A_445 : memref<80xi32, #tpu.memory_space<vmem>>)
      %dma_wait3A_447 = arith.constant 2 : i32
      %dma_wait3A_448 = arith.constant 0 : i32
      %dma_wait3A_449 = tpu.memref_slice %arg15[%dma_wait3A_447, %dma_wait3A_448] : memref<5x80xi32, #tpu.memory_space<vmem>> -> memref<1x80xi32, #tpu.memory_space<vmem>>
      %dma_wait3A_450 = tpu.memref_squeeze %dma_wait3A_449 : memref<1x80xi32, #tpu.memory_space<vmem>> -> memref<80xi32, #tpu.memory_space<vmem>>
      %dma_wait3A_451 = tpu.memref_slice %arg3[%add3A_393] : memref<3200000xi32, #tpu.memory_space<hbm>> -> memref<80xi32, #tpu.memory_space<hbm>>
      %dma_wait3A_452 = arith.constant 0 : i32
      %dma_wait3A_453 = tpu.memref_slice %arg15[%dma_wait3A_447, %dma_wait3A_452] : memref<5x80xi32, #tpu.memory_space<vmem>> -> memref<1x80xi32, #tpu.memory_space<vmem>>
      %dma_wait3A_454 = tpu.memref_squeeze %dma_wait3A_453 : memref<1x80xi32, #tpu.memory_space<vmem>> -> memref<80xi32, #tpu.memory_space<vmem>>
      %dma_wait3A_455 = tpu.memref_slice %arg3[%add3A_393] : memref<3200000xi32, #tpu.memory_space<hbm>> -> memref<80xi32, #tpu.memory_space<hbm>>
      tpu.wait_dma2 semaphore(%arg25 : memref<!tpu.dma_semaphore, #tpu.memory_space<semaphore_mem>>) src(%dma_wait3A_455 : memref<80xi32, #tpu.memory_space<hbm>>) dst(%dma_wait3A_454 : memref<80xi32, #tpu.memory_space<vmem>>)
      %dma_wait3A_456 = arith.constant 3 : i32
      %dma_wait3A_457 = arith.constant 0 : i32
      %dma_wait3A_458 = tpu.memref_slice %arg15[%dma_wait3A_456, %dma_wait3A_457] : memref<5x80xi32, #tpu.memory_space<vmem>> -> memref<1x80xi32, #tpu.memory_space<vmem>>
      %dma_wait3A_459 = tpu.memref_squeeze %dma_wait3A_458 : memref<1x80xi32, #tpu.memory_space<vmem>> -> memref<80xi32, #tpu.memory_space<vmem>>
      %dma_wait3A_460 = tpu.memref_slice %arg3[%add3A_395] : memref<3200000xi32, #tpu.memory_space<hbm>> -> memref<80xi32, #tpu.memory_space<hbm>>
      %dma_wait3A_461 = arith.constant 0 : i32
      %dma_wait3A_462 = tpu.memref_slice %arg15[%dma_wait3A_456, %dma_wait3A_461] : memref<5x80xi32, #tpu.memory_space<vmem>> -> memref<1x80xi32, #tpu.memory_space<vmem>>
      %dma_wait3A_463 = tpu.memref_squeeze %dma_wait3A_462 : memref<1x80xi32, #tpu.memory_space<vmem>> -> memref<80xi32, #tpu.memory_space<vmem>>
      %dma_wait3A_464 = tpu.memref_slice %arg3[%add3A_395] : memref<3200000xi32, #tpu.memory_space<hbm>> -> memref<80xi32, #tpu.memory_space<hbm>>
      tpu.wait_dma2 semaphore(%arg25 : memref<!tpu.dma_semaphore, #tpu.memory_space<semaphore_mem>>) src(%dma_wait3A_464 : memref<80xi32, #tpu.memory_space<hbm>>) dst(%dma_wait3A_463 : memref<80xi32, #tpu.memory_space<vmem>>)
      %dma_wait3A_465 = arith.constant 4 : i32
      %dma_wait3A_466 = arith.constant 0 : i32
      %dma_wait3A_467 = tpu.memref_slice %arg15[%dma_wait3A_465, %dma_wait3A_466] : memref<5x80xi32, #tpu.memory_space<vmem>> -> memref<1x80xi32, #tpu.memory_space<vmem>>
      %dma_wait3A_468 = tpu.memref_squeeze %dma_wait3A_467 : memref<1x80xi32, #tpu.memory_space<vmem>> -> memref<80xi32, #tpu.memory_space<vmem>>
      %dma_wait3A_469 = tpu.memref_slice %arg3[%add3A_397] : memref<3200000xi32, #tpu.memory_space<hbm>> -> memref<80xi32, #tpu.memory_space<hbm>>
      %dma_wait3A_470 = arith.constant 0 : i32
      %dma_wait3A_471 = tpu.memref_slice %arg15[%dma_wait3A_465, %dma_wait3A_470] : memref<5x80xi32, #tpu.memory_space<vmem>> -> memref<1x80xi32, #tpu.memory_space<vmem>>
      %dma_wait3A_472 = tpu.memref_squeeze %dma_wait3A_471 : memref<1x80xi32, #tpu.memory_space<vmem>> -> memref<80xi32, #tpu.memory_space<vmem>>
      %dma_wait3A_473 = tpu.memref_slice %arg3[%add3A_397] : memref<3200000xi32, #tpu.memory_space<hbm>> -> memref<80xi32, #tpu.memory_space<hbm>>
      tpu.wait_dma2 semaphore(%arg25 : memref<!tpu.dma_semaphore, #tpu.memory_space<semaphore_mem>>) src(%dma_wait3A_473 : memref<80xi32, #tpu.memory_space<hbm>>) dst(%dma_wait3A_472 : memref<80xi32, #tpu.memory_space<vmem>>)
      %dma_start3A_474 = arith.constant 0 : i32
      %dma_start3A_475 = tpu.memref_slice %arg21[%dma_start3A_474] : memref<400xf32, #tpu.memory_space<vmem>> -> memref<80xf32, #tpu.memory_space<vmem>>
      %dma_start3A_476 = arith.constant 0 : i32
      %dma_start3A_477 = tpu.memref_slice %arg13[%dma_start3A_476] : memref<400xi32, #tpu.memory_space<vmem>> -> memref<80xi32, #tpu.memory_space<vmem>>
      %dma_start3A_478 = arith.constant 0 : i32
      %dma_start3A_479 = tpu.memref_slice %arg29[%dma_start3A_478] : memref<100000xf32, #tpu.memory_space<vmem_shared>> -> memref<100000xf32, #tpu.memory_space<vmem_shared>>
      tpu.enqueue_indirect_dma source(%dma_start3A_479 : memref<100000xf32, #tpu.memory_space<vmem_shared>>) target(%dma_start3A_475 : memref<80xf32, #tpu.memory_space<vmem>>) offsets(%dma_start3A_477 : memref<80xi32, #tpu.memory_space<vmem>>) semaphore(%arg26 : memref<!tpu.dma_semaphore, #tpu.memory_space<semaphore_mem>>)
      %dma_start3A_480 = arith.constant 80 : i32
      %dma_start3A_481 = tpu.memref_slice %arg21[%dma_start3A_480] : memref<400xf32, #tpu.memory_space<vmem>> -> memref<80xf32, #tpu.memory_space<vmem>>
      %dma_start3A_482 = arith.constant 80 : i32
      %dma_start3A_483 = tpu.memref_slice %arg13[%dma_start3A_482] : memref<400xi32, #tpu.memory_space<vmem>> -> memref<80xi32, #tpu.memory_space<vmem>>
      %dma_start3A_484 = arith.constant 0 : i32
      %dma_start3A_485 = tpu.memref_slice %arg29[%dma_start3A_484] : memref<100000xf32, #tpu.memory_space<vmem_shared>> -> memref<100000xf32, #tpu.memory_space<vmem_shared>>
      tpu.enqueue_indirect_dma source(%dma_start3A_485 : memref<100000xf32, #tpu.memory_space<vmem_shared>>) target(%dma_start3A_481 : memref<80xf32, #tpu.memory_space<vmem>>) offsets(%dma_start3A_483 : memref<80xi32, #tpu.memory_space<vmem>>) semaphore(%arg26 : memref<!tpu.dma_semaphore, #tpu.memory_space<semaphore_mem>>)
      %dma_start3A_486 = arith.constant 160 : i32
      %dma_start3A_487 = tpu.memref_slice %arg21[%dma_start3A_486] : memref<400xf32, #tpu.memory_space<vmem>> -> memref<80xf32, #tpu.memory_space<vmem>>
      %dma_start3A_488 = arith.constant 160 : i32
      %dma_start3A_489 = tpu.memref_slice %arg13[%dma_start3A_488] : memref<400xi32, #tpu.memory_space<vmem>> -> memref<80xi32, #tpu.memory_space<vmem>>
      %dma_start3A_490 = arith.constant 0 : i32
      %dma_start3A_491 = tpu.memref_slice %arg29[%dma_start3A_490] : memref<100000xf32, #tpu.memory_space<vmem_shared>> -> memref<100000xf32, #tpu.memory_space<vmem_shared>>
      tpu.enqueue_indirect_dma source(%dma_start3A_491 : memref<100000xf32, #tpu.memory_space<vmem_shared>>) target(%dma_start3A_487 : memref<80xf32, #tpu.memory_space<vmem>>) offsets(%dma_start3A_489 : memref<80xi32, #tpu.memory_space<vmem>>) semaphore(%arg26 : memref<!tpu.dma_semaphore, #tpu.memory_space<semaphore_mem>>)
      %dma_start3A_492 = arith.constant 240 : i32
      %dma_start3A_493 = tpu.memref_slice %arg21[%dma_start3A_492] : memref<400xf32, #tpu.memory_space<vmem>> -> memref<80xf32, #tpu.memory_space<vmem>>
      %dma_start3A_494 = arith.constant 240 : i32
      %dma_start3A_495 = tpu.memref_slice %arg13[%dma_start3A_494] : memref<400xi32, #tpu.memory_space<vmem>> -> memref<80xi32, #tpu.memory_space<vmem>>
      %dma_start3A_496 = arith.constant 0 : i32
      %dma_start3A_497 = tpu.memref_slice %arg29[%dma_start3A_496] : memref<100000xf32, #tpu.memory_space<vmem_shared>> -> memref<100000xf32, #tpu.memory_space<vmem_shared>>
      tpu.enqueue_indirect_dma source(%dma_start3A_497 : memref<100000xf32, #tpu.memory_space<vmem_shared>>) target(%dma_start3A_493 : memref<80xf32, #tpu.memory_space<vmem>>) offsets(%dma_start3A_495 : memref<80xi32, #tpu.memory_space<vmem>>) semaphore(%arg26 : memref<!tpu.dma_semaphore, #tpu.memory_space<semaphore_mem>>)
      %dma_start3A_498 = arith.constant 320 : i32
      %dma_start3A_499 = tpu.memref_slice %arg21[%dma_start3A_498] : memref<400xf32, #tpu.memory_space<vmem>> -> memref<80xf32, #tpu.memory_space<vmem>>
      %dma_start3A_500 = arith.constant 320 : i32
      %dma_start3A_501 = tpu.memref_slice %arg13[%dma_start3A_500] : memref<400xi32, #tpu.memory_space<vmem>> -> memref<80xi32, #tpu.memory_space<vmem>>
      %dma_start3A_502 = arith.constant 0 : i32
      %dma_start3A_503 = tpu.memref_slice %arg29[%dma_start3A_502] : memref<100000xf32, #tpu.memory_space<vmem_shared>> -> memref<100000xf32, #tpu.memory_space<vmem_shared>>
      tpu.enqueue_indirect_dma source(%dma_start3A_503 : memref<100000xf32, #tpu.memory_space<vmem_shared>>) target(%dma_start3A_499 : memref<80xf32, #tpu.memory_space<vmem>>) offsets(%dma_start3A_501 : memref<80xi32, #tpu.memory_space<vmem>>) semaphore(%arg26 : memref<!tpu.dma_semaphore, #tpu.memory_space<semaphore_mem>>)
      %ge3A_504 = arith.constant 1 : i32
      %ge3A_505 = arith.cmpi sge, %add3A_384, %ge3A_504 : i32
      %convert_element_type3A_506 = arith.extui %ge3A_505 : i1 to i32
      %cond3A_507 = arith.constant 0 : i32
      %cond3A_508 = arith.cmpi ne, %convert_element_type3A_506, %cond3A_507 : i32
      scf.if %cond3A_508 {
        %dma_wait3A_600 = arith.constant 0 : i32
        %dma_wait3A_601 = arith.constant 0 : i32
        %dma_wait3A_602 = arith.constant 0 : i32
        %dma_wait3A_603 = tpu.memref_slice %arg22[%dma_wait3A_601, %dma_wait3A_602] : memref<400x16xf32, #tpu.memory_space<vmem>> -> memref<80x16xf32, #tpu.memory_space<vmem>>
        %dma_wait3A_604 = arith.constant 0 : i32
        %dma_wait3A_605 = tpu.memref_slice %arg14[%dma_wait3A_600, %dma_wait3A_604] : memref<5x80xi32, #tpu.memory_space<vmem>> -> memref<1x80xi32, #tpu.memory_space<vmem>>
        %dma_wait3A_606 = tpu.memref_squeeze %dma_wait3A_605 : memref<1x80xi32, #tpu.memory_space<vmem>> -> memref<80xi32, #tpu.memory_space<vmem>>
        %dma_wait3A_607 = arith.constant 0 : i32
        %dma_wait3A_608 = arith.constant 0 : i32
        %dma_wait3A_609 = tpu.memref_slice %arg30[%dma_wait3A_607, %dma_wait3A_608] : memref<100096x16xf32, #tpu.memory_space<vmem_shared>> -> memref<100096x16xf32, #tpu.memory_space<vmem_shared>>
        tpu.wait_indirect_dma semaphore(%arg27 : memref<!tpu.dma_semaphore, #tpu.memory_space<semaphore_mem>>) src(%dma_wait3A_603 : memref<80x16xf32, #tpu.memory_space<vmem>>) dst(%dma_wait3A_609 : memref<100096x16xf32, #tpu.memory_space<vmem_shared>>)
        %dma_wait3A_610 = arith.constant 1 : i32
        %dma_wait3A_611 = arith.constant 80 : i32
        %dma_wait3A_612 = arith.constant 0 : i32
        %dma_wait3A_613 = tpu.memref_slice %arg22[%dma_wait3A_611, %dma_wait3A_612] : memref<400x16xf32, #tpu.memory_space<vmem>> -> memref<80x16xf32, #tpu.memory_space<vmem>>
        %dma_wait3A_614 = arith.constant 0 : i32
        %dma_wait3A_615 = tpu.memref_slice %arg14[%dma_wait3A_610, %dma_wait3A_614] : memref<5x80xi32, #tpu.memory_space<vmem>> -> memref<1x80xi32, #tpu.memory_space<vmem>>
        %dma_wait3A_616 = tpu.memref_squeeze %dma_wait3A_615 : memref<1x80xi32, #tpu.memory_space<vmem>> -> memref<80xi32, #tpu.memory_space<vmem>>
        %dma_wait3A_617 = arith.constant 0 : i32
        %dma_wait3A_618 = arith.constant 0 : i32
        %dma_wait3A_619 = tpu.memref_slice %arg30[%dma_wait3A_617, %dma_wait3A_618] : memref<100096x16xf32, #tpu.memory_space<vmem_shared>> -> memref<100096x16xf32, #tpu.memory_space<vmem_shared>>
        tpu.wait_indirect_dma semaphore(%arg27 : memref<!tpu.dma_semaphore, #tpu.memory_space<semaphore_mem>>) src(%dma_wait3A_613 : memref<80x16xf32, #tpu.memory_space<vmem>>) dst(%dma_wait3A_619 : memref<100096x16xf32, #tpu.memory_space<vmem_shared>>)
        %dma_wait3A_620 = arith.constant 2 : i32
        %dma_wait3A_621 = arith.constant 160 : i32
        %dma_wait3A_622 = arith.constant 0 : i32
        %dma_wait3A_623 = tpu.memref_slice %arg22[%dma_wait3A_621, %dma_wait3A_622] : memref<400x16xf32, #tpu.memory_space<vmem>> -> memref<80x16xf32, #tpu.memory_space<vmem>>
        %dma_wait3A_624 = arith.constant 0 : i32
        %dma_wait3A_625 = tpu.memref_slice %arg14[%dma_wait3A_620, %dma_wait3A_624] : memref<5x80xi32, #tpu.memory_space<vmem>> -> memref<1x80xi32, #tpu.memory_space<vmem>>
        %dma_wait3A_626 = tpu.memref_squeeze %dma_wait3A_625 : memref<1x80xi32, #tpu.memory_space<vmem>> -> memref<80xi32, #tpu.memory_space<vmem>>
        %dma_wait3A_627 = arith.constant 0 : i32
        %dma_wait3A_628 = arith.constant 0 : i32
        %dma_wait3A_629 = tpu.memref_slice %arg30[%dma_wait3A_627, %dma_wait3A_628] : memref<100096x16xf32, #tpu.memory_space<vmem_shared>> -> memref<100096x16xf32, #tpu.memory_space<vmem_shared>>
        tpu.wait_indirect_dma semaphore(%arg27 : memref<!tpu.dma_semaphore, #tpu.memory_space<semaphore_mem>>) src(%dma_wait3A_623 : memref<80x16xf32, #tpu.memory_space<vmem>>) dst(%dma_wait3A_629 : memref<100096x16xf32, #tpu.memory_space<vmem_shared>>)
        %dma_wait3A_630 = arith.constant 3 : i32
        %dma_wait3A_631 = arith.constant 240 : i32
        %dma_wait3A_632 = arith.constant 0 : i32
        %dma_wait3A_633 = tpu.memref_slice %arg22[%dma_wait3A_631, %dma_wait3A_632] : memref<400x16xf32, #tpu.memory_space<vmem>> -> memref<80x16xf32, #tpu.memory_space<vmem>>
        %dma_wait3A_634 = arith.constant 0 : i32
        %dma_wait3A_635 = tpu.memref_slice %arg14[%dma_wait3A_630, %dma_wait3A_634] : memref<5x80xi32, #tpu.memory_space<vmem>> -> memref<1x80xi32, #tpu.memory_space<vmem>>
        %dma_wait3A_636 = tpu.memref_squeeze %dma_wait3A_635 : memref<1x80xi32, #tpu.memory_space<vmem>> -> memref<80xi32, #tpu.memory_space<vmem>>
        %dma_wait3A_637 = arith.constant 0 : i32
        %dma_wait3A_638 = arith.constant 0 : i32
        %dma_wait3A_639 = tpu.memref_slice %arg30[%dma_wait3A_637, %dma_wait3A_638] : memref<100096x16xf32, #tpu.memory_space<vmem_shared>> -> memref<100096x16xf32, #tpu.memory_space<vmem_shared>>
        tpu.wait_indirect_dma semaphore(%arg27 : memref<!tpu.dma_semaphore, #tpu.memory_space<semaphore_mem>>) src(%dma_wait3A_633 : memref<80x16xf32, #tpu.memory_space<vmem>>) dst(%dma_wait3A_639 : memref<100096x16xf32, #tpu.memory_space<vmem_shared>>)
        %dma_wait3A_640 = arith.constant 4 : i32
        %dma_wait3A_641 = arith.constant 320 : i32
        %dma_wait3A_642 = arith.constant 0 : i32
        %dma_wait3A_643 = tpu.memref_slice %arg22[%dma_wait3A_641, %dma_wait3A_642] : memref<400x16xf32, #tpu.memory_space<vmem>> -> memref<80x16xf32, #tpu.memory_space<vmem>>
        %dma_wait3A_644 = arith.constant 0 : i32
        %dma_wait3A_645 = tpu.memref_slice %arg14[%dma_wait3A_640, %dma_wait3A_644] : memref<5x80xi32, #tpu.memory_space<vmem>> -> memref<1x80xi32, #tpu.memory_space<vmem>>
        %dma_wait3A_646 = tpu.memref_squeeze %dma_wait3A_645 : memref<1x80xi32, #tpu.memory_space<vmem>> -> memref<80xi32, #tpu.memory_space<vmem>>
        %dma_wait3A_647 = arith.constant 0 : i32
        %dma_wait3A_648 = arith.constant 0 : i32
        %dma_wait3A_649 = tpu.memref_slice %arg30[%dma_wait3A_647, %dma_wait3A_648] : memref<100096x16xf32, #tpu.memory_space<vmem_shared>> -> memref<100096x16xf32, #tpu.memory_space<vmem_shared>>
        tpu.wait_indirect_dma semaphore(%arg27 : memref<!tpu.dma_semaphore, #tpu.memory_space<semaphore_mem>>) src(%dma_wait3A_643 : memref<80x16xf32, #tpu.memory_space<vmem>>) dst(%dma_wait3A_649 : memref<100096x16xf32, #tpu.memory_space<vmem_shared>>)
      } else {
      }
      %add3A_509 = arith.constant 1 : i32
      %add3A_510 = arith.addi %add3A_384, %add3A_509 : i32
      %lt3A_511 = arith.constant 250 : i32
      %lt3A_512 = arith.cmpi slt, %add3A_510, %lt3A_511 : i32
      %convert_element_type3A_513 = arith.extui %lt3A_512 : i1 to i32
      %cond3A_514 = arith.constant 0 : i32
      %cond3A_515 = arith.cmpi ne, %convert_element_type3A_513, %cond3A_514 : i32
      scf.if %cond3A_515 {
        %add3A_600 = arith.constant 1 : i32
        %add3A_601 = arith.addi %add3A_384, %add3A_600 : i32
        %mul3A_602 = arith.constant 400 : i32
        %mul3A_603 = arith.muli %add3A_601, %mul3A_602 : i32
        %add3A_604 = arith.addi %mul3A_19, %mul3A_603 : i32
        %dma_start3A_605 = tpu.memref_slice %arg2[%add3A_604] : memref<3200000xi32, #tpu.memory_space<hbm>> -> memref<400xi32, #tpu.memory_space<hbm>>
        %dma_start3A_606 = tpu.memref_slice %arg2[%add3A_604] : memref<3200000xi32, #tpu.memory_space<hbm>> -> memref<400xi32, #tpu.memory_space<hbm>>
        tpu.enqueue_dma source(%dma_start3A_606 : memref<400xi32, #tpu.memory_space<hbm>>) target(%arg12 : memref<400xi32, #tpu.memory_space<vmem>>) target_semaphore(%arg24 : memref<!tpu.dma_semaphore, #tpu.memory_space<semaphore_mem>>)
        %dma_start3A_607 = tpu.memref_slice %arg4[%add3A_604] : memref<3200000xi32, #tpu.memory_space<hbm>> -> memref<400xi32, #tpu.memory_space<hbm>>
        %dma_start3A_608 = tpu.memref_slice %arg4[%add3A_604] : memref<3200000xi32, #tpu.memory_space<hbm>> -> memref<400xi32, #tpu.memory_space<hbm>>
        tpu.enqueue_dma source(%dma_start3A_608 : memref<400xi32, #tpu.memory_space<hbm>>) target(%arg16 : memref<400xi32, #tpu.memory_space<vmem>>) target_semaphore(%arg24 : memref<!tpu.dma_semaphore, #tpu.memory_space<semaphore_mem>>)
        %dma_start3A_609 = arith.constant 0 : i32
        %dma_start3A_610 = arith.constant 0 : i32
        %dma_start3A_611 = tpu.memref_slice %arg18[%dma_start3A_609, %dma_start3A_610] : memref<3x400xf32, #tpu.memory_space<vmem>> -> memref<1x400xf32, #tpu.memory_space<vmem>>
        %dma_start3A_612 = tpu.memref_squeeze %dma_start3A_611 : memref<1x400xf32, #tpu.memory_space<vmem>> -> memref<400xf32, #tpu.memory_space<vmem>>
        %dma_start3A_613 = tpu.memref_slice %arg5[%add3A_604] : memref<3200000xf32, #tpu.memory_space<hbm>> -> memref<400xf32, #tpu.memory_space<hbm>>
        %dma_start3A_614 = arith.constant 0 : i32
        %dma_start3A_615 = tpu.memref_slice %arg18[%dma_start3A_609, %dma_start3A_614] : memref<3x400xf32, #tpu.memory_space<vmem>> -> memref<1x400xf32, #tpu.memory_space<vmem>>
        %dma_start3A_616 = tpu.memref_squeeze %dma_start3A_615 : memref<1x400xf32, #tpu.memory_space<vmem>> -> memref<400xf32, #tpu.memory_space<vmem>>
        %dma_start3A_617 = tpu.memref_slice %arg5[%add3A_604] : memref<3200000xf32, #tpu.memory_space<hbm>> -> memref<400xf32, #tpu.memory_space<hbm>>
        tpu.enqueue_dma source(%dma_start3A_617 : memref<400xf32, #tpu.memory_space<hbm>>) target(%dma_start3A_616 : memref<400xf32, #tpu.memory_space<vmem>>) target_semaphore(%arg24 : memref<!tpu.dma_semaphore, #tpu.memory_space<semaphore_mem>>)
        %dma_start3A_618 = arith.constant 1 : i32
        %dma_start3A_619 = arith.constant 0 : i32
        %dma_start3A_620 = tpu.memref_slice %arg18[%dma_start3A_618, %dma_start3A_619] : memref<3x400xf32, #tpu.memory_space<vmem>> -> memref<1x400xf32, #tpu.memory_space<vmem>>
        %dma_start3A_621 = tpu.memref_squeeze %dma_start3A_620 : memref<1x400xf32, #tpu.memory_space<vmem>> -> memref<400xf32, #tpu.memory_space<vmem>>
        %dma_start3A_622 = tpu.memref_slice %arg6[%add3A_604] : memref<3200000xf32, #tpu.memory_space<hbm>> -> memref<400xf32, #tpu.memory_space<hbm>>
        %dma_start3A_623 = arith.constant 0 : i32
        %dma_start3A_624 = tpu.memref_slice %arg18[%dma_start3A_618, %dma_start3A_623] : memref<3x400xf32, #tpu.memory_space<vmem>> -> memref<1x400xf32, #tpu.memory_space<vmem>>
        %dma_start3A_625 = tpu.memref_squeeze %dma_start3A_624 : memref<1x400xf32, #tpu.memory_space<vmem>> -> memref<400xf32, #tpu.memory_space<vmem>>
        %dma_start3A_626 = tpu.memref_slice %arg6[%add3A_604] : memref<3200000xf32, #tpu.memory_space<hbm>> -> memref<400xf32, #tpu.memory_space<hbm>>
        tpu.enqueue_dma source(%dma_start3A_626 : memref<400xf32, #tpu.memory_space<hbm>>) target(%dma_start3A_625 : memref<400xf32, #tpu.memory_space<vmem>>) target_semaphore(%arg24 : memref<!tpu.dma_semaphore, #tpu.memory_space<semaphore_mem>>)
        %dma_start3A_627 = arith.constant 2 : i32
        %dma_start3A_628 = arith.constant 0 : i32
        %dma_start3A_629 = tpu.memref_slice %arg18[%dma_start3A_627, %dma_start3A_628] : memref<3x400xf32, #tpu.memory_space<vmem>> -> memref<1x400xf32, #tpu.memory_space<vmem>>
        %dma_start3A_630 = tpu.memref_squeeze %dma_start3A_629 : memref<1x400xf32, #tpu.memory_space<vmem>> -> memref<400xf32, #tpu.memory_space<vmem>>
        %dma_start3A_631 = tpu.memref_slice %arg7[%add3A_604] : memref<3200000xf32, #tpu.memory_space<hbm>> -> memref<400xf32, #tpu.memory_space<hbm>>
        %dma_start3A_632 = arith.constant 0 : i32
        %dma_start3A_633 = tpu.memref_slice %arg18[%dma_start3A_627, %dma_start3A_632] : memref<3x400xf32, #tpu.memory_space<vmem>> -> memref<1x400xf32, #tpu.memory_space<vmem>>
        %dma_start3A_634 = tpu.memref_squeeze %dma_start3A_633 : memref<1x400xf32, #tpu.memory_space<vmem>> -> memref<400xf32, #tpu.memory_space<vmem>>
        %dma_start3A_635 = tpu.memref_slice %arg7[%add3A_604] : memref<3200000xf32, #tpu.memory_space<hbm>> -> memref<400xf32, #tpu.memory_space<hbm>>
        tpu.enqueue_dma source(%dma_start3A_635 : memref<400xf32, #tpu.memory_space<hbm>>) target(%dma_start3A_634 : memref<400xf32, #tpu.memory_space<vmem>>) target_semaphore(%arg24 : memref<!tpu.dma_semaphore, #tpu.memory_space<semaphore_mem>>)
        %add3A_636 = arith.constant 0 : i32
        %add3A_637 = arith.addi %add3A_604, %add3A_636 : i32
        %dma_start3A_638 = arith.constant 0 : i32
        %dma_start3A_639 = arith.constant 0 : i32
        %dma_start3A_640 = tpu.memref_slice %arg14[%dma_start3A_638, %dma_start3A_639] : memref<5x80xi32, #tpu.memory_space<vmem>> -> memref<1x80xi32, #tpu.memory_space<vmem>>
        %dma_start3A_641 = tpu.memref_squeeze %dma_start3A_640 : memref<1x80xi32, #tpu.memory_space<vmem>> -> memref<80xi32, #tpu.memory_space<vmem>>
        %dma_start3A_642 = tpu.memref_slice %arg3[%add3A_637] : memref<3200000xi32, #tpu.memory_space<hbm>> -> memref<80xi32, #tpu.memory_space<hbm>>
        %dma_start3A_643 = arith.constant 0 : i32
        %dma_start3A_644 = tpu.memref_slice %arg14[%dma_start3A_638, %dma_start3A_643] : memref<5x80xi32, #tpu.memory_space<vmem>> -> memref<1x80xi32, #tpu.memory_space<vmem>>
        %dma_start3A_645 = tpu.memref_squeeze %dma_start3A_644 : memref<1x80xi32, #tpu.memory_space<vmem>> -> memref<80xi32, #tpu.memory_space<vmem>>
        %dma_start3A_646 = tpu.memref_slice %arg3[%add3A_637] : memref<3200000xi32, #tpu.memory_space<hbm>> -> memref<80xi32, #tpu.memory_space<hbm>>
        tpu.enqueue_dma source(%dma_start3A_646 : memref<80xi32, #tpu.memory_space<hbm>>) target(%dma_start3A_645 : memref<80xi32, #tpu.memory_space<vmem>>) target_semaphore(%arg24 : memref<!tpu.dma_semaphore, #tpu.memory_space<semaphore_mem>>)
        %add3A_647 = arith.constant 80 : i32
        %add3A_648 = arith.addi %add3A_604, %add3A_647 : i32
        %dma_start3A_649 = arith.constant 1 : i32
        %dma_start3A_650 = arith.constant 0 : i32
        %dma_start3A_651 = tpu.memref_slice %arg14[%dma_start3A_649, %dma_start3A_650] : memref<5x80xi32, #tpu.memory_space<vmem>> -> memref<1x80xi32, #tpu.memory_space<vmem>>
        %dma_start3A_652 = tpu.memref_squeeze %dma_start3A_651 : memref<1x80xi32, #tpu.memory_space<vmem>> -> memref<80xi32, #tpu.memory_space<vmem>>
        %dma_start3A_653 = tpu.memref_slice %arg3[%add3A_648] : memref<3200000xi32, #tpu.memory_space<hbm>> -> memref<80xi32, #tpu.memory_space<hbm>>
        %dma_start3A_654 = arith.constant 0 : i32
        %dma_start3A_655 = tpu.memref_slice %arg14[%dma_start3A_649, %dma_start3A_654] : memref<5x80xi32, #tpu.memory_space<vmem>> -> memref<1x80xi32, #tpu.memory_space<vmem>>
        %dma_start3A_656 = tpu.memref_squeeze %dma_start3A_655 : memref<1x80xi32, #tpu.memory_space<vmem>> -> memref<80xi32, #tpu.memory_space<vmem>>
        %dma_start3A_657 = tpu.memref_slice %arg3[%add3A_648] : memref<3200000xi32, #tpu.memory_space<hbm>> -> memref<80xi32, #tpu.memory_space<hbm>>
        tpu.enqueue_dma source(%dma_start3A_657 : memref<80xi32, #tpu.memory_space<hbm>>) target(%dma_start3A_656 : memref<80xi32, #tpu.memory_space<vmem>>) target_semaphore(%arg24 : memref<!tpu.dma_semaphore, #tpu.memory_space<semaphore_mem>>)
        %add3A_658 = arith.constant 160 : i32
        %add3A_659 = arith.addi %add3A_604, %add3A_658 : i32
        %dma_start3A_660 = arith.constant 2 : i32
        %dma_start3A_661 = arith.constant 0 : i32
        %dma_start3A_662 = tpu.memref_slice %arg14[%dma_start3A_660, %dma_start3A_661] : memref<5x80xi32, #tpu.memory_space<vmem>> -> memref<1x80xi32, #tpu.memory_space<vmem>>
        %dma_start3A_663 = tpu.memref_squeeze %dma_start3A_662 : memref<1x80xi32, #tpu.memory_space<vmem>> -> memref<80xi32, #tpu.memory_space<vmem>>
        %dma_start3A_664 = tpu.memref_slice %arg3[%add3A_659] : memref<3200000xi32, #tpu.memory_space<hbm>> -> memref<80xi32, #tpu.memory_space<hbm>>
        %dma_start3A_665 = arith.constant 0 : i32
        %dma_start3A_666 = tpu.memref_slice %arg14[%dma_start3A_660, %dma_start3A_665] : memref<5x80xi32, #tpu.memory_space<vmem>> -> memref<1x80xi32, #tpu.memory_space<vmem>>
        %dma_start3A_667 = tpu.memref_squeeze %dma_start3A_666 : memref<1x80xi32, #tpu.memory_space<vmem>> -> memref<80xi32, #tpu.memory_space<vmem>>
        %dma_start3A_668 = tpu.memref_slice %arg3[%add3A_659] : memref<3200000xi32, #tpu.memory_space<hbm>> -> memref<80xi32, #tpu.memory_space<hbm>>
        tpu.enqueue_dma source(%dma_start3A_668 : memref<80xi32, #tpu.memory_space<hbm>>) target(%dma_start3A_667 : memref<80xi32, #tpu.memory_space<vmem>>) target_semaphore(%arg24 : memref<!tpu.dma_semaphore, #tpu.memory_space<semaphore_mem>>)
        %add3A_669 = arith.constant 240 : i32
        %add3A_670 = arith.addi %add3A_604, %add3A_669 : i32
        %dma_start3A_671 = arith.constant 3 : i32
        %dma_start3A_672 = arith.constant 0 : i32
        %dma_start3A_673 = tpu.memref_slice %arg14[%dma_start3A_671, %dma_start3A_672] : memref<5x80xi32, #tpu.memory_space<vmem>> -> memref<1x80xi32, #tpu.memory_space<vmem>>
        %dma_start3A_674 = tpu.memref_squeeze %dma_start3A_673 : memref<1x80xi32, #tpu.memory_space<vmem>> -> memref<80xi32, #tpu.memory_space<vmem>>
        %dma_start3A_675 = tpu.memref_slice %arg3[%add3A_670] : memref<3200000xi32, #tpu.memory_space<hbm>> -> memref<80xi32, #tpu.memory_space<hbm>>
        %dma_start3A_676 = arith.constant 0 : i32
        %dma_start3A_677 = tpu.memref_slice %arg14[%dma_start3A_671, %dma_start3A_676] : memref<5x80xi32, #tpu.memory_space<vmem>> -> memref<1x80xi32, #tpu.memory_space<vmem>>
        %dma_start3A_678 = tpu.memref_squeeze %dma_start3A_677 : memref<1x80xi32, #tpu.memory_space<vmem>> -> memref<80xi32, #tpu.memory_space<vmem>>
        %dma_start3A_679 = tpu.memref_slice %arg3[%add3A_670] : memref<3200000xi32, #tpu.memory_space<hbm>> -> memref<80xi32, #tpu.memory_space<hbm>>
        tpu.enqueue_dma source(%dma_start3A_679 : memref<80xi32, #tpu.memory_space<hbm>>) target(%dma_start3A_678 : memref<80xi32, #tpu.memory_space<vmem>>) target_semaphore(%arg24 : memref<!tpu.dma_semaphore, #tpu.memory_space<semaphore_mem>>)
        %add3A_680 = arith.constant 320 : i32
        %add3A_681 = arith.addi %add3A_604, %add3A_680 : i32
        %dma_start3A_682 = arith.constant 4 : i32
        %dma_start3A_683 = arith.constant 0 : i32
        %dma_start3A_684 = tpu.memref_slice %arg14[%dma_start3A_682, %dma_start3A_683] : memref<5x80xi32, #tpu.memory_space<vmem>> -> memref<1x80xi32, #tpu.memory_space<vmem>>
        %dma_start3A_685 = tpu.memref_squeeze %dma_start3A_684 : memref<1x80xi32, #tpu.memory_space<vmem>> -> memref<80xi32, #tpu.memory_space<vmem>>
        %dma_start3A_686 = tpu.memref_slice %arg3[%add3A_681] : memref<3200000xi32, #tpu.memory_space<hbm>> -> memref<80xi32, #tpu.memory_space<hbm>>
        %dma_start3A_687 = arith.constant 0 : i32
        %dma_start3A_688 = tpu.memref_slice %arg14[%dma_start3A_682, %dma_start3A_687] : memref<5x80xi32, #tpu.memory_space<vmem>> -> memref<1x80xi32, #tpu.memory_space<vmem>>
        %dma_start3A_689 = tpu.memref_squeeze %dma_start3A_688 : memref<1x80xi32, #tpu.memory_space<vmem>> -> memref<80xi32, #tpu.memory_space<vmem>>
        %dma_start3A_690 = tpu.memref_slice %arg3[%add3A_681] : memref<3200000xi32, #tpu.memory_space<hbm>> -> memref<80xi32, #tpu.memory_space<hbm>>
        tpu.enqueue_dma source(%dma_start3A_690 : memref<80xi32, #tpu.memory_space<hbm>>) target(%dma_start3A_689 : memref<80xi32, #tpu.memory_space<vmem>>) target_semaphore(%arg24 : memref<!tpu.dma_semaphore, #tpu.memory_space<semaphore_mem>>)
      } else {
      }
      %dma_wait3A_516 = arith.constant 0 : i32
      %dma_wait3A_517 = tpu.memref_slice %arg21[%dma_wait3A_516] : memref<400xf32, #tpu.memory_space<vmem>> -> memref<80xf32, #tpu.memory_space<vmem>>
      %dma_wait3A_518 = arith.constant 0 : i32
      %dma_wait3A_519 = tpu.memref_slice %arg13[%dma_wait3A_518] : memref<400xi32, #tpu.memory_space<vmem>> -> memref<80xi32, #tpu.memory_space<vmem>>
      %dma_wait3A_520 = arith.constant 0 : i32
      %dma_wait3A_521 = tpu.memref_slice %arg29[%dma_wait3A_520] : memref<100000xf32, #tpu.memory_space<vmem_shared>> -> memref<100000xf32, #tpu.memory_space<vmem_shared>>
      tpu.wait_indirect_dma semaphore(%arg26 : memref<!tpu.dma_semaphore, #tpu.memory_space<semaphore_mem>>) src(%dma_wait3A_521 : memref<100000xf32, #tpu.memory_space<vmem_shared>>) dst(%dma_wait3A_517 : memref<80xf32, #tpu.memory_space<vmem>>)
      %dma_wait3A_522 = arith.constant 80 : i32
      %dma_wait3A_523 = tpu.memref_slice %arg21[%dma_wait3A_522] : memref<400xf32, #tpu.memory_space<vmem>> -> memref<80xf32, #tpu.memory_space<vmem>>
      %dma_wait3A_524 = arith.constant 80 : i32
      %dma_wait3A_525 = tpu.memref_slice %arg13[%dma_wait3A_524] : memref<400xi32, #tpu.memory_space<vmem>> -> memref<80xi32, #tpu.memory_space<vmem>>
      %dma_wait3A_526 = arith.constant 0 : i32
      %dma_wait3A_527 = tpu.memref_slice %arg29[%dma_wait3A_526] : memref<100000xf32, #tpu.memory_space<vmem_shared>> -> memref<100000xf32, #tpu.memory_space<vmem_shared>>
      tpu.wait_indirect_dma semaphore(%arg26 : memref<!tpu.dma_semaphore, #tpu.memory_space<semaphore_mem>>) src(%dma_wait3A_527 : memref<100000xf32, #tpu.memory_space<vmem_shared>>) dst(%dma_wait3A_523 : memref<80xf32, #tpu.memory_space<vmem>>)
      %dma_wait3A_528 = arith.constant 160 : i32
      %dma_wait3A_529 = tpu.memref_slice %arg21[%dma_wait3A_528] : memref<400xf32, #tpu.memory_space<vmem>> -> memref<80xf32, #tpu.memory_space<vmem>>
      %dma_wait3A_530 = arith.constant 160 : i32
      %dma_wait3A_531 = tpu.memref_slice %arg13[%dma_wait3A_530] : memref<400xi32, #tpu.memory_space<vmem>> -> memref<80xi32, #tpu.memory_space<vmem>>
      %dma_wait3A_532 = arith.constant 0 : i32
      %dma_wait3A_533 = tpu.memref_slice %arg29[%dma_wait3A_532] : memref<100000xf32, #tpu.memory_space<vmem_shared>> -> memref<100000xf32, #tpu.memory_space<vmem_shared>>
      tpu.wait_indirect_dma semaphore(%arg26 : memref<!tpu.dma_semaphore, #tpu.memory_space<semaphore_mem>>) src(%dma_wait3A_533 : memref<100000xf32, #tpu.memory_space<vmem_shared>>) dst(%dma_wait3A_529 : memref<80xf32, #tpu.memory_space<vmem>>)
      %dma_wait3A_534 = arith.constant 240 : i32
      %dma_wait3A_535 = tpu.memref_slice %arg21[%dma_wait3A_534] : memref<400xf32, #tpu.memory_space<vmem>> -> memref<80xf32, #tpu.memory_space<vmem>>
      %dma_wait3A_536 = arith.constant 240 : i32
      %dma_wait3A_537 = tpu.memref_slice %arg13[%dma_wait3A_536] : memref<400xi32, #tpu.memory_space<vmem>> -> memref<80xi32, #tpu.memory_space<vmem>>
      %dma_wait3A_538 = arith.constant 0 : i32
      %dma_wait3A_539 = tpu.memref_slice %arg29[%dma_wait3A_538] : memref<100000xf32, #tpu.memory_space<vmem_shared>> -> memref<100000xf32, #tpu.memory_space<vmem_shared>>
      tpu.wait_indirect_dma semaphore(%arg26 : memref<!tpu.dma_semaphore, #tpu.memory_space<semaphore_mem>>) src(%dma_wait3A_539 : memref<100000xf32, #tpu.memory_space<vmem_shared>>) dst(%dma_wait3A_535 : memref<80xf32, #tpu.memory_space<vmem>>)
      %dma_wait3A_540 = arith.constant 320 : i32
      %dma_wait3A_541 = tpu.memref_slice %arg21[%dma_wait3A_540] : memref<400xf32, #tpu.memory_space<vmem>> -> memref<80xf32, #tpu.memory_space<vmem>>
      %dma_wait3A_542 = arith.constant 320 : i32
      %dma_wait3A_543 = tpu.memref_slice %arg13[%dma_wait3A_542] : memref<400xi32, #tpu.memory_space<vmem>> -> memref<80xi32, #tpu.memory_space<vmem>>
      %dma_wait3A_544 = arith.constant 0 : i32
      %dma_wait3A_545 = tpu.memref_slice %arg29[%dma_wait3A_544] : memref<100000xf32, #tpu.memory_space<vmem_shared>> -> memref<100000xf32, #tpu.memory_space<vmem_shared>>
      tpu.wait_indirect_dma semaphore(%arg26 : memref<!tpu.dma_semaphore, #tpu.memory_space<semaphore_mem>>) src(%dma_wait3A_545 : memref<100000xf32, #tpu.memory_space<vmem_shared>>) dst(%dma_wait3A_541 : memref<80xf32, #tpu.memory_space<vmem>>)
      %parallel_loop3A_546 = arith.constant 0 : i32
      %parallel_loop3A_547 = arith.constant 25 : i32
      %parallel_loop3A_548 = arith.constant 1 : i32
      scf.for %parallel_loop3A_600 = %parallel_loop3A_546 to %parallel_loop3A_547 step %parallel_loop3A_548  : i32 {
        %parallel_loop3A_601 = arith.constant 16 : i32
        %parallel_loop3A_602 = arith.muli %parallel_loop3A_600, %parallel_loop3A_601 : i32
        %parallel_loop3A_603 = vector.broadcast %parallel_loop3A_602 : i32 to vector<16xi32>
        %parallel_loop3A_604 = arith.addi %parallel_loop3A_603, %iota3A : vector<16xi32>
        %parallel_loop3A_605 = arith.index_cast %parallel_loop3A_602 : i32 to index
        %parallel_loop3A_606 = tpu.vector_load %arg21[%parallel_loop3A_605] {strides = array<i32>} : memref<400xf32, #tpu.memory_space<vmem>>, vector<16xf32>,
        %parallel_loop3A_607 = arith.index_cast %parallel_loop3A_602 : i32 to index
        %parallel_loop3A_608 = tpu.vector_load %arg17[%parallel_loop3A_607] {strides = array<i32>} : memref<400xi32, #tpu.memory_space<vmem>>, vector<16xi32>,
        %parallel_loop3A_609 = arith.constant 0 : i32
        %parallel_loop3A_610 = arith.index_cast %parallel_loop3A_609 : i32 to index
        %parallel_loop3A_611 = arith.index_cast %parallel_loop3A_602 : i32 to index
        %parallel_loop3A_612 = tpu.vector_load %arg19[%parallel_loop3A_610, %parallel_loop3A_611] {strides = array<i32>} : memref<3x400xf32, #tpu.memory_space<vmem>>, vector<16xf32>,
        %parallel_loop3A_613 = arith.constant 1 : i32
        %parallel_loop3A_614 = arith.index_cast %parallel_loop3A_613 : i32 to index
        %parallel_loop3A_615 = arith.index_cast %parallel_loop3A_602 : i32 to index
        %parallel_loop3A_616 = tpu.vector_load %arg19[%parallel_loop3A_614, %parallel_loop3A_615] {strides = array<i32>} : memref<3x400xf32, #tpu.memory_space<vmem>>, vector<16xf32>,
        %parallel_loop3A_617 = arith.constant 2 : i32
        %parallel_loop3A_618 = arith.index_cast %parallel_loop3A_617 : i32 to index
        %parallel_loop3A_619 = arith.index_cast %parallel_loop3A_602 : i32 to index
        %parallel_loop3A_620 = tpu.vector_load %arg19[%parallel_loop3A_618, %parallel_loop3A_619] {strides = array<i32>} : memref<3x400xf32, #tpu.memory_space<vmem>>, vector<16xf32>,
        %parallel_loop3A_621 = arith.constant 1.000000e+00 : f32
        %parallel_loop3A_622 = vector.broadcast %parallel_loop3A_621 : f32 to vector<16xf32>
        %parallel_loop3A_623 = arith.subf %parallel_loop3A_622, %parallel_loop3A_612 : vector<16xf32>
        %parallel_loop3A_624 = arith.constant 1.000000e+00 : f32
        %parallel_loop3A_625 = vector.broadcast %parallel_loop3A_624 : f32 to vector<16xf32>
        %parallel_loop3A_626 = arith.subf %parallel_loop3A_625, %parallel_loop3A_616 : vector<16xf32>
        %parallel_loop3A_627 = arith.constant 1.000000e+00 : f32
        %parallel_loop3A_628 = vector.broadcast %parallel_loop3A_627 : f32 to vector<16xf32>
        %parallel_loop3A_629 = arith.subf %parallel_loop3A_628, %parallel_loop3A_620 : vector<16xf32>
        %parallel_loop3A_630 = arith.constant 0.000000e+00 : f32
        %parallel_loop3A_631 = vector.broadcast %parallel_loop3A_630 : f32 to vector<16xf32>
        %parallel_loop3A_632 = arith.constant 0.000000e+00 : f32
        %parallel_loop3A_633 = vector.broadcast %parallel_loop3A_632 : f32 to vector<16xf32>
        %parallel_loop3A_634 = arith.constant 0.000000e+00 : f32
        %parallel_loop3A_635 = vector.broadcast %parallel_loop3A_634 : f32 to vector<16xf32>
        %parallel_loop3A_636 = arith.constant 0.000000e+00 : f32
        %parallel_loop3A_637 = vector.broadcast %parallel_loop3A_636 : f32 to vector<16xf32>
        %parallel_loop3A_638 = arith.constant 0.000000e+00 : f32
        %parallel_loop3A_639 = vector.broadcast %parallel_loop3A_638 : f32 to vector<16xf32>
        %parallel_loop3A_640 = arith.constant 0.000000e+00 : f32
        %parallel_loop3A_641 = vector.broadcast %parallel_loop3A_640 : f32 to vector<16xf32>
        %parallel_loop3A_642 = arith.constant 0.000000e+00 : f32
        %parallel_loop3A_643 = vector.broadcast %parallel_loop3A_642 : f32 to vector<16xf32>
        %parallel_loop3A_644 = arith.constant 0.000000e+00 : f32
        %parallel_loop3A_645 = vector.broadcast %parallel_loop3A_644 : f32 to vector<16xf32>
        %parallel_loop3A_646 = arith.constant 0.000000e+00 : f32
        %parallel_loop3A_647 = vector.broadcast %parallel_loop3A_646 : f32 to vector<16xf32>
        %parallel_loop3A_648 = arith.constant 0.000000e+00 : f32
        %parallel_loop3A_649 = vector.broadcast %parallel_loop3A_648 : f32 to vector<16xf32>
        %parallel_loop3A_650 = arith.constant 0.000000e+00 : f32
        %parallel_loop3A_651 = vector.broadcast %parallel_loop3A_650 : f32 to vector<16xf32>
        %parallel_loop3A_652 = arith.constant 0.000000e+00 : f32
        %parallel_loop3A_653 = vector.broadcast %parallel_loop3A_652 : f32 to vector<16xf32>
        %parallel_loop3A_654 = arith.constant 0.000000e+00 : f32
        %parallel_loop3A_655 = vector.broadcast %parallel_loop3A_654 : f32 to vector<16xf32>
        %parallel_loop3A_656 = arith.constant 0.000000e+00 : f32
        %parallel_loop3A_657 = vector.broadcast %parallel_loop3A_656 : f32 to vector<16xf32>
        %parallel_loop3A_658 = arith.constant 0.000000e+00 : f32
        %parallel_loop3A_659 = vector.broadcast %parallel_loop3A_658 : f32 to vector<16xf32>
        %parallel_loop3A_660 = arith.constant 0.000000e+00 : f32
        %parallel_loop3A_661 = vector.broadcast %parallel_loop3A_660 : f32 to vector<16xf32>
        %parallel_loop3A_662 = arith.mulf %parallel_loop3A_623, %parallel_loop3A_626 : vector<16xf32>
        %parallel_loop3A_663 = arith.mulf %parallel_loop3A_662, %parallel_loop3A_629 : vector<16xf32>
        %parallel_loop3A_664 = arith.mulf %parallel_loop3A_663, %parallel_loop3A_606 : vector<16xf32>
        %parallel_loop3A_665 = arith.constant 0 : i32
        %parallel_loop3A_666 = vector.broadcast %parallel_loop3A_665 : i32 to vector<16xi32>
        %parallel_loop3A_667 = arith.addi %parallel_loop3A_608, %parallel_loop3A_666 : vector<16xi32>
        %parallel_loop3A_668 = arith.constant 0 : i32
        %parallel_loop3A_669 = vector.broadcast %parallel_loop3A_668 : i32 to vector<16xi32>
        %parallel_loop3A_670 = arith.addi %parallel_loop3A_667, %parallel_loop3A_669 : vector<16xi32>
        %parallel_loop3A_671 = tpu.vector_load_idx %arg11[%parallel_loop3A_670] : memref<2000xf32, #tpu.memory_space<vmem>>[vector<16xi32>], vector<16xf32>,
        %parallel_loop3A_672 = arith.mulf %parallel_loop3A_671, %parallel_loop3A_664 : vector<16xf32>
        %parallel_loop3A_673 = arith.addf %parallel_loop3A_631, %parallel_loop3A_672 : vector<16xf32>
        %parallel_loop3A_674 = arith.constant 1 : i32
        %parallel_loop3A_675 = vector.broadcast %parallel_loop3A_674 : i32 to vector<16xi32>
        %parallel_loop3A_676 = arith.addi %parallel_loop3A_667, %parallel_loop3A_675 : vector<16xi32>
        %parallel_loop3A_677 = tpu.vector_load_idx %arg11[%parallel_loop3A_676] : memref<2000xf32, #tpu.memory_space<vmem>>[vector<16xi32>], vector<16xf32>,
        %parallel_loop3A_678 = arith.mulf %parallel_loop3A_677, %parallel_loop3A_664 : vector<16xf32>
        %parallel_loop3A_679 = arith.addf %parallel_loop3A_633, %parallel_loop3A_678 : vector<16xf32>
        %parallel_loop3A_680 = arith.constant 2 : i32
        %parallel_loop3A_681 = vector.broadcast %parallel_loop3A_680 : i32 to vector<16xi32>
        %parallel_loop3A_682 = arith.addi %parallel_loop3A_667, %parallel_loop3A_681 : vector<16xi32>
        %parallel_loop3A_683 = tpu.vector_load_idx %arg11[%parallel_loop3A_682] : memref<2000xf32, #tpu.memory_space<vmem>>[vector<16xi32>], vector<16xf32>,
        %parallel_loop3A_684 = arith.mulf %parallel_loop3A_683, %parallel_loop3A_664 : vector<16xf32>
        %parallel_loop3A_685 = arith.addf %parallel_loop3A_635, %parallel_loop3A_684 : vector<16xf32>
        %parallel_loop3A_686 = arith.constant 3 : i32
        %parallel_loop3A_687 = vector.broadcast %parallel_loop3A_686 : i32 to vector<16xi32>
        %parallel_loop3A_688 = arith.addi %parallel_loop3A_667, %parallel_loop3A_687 : vector<16xi32>
        %parallel_loop3A_689 = tpu.vector_load_idx %arg11[%parallel_loop3A_688] : memref<2000xf32, #tpu.memory_space<vmem>>[vector<16xi32>], vector<16xf32>,
        %parallel_loop3A_690 = arith.mulf %parallel_loop3A_689, %parallel_loop3A_664 : vector<16xf32>
        %parallel_loop3A_691 = arith.addf %parallel_loop3A_637, %parallel_loop3A_690 : vector<16xf32>
        %parallel_loop3A_692 = arith.constant 4 : i32
        %parallel_loop3A_693 = vector.broadcast %parallel_loop3A_692 : i32 to vector<16xi32>
        %parallel_loop3A_694 = arith.addi %parallel_loop3A_667, %parallel_loop3A_693 : vector<16xi32>
        %parallel_loop3A_695 = tpu.vector_load_idx %arg11[%parallel_loop3A_694] : memref<2000xf32, #tpu.memory_space<vmem>>[vector<16xi32>], vector<16xf32>,
        %parallel_loop3A_696 = arith.mulf %parallel_loop3A_695, %parallel_loop3A_664 : vector<16xf32>
        %parallel_loop3A_697 = arith.addf %parallel_loop3A_639, %parallel_loop3A_696 : vector<16xf32>
        %parallel_loop3A_698 = arith.constant 5 : i32
        %parallel_loop3A_699 = vector.broadcast %parallel_loop3A_698 : i32 to vector<16xi32>
        %parallel_loop3A_700 = arith.addi %parallel_loop3A_667, %parallel_loop3A_699 : vector<16xi32>
        %parallel_loop3A_701 = tpu.vector_load_idx %arg11[%parallel_loop3A_700] : memref<2000xf32, #tpu.memory_space<vmem>>[vector<16xi32>], vector<16xf32>,
        %parallel_loop3A_702 = arith.mulf %parallel_loop3A_701, %parallel_loop3A_664 : vector<16xf32>
        %parallel_loop3A_703 = arith.addf %parallel_loop3A_641, %parallel_loop3A_702 : vector<16xf32>
        %parallel_loop3A_704 = arith.constant 6 : i32
        %parallel_loop3A_705 = vector.broadcast %parallel_loop3A_704 : i32 to vector<16xi32>
        %parallel_loop3A_706 = arith.addi %parallel_loop3A_667, %parallel_loop3A_705 : vector<16xi32>
        %parallel_loop3A_707 = tpu.vector_load_idx %arg11[%parallel_loop3A_706] : memref<2000xf32, #tpu.memory_space<vmem>>[vector<16xi32>], vector<16xf32>,
        %parallel_loop3A_708 = arith.mulf %parallel_loop3A_707, %parallel_loop3A_664 : vector<16xf32>
        %parallel_loop3A_709 = arith.addf %parallel_loop3A_643, %parallel_loop3A_708 : vector<16xf32>
        %parallel_loop3A_710 = arith.constant 7 : i32
        %parallel_loop3A_711 = vector.broadcast %parallel_loop3A_710 : i32 to vector<16xi32>
        %parallel_loop3A_712 = arith.addi %parallel_loop3A_667, %parallel_loop3A_711 : vector<16xi32>
        %parallel_loop3A_713 = tpu.vector_load_idx %arg11[%parallel_loop3A_712] : memref<2000xf32, #tpu.memory_space<vmem>>[vector<16xi32>], vector<16xf32>,
        %parallel_loop3A_714 = arith.mulf %parallel_loop3A_713, %parallel_loop3A_664 : vector<16xf32>
        %parallel_loop3A_715 = arith.addf %parallel_loop3A_645, %parallel_loop3A_714 : vector<16xf32>
        %parallel_loop3A_716 = arith.constant 8 : i32
        %parallel_loop3A_717 = vector.broadcast %parallel_loop3A_716 : i32 to vector<16xi32>
        %parallel_loop3A_718 = arith.addi %parallel_loop3A_667, %parallel_loop3A_717 : vector<16xi32>
        %parallel_loop3A_719 = tpu.vector_load_idx %arg11[%parallel_loop3A_718] : memref<2000xf32, #tpu.memory_space<vmem>>[vector<16xi32>], vector<16xf32>,
        %parallel_loop3A_720 = arith.mulf %parallel_loop3A_719, %parallel_loop3A_664 : vector<16xf32>
        %parallel_loop3A_721 = arith.addf %parallel_loop3A_647, %parallel_loop3A_720 : vector<16xf32>
        %parallel_loop3A_722 = arith.constant 9 : i32
        %parallel_loop3A_723 = vector.broadcast %parallel_loop3A_722 : i32 to vector<16xi32>
        %parallel_loop3A_724 = arith.addi %parallel_loop3A_667, %parallel_loop3A_723 : vector<16xi32>
        %parallel_loop3A_725 = tpu.vector_load_idx %arg11[%parallel_loop3A_724] : memref<2000xf32, #tpu.memory_space<vmem>>[vector<16xi32>], vector<16xf32>,
        %parallel_loop3A_726 = arith.mulf %parallel_loop3A_725, %parallel_loop3A_664 : vector<16xf32>
        %parallel_loop3A_727 = arith.addf %parallel_loop3A_649, %parallel_loop3A_726 : vector<16xf32>
        %parallel_loop3A_728 = arith.constant 10 : i32
        %parallel_loop3A_729 = vector.broadcast %parallel_loop3A_728 : i32 to vector<16xi32>
        %parallel_loop3A_730 = arith.addi %parallel_loop3A_667, %parallel_loop3A_729 : vector<16xi32>
        %parallel_loop3A_731 = tpu.vector_load_idx %arg11[%parallel_loop3A_730] : memref<2000xf32, #tpu.memory_space<vmem>>[vector<16xi32>], vector<16xf32>,
        %parallel_loop3A_732 = arith.mulf %parallel_loop3A_731, %parallel_loop3A_664 : vector<16xf32>
        %parallel_loop3A_733 = arith.addf %parallel_loop3A_651, %parallel_loop3A_732 : vector<16xf32>
        %parallel_loop3A_734 = arith.constant 11 : i32
        %parallel_loop3A_735 = vector.broadcast %parallel_loop3A_734 : i32 to vector<16xi32>
        %parallel_loop3A_736 = arith.addi %parallel_loop3A_667, %parallel_loop3A_735 : vector<16xi32>
        %parallel_loop3A_737 = tpu.vector_load_idx %arg11[%parallel_loop3A_736] : memref<2000xf32, #tpu.memory_space<vmem>>[vector<16xi32>], vector<16xf32>,
        %parallel_loop3A_738 = arith.mulf %parallel_loop3A_737, %parallel_loop3A_664 : vector<16xf32>
        %parallel_loop3A_739 = arith.addf %parallel_loop3A_653, %parallel_loop3A_738 : vector<16xf32>
        %parallel_loop3A_740 = arith.constant 12 : i32
        %parallel_loop3A_741 = vector.broadcast %parallel_loop3A_740 : i32 to vector<16xi32>
        %parallel_loop3A_742 = arith.addi %parallel_loop3A_667, %parallel_loop3A_741 : vector<16xi32>
        %parallel_loop3A_743 = tpu.vector_load_idx %arg11[%parallel_loop3A_742] : memref<2000xf32, #tpu.memory_space<vmem>>[vector<16xi32>], vector<16xf32>,
        %parallel_loop3A_744 = arith.mulf %parallel_loop3A_743, %parallel_loop3A_664 : vector<16xf32>
        %parallel_loop3A_745 = arith.addf %parallel_loop3A_655, %parallel_loop3A_744 : vector<16xf32>
        %parallel_loop3A_746 = arith.constant 13 : i32
        %parallel_loop3A_747 = vector.broadcast %parallel_loop3A_746 : i32 to vector<16xi32>
        %parallel_loop3A_748 = arith.addi %parallel_loop3A_667, %parallel_loop3A_747 : vector<16xi32>
        %parallel_loop3A_749 = tpu.vector_load_idx %arg11[%parallel_loop3A_748] : memref<2000xf32, #tpu.memory_space<vmem>>[vector<16xi32>], vector<16xf32>,
        %parallel_loop3A_750 = arith.mulf %parallel_loop3A_749, %parallel_loop3A_664 : vector<16xf32>
        %parallel_loop3A_751 = arith.addf %parallel_loop3A_657, %parallel_loop3A_750 : vector<16xf32>
        %parallel_loop3A_752 = arith.constant 14 : i32
        %parallel_loop3A_753 = vector.broadcast %parallel_loop3A_752 : i32 to vector<16xi32>
        %parallel_loop3A_754 = arith.addi %parallel_loop3A_667, %parallel_loop3A_753 : vector<16xi32>
        %parallel_loop3A_755 = tpu.vector_load_idx %arg11[%parallel_loop3A_754] : memref<2000xf32, #tpu.memory_space<vmem>>[vector<16xi32>], vector<16xf32>,
        %parallel_loop3A_756 = arith.mulf %parallel_loop3A_755, %parallel_loop3A_664 : vector<16xf32>
        %parallel_loop3A_757 = arith.addf %parallel_loop3A_659, %parallel_loop3A_756 : vector<16xf32>
        %parallel_loop3A_758 = arith.constant 15 : i32
        %parallel_loop3A_759 = vector.broadcast %parallel_loop3A_758 : i32 to vector<16xi32>
        %parallel_loop3A_760 = arith.addi %parallel_loop3A_667, %parallel_loop3A_759 : vector<16xi32>
        %parallel_loop3A_761 = tpu.vector_load_idx %arg11[%parallel_loop3A_760] : memref<2000xf32, #tpu.memory_space<vmem>>[vector<16xi32>], vector<16xf32>,
        %parallel_loop3A_762 = arith.mulf %parallel_loop3A_761, %parallel_loop3A_664 : vector<16xf32>
        %parallel_loop3A_763 = arith.addf %parallel_loop3A_661, %parallel_loop3A_762 : vector<16xf32>
        %parallel_loop3A_764 = arith.mulf %parallel_loop3A_612, %parallel_loop3A_626 : vector<16xf32>
        %parallel_loop3A_765 = arith.mulf %parallel_loop3A_764, %parallel_loop3A_629 : vector<16xf32>
        %parallel_loop3A_766 = arith.mulf %parallel_loop3A_765, %parallel_loop3A_606 : vector<16xf32>
        %parallel_loop3A_767 = arith.constant 16 : i32
        %parallel_loop3A_768 = vector.broadcast %parallel_loop3A_767 : i32 to vector<16xi32>
        %parallel_loop3A_769 = arith.addi %parallel_loop3A_608, %parallel_loop3A_768 : vector<16xi32>
        %parallel_loop3A_770 = arith.constant 0 : i32
        %parallel_loop3A_771 = vector.broadcast %parallel_loop3A_770 : i32 to vector<16xi32>
        %parallel_loop3A_772 = arith.addi %parallel_loop3A_769, %parallel_loop3A_771 : vector<16xi32>
        %parallel_loop3A_773 = tpu.vector_load_idx %arg11[%parallel_loop3A_772] : memref<2000xf32, #tpu.memory_space<vmem>>[vector<16xi32>], vector<16xf32>,
        %parallel_loop3A_774 = arith.mulf %parallel_loop3A_773, %parallel_loop3A_766 : vector<16xf32>
        %parallel_loop3A_775 = arith.addf %parallel_loop3A_673, %parallel_loop3A_774 : vector<16xf32>
        %parallel_loop3A_776 = arith.constant 1 : i32
        %parallel_loop3A_777 = vector.broadcast %parallel_loop3A_776 : i32 to vector<16xi32>
        %parallel_loop3A_778 = arith.addi %parallel_loop3A_769, %parallel_loop3A_777 : vector<16xi32>
        %parallel_loop3A_779 = tpu.vector_load_idx %arg11[%parallel_loop3A_778] : memref<2000xf32, #tpu.memory_space<vmem>>[vector<16xi32>], vector<16xf32>,
        %parallel_loop3A_780 = arith.mulf %parallel_loop3A_779, %parallel_loop3A_766 : vector<16xf32>
        %parallel_loop3A_781 = arith.addf %parallel_loop3A_679, %parallel_loop3A_780 : vector<16xf32>
        %parallel_loop3A_782 = arith.constant 2 : i32
        %parallel_loop3A_783 = vector.broadcast %parallel_loop3A_782 : i32 to vector<16xi32>
        %parallel_loop3A_784 = arith.addi %parallel_loop3A_769, %parallel_loop3A_783 : vector<16xi32>
        %parallel_loop3A_785 = tpu.vector_load_idx %arg11[%parallel_loop3A_784] : memref<2000xf32, #tpu.memory_space<vmem>>[vector<16xi32>], vector<16xf32>,
        %parallel_loop3A_786 = arith.mulf %parallel_loop3A_785, %parallel_loop3A_766 : vector<16xf32>
        %parallel_loop3A_787 = arith.addf %parallel_loop3A_685, %parallel_loop3A_786 : vector<16xf32>
        %parallel_loop3A_788 = arith.constant 3 : i32
        %parallel_loop3A_789 = vector.broadcast %parallel_loop3A_788 : i32 to vector<16xi32>
        %parallel_loop3A_790 = arith.addi %parallel_loop3A_769, %parallel_loop3A_789 : vector<16xi32>
        %parallel_loop3A_791 = tpu.vector_load_idx %arg11[%parallel_loop3A_790] : memref<2000xf32, #tpu.memory_space<vmem>>[vector<16xi32>], vector<16xf32>,
        %parallel_loop3A_792 = arith.mulf %parallel_loop3A_791, %parallel_loop3A_766 : vector<16xf32>
        %parallel_loop3A_793 = arith.addf %parallel_loop3A_691, %parallel_loop3A_792 : vector<16xf32>
        %parallel_loop3A_794 = arith.constant 4 : i32
        %parallel_loop3A_795 = vector.broadcast %parallel_loop3A_794 : i32 to vector<16xi32>
        %parallel_loop3A_796 = arith.addi %parallel_loop3A_769, %parallel_loop3A_795 : vector<16xi32>
        %parallel_loop3A_797 = tpu.vector_load_idx %arg11[%parallel_loop3A_796] : memref<2000xf32, #tpu.memory_space<vmem>>[vector<16xi32>], vector<16xf32>,
        %parallel_loop3A_798 = arith.mulf %parallel_loop3A_797, %parallel_loop3A_766 : vector<16xf32>
        %parallel_loop3A_799 = arith.addf %parallel_loop3A_697, %parallel_loop3A_798 : vector<16xf32>
        %parallel_loop3A_800 = arith.constant 5 : i32
        %parallel_loop3A_801 = vector.broadcast %parallel_loop3A_800 : i32 to vector<16xi32>
        %parallel_loop3A_802 = arith.addi %parallel_loop3A_769, %parallel_loop3A_801 : vector<16xi32>
        %parallel_loop3A_803 = tpu.vector_load_idx %arg11[%parallel_loop3A_802] : memref<2000xf32, #tpu.memory_space<vmem>>[vector<16xi32>], vector<16xf32>,
        %parallel_loop3A_804 = arith.mulf %parallel_loop3A_803, %parallel_loop3A_766 : vector<16xf32>
        %parallel_loop3A_805 = arith.addf %parallel_loop3A_703, %parallel_loop3A_804 : vector<16xf32>
        %parallel_loop3A_806 = arith.constant 6 : i32
        %parallel_loop3A_807 = vector.broadcast %parallel_loop3A_806 : i32 to vector<16xi32>
        %parallel_loop3A_808 = arith.addi %parallel_loop3A_769, %parallel_loop3A_807 : vector<16xi32>
        %parallel_loop3A_809 = tpu.vector_load_idx %arg11[%parallel_loop3A_808] : memref<2000xf32, #tpu.memory_space<vmem>>[vector<16xi32>], vector<16xf32>,
        %parallel_loop3A_810 = arith.mulf %parallel_loop3A_809, %parallel_loop3A_766 : vector<16xf32>
        %parallel_loop3A_811 = arith.addf %parallel_loop3A_709, %parallel_loop3A_810 : vector<16xf32>
        %parallel_loop3A_812 = arith.constant 7 : i32
        %parallel_loop3A_813 = vector.broadcast %parallel_loop3A_812 : i32 to vector<16xi32>
        %parallel_loop3A_814 = arith.addi %parallel_loop3A_769, %parallel_loop3A_813 : vector<16xi32>
        %parallel_loop3A_815 = tpu.vector_load_idx %arg11[%parallel_loop3A_814] : memref<2000xf32, #tpu.memory_space<vmem>>[vector<16xi32>], vector<16xf32>,
        %parallel_loop3A_816 = arith.mulf %parallel_loop3A_815, %parallel_loop3A_766 : vector<16xf32>
        %parallel_loop3A_817 = arith.addf %parallel_loop3A_715, %parallel_loop3A_816 : vector<16xf32>
        %parallel_loop3A_818 = arith.constant 8 : i32
        %parallel_loop3A_819 = vector.broadcast %parallel_loop3A_818 : i32 to vector<16xi32>
        %parallel_loop3A_820 = arith.addi %parallel_loop3A_769, %parallel_loop3A_819 : vector<16xi32>
        %parallel_loop3A_821 = tpu.vector_load_idx %arg11[%parallel_loop3A_820] : memref<2000xf32, #tpu.memory_space<vmem>>[vector<16xi32>], vector<16xf32>,
        %parallel_loop3A_822 = arith.mulf %parallel_loop3A_821, %parallel_loop3A_766 : vector<16xf32>
        %parallel_loop3A_823 = arith.addf %parallel_loop3A_721, %parallel_loop3A_822 : vector<16xf32>
        %parallel_loop3A_824 = arith.constant 9 : i32
        %parallel_loop3A_825 = vector.broadcast %parallel_loop3A_824 : i32 to vector<16xi32>
        %parallel_loop3A_826 = arith.addi %parallel_loop3A_769, %parallel_loop3A_825 : vector<16xi32>
        %parallel_loop3A_827 = tpu.vector_load_idx %arg11[%parallel_loop3A_826] : memref<2000xf32, #tpu.memory_space<vmem>>[vector<16xi32>], vector<16xf32>,
        %parallel_loop3A_828 = arith.mulf %parallel_loop3A_827, %parallel_loop3A_766 : vector<16xf32>
        %parallel_loop3A_829 = arith.addf %parallel_loop3A_727, %parallel_loop3A_828 : vector<16xf32>
        %parallel_loop3A_830 = arith.constant 10 : i32
        %parallel_loop3A_831 = vector.broadcast %parallel_loop3A_830 : i32 to vector<16xi32>
        %parallel_loop3A_832 = arith.addi %parallel_loop3A_769, %parallel_loop3A_831 : vector<16xi32>
        %parallel_loop3A_833 = tpu.vector_load_idx %arg11[%parallel_loop3A_832] : memref<2000xf32, #tpu.memory_space<vmem>>[vector<16xi32>], vector<16xf32>,
        %parallel_loop3A_834 = arith.mulf %parallel_loop3A_833, %parallel_loop3A_766 : vector<16xf32>
        %parallel_loop3A_835 = arith.addf %parallel_loop3A_733, %parallel_loop3A_834 : vector<16xf32>
        %parallel_loop3A_836 = arith.constant 11 : i32
        %parallel_loop3A_837 = vector.broadcast %parallel_loop3A_836 : i32 to vector<16xi32>
        %parallel_loop3A_838 = arith.addi %parallel_loop3A_769, %parallel_loop3A_837 : vector<16xi32>
        %parallel_loop3A_839 = tpu.vector_load_idx %arg11[%parallel_loop3A_838] : memref<2000xf32, #tpu.memory_space<vmem>>[vector<16xi32>], vector<16xf32>,
        %parallel_loop3A_840 = arith.mulf %parallel_loop3A_839, %parallel_loop3A_766 : vector<16xf32>
        %parallel_loop3A_841 = arith.addf %parallel_loop3A_739, %parallel_loop3A_840 : vector<16xf32>
        %parallel_loop3A_842 = arith.constant 12 : i32
        %parallel_loop3A_843 = vector.broadcast %parallel_loop3A_842 : i32 to vector<16xi32>
        %parallel_loop3A_844 = arith.addi %parallel_loop3A_769, %parallel_loop3A_843 : vector<16xi32>
        %parallel_loop3A_845 = tpu.vector_load_idx %arg11[%parallel_loop3A_844] : memref<2000xf32, #tpu.memory_space<vmem>>[vector<16xi32>], vector<16xf32>,
        %parallel_loop3A_846 = arith.mulf %parallel_loop3A_845, %parallel_loop3A_766 : vector<16xf32>
        %parallel_loop3A_847 = arith.addf %parallel_loop3A_745, %parallel_loop3A_846 : vector<16xf32>
        %parallel_loop3A_848 = arith.constant 13 : i32
        %parallel_loop3A_849 = vector.broadcast %parallel_loop3A_848 : i32 to vector<16xi32>
        %parallel_loop3A_850 = arith.addi %parallel_loop3A_769, %parallel_loop3A_849 : vector<16xi32>
        %parallel_loop3A_851 = tpu.vector_load_idx %arg11[%parallel_loop3A_850] : memref<2000xf32, #tpu.memory_space<vmem>>[vector<16xi32>], vector<16xf32>,
        %parallel_loop3A_852 = arith.mulf %parallel_loop3A_851, %parallel_loop3A_766 : vector<16xf32>
        %parallel_loop3A_853 = arith.addf %parallel_loop3A_751, %parallel_loop3A_852 : vector<16xf32>
        %parallel_loop3A_854 = arith.constant 14 : i32
        %parallel_loop3A_855 = vector.broadcast %parallel_loop3A_854 : i32 to vector<16xi32>
        %parallel_loop3A_856 = arith.addi %parallel_loop3A_769, %parallel_loop3A_855 : vector<16xi32>
        %parallel_loop3A_857 = tpu.vector_load_idx %arg11[%parallel_loop3A_856] : memref<2000xf32, #tpu.memory_space<vmem>>[vector<16xi32>], vector<16xf32>,
        %parallel_loop3A_858 = arith.mulf %parallel_loop3A_857, %parallel_loop3A_766 : vector<16xf32>
        %parallel_loop3A_859 = arith.addf %parallel_loop3A_757, %parallel_loop3A_858 : vector<16xf32>
        %parallel_loop3A_860 = arith.constant 15 : i32
        %parallel_loop3A_861 = vector.broadcast %parallel_loop3A_860 : i32 to vector<16xi32>
        %parallel_loop3A_862 = arith.addi %parallel_loop3A_769, %parallel_loop3A_861 : vector<16xi32>
        %parallel_loop3A_863 = tpu.vector_load_idx %arg11[%parallel_loop3A_862] : memref<2000xf32, #tpu.memory_space<vmem>>[vector<16xi32>], vector<16xf32>,
        %parallel_loop3A_864 = arith.mulf %parallel_loop3A_863, %parallel_loop3A_766 : vector<16xf32>
        %parallel_loop3A_865 = arith.addf %parallel_loop3A_763, %parallel_loop3A_864 : vector<16xf32>
        %parallel_loop3A_866 = arith.mulf %parallel_loop3A_623, %parallel_loop3A_616 : vector<16xf32>
        %parallel_loop3A_867 = arith.mulf %parallel_loop3A_866, %parallel_loop3A_629 : vector<16xf32>
        %parallel_loop3A_868 = arith.mulf %parallel_loop3A_867, %parallel_loop3A_606 : vector<16xf32>
        %parallel_loop3A_869 = arith.constant 80 : i32
        %parallel_loop3A_870 = vector.broadcast %parallel_loop3A_869 : i32 to vector<16xi32>
        %parallel_loop3A_871 = arith.addi %parallel_loop3A_608, %parallel_loop3A_870 : vector<16xi32>
        %parallel_loop3A_872 = arith.constant 0 : i32
        %parallel_loop3A_873 = vector.broadcast %parallel_loop3A_872 : i32 to vector<16xi32>
        %parallel_loop3A_874 = arith.addi %parallel_loop3A_871, %parallel_loop3A_873 : vector<16xi32>
        %parallel_loop3A_875 = tpu.vector_load_idx %arg11[%parallel_loop3A_874] : memref<2000xf32, #tpu.memory_space<vmem>>[vector<16xi32>], vector<16xf32>,
        %parallel_loop3A_876 = arith.mulf %parallel_loop3A_875, %parallel_loop3A_868 : vector<16xf32>
        %parallel_loop3A_877 = arith.addf %parallel_loop3A_775, %parallel_loop3A_876 : vector<16xf32>
        %parallel_loop3A_878 = arith.constant 1 : i32
        %parallel_loop3A_879 = vector.broadcast %parallel_loop3A_878 : i32 to vector<16xi32>
        %parallel_loop3A_880 = arith.addi %parallel_loop3A_871, %parallel_loop3A_879 : vector<16xi32>
        %parallel_loop3A_881 = tpu.vector_load_idx %arg11[%parallel_loop3A_880] : memref<2000xf32, #tpu.memory_space<vmem>>[vector<16xi32>], vector<16xf32>,
        %parallel_loop3A_882 = arith.mulf %parallel_loop3A_881, %parallel_loop3A_868 : vector<16xf32>
        %parallel_loop3A_883 = arith.addf %parallel_loop3A_781, %parallel_loop3A_882 : vector<16xf32>
        %parallel_loop3A_884 = arith.constant 2 : i32
        %parallel_loop3A_885 = vector.broadcast %parallel_loop3A_884 : i32 to vector<16xi32>
        %parallel_loop3A_886 = arith.addi %parallel_loop3A_871, %parallel_loop3A_885 : vector<16xi32>
        %parallel_loop3A_887 = tpu.vector_load_idx %arg11[%parallel_loop3A_886] : memref<2000xf32, #tpu.memory_space<vmem>>[vector<16xi32>], vector<16xf32>,
        %parallel_loop3A_888 = arith.mulf %parallel_loop3A_887, %parallel_loop3A_868 : vector<16xf32>
        %parallel_loop3A_889 = arith.addf %parallel_loop3A_787, %parallel_loop3A_888 : vector<16xf32>
        %parallel_loop3A_890 = arith.constant 3 : i32
        %parallel_loop3A_891 = vector.broadcast %parallel_loop3A_890 : i32 to vector<16xi32>
        %parallel_loop3A_892 = arith.addi %parallel_loop3A_871, %parallel_loop3A_891 : vector<16xi32>
        %parallel_loop3A_893 = tpu.vector_load_idx %arg11[%parallel_loop3A_892] : memref<2000xf32, #tpu.memory_space<vmem>>[vector<16xi32>], vector<16xf32>,
        %parallel_loop3A_894 = arith.mulf %parallel_loop3A_893, %parallel_loop3A_868 : vector<16xf32>
        %parallel_loop3A_895 = arith.addf %parallel_loop3A_793, %parallel_loop3A_894 : vector<16xf32>
        %parallel_loop3A_896 = arith.constant 4 : i32
        %parallel_loop3A_897 = vector.broadcast %parallel_loop3A_896 : i32 to vector<16xi32>
        %parallel_loop3A_898 = arith.addi %parallel_loop3A_871, %parallel_loop3A_897 : vector<16xi32>
        %parallel_loop3A_899 = tpu.vector_load_idx %arg11[%parallel_loop3A_898] : memref<2000xf32, #tpu.memory_space<vmem>>[vector<16xi32>], vector<16xf32>,
        %parallel_loop3A_900 = arith.mulf %parallel_loop3A_899, %parallel_loop3A_868 : vector<16xf32>
        %parallel_loop3A_901 = arith.addf %parallel_loop3A_799, %parallel_loop3A_900 : vector<16xf32>
        %parallel_loop3A_902 = arith.constant 5 : i32
        %parallel_loop3A_903 = vector.broadcast %parallel_loop3A_902 : i32 to vector<16xi32>
        %parallel_loop3A_904 = arith.addi %parallel_loop3A_871, %parallel_loop3A_903 : vector<16xi32>
        %parallel_loop3A_905 = tpu.vector_load_idx %arg11[%parallel_loop3A_904] : memref<2000xf32, #tpu.memory_space<vmem>>[vector<16xi32>], vector<16xf32>,
        %parallel_loop3A_906 = arith.mulf %parallel_loop3A_905, %parallel_loop3A_868 : vector<16xf32>
        %parallel_loop3A_907 = arith.addf %parallel_loop3A_805, %parallel_loop3A_906 : vector<16xf32>
        %parallel_loop3A_908 = arith.constant 6 : i32
        %parallel_loop3A_909 = vector.broadcast %parallel_loop3A_908 : i32 to vector<16xi32>
        %parallel_loop3A_910 = arith.addi %parallel_loop3A_871, %parallel_loop3A_909 : vector<16xi32>
        %parallel_loop3A_911 = tpu.vector_load_idx %arg11[%parallel_loop3A_910] : memref<2000xf32, #tpu.memory_space<vmem>>[vector<16xi32>], vector<16xf32>,
        %parallel_loop3A_912 = arith.mulf %parallel_loop3A_911, %parallel_loop3A_868 : vector<16xf32>
        %parallel_loop3A_913 = arith.addf %parallel_loop3A_811, %parallel_loop3A_912 : vector<16xf32>
        %parallel_loop3A_914 = arith.constant 7 : i32
        %parallel_loop3A_915 = vector.broadcast %parallel_loop3A_914 : i32 to vector<16xi32>
        %parallel_loop3A_916 = arith.addi %parallel_loop3A_871, %parallel_loop3A_915 : vector<16xi32>
        %parallel_loop3A_917 = tpu.vector_load_idx %arg11[%parallel_loop3A_916] : memref<2000xf32, #tpu.memory_space<vmem>>[vector<16xi32>], vector<16xf32>,
        %parallel_loop3A_918 = arith.mulf %parallel_loop3A_917, %parallel_loop3A_868 : vector<16xf32>
        %parallel_loop3A_919 = arith.addf %parallel_loop3A_817, %parallel_loop3A_918 : vector<16xf32>
        %parallel_loop3A_920 = arith.constant 8 : i32
        %parallel_loop3A_921 = vector.broadcast %parallel_loop3A_920 : i32 to vector<16xi32>
        %parallel_loop3A_922 = arith.addi %parallel_loop3A_871, %parallel_loop3A_921 : vector<16xi32>
        %parallel_loop3A_923 = tpu.vector_load_idx %arg11[%parallel_loop3A_922] : memref<2000xf32, #tpu.memory_space<vmem>>[vector<16xi32>], vector<16xf32>,
        %parallel_loop3A_924 = arith.mulf %parallel_loop3A_923, %parallel_loop3A_868 : vector<16xf32>
        %parallel_loop3A_925 = arith.addf %parallel_loop3A_823, %parallel_loop3A_924 : vector<16xf32>
        %parallel_loop3A_926 = arith.constant 9 : i32
        %parallel_loop3A_927 = vector.broadcast %parallel_loop3A_926 : i32 to vector<16xi32>
        %parallel_loop3A_928 = arith.addi %parallel_loop3A_871, %parallel_loop3A_927 : vector<16xi32>
        %parallel_loop3A_929 = tpu.vector_load_idx %arg11[%parallel_loop3A_928] : memref<2000xf32, #tpu.memory_space<vmem>>[vector<16xi32>], vector<16xf32>,
        %parallel_loop3A_930 = arith.mulf %parallel_loop3A_929, %parallel_loop3A_868 : vector<16xf32>
        %parallel_loop3A_931 = arith.addf %parallel_loop3A_829, %parallel_loop3A_930 : vector<16xf32>
        %parallel_loop3A_932 = arith.constant 10 : i32
        %parallel_loop3A_933 = vector.broadcast %parallel_loop3A_932 : i32 to vector<16xi32>
        %parallel_loop3A_934 = arith.addi %parallel_loop3A_871, %parallel_loop3A_933 : vector<16xi32>
        %parallel_loop3A_935 = tpu.vector_load_idx %arg11[%parallel_loop3A_934] : memref<2000xf32, #tpu.memory_space<vmem>>[vector<16xi32>], vector<16xf32>,
        %parallel_loop3A_936 = arith.mulf %parallel_loop3A_935, %parallel_loop3A_868 : vector<16xf32>
        %parallel_loop3A_937 = arith.addf %parallel_loop3A_835, %parallel_loop3A_936 : vector<16xf32>
        %parallel_loop3A_938 = arith.constant 11 : i32
        %parallel_loop3A_939 = vector.broadcast %parallel_loop3A_938 : i32 to vector<16xi32>
        %parallel_loop3A_940 = arith.addi %parallel_loop3A_871, %parallel_loop3A_939 : vector<16xi32>
        %parallel_loop3A_941 = tpu.vector_load_idx %arg11[%parallel_loop3A_940] : memref<2000xf32, #tpu.memory_space<vmem>>[vector<16xi32>], vector<16xf32>,
        %parallel_loop3A_942 = arith.mulf %parallel_loop3A_941, %parallel_loop3A_868 : vector<16xf32>
        %parallel_loop3A_943 = arith.addf %parallel_loop3A_841, %parallel_loop3A_942 : vector<16xf32>
        %parallel_loop3A_944 = arith.constant 12 : i32
        %parallel_loop3A_945 = vector.broadcast %parallel_loop3A_944 : i32 to vector<16xi32>
        %parallel_loop3A_946 = arith.addi %parallel_loop3A_871, %parallel_loop3A_945 : vector<16xi32>
        %parallel_loop3A_947 = tpu.vector_load_idx %arg11[%parallel_loop3A_946] : memref<2000xf32, #tpu.memory_space<vmem>>[vector<16xi32>], vector<16xf32>,
        %parallel_loop3A_948 = arith.mulf %parallel_loop3A_947, %parallel_loop3A_868 : vector<16xf32>
        %parallel_loop3A_949 = arith.addf %parallel_loop3A_847, %parallel_loop3A_948 : vector<16xf32>
        %parallel_loop3A_950 = arith.constant 13 : i32
        %parallel_loop3A_951 = vector.broadcast %parallel_loop3A_950 : i32 to vector<16xi32>
        %parallel_loop3A_952 = arith.addi %parallel_loop3A_871, %parallel_loop3A_951 : vector<16xi32>
        %parallel_loop3A_953 = tpu.vector_load_idx %arg11[%parallel_loop3A_952] : memref<2000xf32, #tpu.memory_space<vmem>>[vector<16xi32>], vector<16xf32>,
        %parallel_loop3A_954 = arith.mulf %parallel_loop3A_953, %parallel_loop3A_868 : vector<16xf32>
        %parallel_loop3A_955 = arith.addf %parallel_loop3A_853, %parallel_loop3A_954 : vector<16xf32>
        %parallel_loop3A_956 = arith.constant 14 : i32
        %parallel_loop3A_957 = vector.broadcast %parallel_loop3A_956 : i32 to vector<16xi32>
        %parallel_loop3A_958 = arith.addi %parallel_loop3A_871, %parallel_loop3A_957 : vector<16xi32>
        %parallel_loop3A_959 = tpu.vector_load_idx %arg11[%parallel_loop3A_958] : memref<2000xf32, #tpu.memory_space<vmem>>[vector<16xi32>], vector<16xf32>,
        %parallel_loop3A_960 = arith.mulf %parallel_loop3A_959, %parallel_loop3A_868 : vector<16xf32>
        %parallel_loop3A_961 = arith.addf %parallel_loop3A_859, %parallel_loop3A_960 : vector<16xf32>
        %parallel_loop3A_962 = arith.constant 15 : i32
        %parallel_loop3A_963 = vector.broadcast %parallel_loop3A_962 : i32 to vector<16xi32>
        %parallel_loop3A_964 = arith.addi %parallel_loop3A_871, %parallel_loop3A_963 : vector<16xi32>
        %parallel_loop3A_965 = tpu.vector_load_idx %arg11[%parallel_loop3A_964] : memref<2000xf32, #tpu.memory_space<vmem>>[vector<16xi32>], vector<16xf32>,
        %parallel_loop3A_966 = arith.mulf %parallel_loop3A_965, %parallel_loop3A_868 : vector<16xf32>
        %parallel_loop3A_967 = arith.addf %parallel_loop3A_865, %parallel_loop3A_966 : vector<16xf32>
        %parallel_loop3A_968 = arith.mulf %parallel_loop3A_612, %parallel_loop3A_616 : vector<16xf32>
        %parallel_loop3A_969 = arith.mulf %parallel_loop3A_968, %parallel_loop3A_629 : vector<16xf32>
        %parallel_loop3A_970 = arith.mulf %parallel_loop3A_969, %parallel_loop3A_606 : vector<16xf32>
        %parallel_loop3A_971 = arith.constant 96 : i32
        %parallel_loop3A_972 = vector.broadcast %parallel_loop3A_971 : i32 to vector<16xi32>
        %parallel_loop3A_973 = arith.addi %parallel_loop3A_608, %parallel_loop3A_972 : vector<16xi32>
        %parallel_loop3A_974 = arith.constant 0 : i32
        %parallel_loop3A_975 = vector.broadcast %parallel_loop3A_974 : i32 to vector<16xi32>
        %parallel_loop3A_976 = arith.addi %parallel_loop3A_973, %parallel_loop3A_975 : vector<16xi32>
        %parallel_loop3A_977 = tpu.vector_load_idx %arg11[%parallel_loop3A_976] : memref<2000xf32, #tpu.memory_space<vmem>>[vector<16xi32>], vector<16xf32>,
        %parallel_loop3A_978 = arith.mulf %parallel_loop3A_977, %parallel_loop3A_970 : vector<16xf32>
        %parallel_loop3A_979 = arith.addf %parallel_loop3A_877, %parallel_loop3A_978 : vector<16xf32>
        %parallel_loop3A_980 = arith.constant 1 : i32
        %parallel_loop3A_981 = vector.broadcast %parallel_loop3A_980 : i32 to vector<16xi32>
        %parallel_loop3A_982 = arith.addi %parallel_loop3A_973, %parallel_loop3A_981 : vector<16xi32>
        %parallel_loop3A_983 = tpu.vector_load_idx %arg11[%parallel_loop3A_982] : memref<2000xf32, #tpu.memory_space<vmem>>[vector<16xi32>], vector<16xf32>,
        %parallel_loop3A_984 = arith.mulf %parallel_loop3A_983, %parallel_loop3A_970 : vector<16xf32>
        %parallel_loop3A_985 = arith.addf %parallel_loop3A_883, %parallel_loop3A_984 : vector<16xf32>
        %parallel_loop3A_986 = arith.constant 2 : i32
        %parallel_loop3A_987 = vector.broadcast %parallel_loop3A_986 : i32 to vector<16xi32>
        %parallel_loop3A_988 = arith.addi %parallel_loop3A_973, %parallel_loop3A_987 : vector<16xi32>
        %parallel_loop3A_989 = tpu.vector_load_idx %arg11[%parallel_loop3A_988] : memref<2000xf32, #tpu.memory_space<vmem>>[vector<16xi32>], vector<16xf32>,
        %parallel_loop3A_990 = arith.mulf %parallel_loop3A_989, %parallel_loop3A_970 : vector<16xf32>
        %parallel_loop3A_991 = arith.addf %parallel_loop3A_889, %parallel_loop3A_990 : vector<16xf32>
        %parallel_loop3A_992 = arith.constant 3 : i32
        %parallel_loop3A_993 = vector.broadcast %parallel_loop3A_992 : i32 to vector<16xi32>
        %parallel_loop3A_994 = arith.addi %parallel_loop3A_973, %parallel_loop3A_993 : vector<16xi32>
        %parallel_loop3A_995 = tpu.vector_load_idx %arg11[%parallel_loop3A_994] : memref<2000xf32, #tpu.memory_space<vmem>>[vector<16xi32>], vector<16xf32>,
        %parallel_loop3A_996 = arith.mulf %parallel_loop3A_995, %parallel_loop3A_970 : vector<16xf32>
        %parallel_loop3A_997 = arith.addf %parallel_loop3A_895, %parallel_loop3A_996 : vector<16xf32>
        %parallel_loop3A_998 = arith.constant 4 : i32
        %parallel_loop3A_999 = vector.broadcast %parallel_loop3A_998 : i32 to vector<16xi32>
        %parallel_loop3A_1000 = arith.addi %parallel_loop3A_973, %parallel_loop3A_999 : vector<16xi32>
        %parallel_loop3A_1001 = tpu.vector_load_idx %arg11[%parallel_loop3A_1000] : memref<2000xf32, #tpu.memory_space<vmem>>[vector<16xi32>], vector<16xf32>,
        %parallel_loop3A_1002 = arith.mulf %parallel_loop3A_1001, %parallel_loop3A_970 : vector<16xf32>
        %parallel_loop3A_1003 = arith.addf %parallel_loop3A_901, %parallel_loop3A_1002 : vector<16xf32>
        %parallel_loop3A_1004 = arith.constant 5 : i32
        %parallel_loop3A_1005 = vector.broadcast %parallel_loop3A_1004 : i32 to vector<16xi32>
        %parallel_loop3A_1006 = arith.addi %parallel_loop3A_973, %parallel_loop3A_1005 : vector<16xi32>
        %parallel_loop3A_1007 = tpu.vector_load_idx %arg11[%parallel_loop3A_1006] : memref<2000xf32, #tpu.memory_space<vmem>>[vector<16xi32>], vector<16xf32>,
        %parallel_loop3A_1008 = arith.mulf %parallel_loop3A_1007, %parallel_loop3A_970 : vector<16xf32>
        %parallel_loop3A_1009 = arith.addf %parallel_loop3A_907, %parallel_loop3A_1008 : vector<16xf32>
        %parallel_loop3A_1010 = arith.constant 6 : i32
        %parallel_loop3A_1011 = vector.broadcast %parallel_loop3A_1010 : i32 to vector<16xi32>
        %parallel_loop3A_1012 = arith.addi %parallel_loop3A_973, %parallel_loop3A_1011 : vector<16xi32>
        %parallel_loop3A_1013 = tpu.vector_load_idx %arg11[%parallel_loop3A_1012] : memref<2000xf32, #tpu.memory_space<vmem>>[vector<16xi32>], vector<16xf32>,
        %parallel_loop3A_1014 = arith.mulf %parallel_loop3A_1013, %parallel_loop3A_970 : vector<16xf32>
        %parallel_loop3A_1015 = arith.addf %parallel_loop3A_913, %parallel_loop3A_1014 : vector<16xf32>
        %parallel_loop3A_1016 = arith.constant 7 : i32
        %parallel_loop3A_1017 = vector.broadcast %parallel_loop3A_1016 : i32 to vector<16xi32>
        %parallel_loop3A_1018 = arith.addi %parallel_loop3A_973, %parallel_loop3A_1017 : vector<16xi32>
        %parallel_loop3A_1019 = tpu.vector_load_idx %arg11[%parallel_loop3A_1018] : memref<2000xf32, #tpu.memory_space<vmem>>[vector<16xi32>], vector<16xf32>,
        %parallel_loop3A_1020 = arith.mulf %parallel_loop3A_1019, %parallel_loop3A_970 : vector<16xf32>
        %parallel_loop3A_1021 = arith.addf %parallel_loop3A_919, %parallel_loop3A_1020 : vector<16xf32>
        %parallel_loop3A_1022 = arith.constant 8 : i32
        %parallel_loop3A_1023 = vector.broadcast %parallel_loop3A_1022 : i32 to vector<16xi32>
        %parallel_loop3A_1024 = arith.addi %parallel_loop3A_973, %parallel_loop3A_1023 : vector<16xi32>
        %parallel_loop3A_1025 = tpu.vector_load_idx %arg11[%parallel_loop3A_1024] : memref<2000xf32, #tpu.memory_space<vmem>>[vector<16xi32>], vector<16xf32>,
        %parallel_loop3A_1026 = arith.mulf %parallel_loop3A_1025, %parallel_loop3A_970 : vector<16xf32>
        %parallel_loop3A_1027 = arith.addf %parallel_loop3A_925, %parallel_loop3A_1026 : vector<16xf32>
        %parallel_loop3A_1028 = arith.constant 9 : i32
        %parallel_loop3A_1029 = vector.broadcast %parallel_loop3A_1028 : i32 to vector<16xi32>
        %parallel_loop3A_1030 = arith.addi %parallel_loop3A_973, %parallel_loop3A_1029 : vector<16xi32>
        %parallel_loop3A_1031 = tpu.vector_load_idx %arg11[%parallel_loop3A_1030] : memref<2000xf32, #tpu.memory_space<vmem>>[vector<16xi32>], vector<16xf32>,
        %parallel_loop3A_1032 = arith.mulf %parallel_loop3A_1031, %parallel_loop3A_970 : vector<16xf32>
        %parallel_loop3A_1033 = arith.addf %parallel_loop3A_931, %parallel_loop3A_1032 : vector<16xf32>
        %parallel_loop3A_1034 = arith.constant 10 : i32
        %parallel_loop3A_1035 = vector.broadcast %parallel_loop3A_1034 : i32 to vector<16xi32>
        %parallel_loop3A_1036 = arith.addi %parallel_loop3A_973, %parallel_loop3A_1035 : vector<16xi32>
        %parallel_loop3A_1037 = tpu.vector_load_idx %arg11[%parallel_loop3A_1036] : memref<2000xf32, #tpu.memory_space<vmem>>[vector<16xi32>], vector<16xf32>,
        %parallel_loop3A_1038 = arith.mulf %parallel_loop3A_1037, %parallel_loop3A_970 : vector<16xf32>
        %parallel_loop3A_1039 = arith.addf %parallel_loop3A_937, %parallel_loop3A_1038 : vector<16xf32>
        %parallel_loop3A_1040 = arith.constant 11 : i32
        %parallel_loop3A_1041 = vector.broadcast %parallel_loop3A_1040 : i32 to vector<16xi32>
        %parallel_loop3A_1042 = arith.addi %parallel_loop3A_973, %parallel_loop3A_1041 : vector<16xi32>
        %parallel_loop3A_1043 = tpu.vector_load_idx %arg11[%parallel_loop3A_1042] : memref<2000xf32, #tpu.memory_space<vmem>>[vector<16xi32>], vector<16xf32>,
        %parallel_loop3A_1044 = arith.mulf %parallel_loop3A_1043, %parallel_loop3A_970 : vector<16xf32>
        %parallel_loop3A_1045 = arith.addf %parallel_loop3A_943, %parallel_loop3A_1044 : vector<16xf32>
        %parallel_loop3A_1046 = arith.constant 12 : i32
        %parallel_loop3A_1047 = vector.broadcast %parallel_loop3A_1046 : i32 to vector<16xi32>
        %parallel_loop3A_1048 = arith.addi %parallel_loop3A_973, %parallel_loop3A_1047 : vector<16xi32>
        %parallel_loop3A_1049 = tpu.vector_load_idx %arg11[%parallel_loop3A_1048] : memref<2000xf32, #tpu.memory_space<vmem>>[vector<16xi32>], vector<16xf32>,
        %parallel_loop3A_1050 = arith.mulf %parallel_loop3A_1049, %parallel_loop3A_970 : vector<16xf32>
        %parallel_loop3A_1051 = arith.addf %parallel_loop3A_949, %parallel_loop3A_1050 : vector<16xf32>
        %parallel_loop3A_1052 = arith.constant 13 : i32
        %parallel_loop3A_1053 = vector.broadcast %parallel_loop3A_1052 : i32 to vector<16xi32>
        %parallel_loop3A_1054 = arith.addi %parallel_loop3A_973, %parallel_loop3A_1053 : vector<16xi32>
        %parallel_loop3A_1055 = tpu.vector_load_idx %arg11[%parallel_loop3A_1054] : memref<2000xf32, #tpu.memory_space<vmem>>[vector<16xi32>], vector<16xf32>,
        %parallel_loop3A_1056 = arith.mulf %parallel_loop3A_1055, %parallel_loop3A_970 : vector<16xf32>
        %parallel_loop3A_1057 = arith.addf %parallel_loop3A_955, %parallel_loop3A_1056 : vector<16xf32>
        %parallel_loop3A_1058 = arith.constant 14 : i32
        %parallel_loop3A_1059 = vector.broadcast %parallel_loop3A_1058 : i32 to vector<16xi32>
        %parallel_loop3A_1060 = arith.addi %parallel_loop3A_973, %parallel_loop3A_1059 : vector<16xi32>
        %parallel_loop3A_1061 = tpu.vector_load_idx %arg11[%parallel_loop3A_1060] : memref<2000xf32, #tpu.memory_space<vmem>>[vector<16xi32>], vector<16xf32>,
        %parallel_loop3A_1062 = arith.mulf %parallel_loop3A_1061, %parallel_loop3A_970 : vector<16xf32>
        %parallel_loop3A_1063 = arith.addf %parallel_loop3A_961, %parallel_loop3A_1062 : vector<16xf32>
        %parallel_loop3A_1064 = arith.constant 15 : i32
        %parallel_loop3A_1065 = vector.broadcast %parallel_loop3A_1064 : i32 to vector<16xi32>
        %parallel_loop3A_1066 = arith.addi %parallel_loop3A_973, %parallel_loop3A_1065 : vector<16xi32>
        %parallel_loop3A_1067 = tpu.vector_load_idx %arg11[%parallel_loop3A_1066] : memref<2000xf32, #tpu.memory_space<vmem>>[vector<16xi32>], vector<16xf32>,
        %parallel_loop3A_1068 = arith.mulf %parallel_loop3A_1067, %parallel_loop3A_970 : vector<16xf32>
        %parallel_loop3A_1069 = arith.addf %parallel_loop3A_967, %parallel_loop3A_1068 : vector<16xf32>
        %parallel_loop3A_1070 = arith.mulf %parallel_loop3A_623, %parallel_loop3A_626 : vector<16xf32>
        %parallel_loop3A_1071 = arith.mulf %parallel_loop3A_1070, %parallel_loop3A_620 : vector<16xf32>
        %parallel_loop3A_1072 = arith.mulf %parallel_loop3A_1071, %parallel_loop3A_606 : vector<16xf32>
        %parallel_loop3A_1073 = arith.constant 400 : i32
        %parallel_loop3A_1074 = vector.broadcast %parallel_loop3A_1073 : i32 to vector<16xi32>
        %parallel_loop3A_1075 = arith.addi %parallel_loop3A_608, %parallel_loop3A_1074 : vector<16xi32>
        %parallel_loop3A_1076 = arith.constant 0 : i32
        %parallel_loop3A_1077 = vector.broadcast %parallel_loop3A_1076 : i32 to vector<16xi32>
        %parallel_loop3A_1078 = arith.addi %parallel_loop3A_1075, %parallel_loop3A_1077 : vector<16xi32>
        %parallel_loop3A_1079 = tpu.vector_load_idx %arg11[%parallel_loop3A_1078] : memref<2000xf32, #tpu.memory_space<vmem>>[vector<16xi32>], vector<16xf32>,
        %parallel_loop3A_1080 = arith.mulf %parallel_loop3A_1079, %parallel_loop3A_1072 : vector<16xf32>
        %parallel_loop3A_1081 = arith.addf %parallel_loop3A_979, %parallel_loop3A_1080 : vector<16xf32>
        %parallel_loop3A_1082 = arith.constant 1 : i32
        %parallel_loop3A_1083 = vector.broadcast %parallel_loop3A_1082 : i32 to vector<16xi32>
        %parallel_loop3A_1084 = arith.addi %parallel_loop3A_1075, %parallel_loop3A_1083 : vector<16xi32>
        %parallel_loop3A_1085 = tpu.vector_load_idx %arg11[%parallel_loop3A_1084] : memref<2000xf32, #tpu.memory_space<vmem>>[vector<16xi32>], vector<16xf32>,
        %parallel_loop3A_1086 = arith.mulf %parallel_loop3A_1085, %parallel_loop3A_1072 : vector<16xf32>
        %parallel_loop3A_1087 = arith.addf %parallel_loop3A_985, %parallel_loop3A_1086 : vector<16xf32>
        %parallel_loop3A_1088 = arith.constant 2 : i32
        %parallel_loop3A_1089 = vector.broadcast %parallel_loop3A_1088 : i32 to vector<16xi32>
        %parallel_loop3A_1090 = arith.addi %parallel_loop3A_1075, %parallel_loop3A_1089 : vector<16xi32>
        %parallel_loop3A_1091 = tpu.vector_load_idx %arg11[%parallel_loop3A_1090] : memref<2000xf32, #tpu.memory_space<vmem>>[vector<16xi32>], vector<16xf32>,
        %parallel_loop3A_1092 = arith.mulf %parallel_loop3A_1091, %parallel_loop3A_1072 : vector<16xf32>
        %parallel_loop3A_1093 = arith.addf %parallel_loop3A_991, %parallel_loop3A_1092 : vector<16xf32>
        %parallel_loop3A_1094 = arith.constant 3 : i32
        %parallel_loop3A_1095 = vector.broadcast %parallel_loop3A_1094 : i32 to vector<16xi32>
        %parallel_loop3A_1096 = arith.addi %parallel_loop3A_1075, %parallel_loop3A_1095 : vector<16xi32>
        %parallel_loop3A_1097 = tpu.vector_load_idx %arg11[%parallel_loop3A_1096] : memref<2000xf32, #tpu.memory_space<vmem>>[vector<16xi32>], vector<16xf32>,
        %parallel_loop3A_1098 = arith.mulf %parallel_loop3A_1097, %parallel_loop3A_1072 : vector<16xf32>
        %parallel_loop3A_1099 = arith.addf %parallel_loop3A_997, %parallel_loop3A_1098 : vector<16xf32>
        %parallel_loop3A_1100 = arith.constant 4 : i32
        %parallel_loop3A_1101 = vector.broadcast %parallel_loop3A_1100 : i32 to vector<16xi32>
        %parallel_loop3A_1102 = arith.addi %parallel_loop3A_1075, %parallel_loop3A_1101 : vector<16xi32>
        %parallel_loop3A_1103 = tpu.vector_load_idx %arg11[%parallel_loop3A_1102] : memref<2000xf32, #tpu.memory_space<vmem>>[vector<16xi32>], vector<16xf32>,
        %parallel_loop3A_1104 = arith.mulf %parallel_loop3A_1103, %parallel_loop3A_1072 : vector<16xf32>
        %parallel_loop3A_1105 = arith.addf %parallel_loop3A_1003, %parallel_loop3A_1104 : vector<16xf32>
        %parallel_loop3A_1106 = arith.constant 5 : i32
        %parallel_loop3A_1107 = vector.broadcast %parallel_loop3A_1106 : i32 to vector<16xi32>
        %parallel_loop3A_1108 = arith.addi %parallel_loop3A_1075, %parallel_loop3A_1107 : vector<16xi32>
        %parallel_loop3A_1109 = tpu.vector_load_idx %arg11[%parallel_loop3A_1108] : memref<2000xf32, #tpu.memory_space<vmem>>[vector<16xi32>], vector<16xf32>,
        %parallel_loop3A_1110 = arith.mulf %parallel_loop3A_1109, %parallel_loop3A_1072 : vector<16xf32>
        %parallel_loop3A_1111 = arith.addf %parallel_loop3A_1009, %parallel_loop3A_1110 : vector<16xf32>
        %parallel_loop3A_1112 = arith.constant 6 : i32
        %parallel_loop3A_1113 = vector.broadcast %parallel_loop3A_1112 : i32 to vector<16xi32>
        %parallel_loop3A_1114 = arith.addi %parallel_loop3A_1075, %parallel_loop3A_1113 : vector<16xi32>
        %parallel_loop3A_1115 = tpu.vector_load_idx %arg11[%parallel_loop3A_1114] : memref<2000xf32, #tpu.memory_space<vmem>>[vector<16xi32>], vector<16xf32>,
        %parallel_loop3A_1116 = arith.mulf %parallel_loop3A_1115, %parallel_loop3A_1072 : vector<16xf32>
        %parallel_loop3A_1117 = arith.addf %parallel_loop3A_1015, %parallel_loop3A_1116 : vector<16xf32>
        %parallel_loop3A_1118 = arith.constant 7 : i32
        %parallel_loop3A_1119 = vector.broadcast %parallel_loop3A_1118 : i32 to vector<16xi32>
        %parallel_loop3A_1120 = arith.addi %parallel_loop3A_1075, %parallel_loop3A_1119 : vector<16xi32>
        %parallel_loop3A_1121 = tpu.vector_load_idx %arg11[%parallel_loop3A_1120] : memref<2000xf32, #tpu.memory_space<vmem>>[vector<16xi32>], vector<16xf32>,
        %parallel_loop3A_1122 = arith.mulf %parallel_loop3A_1121, %parallel_loop3A_1072 : vector<16xf32>
        %parallel_loop3A_1123 = arith.addf %parallel_loop3A_1021, %parallel_loop3A_1122 : vector<16xf32>
        %parallel_loop3A_1124 = arith.constant 8 : i32
        %parallel_loop3A_1125 = vector.broadcast %parallel_loop3A_1124 : i32 to vector<16xi32>
        %parallel_loop3A_1126 = arith.addi %parallel_loop3A_1075, %parallel_loop3A_1125 : vector<16xi32>
        %parallel_loop3A_1127 = tpu.vector_load_idx %arg11[%parallel_loop3A_1126] : memref<2000xf32, #tpu.memory_space<vmem>>[vector<16xi32>], vector<16xf32>,
        %parallel_loop3A_1128 = arith.mulf %parallel_loop3A_1127, %parallel_loop3A_1072 : vector<16xf32>
        %parallel_loop3A_1129 = arith.addf %parallel_loop3A_1027, %parallel_loop3A_1128 : vector<16xf32>
        %parallel_loop3A_1130 = arith.constant 9 : i32
        %parallel_loop3A_1131 = vector.broadcast %parallel_loop3A_1130 : i32 to vector<16xi32>
        %parallel_loop3A_1132 = arith.addi %parallel_loop3A_1075, %parallel_loop3A_1131 : vector<16xi32>
        %parallel_loop3A_1133 = tpu.vector_load_idx %arg11[%parallel_loop3A_1132] : memref<2000xf32, #tpu.memory_space<vmem>>[vector<16xi32>], vector<16xf32>,
        %parallel_loop3A_1134 = arith.mulf %parallel_loop3A_1133, %parallel_loop3A_1072 : vector<16xf32>
        %parallel_loop3A_1135 = arith.addf %parallel_loop3A_1033, %parallel_loop3A_1134 : vector<16xf32>
        %parallel_loop3A_1136 = arith.constant 10 : i32
        %parallel_loop3A_1137 = vector.broadcast %parallel_loop3A_1136 : i32 to vector<16xi32>
        %parallel_loop3A_1138 = arith.addi %parallel_loop3A_1075, %parallel_loop3A_1137 : vector<16xi32>
        %parallel_loop3A_1139 = tpu.vector_load_idx %arg11[%parallel_loop3A_1138] : memref<2000xf32, #tpu.memory_space<vmem>>[vector<16xi32>], vector<16xf32>,
        %parallel_loop3A_1140 = arith.mulf %parallel_loop3A_1139, %parallel_loop3A_1072 : vector<16xf32>
        %parallel_loop3A_1141 = arith.addf %parallel_loop3A_1039, %parallel_loop3A_1140 : vector<16xf32>
        %parallel_loop3A_1142 = arith.constant 11 : i32
        %parallel_loop3A_1143 = vector.broadcast %parallel_loop3A_1142 : i32 to vector<16xi32>
        %parallel_loop3A_1144 = arith.addi %parallel_loop3A_1075, %parallel_loop3A_1143 : vector<16xi32>
        %parallel_loop3A_1145 = tpu.vector_load_idx %arg11[%parallel_loop3A_1144] : memref<2000xf32, #tpu.memory_space<vmem>>[vector<16xi32>], vector<16xf32>,
        %parallel_loop3A_1146 = arith.mulf %parallel_loop3A_1145, %parallel_loop3A_1072 : vector<16xf32>
        %parallel_loop3A_1147 = arith.addf %parallel_loop3A_1045, %parallel_loop3A_1146 : vector<16xf32>
        %parallel_loop3A_1148 = arith.constant 12 : i32
        %parallel_loop3A_1149 = vector.broadcast %parallel_loop3A_1148 : i32 to vector<16xi32>
        %parallel_loop3A_1150 = arith.addi %parallel_loop3A_1075, %parallel_loop3A_1149 : vector<16xi32>
        %parallel_loop3A_1151 = tpu.vector_load_idx %arg11[%parallel_loop3A_1150] : memref<2000xf32, #tpu.memory_space<vmem>>[vector<16xi32>], vector<16xf32>,
        %parallel_loop3A_1152 = arith.mulf %parallel_loop3A_1151, %parallel_loop3A_1072 : vector<16xf32>
        %parallel_loop3A_1153 = arith.addf %parallel_loop3A_1051, %parallel_loop3A_1152 : vector<16xf32>
        %parallel_loop3A_1154 = arith.constant 13 : i32
        %parallel_loop3A_1155 = vector.broadcast %parallel_loop3A_1154 : i32 to vector<16xi32>
        %parallel_loop3A_1156 = arith.addi %parallel_loop3A_1075, %parallel_loop3A_1155 : vector<16xi32>
        %parallel_loop3A_1157 = tpu.vector_load_idx %arg11[%parallel_loop3A_1156] : memref<2000xf32, #tpu.memory_space<vmem>>[vector<16xi32>], vector<16xf32>,
        %parallel_loop3A_1158 = arith.mulf %parallel_loop3A_1157, %parallel_loop3A_1072 : vector<16xf32>
        %parallel_loop3A_1159 = arith.addf %parallel_loop3A_1057, %parallel_loop3A_1158 : vector<16xf32>
        %parallel_loop3A_1160 = arith.constant 14 : i32
        %parallel_loop3A_1161 = vector.broadcast %parallel_loop3A_1160 : i32 to vector<16xi32>
        %parallel_loop3A_1162 = arith.addi %parallel_loop3A_1075, %parallel_loop3A_1161 : vector<16xi32>
        %parallel_loop3A_1163 = tpu.vector_load_idx %arg11[%parallel_loop3A_1162] : memref<2000xf32, #tpu.memory_space<vmem>>[vector<16xi32>], vector<16xf32>,
        %parallel_loop3A_1164 = arith.mulf %parallel_loop3A_1163, %parallel_loop3A_1072 : vector<16xf32>
        %parallel_loop3A_1165 = arith.addf %parallel_loop3A_1063, %parallel_loop3A_1164 : vector<16xf32>
        %parallel_loop3A_1166 = arith.constant 15 : i32
        %parallel_loop3A_1167 = vector.broadcast %parallel_loop3A_1166 : i32 to vector<16xi32>
        %parallel_loop3A_1168 = arith.addi %parallel_loop3A_1075, %parallel_loop3A_1167 : vector<16xi32>
        %parallel_loop3A_1169 = tpu.vector_load_idx %arg11[%parallel_loop3A_1168] : memref<2000xf32, #tpu.memory_space<vmem>>[vector<16xi32>], vector<16xf32>,
        %parallel_loop3A_1170 = arith.mulf %parallel_loop3A_1169, %parallel_loop3A_1072 : vector<16xf32>
        %parallel_loop3A_1171 = arith.addf %parallel_loop3A_1069, %parallel_loop3A_1170 : vector<16xf32>
        %parallel_loop3A_1172 = arith.mulf %parallel_loop3A_612, %parallel_loop3A_626 : vector<16xf32>
        %parallel_loop3A_1173 = arith.mulf %parallel_loop3A_1172, %parallel_loop3A_620 : vector<16xf32>
        %parallel_loop3A_1174 = arith.mulf %parallel_loop3A_1173, %parallel_loop3A_606 : vector<16xf32>
        %parallel_loop3A_1175 = arith.constant 416 : i32
        %parallel_loop3A_1176 = vector.broadcast %parallel_loop3A_1175 : i32 to vector<16xi32>
        %parallel_loop3A_1177 = arith.addi %parallel_loop3A_608, %parallel_loop3A_1176 : vector<16xi32>
        %parallel_loop3A_1178 = arith.constant 0 : i32
        %parallel_loop3A_1179 = vector.broadcast %parallel_loop3A_1178 : i32 to vector<16xi32>
        %parallel_loop3A_1180 = arith.addi %parallel_loop3A_1177, %parallel_loop3A_1179 : vector<16xi32>
        %parallel_loop3A_1181 = tpu.vector_load_idx %arg11[%parallel_loop3A_1180] : memref<2000xf32, #tpu.memory_space<vmem>>[vector<16xi32>], vector<16xf32>,
        %parallel_loop3A_1182 = arith.mulf %parallel_loop3A_1181, %parallel_loop3A_1174 : vector<16xf32>
        %parallel_loop3A_1183 = arith.addf %parallel_loop3A_1081, %parallel_loop3A_1182 : vector<16xf32>
        %parallel_loop3A_1184 = arith.constant 1 : i32
        %parallel_loop3A_1185 = vector.broadcast %parallel_loop3A_1184 : i32 to vector<16xi32>
        %parallel_loop3A_1186 = arith.addi %parallel_loop3A_1177, %parallel_loop3A_1185 : vector<16xi32>
        %parallel_loop3A_1187 = tpu.vector_load_idx %arg11[%parallel_loop3A_1186] : memref<2000xf32, #tpu.memory_space<vmem>>[vector<16xi32>], vector<16xf32>,
        %parallel_loop3A_1188 = arith.mulf %parallel_loop3A_1187, %parallel_loop3A_1174 : vector<16xf32>
        %parallel_loop3A_1189 = arith.addf %parallel_loop3A_1087, %parallel_loop3A_1188 : vector<16xf32>
        %parallel_loop3A_1190 = arith.constant 2 : i32
        %parallel_loop3A_1191 = vector.broadcast %parallel_loop3A_1190 : i32 to vector<16xi32>
        %parallel_loop3A_1192 = arith.addi %parallel_loop3A_1177, %parallel_loop3A_1191 : vector<16xi32>
        %parallel_loop3A_1193 = tpu.vector_load_idx %arg11[%parallel_loop3A_1192] : memref<2000xf32, #tpu.memory_space<vmem>>[vector<16xi32>], vector<16xf32>,
        %parallel_loop3A_1194 = arith.mulf %parallel_loop3A_1193, %parallel_loop3A_1174 : vector<16xf32>
        %parallel_loop3A_1195 = arith.addf %parallel_loop3A_1093, %parallel_loop3A_1194 : vector<16xf32>
        %parallel_loop3A_1196 = arith.constant 3 : i32
        %parallel_loop3A_1197 = vector.broadcast %parallel_loop3A_1196 : i32 to vector<16xi32>
        %parallel_loop3A_1198 = arith.addi %parallel_loop3A_1177, %parallel_loop3A_1197 : vector<16xi32>
        %parallel_loop3A_1199 = tpu.vector_load_idx %arg11[%parallel_loop3A_1198] : memref<2000xf32, #tpu.memory_space<vmem>>[vector<16xi32>], vector<16xf32>,
        %parallel_loop3A_1200 = arith.mulf %parallel_loop3A_1199, %parallel_loop3A_1174 : vector<16xf32>
        %parallel_loop3A_1201 = arith.addf %parallel_loop3A_1099, %parallel_loop3A_1200 : vector<16xf32>
        %parallel_loop3A_1202 = arith.constant 4 : i32
        %parallel_loop3A_1203 = vector.broadcast %parallel_loop3A_1202 : i32 to vector<16xi32>
        %parallel_loop3A_1204 = arith.addi %parallel_loop3A_1177, %parallel_loop3A_1203 : vector<16xi32>
        %parallel_loop3A_1205 = tpu.vector_load_idx %arg11[%parallel_loop3A_1204] : memref<2000xf32, #tpu.memory_space<vmem>>[vector<16xi32>], vector<16xf32>,
        %parallel_loop3A_1206 = arith.mulf %parallel_loop3A_1205, %parallel_loop3A_1174 : vector<16xf32>
        %parallel_loop3A_1207 = arith.addf %parallel_loop3A_1105, %parallel_loop3A_1206 : vector<16xf32>
        %parallel_loop3A_1208 = arith.constant 5 : i32
        %parallel_loop3A_1209 = vector.broadcast %parallel_loop3A_1208 : i32 to vector<16xi32>
        %parallel_loop3A_1210 = arith.addi %parallel_loop3A_1177, %parallel_loop3A_1209 : vector<16xi32>
        %parallel_loop3A_1211 = tpu.vector_load_idx %arg11[%parallel_loop3A_1210] : memref<2000xf32, #tpu.memory_space<vmem>>[vector<16xi32>], vector<16xf32>,
        %parallel_loop3A_1212 = arith.mulf %parallel_loop3A_1211, %parallel_loop3A_1174 : vector<16xf32>
        %parallel_loop3A_1213 = arith.addf %parallel_loop3A_1111, %parallel_loop3A_1212 : vector<16xf32>
        %parallel_loop3A_1214 = arith.constant 6 : i32
        %parallel_loop3A_1215 = vector.broadcast %parallel_loop3A_1214 : i32 to vector<16xi32>
        %parallel_loop3A_1216 = arith.addi %parallel_loop3A_1177, %parallel_loop3A_1215 : vector<16xi32>
        %parallel_loop3A_1217 = tpu.vector_load_idx %arg11[%parallel_loop3A_1216] : memref<2000xf32, #tpu.memory_space<vmem>>[vector<16xi32>], vector<16xf32>,
        %parallel_loop3A_1218 = arith.mulf %parallel_loop3A_1217, %parallel_loop3A_1174 : vector<16xf32>
        %parallel_loop3A_1219 = arith.addf %parallel_loop3A_1117, %parallel_loop3A_1218 : vector<16xf32>
        %parallel_loop3A_1220 = arith.constant 7 : i32
        %parallel_loop3A_1221 = vector.broadcast %parallel_loop3A_1220 : i32 to vector<16xi32>
        %parallel_loop3A_1222 = arith.addi %parallel_loop3A_1177, %parallel_loop3A_1221 : vector<16xi32>
        %parallel_loop3A_1223 = tpu.vector_load_idx %arg11[%parallel_loop3A_1222] : memref<2000xf32, #tpu.memory_space<vmem>>[vector<16xi32>], vector<16xf32>,
        %parallel_loop3A_1224 = arith.mulf %parallel_loop3A_1223, %parallel_loop3A_1174 : vector<16xf32>
        %parallel_loop3A_1225 = arith.addf %parallel_loop3A_1123, %parallel_loop3A_1224 : vector<16xf32>
        %parallel_loop3A_1226 = arith.constant 8 : i32
        %parallel_loop3A_1227 = vector.broadcast %parallel_loop3A_1226 : i32 to vector<16xi32>
        %parallel_loop3A_1228 = arith.addi %parallel_loop3A_1177, %parallel_loop3A_1227 : vector<16xi32>
        %parallel_loop3A_1229 = tpu.vector_load_idx %arg11[%parallel_loop3A_1228] : memref<2000xf32, #tpu.memory_space<vmem>>[vector<16xi32>], vector<16xf32>,
        %parallel_loop3A_1230 = arith.mulf %parallel_loop3A_1229, %parallel_loop3A_1174 : vector<16xf32>
        %parallel_loop3A_1231 = arith.addf %parallel_loop3A_1129, %parallel_loop3A_1230 : vector<16xf32>
        %parallel_loop3A_1232 = arith.constant 9 : i32
        %parallel_loop3A_1233 = vector.broadcast %parallel_loop3A_1232 : i32 to vector<16xi32>
        %parallel_loop3A_1234 = arith.addi %parallel_loop3A_1177, %parallel_loop3A_1233 : vector<16xi32>
        %parallel_loop3A_1235 = tpu.vector_load_idx %arg11[%parallel_loop3A_1234] : memref<2000xf32, #tpu.memory_space<vmem>>[vector<16xi32>], vector<16xf32>,
        %parallel_loop3A_1236 = arith.mulf %parallel_loop3A_1235, %parallel_loop3A_1174 : vector<16xf32>
        %parallel_loop3A_1237 = arith.addf %parallel_loop3A_1135, %parallel_loop3A_1236 : vector<16xf32>
        %parallel_loop3A_1238 = arith.constant 10 : i32
        %parallel_loop3A_1239 = vector.broadcast %parallel_loop3A_1238 : i32 to vector<16xi32>
        %parallel_loop3A_1240 = arith.addi %parallel_loop3A_1177, %parallel_loop3A_1239 : vector<16xi32>
        %parallel_loop3A_1241 = tpu.vector_load_idx %arg11[%parallel_loop3A_1240] : memref<2000xf32, #tpu.memory_space<vmem>>[vector<16xi32>], vector<16xf32>,
        %parallel_loop3A_1242 = arith.mulf %parallel_loop3A_1241, %parallel_loop3A_1174 : vector<16xf32>
        %parallel_loop3A_1243 = arith.addf %parallel_loop3A_1141, %parallel_loop3A_1242 : vector<16xf32>
        %parallel_loop3A_1244 = arith.constant 11 : i32
        %parallel_loop3A_1245 = vector.broadcast %parallel_loop3A_1244 : i32 to vector<16xi32>
        %parallel_loop3A_1246 = arith.addi %parallel_loop3A_1177, %parallel_loop3A_1245 : vector<16xi32>
        %parallel_loop3A_1247 = tpu.vector_load_idx %arg11[%parallel_loop3A_1246] : memref<2000xf32, #tpu.memory_space<vmem>>[vector<16xi32>], vector<16xf32>,
        %parallel_loop3A_1248 = arith.mulf %parallel_loop3A_1247, %parallel_loop3A_1174 : vector<16xf32>
        %parallel_loop3A_1249 = arith.addf %parallel_loop3A_1147, %parallel_loop3A_1248 : vector<16xf32>
        %parallel_loop3A_1250 = arith.constant 12 : i32
        %parallel_loop3A_1251 = vector.broadcast %parallel_loop3A_1250 : i32 to vector<16xi32>
        %parallel_loop3A_1252 = arith.addi %parallel_loop3A_1177, %parallel_loop3A_1251 : vector<16xi32>
        %parallel_loop3A_1253 = tpu.vector_load_idx %arg11[%parallel_loop3A_1252] : memref<2000xf32, #tpu.memory_space<vmem>>[vector<16xi32>], vector<16xf32>,
        %parallel_loop3A_1254 = arith.mulf %parallel_loop3A_1253, %parallel_loop3A_1174 : vector<16xf32>
        %parallel_loop3A_1255 = arith.addf %parallel_loop3A_1153, %parallel_loop3A_1254 : vector<16xf32>
        %parallel_loop3A_1256 = arith.constant 13 : i32
        %parallel_loop3A_1257 = vector.broadcast %parallel_loop3A_1256 : i32 to vector<16xi32>
        %parallel_loop3A_1258 = arith.addi %parallel_loop3A_1177, %parallel_loop3A_1257 : vector<16xi32>
        %parallel_loop3A_1259 = tpu.vector_load_idx %arg11[%parallel_loop3A_1258] : memref<2000xf32, #tpu.memory_space<vmem>>[vector<16xi32>], vector<16xf32>,
        %parallel_loop3A_1260 = arith.mulf %parallel_loop3A_1259, %parallel_loop3A_1174 : vector<16xf32>
        %parallel_loop3A_1261 = arith.addf %parallel_loop3A_1159, %parallel_loop3A_1260 : vector<16xf32>
        %parallel_loop3A_1262 = arith.constant 14 : i32
        %parallel_loop3A_1263 = vector.broadcast %parallel_loop3A_1262 : i32 to vector<16xi32>
        %parallel_loop3A_1264 = arith.addi %parallel_loop3A_1177, %parallel_loop3A_1263 : vector<16xi32>
        %parallel_loop3A_1265 = tpu.vector_load_idx %arg11[%parallel_loop3A_1264] : memref<2000xf32, #tpu.memory_space<vmem>>[vector<16xi32>], vector<16xf32>,
        %parallel_loop3A_1266 = arith.mulf %parallel_loop3A_1265, %parallel_loop3A_1174 : vector<16xf32>
        %parallel_loop3A_1267 = arith.addf %parallel_loop3A_1165, %parallel_loop3A_1266 : vector<16xf32>
        %parallel_loop3A_1268 = arith.constant 15 : i32
        %parallel_loop3A_1269 = vector.broadcast %parallel_loop3A_1268 : i32 to vector<16xi32>
        %parallel_loop3A_1270 = arith.addi %parallel_loop3A_1177, %parallel_loop3A_1269 : vector<16xi32>
        %parallel_loop3A_1271 = tpu.vector_load_idx %arg11[%parallel_loop3A_1270] : memref<2000xf32, #tpu.memory_space<vmem>>[vector<16xi32>], vector<16xf32>,
        %parallel_loop3A_1272 = arith.mulf %parallel_loop3A_1271, %parallel_loop3A_1174 : vector<16xf32>
        %parallel_loop3A_1273 = arith.addf %parallel_loop3A_1171, %parallel_loop3A_1272 : vector<16xf32>
        %parallel_loop3A_1274 = arith.mulf %parallel_loop3A_623, %parallel_loop3A_616 : vector<16xf32>
        %parallel_loop3A_1275 = arith.mulf %parallel_loop3A_1274, %parallel_loop3A_620 : vector<16xf32>
        %parallel_loop3A_1276 = arith.mulf %parallel_loop3A_1275, %parallel_loop3A_606 : vector<16xf32>
        %parallel_loop3A_1277 = arith.constant 480 : i32
        %parallel_loop3A_1278 = vector.broadcast %parallel_loop3A_1277 : i32 to vector<16xi32>
        %parallel_loop3A_1279 = arith.addi %parallel_loop3A_608, %parallel_loop3A_1278 : vector<16xi32>
        %parallel_loop3A_1280 = arith.constant 0 : i32
        %parallel_loop3A_1281 = vector.broadcast %parallel_loop3A_1280 : i32 to vector<16xi32>
        %parallel_loop3A_1282 = arith.addi %parallel_loop3A_1279, %parallel_loop3A_1281 : vector<16xi32>
        %parallel_loop3A_1283 = tpu.vector_load_idx %arg11[%parallel_loop3A_1282] : memref<2000xf32, #tpu.memory_space<vmem>>[vector<16xi32>], vector<16xf32>,
        %parallel_loop3A_1284 = arith.mulf %parallel_loop3A_1283, %parallel_loop3A_1276 : vector<16xf32>
        %parallel_loop3A_1285 = arith.addf %parallel_loop3A_1183, %parallel_loop3A_1284 : vector<16xf32>
        %parallel_loop3A_1286 = arith.constant 1 : i32
        %parallel_loop3A_1287 = vector.broadcast %parallel_loop3A_1286 : i32 to vector<16xi32>
        %parallel_loop3A_1288 = arith.addi %parallel_loop3A_1279, %parallel_loop3A_1287 : vector<16xi32>
        %parallel_loop3A_1289 = tpu.vector_load_idx %arg11[%parallel_loop3A_1288] : memref<2000xf32, #tpu.memory_space<vmem>>[vector<16xi32>], vector<16xf32>,
        %parallel_loop3A_1290 = arith.mulf %parallel_loop3A_1289, %parallel_loop3A_1276 : vector<16xf32>
        %parallel_loop3A_1291 = arith.addf %parallel_loop3A_1189, %parallel_loop3A_1290 : vector<16xf32>
        %parallel_loop3A_1292 = arith.constant 2 : i32
        %parallel_loop3A_1293 = vector.broadcast %parallel_loop3A_1292 : i32 to vector<16xi32>
        %parallel_loop3A_1294 = arith.addi %parallel_loop3A_1279, %parallel_loop3A_1293 : vector<16xi32>
        %parallel_loop3A_1295 = tpu.vector_load_idx %arg11[%parallel_loop3A_1294] : memref<2000xf32, #tpu.memory_space<vmem>>[vector<16xi32>], vector<16xf32>,
        %parallel_loop3A_1296 = arith.mulf %parallel_loop3A_1295, %parallel_loop3A_1276 : vector<16xf32>
        %parallel_loop3A_1297 = arith.addf %parallel_loop3A_1195, %parallel_loop3A_1296 : vector<16xf32>
        %parallel_loop3A_1298 = arith.constant 3 : i32
        %parallel_loop3A_1299 = vector.broadcast %parallel_loop3A_1298 : i32 to vector<16xi32>
        %parallel_loop3A_1300 = arith.addi %parallel_loop3A_1279, %parallel_loop3A_1299 : vector<16xi32>
        %parallel_loop3A_1301 = tpu.vector_load_idx %arg11[%parallel_loop3A_1300] : memref<2000xf32, #tpu.memory_space<vmem>>[vector<16xi32>], vector<16xf32>,
        %parallel_loop3A_1302 = arith.mulf %parallel_loop3A_1301, %parallel_loop3A_1276 : vector<16xf32>
        %parallel_loop3A_1303 = arith.addf %parallel_loop3A_1201, %parallel_loop3A_1302 : vector<16xf32>
        %parallel_loop3A_1304 = arith.constant 4 : i32
        %parallel_loop3A_1305 = vector.broadcast %parallel_loop3A_1304 : i32 to vector<16xi32>
        %parallel_loop3A_1306 = arith.addi %parallel_loop3A_1279, %parallel_loop3A_1305 : vector<16xi32>
        %parallel_loop3A_1307 = tpu.vector_load_idx %arg11[%parallel_loop3A_1306] : memref<2000xf32, #tpu.memory_space<vmem>>[vector<16xi32>], vector<16xf32>,
        %parallel_loop3A_1308 = arith.mulf %parallel_loop3A_1307, %parallel_loop3A_1276 : vector<16xf32>
        %parallel_loop3A_1309 = arith.addf %parallel_loop3A_1207, %parallel_loop3A_1308 : vector<16xf32>
        %parallel_loop3A_1310 = arith.constant 5 : i32
        %parallel_loop3A_1311 = vector.broadcast %parallel_loop3A_1310 : i32 to vector<16xi32>
        %parallel_loop3A_1312 = arith.addi %parallel_loop3A_1279, %parallel_loop3A_1311 : vector<16xi32>
        %parallel_loop3A_1313 = tpu.vector_load_idx %arg11[%parallel_loop3A_1312] : memref<2000xf32, #tpu.memory_space<vmem>>[vector<16xi32>], vector<16xf32>,
        %parallel_loop3A_1314 = arith.mulf %parallel_loop3A_1313, %parallel_loop3A_1276 : vector<16xf32>
        %parallel_loop3A_1315 = arith.addf %parallel_loop3A_1213, %parallel_loop3A_1314 : vector<16xf32>
        %parallel_loop3A_1316 = arith.constant 6 : i32
        %parallel_loop3A_1317 = vector.broadcast %parallel_loop3A_1316 : i32 to vector<16xi32>
        %parallel_loop3A_1318 = arith.addi %parallel_loop3A_1279, %parallel_loop3A_1317 : vector<16xi32>
        %parallel_loop3A_1319 = tpu.vector_load_idx %arg11[%parallel_loop3A_1318] : memref<2000xf32, #tpu.memory_space<vmem>>[vector<16xi32>], vector<16xf32>,
        %parallel_loop3A_1320 = arith.mulf %parallel_loop3A_1319, %parallel_loop3A_1276 : vector<16xf32>
        %parallel_loop3A_1321 = arith.addf %parallel_loop3A_1219, %parallel_loop3A_1320 : vector<16xf32>
        %parallel_loop3A_1322 = arith.constant 7 : i32
        %parallel_loop3A_1323 = vector.broadcast %parallel_loop3A_1322 : i32 to vector<16xi32>
        %parallel_loop3A_1324 = arith.addi %parallel_loop3A_1279, %parallel_loop3A_1323 : vector<16xi32>
        %parallel_loop3A_1325 = tpu.vector_load_idx %arg11[%parallel_loop3A_1324] : memref<2000xf32, #tpu.memory_space<vmem>>[vector<16xi32>], vector<16xf32>,
        %parallel_loop3A_1326 = arith.mulf %parallel_loop3A_1325, %parallel_loop3A_1276 : vector<16xf32>
        %parallel_loop3A_1327 = arith.addf %parallel_loop3A_1225, %parallel_loop3A_1326 : vector<16xf32>
        %parallel_loop3A_1328 = arith.constant 8 : i32
        %parallel_loop3A_1329 = vector.broadcast %parallel_loop3A_1328 : i32 to vector<16xi32>
        %parallel_loop3A_1330 = arith.addi %parallel_loop3A_1279, %parallel_loop3A_1329 : vector<16xi32>
        %parallel_loop3A_1331 = tpu.vector_load_idx %arg11[%parallel_loop3A_1330] : memref<2000xf32, #tpu.memory_space<vmem>>[vector<16xi32>], vector<16xf32>,
        %parallel_loop3A_1332 = arith.mulf %parallel_loop3A_1331, %parallel_loop3A_1276 : vector<16xf32>
        %parallel_loop3A_1333 = arith.addf %parallel_loop3A_1231, %parallel_loop3A_1332 : vector<16xf32>
        %parallel_loop3A_1334 = arith.constant 9 : i32
        %parallel_loop3A_1335 = vector.broadcast %parallel_loop3A_1334 : i32 to vector<16xi32>
        %parallel_loop3A_1336 = arith.addi %parallel_loop3A_1279, %parallel_loop3A_1335 : vector<16xi32>
        %parallel_loop3A_1337 = tpu.vector_load_idx %arg11[%parallel_loop3A_1336] : memref<2000xf32, #tpu.memory_space<vmem>>[vector<16xi32>], vector<16xf32>,
        %parallel_loop3A_1338 = arith.mulf %parallel_loop3A_1337, %parallel_loop3A_1276 : vector<16xf32>
        %parallel_loop3A_1339 = arith.addf %parallel_loop3A_1237, %parallel_loop3A_1338 : vector<16xf32>
        %parallel_loop3A_1340 = arith.constant 10 : i32
        %parallel_loop3A_1341 = vector.broadcast %parallel_loop3A_1340 : i32 to vector<16xi32>
        %parallel_loop3A_1342 = arith.addi %parallel_loop3A_1279, %parallel_loop3A_1341 : vector<16xi32>
        %parallel_loop3A_1343 = tpu.vector_load_idx %arg11[%parallel_loop3A_1342] : memref<2000xf32, #tpu.memory_space<vmem>>[vector<16xi32>], vector<16xf32>,
        %parallel_loop3A_1344 = arith.mulf %parallel_loop3A_1343, %parallel_loop3A_1276 : vector<16xf32>
        %parallel_loop3A_1345 = arith.addf %parallel_loop3A_1243, %parallel_loop3A_1344 : vector<16xf32>
        %parallel_loop3A_1346 = arith.constant 11 : i32
        %parallel_loop3A_1347 = vector.broadcast %parallel_loop3A_1346 : i32 to vector<16xi32>
        %parallel_loop3A_1348 = arith.addi %parallel_loop3A_1279, %parallel_loop3A_1347 : vector<16xi32>
        %parallel_loop3A_1349 = tpu.vector_load_idx %arg11[%parallel_loop3A_1348] : memref<2000xf32, #tpu.memory_space<vmem>>[vector<16xi32>], vector<16xf32>,
        %parallel_loop3A_1350 = arith.mulf %parallel_loop3A_1349, %parallel_loop3A_1276 : vector<16xf32>
        %parallel_loop3A_1351 = arith.addf %parallel_loop3A_1249, %parallel_loop3A_1350 : vector<16xf32>
        %parallel_loop3A_1352 = arith.constant 12 : i32
        %parallel_loop3A_1353 = vector.broadcast %parallel_loop3A_1352 : i32 to vector<16xi32>
        %parallel_loop3A_1354 = arith.addi %parallel_loop3A_1279, %parallel_loop3A_1353 : vector<16xi32>
        %parallel_loop3A_1355 = tpu.vector_load_idx %arg11[%parallel_loop3A_1354] : memref<2000xf32, #tpu.memory_space<vmem>>[vector<16xi32>], vector<16xf32>,
        %parallel_loop3A_1356 = arith.mulf %parallel_loop3A_1355, %parallel_loop3A_1276 : vector<16xf32>
        %parallel_loop3A_1357 = arith.addf %parallel_loop3A_1255, %parallel_loop3A_1356 : vector<16xf32>
        %parallel_loop3A_1358 = arith.constant 13 : i32
        %parallel_loop3A_1359 = vector.broadcast %parallel_loop3A_1358 : i32 to vector<16xi32>
        %parallel_loop3A_1360 = arith.addi %parallel_loop3A_1279, %parallel_loop3A_1359 : vector<16xi32>
        %parallel_loop3A_1361 = tpu.vector_load_idx %arg11[%parallel_loop3A_1360] : memref<2000xf32, #tpu.memory_space<vmem>>[vector<16xi32>], vector<16xf32>,
        %parallel_loop3A_1362 = arith.mulf %parallel_loop3A_1361, %parallel_loop3A_1276 : vector<16xf32>
        %parallel_loop3A_1363 = arith.addf %parallel_loop3A_1261, %parallel_loop3A_1362 : vector<16xf32>
        %parallel_loop3A_1364 = arith.constant 14 : i32
        %parallel_loop3A_1365 = vector.broadcast %parallel_loop3A_1364 : i32 to vector<16xi32>
        %parallel_loop3A_1366 = arith.addi %parallel_loop3A_1279, %parallel_loop3A_1365 : vector<16xi32>
        %parallel_loop3A_1367 = tpu.vector_load_idx %arg11[%parallel_loop3A_1366] : memref<2000xf32, #tpu.memory_space<vmem>>[vector<16xi32>], vector<16xf32>,
        %parallel_loop3A_1368 = arith.mulf %parallel_loop3A_1367, %parallel_loop3A_1276 : vector<16xf32>
        %parallel_loop3A_1369 = arith.addf %parallel_loop3A_1267, %parallel_loop3A_1368 : vector<16xf32>
        %parallel_loop3A_1370 = arith.constant 15 : i32
        %parallel_loop3A_1371 = vector.broadcast %parallel_loop3A_1370 : i32 to vector<16xi32>
        %parallel_loop3A_1372 = arith.addi %parallel_loop3A_1279, %parallel_loop3A_1371 : vector<16xi32>
        %parallel_loop3A_1373 = tpu.vector_load_idx %arg11[%parallel_loop3A_1372] : memref<2000xf32, #tpu.memory_space<vmem>>[vector<16xi32>], vector<16xf32>,
        %parallel_loop3A_1374 = arith.mulf %parallel_loop3A_1373, %parallel_loop3A_1276 : vector<16xf32>
        %parallel_loop3A_1375 = arith.addf %parallel_loop3A_1273, %parallel_loop3A_1374 : vector<16xf32>
        %parallel_loop3A_1376 = arith.mulf %parallel_loop3A_612, %parallel_loop3A_616 : vector<16xf32>
        %parallel_loop3A_1377 = arith.mulf %parallel_loop3A_1376, %parallel_loop3A_620 : vector<16xf32>
        %parallel_loop3A_1378 = arith.mulf %parallel_loop3A_1377, %parallel_loop3A_606 : vector<16xf32>
        %parallel_loop3A_1379 = arith.constant 496 : i32
        %parallel_loop3A_1380 = vector.broadcast %parallel_loop3A_1379 : i32 to vector<16xi32>
        %parallel_loop3A_1381 = arith.addi %parallel_loop3A_608, %parallel_loop3A_1380 : vector<16xi32>
        %parallel_loop3A_1382 = arith.constant 0 : i32
        %parallel_loop3A_1383 = vector.broadcast %parallel_loop3A_1382 : i32 to vector<16xi32>
        %parallel_loop3A_1384 = arith.addi %parallel_loop3A_1381, %parallel_loop3A_1383 : vector<16xi32>
        %parallel_loop3A_1385 = tpu.vector_load_idx %arg11[%parallel_loop3A_1384] : memref<2000xf32, #tpu.memory_space<vmem>>[vector<16xi32>], vector<16xf32>,
        %parallel_loop3A_1386 = arith.mulf %parallel_loop3A_1385, %parallel_loop3A_1378 : vector<16xf32>
        %parallel_loop3A_1387 = arith.addf %parallel_loop3A_1285, %parallel_loop3A_1386 : vector<16xf32>
        %parallel_loop3A_1388 = arith.constant 1 : i32
        %parallel_loop3A_1389 = vector.broadcast %parallel_loop3A_1388 : i32 to vector<16xi32>
        %parallel_loop3A_1390 = arith.addi %parallel_loop3A_1381, %parallel_loop3A_1389 : vector<16xi32>
        %parallel_loop3A_1391 = tpu.vector_load_idx %arg11[%parallel_loop3A_1390] : memref<2000xf32, #tpu.memory_space<vmem>>[vector<16xi32>], vector<16xf32>,
        %parallel_loop3A_1392 = arith.mulf %parallel_loop3A_1391, %parallel_loop3A_1378 : vector<16xf32>
        %parallel_loop3A_1393 = arith.addf %parallel_loop3A_1291, %parallel_loop3A_1392 : vector<16xf32>
        %parallel_loop3A_1394 = arith.constant 2 : i32
        %parallel_loop3A_1395 = vector.broadcast %parallel_loop3A_1394 : i32 to vector<16xi32>
        %parallel_loop3A_1396 = arith.addi %parallel_loop3A_1381, %parallel_loop3A_1395 : vector<16xi32>
        %parallel_loop3A_1397 = tpu.vector_load_idx %arg11[%parallel_loop3A_1396] : memref<2000xf32, #tpu.memory_space<vmem>>[vector<16xi32>], vector<16xf32>,
        %parallel_loop3A_1398 = arith.mulf %parallel_loop3A_1397, %parallel_loop3A_1378 : vector<16xf32>
        %parallel_loop3A_1399 = arith.addf %parallel_loop3A_1297, %parallel_loop3A_1398 : vector<16xf32>
        %parallel_loop3A_1400 = arith.constant 3 : i32
        %parallel_loop3A_1401 = vector.broadcast %parallel_loop3A_1400 : i32 to vector<16xi32>
        %parallel_loop3A_1402 = arith.addi %parallel_loop3A_1381, %parallel_loop3A_1401 : vector<16xi32>
        %parallel_loop3A_1403 = tpu.vector_load_idx %arg11[%parallel_loop3A_1402] : memref<2000xf32, #tpu.memory_space<vmem>>[vector<16xi32>], vector<16xf32>,
        %parallel_loop3A_1404 = arith.mulf %parallel_loop3A_1403, %parallel_loop3A_1378 : vector<16xf32>
        %parallel_loop3A_1405 = arith.addf %parallel_loop3A_1303, %parallel_loop3A_1404 : vector<16xf32>
        %parallel_loop3A_1406 = arith.constant 4 : i32
        %parallel_loop3A_1407 = vector.broadcast %parallel_loop3A_1406 : i32 to vector<16xi32>
        %parallel_loop3A_1408 = arith.addi %parallel_loop3A_1381, %parallel_loop3A_1407 : vector<16xi32>
        %parallel_loop3A_1409 = tpu.vector_load_idx %arg11[%parallel_loop3A_1408] : memref<2000xf32, #tpu.memory_space<vmem>>[vector<16xi32>], vector<16xf32>,
        %parallel_loop3A_1410 = arith.mulf %parallel_loop3A_1409, %parallel_loop3A_1378 : vector<16xf32>
        %parallel_loop3A_1411 = arith.addf %parallel_loop3A_1309, %parallel_loop3A_1410 : vector<16xf32>
        %parallel_loop3A_1412 = arith.constant 5 : i32
        %parallel_loop3A_1413 = vector.broadcast %parallel_loop3A_1412 : i32 to vector<16xi32>
        %parallel_loop3A_1414 = arith.addi %parallel_loop3A_1381, %parallel_loop3A_1413 : vector<16xi32>
        %parallel_loop3A_1415 = tpu.vector_load_idx %arg11[%parallel_loop3A_1414] : memref<2000xf32, #tpu.memory_space<vmem>>[vector<16xi32>], vector<16xf32>,
        %parallel_loop3A_1416 = arith.mulf %parallel_loop3A_1415, %parallel_loop3A_1378 : vector<16xf32>
        %parallel_loop3A_1417 = arith.addf %parallel_loop3A_1315, %parallel_loop3A_1416 : vector<16xf32>
        %parallel_loop3A_1418 = arith.constant 6 : i32
        %parallel_loop3A_1419 = vector.broadcast %parallel_loop3A_1418 : i32 to vector<16xi32>
        %parallel_loop3A_1420 = arith.addi %parallel_loop3A_1381, %parallel_loop3A_1419 : vector<16xi32>
        %parallel_loop3A_1421 = tpu.vector_load_idx %arg11[%parallel_loop3A_1420] : memref<2000xf32, #tpu.memory_space<vmem>>[vector<16xi32>], vector<16xf32>,
        %parallel_loop3A_1422 = arith.mulf %parallel_loop3A_1421, %parallel_loop3A_1378 : vector<16xf32>
        %parallel_loop3A_1423 = arith.addf %parallel_loop3A_1321, %parallel_loop3A_1422 : vector<16xf32>
        %parallel_loop3A_1424 = arith.constant 7 : i32
        %parallel_loop3A_1425 = vector.broadcast %parallel_loop3A_1424 : i32 to vector<16xi32>
        %parallel_loop3A_1426 = arith.addi %parallel_loop3A_1381, %parallel_loop3A_1425 : vector<16xi32>
        %parallel_loop3A_1427 = tpu.vector_load_idx %arg11[%parallel_loop3A_1426] : memref<2000xf32, #tpu.memory_space<vmem>>[vector<16xi32>], vector<16xf32>,
        %parallel_loop3A_1428 = arith.mulf %parallel_loop3A_1427, %parallel_loop3A_1378 : vector<16xf32>
        %parallel_loop3A_1429 = arith.addf %parallel_loop3A_1327, %parallel_loop3A_1428 : vector<16xf32>
        %parallel_loop3A_1430 = arith.constant 8 : i32
        %parallel_loop3A_1431 = vector.broadcast %parallel_loop3A_1430 : i32 to vector<16xi32>
        %parallel_loop3A_1432 = arith.addi %parallel_loop3A_1381, %parallel_loop3A_1431 : vector<16xi32>
        %parallel_loop3A_1433 = tpu.vector_load_idx %arg11[%parallel_loop3A_1432] : memref<2000xf32, #tpu.memory_space<vmem>>[vector<16xi32>], vector<16xf32>,
        %parallel_loop3A_1434 = arith.mulf %parallel_loop3A_1433, %parallel_loop3A_1378 : vector<16xf32>
        %parallel_loop3A_1435 = arith.addf %parallel_loop3A_1333, %parallel_loop3A_1434 : vector<16xf32>
        %parallel_loop3A_1436 = arith.constant 9 : i32
        %parallel_loop3A_1437 = vector.broadcast %parallel_loop3A_1436 : i32 to vector<16xi32>
        %parallel_loop3A_1438 = arith.addi %parallel_loop3A_1381, %parallel_loop3A_1437 : vector<16xi32>
        %parallel_loop3A_1439 = tpu.vector_load_idx %arg11[%parallel_loop3A_1438] : memref<2000xf32, #tpu.memory_space<vmem>>[vector<16xi32>], vector<16xf32>,
        %parallel_loop3A_1440 = arith.mulf %parallel_loop3A_1439, %parallel_loop3A_1378 : vector<16xf32>
        %parallel_loop3A_1441 = arith.addf %parallel_loop3A_1339, %parallel_loop3A_1440 : vector<16xf32>
        %parallel_loop3A_1442 = arith.constant 10 : i32
        %parallel_loop3A_1443 = vector.broadcast %parallel_loop3A_1442 : i32 to vector<16xi32>
        %parallel_loop3A_1444 = arith.addi %parallel_loop3A_1381, %parallel_loop3A_1443 : vector<16xi32>
        %parallel_loop3A_1445 = tpu.vector_load_idx %arg11[%parallel_loop3A_1444] : memref<2000xf32, #tpu.memory_space<vmem>>[vector<16xi32>], vector<16xf32>,
        %parallel_loop3A_1446 = arith.mulf %parallel_loop3A_1445, %parallel_loop3A_1378 : vector<16xf32>
        %parallel_loop3A_1447 = arith.addf %parallel_loop3A_1345, %parallel_loop3A_1446 : vector<16xf32>
        %parallel_loop3A_1448 = arith.constant 11 : i32
        %parallel_loop3A_1449 = vector.broadcast %parallel_loop3A_1448 : i32 to vector<16xi32>
        %parallel_loop3A_1450 = arith.addi %parallel_loop3A_1381, %parallel_loop3A_1449 : vector<16xi32>
        %parallel_loop3A_1451 = tpu.vector_load_idx %arg11[%parallel_loop3A_1450] : memref<2000xf32, #tpu.memory_space<vmem>>[vector<16xi32>], vector<16xf32>,
        %parallel_loop3A_1452 = arith.mulf %parallel_loop3A_1451, %parallel_loop3A_1378 : vector<16xf32>
        %parallel_loop3A_1453 = arith.addf %parallel_loop3A_1351, %parallel_loop3A_1452 : vector<16xf32>
        %parallel_loop3A_1454 = arith.constant 12 : i32
        %parallel_loop3A_1455 = vector.broadcast %parallel_loop3A_1454 : i32 to vector<16xi32>
        %parallel_loop3A_1456 = arith.addi %parallel_loop3A_1381, %parallel_loop3A_1455 : vector<16xi32>
        %parallel_loop3A_1457 = tpu.vector_load_idx %arg11[%parallel_loop3A_1456] : memref<2000xf32, #tpu.memory_space<vmem>>[vector<16xi32>], vector<16xf32>,
        %parallel_loop3A_1458 = arith.mulf %parallel_loop3A_1457, %parallel_loop3A_1378 : vector<16xf32>
        %parallel_loop3A_1459 = arith.addf %parallel_loop3A_1357, %parallel_loop3A_1458 : vector<16xf32>
        %parallel_loop3A_1460 = arith.constant 13 : i32
        %parallel_loop3A_1461 = vector.broadcast %parallel_loop3A_1460 : i32 to vector<16xi32>
        %parallel_loop3A_1462 = arith.addi %parallel_loop3A_1381, %parallel_loop3A_1461 : vector<16xi32>
        %parallel_loop3A_1463 = tpu.vector_load_idx %arg11[%parallel_loop3A_1462] : memref<2000xf32, #tpu.memory_space<vmem>>[vector<16xi32>], vector<16xf32>,
        %parallel_loop3A_1464 = arith.mulf %parallel_loop3A_1463, %parallel_loop3A_1378 : vector<16xf32>
        %parallel_loop3A_1465 = arith.addf %parallel_loop3A_1363, %parallel_loop3A_1464 : vector<16xf32>
        %parallel_loop3A_1466 = arith.constant 14 : i32
        %parallel_loop3A_1467 = vector.broadcast %parallel_loop3A_1466 : i32 to vector<16xi32>
        %parallel_loop3A_1468 = arith.addi %parallel_loop3A_1381, %parallel_loop3A_1467 : vector<16xi32>
        %parallel_loop3A_1469 = tpu.vector_load_idx %arg11[%parallel_loop3A_1468] : memref<2000xf32, #tpu.memory_space<vmem>>[vector<16xi32>], vector<16xf32>,
        %parallel_loop3A_1470 = arith.mulf %parallel_loop3A_1469, %parallel_loop3A_1378 : vector<16xf32>
        %parallel_loop3A_1471 = arith.addf %parallel_loop3A_1369, %parallel_loop3A_1470 : vector<16xf32>
        %parallel_loop3A_1472 = arith.constant 15 : i32
        %parallel_loop3A_1473 = vector.broadcast %parallel_loop3A_1472 : i32 to vector<16xi32>
        %parallel_loop3A_1474 = arith.addi %parallel_loop3A_1381, %parallel_loop3A_1473 : vector<16xi32>
        %parallel_loop3A_1475 = tpu.vector_load_idx %arg11[%parallel_loop3A_1474] : memref<2000xf32, #tpu.memory_space<vmem>>[vector<16xi32>], vector<16xf32>,
        %parallel_loop3A_1476 = arith.mulf %parallel_loop3A_1475, %parallel_loop3A_1378 : vector<16xf32>
        %parallel_loop3A_1477 = arith.addf %parallel_loop3A_1375, %parallel_loop3A_1476 : vector<16xf32>
        %parallel_loop3A_1478 = arith.constant 0 : i32
        %parallel_loop3A_1479 = vector.broadcast %parallel_loop3A_1478 : i32 to vector<16xi32>
        tpu.vector_store_idx %arg23[%parallel_loop3A_604, %parallel_loop3A_1479], %parallel_loop3A_1387 : memref<400x16xf32, #tpu.memory_space<vmem>>[vector<16xi32>, vector<16xi32>], vector<16xf32>,
        %parallel_loop3A_1480 = arith.constant 1 : i32
        %parallel_loop3A_1481 = vector.broadcast %parallel_loop3A_1480 : i32 to vector<16xi32>
        tpu.vector_store_idx %arg23[%parallel_loop3A_604, %parallel_loop3A_1481], %parallel_loop3A_1393 : memref<400x16xf32, #tpu.memory_space<vmem>>[vector<16xi32>, vector<16xi32>], vector<16xf32>,
        %parallel_loop3A_1482 = arith.constant 2 : i32
        %parallel_loop3A_1483 = vector.broadcast %parallel_loop3A_1482 : i32 to vector<16xi32>
        tpu.vector_store_idx %arg23[%parallel_loop3A_604, %parallel_loop3A_1483], %parallel_loop3A_1399 : memref<400x16xf32, #tpu.memory_space<vmem>>[vector<16xi32>, vector<16xi32>], vector<16xf32>,
        %parallel_loop3A_1484 = arith.constant 3 : i32
        %parallel_loop3A_1485 = vector.broadcast %parallel_loop3A_1484 : i32 to vector<16xi32>
        tpu.vector_store_idx %arg23[%parallel_loop3A_604, %parallel_loop3A_1485], %parallel_loop3A_1405 : memref<400x16xf32, #tpu.memory_space<vmem>>[vector<16xi32>, vector<16xi32>], vector<16xf32>,
        %parallel_loop3A_1486 = arith.constant 4 : i32
        %parallel_loop3A_1487 = vector.broadcast %parallel_loop3A_1486 : i32 to vector<16xi32>
        tpu.vector_store_idx %arg23[%parallel_loop3A_604, %parallel_loop3A_1487], %parallel_loop3A_1411 : memref<400x16xf32, #tpu.memory_space<vmem>>[vector<16xi32>, vector<16xi32>], vector<16xf32>,
        %parallel_loop3A_1488 = arith.constant 5 : i32
        %parallel_loop3A_1489 = vector.broadcast %parallel_loop3A_1488 : i32 to vector<16xi32>
        tpu.vector_store_idx %arg23[%parallel_loop3A_604, %parallel_loop3A_1489], %parallel_loop3A_1417 : memref<400x16xf32, #tpu.memory_space<vmem>>[vector<16xi32>, vector<16xi32>], vector<16xf32>,
        %parallel_loop3A_1490 = arith.constant 6 : i32
        %parallel_loop3A_1491 = vector.broadcast %parallel_loop3A_1490 : i32 to vector<16xi32>
        tpu.vector_store_idx %arg23[%parallel_loop3A_604, %parallel_loop3A_1491], %parallel_loop3A_1423 : memref<400x16xf32, #tpu.memory_space<vmem>>[vector<16xi32>, vector<16xi32>], vector<16xf32>,
        %parallel_loop3A_1492 = arith.constant 7 : i32
        %parallel_loop3A_1493 = vector.broadcast %parallel_loop3A_1492 : i32 to vector<16xi32>
        tpu.vector_store_idx %arg23[%parallel_loop3A_604, %parallel_loop3A_1493], %parallel_loop3A_1429 : memref<400x16xf32, #tpu.memory_space<vmem>>[vector<16xi32>, vector<16xi32>], vector<16xf32>,
        %parallel_loop3A_1494 = arith.constant 8 : i32
        %parallel_loop3A_1495 = vector.broadcast %parallel_loop3A_1494 : i32 to vector<16xi32>
        tpu.vector_store_idx %arg23[%parallel_loop3A_604, %parallel_loop3A_1495], %parallel_loop3A_1435 : memref<400x16xf32, #tpu.memory_space<vmem>>[vector<16xi32>, vector<16xi32>], vector<16xf32>,
        %parallel_loop3A_1496 = arith.constant 9 : i32
        %parallel_loop3A_1497 = vector.broadcast %parallel_loop3A_1496 : i32 to vector<16xi32>
        tpu.vector_store_idx %arg23[%parallel_loop3A_604, %parallel_loop3A_1497], %parallel_loop3A_1441 : memref<400x16xf32, #tpu.memory_space<vmem>>[vector<16xi32>, vector<16xi32>], vector<16xf32>,
        %parallel_loop3A_1498 = arith.constant 10 : i32
        %parallel_loop3A_1499 = vector.broadcast %parallel_loop3A_1498 : i32 to vector<16xi32>
        tpu.vector_store_idx %arg23[%parallel_loop3A_604, %parallel_loop3A_1499], %parallel_loop3A_1447 : memref<400x16xf32, #tpu.memory_space<vmem>>[vector<16xi32>, vector<16xi32>], vector<16xf32>,
        %parallel_loop3A_1500 = arith.constant 11 : i32
        %parallel_loop3A_1501 = vector.broadcast %parallel_loop3A_1500 : i32 to vector<16xi32>
        tpu.vector_store_idx %arg23[%parallel_loop3A_604, %parallel_loop3A_1501], %parallel_loop3A_1453 : memref<400x16xf32, #tpu.memory_space<vmem>>[vector<16xi32>, vector<16xi32>], vector<16xf32>,
        %parallel_loop3A_1502 = arith.constant 12 : i32
        %parallel_loop3A_1503 = vector.broadcast %parallel_loop3A_1502 : i32 to vector<16xi32>
        tpu.vector_store_idx %arg23[%parallel_loop3A_604, %parallel_loop3A_1503], %parallel_loop3A_1459 : memref<400x16xf32, #tpu.memory_space<vmem>>[vector<16xi32>, vector<16xi32>], vector<16xf32>,
        %parallel_loop3A_1504 = arith.constant 13 : i32
        %parallel_loop3A_1505 = vector.broadcast %parallel_loop3A_1504 : i32 to vector<16xi32>
        tpu.vector_store_idx %arg23[%parallel_loop3A_604, %parallel_loop3A_1505], %parallel_loop3A_1465 : memref<400x16xf32, #tpu.memory_space<vmem>>[vector<16xi32>, vector<16xi32>], vector<16xf32>,
        %parallel_loop3A_1506 = arith.constant 14 : i32
        %parallel_loop3A_1507 = vector.broadcast %parallel_loop3A_1506 : i32 to vector<16xi32>
        tpu.vector_store_idx %arg23[%parallel_loop3A_604, %parallel_loop3A_1507], %parallel_loop3A_1471 : memref<400x16xf32, #tpu.memory_space<vmem>>[vector<16xi32>, vector<16xi32>], vector<16xf32>,
        %parallel_loop3A_1508 = arith.constant 15 : i32
        %parallel_loop3A_1509 = vector.broadcast %parallel_loop3A_1508 : i32 to vector<16xi32>
        tpu.vector_store_idx %arg23[%parallel_loop3A_604, %parallel_loop3A_1509], %parallel_loop3A_1477 : memref<400x16xf32, #tpu.memory_space<vmem>>[vector<16xi32>, vector<16xi32>], vector<16xf32>,
      } {sc.loop_unroll_factor = 2 : i64, sc.parallel_access}
      %dma_start3A_549 = arith.constant 0 : i32
      %dma_start3A_550 = arith.constant 0 : i32
      %dma_start3A_551 = arith.constant 0 : i32
      %dma_start3A_552 = tpu.memref_slice %arg23[%dma_start3A_550, %dma_start3A_551] : memref<400x16xf32, #tpu.memory_space<vmem>> -> memref<80x16xf32, #tpu.memory_space<vmem>>
      %dma_start3A_553 = arith.constant 0 : i32
      %dma_start3A_554 = tpu.memref_slice %arg15[%dma_start3A_549, %dma_start3A_553] : memref<5x80xi32, #tpu.memory_space<vmem>> -> memref<1x80xi32, #tpu.memory_space<vmem>>
      %dma_start3A_555 = tpu.memref_squeeze %dma_start3A_554 : memref<1x80xi32, #tpu.memory_space<vmem>> -> memref<80xi32, #tpu.memory_space<vmem>>
      %dma_start3A_556 = arith.constant 0 : i32
      %dma_start3A_557 = arith.constant 0 : i32
      %dma_start3A_558 = tpu.memref_slice %arg30[%dma_start3A_556, %dma_start3A_557] : memref<100096x16xf32, #tpu.memory_space<vmem_shared>> -> memref<100096x16xf32, #tpu.memory_space<vmem_shared>>
      tpu.enqueue_indirect_dma source(%dma_start3A_552 : memref<80x16xf32, #tpu.memory_space<vmem>>) target(%dma_start3A_558 : memref<100096x16xf32, #tpu.memory_space<vmem_shared>>) offsets(%dma_start3A_555 : memref<80xi32, #tpu.memory_space<vmem>>) semaphore(%arg28 : memref<!tpu.dma_semaphore, #tpu.memory_space<semaphore_mem>>) {add = true}
      %dma_start3A_559 = arith.constant 1 : i32
      %dma_start3A_560 = arith.constant 80 : i32
      %dma_start3A_561 = arith.constant 0 : i32
      %dma_start3A_562 = tpu.memref_slice %arg23[%dma_start3A_560, %dma_start3A_561] : memref<400x16xf32, #tpu.memory_space<vmem>> -> memref<80x16xf32, #tpu.memory_space<vmem>>
      %dma_start3A_563 = arith.constant 0 : i32
      %dma_start3A_564 = tpu.memref_slice %arg15[%dma_start3A_559, %dma_start3A_563] : memref<5x80xi32, #tpu.memory_space<vmem>> -> memref<1x80xi32, #tpu.memory_space<vmem>>
      %dma_start3A_565 = tpu.memref_squeeze %dma_start3A_564 : memref<1x80xi32, #tpu.memory_space<vmem>> -> memref<80xi32, #tpu.memory_space<vmem>>
      %dma_start3A_566 = arith.constant 0 : i32
      %dma_start3A_567 = arith.constant 0 : i32
      %dma_start3A_568 = tpu.memref_slice %arg30[%dma_start3A_566, %dma_start3A_567] : memref<100096x16xf32, #tpu.memory_space<vmem_shared>> -> memref<100096x16xf32, #tpu.memory_space<vmem_shared>>
      tpu.enqueue_indirect_dma source(%dma_start3A_562 : memref<80x16xf32, #tpu.memory_space<vmem>>) target(%dma_start3A_568 : memref<100096x16xf32, #tpu.memory_space<vmem_shared>>) offsets(%dma_start3A_565 : memref<80xi32, #tpu.memory_space<vmem>>) semaphore(%arg28 : memref<!tpu.dma_semaphore, #tpu.memory_space<semaphore_mem>>) {add = true}
      %dma_start3A_569 = arith.constant 2 : i32
      %dma_start3A_570 = arith.constant 160 : i32
      %dma_start3A_571 = arith.constant 0 : i32
      %dma_start3A_572 = tpu.memref_slice %arg23[%dma_start3A_570, %dma_start3A_571] : memref<400x16xf32, #tpu.memory_space<vmem>> -> memref<80x16xf32, #tpu.memory_space<vmem>>
      %dma_start3A_573 = arith.constant 0 : i32
      %dma_start3A_574 = tpu.memref_slice %arg15[%dma_start3A_569, %dma_start3A_573] : memref<5x80xi32, #tpu.memory_space<vmem>> -> memref<1x80xi32, #tpu.memory_space<vmem>>
      %dma_start3A_575 = tpu.memref_squeeze %dma_start3A_574 : memref<1x80xi32, #tpu.memory_space<vmem>> -> memref<80xi32, #tpu.memory_space<vmem>>
      %dma_start3A_576 = arith.constant 0 : i32
      %dma_start3A_577 = arith.constant 0 : i32
      %dma_start3A_578 = tpu.memref_slice %arg30[%dma_start3A_576, %dma_start3A_577] : memref<100096x16xf32, #tpu.memory_space<vmem_shared>> -> memref<100096x16xf32, #tpu.memory_space<vmem_shared>>
      tpu.enqueue_indirect_dma source(%dma_start3A_572 : memref<80x16xf32, #tpu.memory_space<vmem>>) target(%dma_start3A_578 : memref<100096x16xf32, #tpu.memory_space<vmem_shared>>) offsets(%dma_start3A_575 : memref<80xi32, #tpu.memory_space<vmem>>) semaphore(%arg28 : memref<!tpu.dma_semaphore, #tpu.memory_space<semaphore_mem>>) {add = true}
      %dma_start3A_579 = arith.constant 3 : i32
      %dma_start3A_580 = arith.constant 240 : i32
      %dma_start3A_581 = arith.constant 0 : i32
      %dma_start3A_582 = tpu.memref_slice %arg23[%dma_start3A_580, %dma_start3A_581] : memref<400x16xf32, #tpu.memory_space<vmem>> -> memref<80x16xf32, #tpu.memory_space<vmem>>
      %dma_start3A_583 = arith.constant 0 : i32
      %dma_start3A_584 = tpu.memref_slice %arg15[%dma_start3A_579, %dma_start3A_583] : memref<5x80xi32, #tpu.memory_space<vmem>> -> memref<1x80xi32, #tpu.memory_space<vmem>>
      %dma_start3A_585 = tpu.memref_squeeze %dma_start3A_584 : memref<1x80xi32, #tpu.memory_space<vmem>> -> memref<80xi32, #tpu.memory_space<vmem>>
      %dma_start3A_586 = arith.constant 0 : i32
      %dma_start3A_587 = arith.constant 0 : i32
      %dma_start3A_588 = tpu.memref_slice %arg30[%dma_start3A_586, %dma_start3A_587] : memref<100096x16xf32, #tpu.memory_space<vmem_shared>> -> memref<100096x16xf32, #tpu.memory_space<vmem_shared>>
      tpu.enqueue_indirect_dma source(%dma_start3A_582 : memref<80x16xf32, #tpu.memory_space<vmem>>) target(%dma_start3A_588 : memref<100096x16xf32, #tpu.memory_space<vmem_shared>>) offsets(%dma_start3A_585 : memref<80xi32, #tpu.memory_space<vmem>>) semaphore(%arg28 : memref<!tpu.dma_semaphore, #tpu.memory_space<semaphore_mem>>) {add = true}
      %dma_start3A_589 = arith.constant 4 : i32
      %dma_start3A_590 = arith.constant 320 : i32
      %dma_start3A_591 = arith.constant 0 : i32
      %dma_start3A_592 = tpu.memref_slice %arg23[%dma_start3A_590, %dma_start3A_591] : memref<400x16xf32, #tpu.memory_space<vmem>> -> memref<80x16xf32, #tpu.memory_space<vmem>>
      %dma_start3A_593 = arith.constant 0 : i32
      %dma_start3A_594 = tpu.memref_slice %arg15[%dma_start3A_589, %dma_start3A_593] : memref<5x80xi32, #tpu.memory_space<vmem>> -> memref<1x80xi32, #tpu.memory_space<vmem>>
      %dma_start3A_595 = tpu.memref_squeeze %dma_start3A_594 : memref<1x80xi32, #tpu.memory_space<vmem>> -> memref<80xi32, #tpu.memory_space<vmem>>
      %dma_start3A_596 = arith.constant 0 : i32
      %dma_start3A_597 = arith.constant 0 : i32
      %dma_start3A_598 = tpu.memref_slice %arg30[%dma_start3A_596, %dma_start3A_597] : memref<100096x16xf32, #tpu.memory_space<vmem_shared>> -> memref<100096x16xf32, #tpu.memory_space<vmem_shared>>
      tpu.enqueue_indirect_dma source(%dma_start3A_592 : memref<80x16xf32, #tpu.memory_space<vmem>>) target(%dma_start3A_598 : memref<100096x16xf32, #tpu.memory_space<vmem_shared>>) offsets(%dma_start3A_595 : memref<80xi32, #tpu.memory_space<vmem>>) semaphore(%arg28 : memref<!tpu.dma_semaphore, #tpu.memory_space<semaphore_mem>>) {add = true}
      %scan3A_599 = arith.constant 0 : i32
      scf.yield %scan3A_599 : i32
    }
    %scan3A_113 = arith.constant 125 : i32
    %dma_wait3A = arith.constant 0 : i32
    %dma_wait3A_114 = arith.constant 0 : i32
    %dma_wait3A_115 = arith.constant 0 : i32
    %dma_wait3A_116 = tpu.memref_slice %arg23[%dma_wait3A_114, %dma_wait3A_115] : memref<400x16xf32, #tpu.memory_space<vmem>> -> memref<80x16xf32, #tpu.memory_space<vmem>>
    %dma_wait3A_117 = arith.constant 0 : i32
    %dma_wait3A_118 = tpu.memref_slice %arg15[%dma_wait3A, %dma_wait3A_117] : memref<5x80xi32, #tpu.memory_space<vmem>> -> memref<1x80xi32, #tpu.memory_space<vmem>>
    %dma_wait3A_119 = tpu.memref_squeeze %dma_wait3A_118 : memref<1x80xi32, #tpu.memory_space<vmem>> -> memref<80xi32, #tpu.memory_space<vmem>>
    %dma_wait3A_120 = arith.constant 0 : i32
    %dma_wait3A_121 = arith.constant 0 : i32
    %dma_wait3A_122 = tpu.memref_slice %arg30[%dma_wait3A_120, %dma_wait3A_121] : memref<100096x16xf32, #tpu.memory_space<vmem_shared>> -> memref<100096x16xf32, #tpu.memory_space<vmem_shared>>
    tpu.wait_indirect_dma semaphore(%arg28 : memref<!tpu.dma_semaphore, #tpu.memory_space<semaphore_mem>>) src(%dma_wait3A_116 : memref<80x16xf32, #tpu.memory_space<vmem>>) dst(%dma_wait3A_122 : memref<100096x16xf32, #tpu.memory_space<vmem_shared>>)
    %dma_wait3A_123 = arith.constant 1 : i32
    %dma_wait3A_124 = arith.constant 80 : i32
    %dma_wait3A_125 = arith.constant 0 : i32
    %dma_wait3A_126 = tpu.memref_slice %arg23[%dma_wait3A_124, %dma_wait3A_125] : memref<400x16xf32, #tpu.memory_space<vmem>> -> memref<80x16xf32, #tpu.memory_space<vmem>>
    %dma_wait3A_127 = arith.constant 0 : i32
    %dma_wait3A_128 = tpu.memref_slice %arg15[%dma_wait3A_123, %dma_wait3A_127] : memref<5x80xi32, #tpu.memory_space<vmem>> -> memref<1x80xi32, #tpu.memory_space<vmem>>
    %dma_wait3A_129 = tpu.memref_squeeze %dma_wait3A_128 : memref<1x80xi32, #tpu.memory_space<vmem>> -> memref<80xi32, #tpu.memory_space<vmem>>
    %dma_wait3A_130 = arith.constant 0 : i32
    %dma_wait3A_131 = arith.constant 0 : i32
    %dma_wait3A_132 = tpu.memref_slice %arg30[%dma_wait3A_130, %dma_wait3A_131] : memref<100096x16xf32, #tpu.memory_space<vmem_shared>> -> memref<100096x16xf32, #tpu.memory_space<vmem_shared>>
    tpu.wait_indirect_dma semaphore(%arg28 : memref<!tpu.dma_semaphore, #tpu.memory_space<semaphore_mem>>) src(%dma_wait3A_126 : memref<80x16xf32, #tpu.memory_space<vmem>>) dst(%dma_wait3A_132 : memref<100096x16xf32, #tpu.memory_space<vmem_shared>>)
    %dma_wait3A_133 = arith.constant 2 : i32
    %dma_wait3A_134 = arith.constant 160 : i32
    %dma_wait3A_135 = arith.constant 0 : i32
    %dma_wait3A_136 = tpu.memref_slice %arg23[%dma_wait3A_134, %dma_wait3A_135] : memref<400x16xf32, #tpu.memory_space<vmem>> -> memref<80x16xf32, #tpu.memory_space<vmem>>
    %dma_wait3A_137 = arith.constant 0 : i32
    %dma_wait3A_138 = tpu.memref_slice %arg15[%dma_wait3A_133, %dma_wait3A_137] : memref<5x80xi32, #tpu.memory_space<vmem>> -> memref<1x80xi32, #tpu.memory_space<vmem>>
    %dma_wait3A_139 = tpu.memref_squeeze %dma_wait3A_138 : memref<1x80xi32, #tpu.memory_space<vmem>> -> memref<80xi32, #tpu.memory_space<vmem>>
    %dma_wait3A_140 = arith.constant 0 : i32
    %dma_wait3A_141 = arith.constant 0 : i32
    %dma_wait3A_142 = tpu.memref_slice %arg30[%dma_wait3A_140, %dma_wait3A_141] : memref<100096x16xf32, #tpu.memory_space<vmem_shared>> -> memref<100096x16xf32, #tpu.memory_space<vmem_shared>>
    tpu.wait_indirect_dma semaphore(%arg28 : memref<!tpu.dma_semaphore, #tpu.memory_space<semaphore_mem>>) src(%dma_wait3A_136 : memref<80x16xf32, #tpu.memory_space<vmem>>) dst(%dma_wait3A_142 : memref<100096x16xf32, #tpu.memory_space<vmem_shared>>)
    %dma_wait3A_143 = arith.constant 3 : i32
    %dma_wait3A_144 = arith.constant 240 : i32
    %dma_wait3A_145 = arith.constant 0 : i32
    %dma_wait3A_146 = tpu.memref_slice %arg23[%dma_wait3A_144, %dma_wait3A_145] : memref<400x16xf32, #tpu.memory_space<vmem>> -> memref<80x16xf32, #tpu.memory_space<vmem>>
    %dma_wait3A_147 = arith.constant 0 : i32
    %dma_wait3A_148 = tpu.memref_slice %arg15[%dma_wait3A_143, %dma_wait3A_147] : memref<5x80xi32, #tpu.memory_space<vmem>> -> memref<1x80xi32, #tpu.memory_space<vmem>>
    %dma_wait3A_149 = tpu.memref_squeeze %dma_wait3A_148 : memref<1x80xi32, #tpu.memory_space<vmem>> -> memref<80xi32, #tpu.memory_space<vmem>>
    %dma_wait3A_150 = arith.constant 0 : i32
    %dma_wait3A_151 = arith.constant 0 : i32
    %dma_wait3A_152 = tpu.memref_slice %arg30[%dma_wait3A_150, %dma_wait3A_151] : memref<100096x16xf32, #tpu.memory_space<vmem_shared>> -> memref<100096x16xf32, #tpu.memory_space<vmem_shared>>
    tpu.wait_indirect_dma semaphore(%arg28 : memref<!tpu.dma_semaphore, #tpu.memory_space<semaphore_mem>>) src(%dma_wait3A_146 : memref<80x16xf32, #tpu.memory_space<vmem>>) dst(%dma_wait3A_152 : memref<100096x16xf32, #tpu.memory_space<vmem_shared>>)
    %dma_wait3A_153 = arith.constant 4 : i32
    %dma_wait3A_154 = arith.constant 320 : i32
    %dma_wait3A_155 = arith.constant 0 : i32
    %dma_wait3A_156 = tpu.memref_slice %arg23[%dma_wait3A_154, %dma_wait3A_155] : memref<400x16xf32, #tpu.memory_space<vmem>> -> memref<80x16xf32, #tpu.memory_space<vmem>>
    %dma_wait3A_157 = arith.constant 0 : i32
    %dma_wait3A_158 = tpu.memref_slice %arg15[%dma_wait3A_153, %dma_wait3A_157] : memref<5x80xi32, #tpu.memory_space<vmem>> -> memref<1x80xi32, #tpu.memory_space<vmem>>
    %dma_wait3A_159 = tpu.memref_squeeze %dma_wait3A_158 : memref<1x80xi32, #tpu.memory_space<vmem>> -> memref<80xi32, #tpu.memory_space<vmem>>
    %dma_wait3A_160 = arith.constant 0 : i32
    %dma_wait3A_161 = arith.constant 0 : i32
    %dma_wait3A_162 = tpu.memref_slice %arg30[%dma_wait3A_160, %dma_wait3A_161] : memref<100096x16xf32, #tpu.memory_space<vmem_shared>> -> memref<100096x16xf32, #tpu.memory_space<vmem_shared>>
    tpu.wait_indirect_dma semaphore(%arg28 : memref<!tpu.dma_semaphore, #tpu.memory_space<semaphore_mem>>) src(%dma_wait3A_156 : memref<80x16xf32, #tpu.memory_space<vmem>>) dst(%dma_wait3A_162 : memref<100096x16xf32, #tpu.memory_space<vmem_shared>>)
    %barrier3A_163 = arith.constant 0 : index
    tpu.barrier barrier_id(%barrier3A_163)
    "tpu.region"() ({
      %run_scoped3A = tpu.sem_alloc : memref<!tpu.dma_semaphore, #tpu.memory_space<semaphore_mem>>
      %dma_start3A_164 = arith.constant 0 : i32
      %dma_start3A_165 = arith.constant 0 : i32
      %dma_start3A_166 = tpu.memref_slice %arg10[%arg0, %dma_start3A_164, %dma_start3A_165] : memref<2x100096x16xf32, #tpu.memory_space<hbm>> -> memref<1x100096x16xf32, #tpu.memory_space<hbm>>
      %dma_start3A_167 = tpu.memref_squeeze %dma_start3A_166 : memref<1x100096x16xf32, #tpu.memory_space<hbm>> -> memref<100096x16xf32, #tpu.memory_space<hbm>>
      %dma_start3A_168 = arith.constant 0 : i32
      %dma_start3A_169 = tpu.memref_slice %dma_start3A_167[%mul3A_10, %dma_start3A_168] : memref<100096x16xf32, #tpu.memory_space<hbm>> -> memref<6256x16xf32, #tpu.memory_space<hbm>>
      %dma_start3A_170 = arith.constant 0 : i32
      %dma_start3A_171 = tpu.memref_slice %arg30[%mul3A_10, %dma_start3A_170] : memref<100096x16xf32, #tpu.memory_space<vmem_shared>> -> memref<6256x16xf32, #tpu.memory_space<vmem_shared>>
      tpu.enqueue_dma source(%dma_start3A_171 : memref<6256x16xf32, #tpu.memory_space<vmem_shared>>) target(%dma_start3A_169 : memref<6256x16xf32, #tpu.memory_space<hbm>>) target_semaphore(%run_scoped3A : memref<!tpu.dma_semaphore, #tpu.memory_space<semaphore_mem>>)
      %dma_wait3A_172 = arith.constant 0 : i32
      %dma_wait3A_173 = arith.constant 0 : i32
      %dma_wait3A_174 = tpu.memref_slice %arg10[%arg0, %dma_wait3A_172, %dma_wait3A_173] : memref<2x100096x16xf32, #tpu.memory_space<hbm>> -> memref<1x100096x16xf32, #tpu.memory_space<hbm>>
      %dma_wait3A_175 = tpu.memref_squeeze %dma_wait3A_174 : memref<1x100096x16xf32, #tpu.memory_space<hbm>> -> memref<100096x16xf32, #tpu.memory_space<hbm>>
      %dma_wait3A_176 = arith.constant 0 : i32
      %dma_wait3A_177 = tpu.memref_slice %dma_wait3A_175[%mul3A_10, %dma_wait3A_176] : memref<100096x16xf32, #tpu.memory_space<hbm>> -> memref<6256x16xf32, #tpu.memory_space<hbm>>
      %dma_wait3A_178 = arith.constant 0 : i32
      %dma_wait3A_179 = tpu.memref_slice %arg30[%mul3A_10, %dma_wait3A_178] : memref<100096x16xf32, #tpu.memory_space<vmem_shared>> -> memref<6256x16xf32, #tpu.memory_space<vmem_shared>>
      tpu.wait_dma2 semaphore(%run_scoped3A : memref<!tpu.dma_semaphore, #tpu.memory_space<semaphore_mem>>) src(%dma_wait3A_179 : memref<6256x16xf32, #tpu.memory_space<vmem_shared>>) dst(%dma_wait3A_177 : memref<6256x16xf32, #tpu.memory_space<hbm>>)
      tpu.yield
    }) : () -> ()
    return
  }
}

module attributes {stable_mosaic.version = 14 : i64} {
  func.func @_x_prep_body(%arg0: i32, %arg1: memref<10240x1xf32, #tpu.memory_space<vmem>>, %arg2: memref<10240xf32, #tpu.memory_space<vmem>>) attributes {dimension_semantics = [#tpu.dimension_semantics<arbitrary>], iteration_bounds = array<i64: 10>, scalar_prefetch = 0 : i64, scratch_operands = 0 : i64, tpu.core_type = #tpu.core_type<tc>, window_params = [{transform_indices = @transform_0, window_bounds = array<i64: 10240, 1>}, {transform_indices = @transform_1, window_bounds = array<i64: 10240>}]} {
    %get3A = arith.constant 0 : index
    %get3A_0 = arith.constant 0 : index
    %get3A_1 = vector.load %arg1[%get3A, %get3A_0] : memref<10240x1xf32, #tpu.memory_space<vmem>>, vector<10240x1xf32>
    %transpose3A = tpu.transpose %get3A_1, [1, 0] : vector<10240x1xf32> -> vector<1x10240xf32>
    %squeeze3A = vector.shape_cast %transpose3A : vector<1x10240xf32> to vector<10240xf32>
    %swap3A = arith.constant 0 : index
    %swap3A_2 = vector.load %arg2[%swap3A] : memref<10240xf32, #tpu.memory_space<vmem>>, vector<10240xf32>
    tpu.vector_store %arg2[%swap3A], %squeeze3A {strides = array<i32>} : memref<10240xf32, #tpu.memory_space<vmem>>, vector<10240xf32>,
    return
  }
  func.func @transform_0(%arg0: i32) -> (i32, i32) {
    %c0_i32 = arith.constant 0 : i32
    %c0_i32_0 = arith.constant 0 : i32
    return %arg0, %c0_i32 : i32, i32
  }
  func.func @transform_1(%arg0: i32) -> i32 {
    %c0_i32 = arith.constant 0 : i32
    return %arg0 : i32
  }
}

module attributes {stable_mosaic.version = 14 : i64} {
  func.func @_prep_body(%arg0: i32, %arg1: memref<2x25600xi32, #tpu.memory_space<vmem>>, %arg2: memref<25600x3xf32, #tpu.memory_space<vmem>>, %arg3: memref<25600xi32, #tpu.memory_space<vmem>>, %arg4: memref<25600xi32, #tpu.memory_space<vmem>>, %arg5: memref<25600xi32, #tpu.memory_space<vmem>>, %arg6: memref<25600xf32, #tpu.memory_space<vmem>>, %arg7: memref<25600xf32, #tpu.memory_space<vmem>>, %arg8: memref<25600xf32, #tpu.memory_space<vmem>>) attributes {dimension_semantics = [#tpu.dimension_semantics<arbitrary>], iteration_bounds = array<i64: 125>, scalar_prefetch = 0 : i64, scratch_operands = 0 : i64, tpu.core_type = #tpu.core_type<tc>, window_params = [{transform_indices = @transform_0, window_bounds = array<i64: 2, 25600>}, {transform_indices = @transform_1, window_bounds = array<i64: 25600, 3>}, {transform_indices = @transform_2, window_bounds = array<i64: 25600>}, {transform_indices = @transform_3, window_bounds = array<i64: 25600>}, {transform_indices = @transform_4, window_bounds = array<i64: 25600>}, {transform_indices = @transform_5, window_bounds = array<i64: 25600>}, {transform_indices = @transform_6, window_bounds = array<i64: 25600>}, {transform_indices = @transform_7, window_bounds = array<i64: 25600>}]} {
    %get3A = arith.constant 0 : index
    %get3A_0 = arith.constant 0 : index
    %get3A_1 = vector.load %arg1[%get3A, %get3A_0] : memref<2x25600xi32, #tpu.memory_space<vmem>>, vector<1x25600xi32>
    %get3A_2 = vector.shape_cast %get3A_1 : vector<1x25600xi32> to vector<25600xi32>
    %swap3A = arith.constant 0 : index
    %swap3A_3 = vector.load %arg3[%swap3A] : memref<25600xi32, #tpu.memory_space<vmem>>, vector<25600xi32>
    tpu.vector_store %arg3[%swap3A], %get3A_2 {strides = array<i32>} : memref<25600xi32, #tpu.memory_space<vmem>>, vector<25600xi32>,
    %get3A_4 = arith.constant 1 : index
    %get3A_5 = arith.constant 0 : index
    %get3A_6 = vector.load %arg1[%get3A_4, %get3A_5] : memref<2x25600xi32, #tpu.memory_space<vmem>>, vector<1x25600xi32>
    %get3A_7 = vector.shape_cast %get3A_6 : vector<1x25600xi32> to vector<25600xi32>
    %swap3A_8 = arith.constant 0 : index
    %swap3A_9 = vector.load %arg4[%swap3A_8] : memref<25600xi32, #tpu.memory_space<vmem>>, vector<25600xi32>
    tpu.vector_store %arg4[%swap3A_8], %get3A_7 {strides = array<i32>} : memref<25600xi32, #tpu.memory_space<vmem>>, vector<25600xi32>,
    %get3A_10 = arith.constant 0 : index
    %get3A_11 = arith.constant 0 : index
    %get3A_12 = vector.load %arg2[%get3A_10, %get3A_11] : memref<25600x3xf32, #tpu.memory_space<vmem>>, vector<25600x3xf32>
    %transpose3A = tpu.transpose %get3A_12, [1, 0] : vector<25600x3xf32> -> vector<3x25600xf32>
    %broadcast_in_dim3A = arith.constant 0 : i32
    %broadcast_in_dim3A_13 = vector.broadcast %broadcast_in_dim3A : i32 to vector<25600xi32>
    %slice3A = vector.extract_strided_slice %transpose3A {offsets = [0, 0], sizes = [1, 25600], strides = [1, 1]} : vector<3x25600xf32> to vector<1x25600xf32>
    %squeeze3A = vector.shape_cast %slice3A : vector<1x25600xf32> to vector<25600xf32>
    %mul3A = arith.constant 4.000000e+00 : f32
    %mul3A_14 = vector.broadcast %mul3A : f32 to vector<25600xf32>
    %mul3A_15 = arith.mulf %squeeze3A, %mul3A_14 : vector<25600xf32>
    %convert_element_type3A = arith.fptosi %mul3A_15 : vector<25600xf32> to vector<25600xi32>
    %min3A = arith.constant 3 : i32
    %min3A_16 = vector.broadcast %min3A : i32 to vector<25600xi32>
    %min3A_17 = arith.minsi %convert_element_type3A, %min3A_16 : vector<25600xi32>
    %convert_element_type3A_18 = arith.sitofp %min3A_17 : vector<25600xi32> to vector<25600xf32>
    %sub3A = arith.subf %mul3A_15, %convert_element_type3A_18 : vector<25600xf32>
    %swap3A_19 = arith.constant 0 : index
    %swap3A_20 = vector.load %arg6[%swap3A_19] : memref<25600xf32, #tpu.memory_space<vmem>>, vector<25600xf32>
    tpu.vector_store %arg6[%swap3A_19], %sub3A {strides = array<i32>} : memref<25600xf32, #tpu.memory_space<vmem>>, vector<25600xf32>,
    %mul3A_21 = arith.constant 16 : i32
    %mul3A_22 = vector.broadcast %mul3A_21 : i32 to vector<25600xi32>
    %mul3A_23 = arith.muli %min3A_17, %mul3A_22 : vector<25600xi32>
    %add3A = arith.addi %broadcast_in_dim3A_13, %mul3A_23 : vector<25600xi32>
    %slice3A_24 = vector.extract_strided_slice %transpose3A {offsets = [1, 0], sizes = [1, 25600], strides = [1, 1]} : vector<3x25600xf32> to vector<1x25600xf32>
    %squeeze3A_25 = vector.shape_cast %slice3A_24 : vector<1x25600xf32> to vector<25600xf32>
    %mul3A_26 = arith.constant 4.000000e+00 : f32
    %mul3A_27 = vector.broadcast %mul3A_26 : f32 to vector<25600xf32>
    %mul3A_28 = arith.mulf %squeeze3A_25, %mul3A_27 : vector<25600xf32>
    %convert_element_type3A_29 = arith.fptosi %mul3A_28 : vector<25600xf32> to vector<25600xi32>
    %min3A_30 = arith.constant 3 : i32
    %min3A_31 = vector.broadcast %min3A_30 : i32 to vector<25600xi32>
    %min3A_32 = arith.minsi %convert_element_type3A_29, %min3A_31 : vector<25600xi32>
    %convert_element_type3A_33 = arith.sitofp %min3A_32 : vector<25600xi32> to vector<25600xf32>
    %sub3A_34 = arith.subf %mul3A_28, %convert_element_type3A_33 : vector<25600xf32>
    %swap3A_35 = arith.constant 0 : index
    %swap3A_36 = vector.load %arg7[%swap3A_35] : memref<25600xf32, #tpu.memory_space<vmem>>, vector<25600xf32>
    tpu.vector_store %arg7[%swap3A_35], %sub3A_34 {strides = array<i32>} : memref<25600xf32, #tpu.memory_space<vmem>>, vector<25600xf32>,
    %mul3A_37 = arith.constant 80 : i32
    %mul3A_38 = vector.broadcast %mul3A_37 : i32 to vector<25600xi32>
    %mul3A_39 = arith.muli %min3A_32, %mul3A_38 : vector<25600xi32>
    %add3A_40 = arith.addi %add3A, %mul3A_39 : vector<25600xi32>
    %slice3A_41 = vector.extract_strided_slice %transpose3A {offsets = [2, 0], sizes = [1, 25600], strides = [1, 1]} : vector<3x25600xf32> to vector<1x25600xf32>
    %squeeze3A_42 = vector.shape_cast %slice3A_41 : vector<1x25600xf32> to vector<25600xf32>
    %mul3A_43 = arith.constant 4.000000e+00 : f32
    %mul3A_44 = vector.broadcast %mul3A_43 : f32 to vector<25600xf32>
    %mul3A_45 = arith.mulf %squeeze3A_42, %mul3A_44 : vector<25600xf32>
    %convert_element_type3A_46 = arith.fptosi %mul3A_45 : vector<25600xf32> to vector<25600xi32>
    %min3A_47 = arith.constant 3 : i32
    %min3A_48 = vector.broadcast %min3A_47 : i32 to vector<25600xi32>
    %min3A_49 = arith.minsi %convert_element_type3A_46, %min3A_48 : vector<25600xi32>
    %convert_element_type3A_50 = arith.sitofp %min3A_49 : vector<25600xi32> to vector<25600xf32>
    %sub3A_51 = arith.subf %mul3A_45, %convert_element_type3A_50 : vector<25600xf32>
    %swap3A_52 = arith.constant 0 : index
    %swap3A_53 = vector.load %arg8[%swap3A_52] : memref<25600xf32, #tpu.memory_space<vmem>>, vector<25600xf32>
    tpu.vector_store %arg8[%swap3A_52], %sub3A_51 {strides = array<i32>} : memref<25600xf32, #tpu.memory_space<vmem>>, vector<25600xf32>,
    %mul3A_54 = arith.constant 400 : i32
    %mul3A_55 = vector.broadcast %mul3A_54 : i32 to vector<25600xi32>
    %mul3A_56 = arith.muli %min3A_49, %mul3A_55 : vector<25600xi32>
    %add3A_57 = arith.addi %add3A_40, %mul3A_56 : vector<25600xi32>
    %swap3A_58 = arith.constant 0 : index
    %swap3A_59 = vector.load %arg5[%swap3A_58] : memref<25600xi32, #tpu.memory_space<vmem>>, vector<25600xi32>
    tpu.vector_store %arg5[%swap3A_58], %add3A_57 {strides = array<i32>} : memref<25600xi32, #tpu.memory_space<vmem>>, vector<25600xi32>,
    return
  }
  func.func @transform_0(%arg0: i32) -> (i32, i32) {
    %c0_i32 = arith.constant 0 : i32
    %c0_i32_0 = arith.constant 0 : i32
    return %c0_i32, %arg0 : i32, i32
  }
  func.func @transform_1(%arg0: i32) -> (i32, i32) {
    %c0_i32 = arith.constant 0 : i32
    %c0_i32_0 = arith.constant 0 : i32
    return %arg0, %c0_i32 : i32, i32
  }
  func.func @transform_2(%arg0: i32) -> i32 {
    %c0_i32 = arith.constant 0 : i32
    return %arg0 : i32
  }
  func.func @transform_3(%arg0: i32) -> i32 {
    %c0_i32 = arith.constant 0 : i32
    return %arg0 : i32
  }
  func.func @transform_4(%arg0: i32) -> i32 {
    %c0_i32 = arith.constant 0 : i32
    return %arg0 : i32
  }
  func.func @transform_5(%arg0: i32) -> i32 {
    %c0_i32 = arith.constant 0 : i32
    return %arg0 : i32
  }
  func.func @transform_6(%arg0: i32) -> i32 {
    %c0_i32 = arith.constant 0 : i32
    return %arg0 : i32
  }
  func.func @transform_7(%arg0: i32) -> i32 {
    %c0_i32 = arith.constant 0 : i32
    return %arg0 : i32
  }
}

module attributes {stable_mosaic.version = 14 : i64} {
  func.func @_head_body(%arg0: i32, %arg1: memref<2000x16xf32, #tpu.memory_space<vmem>>, %arg2: memref<2000x16xf32, #tpu.memory_space<vmem>>, %arg3: memref<2000x1xf32, #tpu.memory_space<vmem>>, %arg4: memref<1x16xf32, #tpu.memory_space<vmem>>, %arg5: memref<1x16xf32, #tpu.memory_space<vmem>>, %arg6: memref<16x4xf32, #tpu.memory_space<vmem>>, %arg7: memref<1x4xf32, #tpu.memory_space<vmem>>, %arg8: memref<2000x4xf32, #tpu.memory_space<vmem>>) attributes {dimension_semantics = [#tpu.dimension_semantics<arbitrary>], iteration_bounds = array<i64: 50>, scalar_prefetch = 0 : i64, scratch_operands = 0 : i64, tpu.core_type = #tpu.core_type<tc>, window_params = [{transform_indices = @transform_0, window_bounds = array<i64: 2000, 16>}, {transform_indices = @transform_1, window_bounds = array<i64: 2000, 16>}, {transform_indices = @transform_2, window_bounds = array<i64: 2000, 1>}, {pipeline_mode = #tpu.pipeline_mode<synchronous>, transform_indices = @transform_3, window_bounds = array<i64: 1, 16>}, {pipeline_mode = #tpu.pipeline_mode<synchronous>, transform_indices = @transform_4, window_bounds = array<i64: 1, 16>}, {pipeline_mode = #tpu.pipeline_mode<synchronous>, transform_indices = @transform_5, window_bounds = array<i64: 16, 4>}, {pipeline_mode = #tpu.pipeline_mode<synchronous>, transform_indices = @transform_6, window_bounds = array<i64: 1, 4>}, {transform_indices = @transform_7, window_bounds = array<i64: 2000, 4>}]} {
    %get3A = arith.constant 0 : index
    %get3A_0 = arith.constant 0 : index
    %get3A_1 = vector.load %arg1[%get3A, %get3A_0] : memref<2000x16xf32, #tpu.memory_space<vmem>>, vector<2000x16xf32>
    %get3A_2 = arith.constant 0 : index
    %get3A_3 = arith.constant 0 : index
    %get3A_4 = vector.load %arg2[%get3A_2, %get3A_3] : memref<2000x16xf32, #tpu.memory_space<vmem>>, vector<2000x16xf32>
    %add3A = arith.addf %get3A_1, %get3A_4 : vector<2000x16xf32>
    %get3A_5 = arith.constant 0 : index
    %get3A_6 = arith.constant 0 : index
    %get3A_7 = vector.load %arg3[%get3A_5, %get3A_6] : memref<2000x1xf32, #tpu.memory_space<vmem>>, vector<2000x1xf32>
    %get3A_8 = arith.constant 0 : index
    %get3A_9 = arith.constant 0 : index
    %get3A_10 = vector.load %arg4[%get3A_8, %get3A_9] : memref<1x16xf32, #tpu.memory_space<vmem>>, vector<1x16xf32>
    %mul3A = vector.broadcast %get3A_7 : vector<2000x1xf32> to vector<2000x16xf32>
    %mul3A_11 = vector.broadcast %get3A_10 : vector<1x16xf32> to vector<2000x16xf32>
    %mul3A_12 = arith.mulf %mul3A, %mul3A_11 : vector<2000x16xf32>
    %add3A_13 = arith.addf %add3A, %mul3A_12 : vector<2000x16xf32>
    %get3A_14 = arith.constant 0 : index
    %get3A_15 = arith.constant 0 : index
    %get3A_16 = vector.load %arg5[%get3A_14, %get3A_15] : memref<1x16xf32, #tpu.memory_space<vmem>>, vector<1x16xf32>
    %add3A_17 = vector.broadcast %get3A_16 : vector<1x16xf32> to vector<2000x16xf32>
    %add3A_18 = arith.addf %add3A_13, %add3A_17 : vector<2000x16xf32>
    %gt3A = arith.constant 0.000000e+00 : f32
    %gt3A_19 = vector.broadcast %gt3A : f32 to vector<2000x16xf32>
    %gt3A_20 = arith.cmpf ogt, %add3A_18, %gt3A_19 : vector<2000x16xf32>
    %min3A = arith.constant 0.000000e+00 : f32
    %min3A_21 = vector.broadcast %min3A : f32 to vector<2000x16xf32>
    %min3A_22 = arith.minimumf %add3A_18, %min3A_21 : vector<2000x16xf32>
    %exp3A = math.exp %min3A_22 : vector<2000x16xf32>
    %sub3A = arith.constant 1.000000e+00 : f32
    %sub3A_23 = vector.broadcast %sub3A : f32 to vector<2000x16xf32>
    %sub3A_24 = arith.subf %exp3A, %sub3A_23 : vector<2000x16xf32>
    %select_n3A = arith.select %gt3A_20, %add3A_18, %sub3A_24 : vector<2000x16xi1>, vector<2000x16xf32>
    %get3A_25 = arith.constant 0 : index
    %get3A_26 = arith.constant 0 : index
    %get3A_27 = vector.load %arg6[%get3A_25, %get3A_26] : memref<16x4xf32, #tpu.memory_space<vmem>>, vector<16x4xf32>
    %dot_general3A = arith.constant dense<0.000000e+00> : vector<2000x4xf32>
    %dot_general3A_28 = tpu.matmul %select_n3A, %get3A_27, %dot_general3A {dimension_numbers = #tpu.dot_dimension_numbers<[1], [0], [0], [1], [0, 0, 1, 1], [], []>, transpose_lhs_hint = false} : vector<2000x16xf32>, vector<16x4xf32>, vector<2000x4xf32> -> vector<2000x4xf32>
    %get3A_29 = arith.constant 0 : index
    %get3A_30 = arith.constant 0 : index
    %get3A_31 = vector.load %arg7[%get3A_29, %get3A_30] : memref<1x4xf32, #tpu.memory_space<vmem>>, vector<1x4xf32>
    %add3A_32 = vector.broadcast %get3A_31 : vector<1x4xf32> to vector<2000x4xf32>
    %add3A_33 = arith.addf %dot_general3A_28, %add3A_32 : vector<2000x4xf32>
    %mul3A_34 = arith.mulf %add3A_33, %add3A_33 : vector<2000x4xf32>
    %reduce_sum3A = arith.constant dense<0.000000e+00> : vector<2000xf32>
    %reduce_sum3A_35 = vector.multi_reduction <add>, %mul3A_34, %reduce_sum3A [1] : vector<2000x4xf32> to vector<2000xf32>
    %broadcast_in_dim3A = vector.shape_cast %reduce_sum3A_35 : vector<2000xf32> to vector<2000x1xf32>
    %sqrt3A = math.sqrt %broadcast_in_dim3A : vector<2000x1xf32>
    %add3A_36 = arith.constant 9.99999974E-5 : f32
    %add3A_37 = vector.broadcast %add3A_36 : f32 to vector<2000x1xf32>
    %add3A_38 = arith.addf %sqrt3A, %add3A_37 : vector<2000x1xf32>
    %div3A = vector.broadcast %add3A_38 : vector<2000x1xf32> to vector<2000x4xf32>
    %div3A_39 = arith.divf %add3A_33, %div3A : vector<2000x4xf32>
    %swap3A = arith.constant 0 : index
    %swap3A_40 = arith.constant 0 : index
    %swap3A_41 = vector.load %arg8[%swap3A, %swap3A_40] : memref<2000x4xf32, #tpu.memory_space<vmem>>, vector<2000x4xf32>
    tpu.vector_store %arg8[%swap3A, %swap3A_40], %div3A_39 {strides = array<i32>} : memref<2000x4xf32, #tpu.memory_space<vmem>>, vector<2000x4xf32>,
    return
  }
  func.func @transform_0(%arg0: i32) -> (i32, i32) {
    %c0_i32 = arith.constant 0 : i32
    %c0_i32_0 = arith.constant 0 : i32
    return %arg0, %c0_i32 : i32, i32
  }
  func.func @transform_1(%arg0: i32) -> (i32, i32) {
    %c0_i32 = arith.constant 0 : i32
    %c0_i32_0 = arith.constant 0 : i32
    return %arg0, %c0_i32 : i32, i32
  }
  func.func @transform_2(%arg0: i32) -> (i32, i32) {
    %c0_i32 = arith.constant 0 : i32
    %c0_i32_0 = arith.constant 0 : i32
    return %arg0, %c0_i32 : i32, i32
  }
  func.func @transform_3(%arg0: i32) -> (i32, i32) {
    %c0_i32 = arith.constant 0 : i32
    %c0_i32_0 = arith.constant 0 : i32
    %c0_i32_1 = arith.constant 0 : i32
    return %c0_i32, %c0_i32_0 : i32, i32
  }
  func.func @transform_4(%arg0: i32) -> (i32, i32) {
    %c0_i32 = arith.constant 0 : i32
    %c0_i32_0 = arith.constant 0 : i32
    %c0_i32_1 = arith.constant 0 : i32
    return %c0_i32, %c0_i32_0 : i32, i32
  }
  func.func @transform_5(%arg0: i32) -> (i32, i32) {
    %c0_i32 = arith.constant 0 : i32
    %c0_i32_0 = arith.constant 0 : i32
    %c0_i32_1 = arith.constant 0 : i32
    return %c0_i32, %c0_i32_0 : i32, i32
  }
  func.func @transform_6(%arg0: i32) -> (i32, i32) {
    %c0_i32 = arith.constant 0 : i32
    %c0_i32_0 = arith.constant 0 : i32
    %c0_i32_1 = arith.constant 0 : i32
    return %c0_i32, %c0_i32_0 : i32, i32
  }
  func.func @transform_7(%arg0: i32) -> (i32, i32) {
    %c0_i32 = arith.constant 0 : i32
    %c0_i32_0 = arith.constant 0 : i32
    return %arg0, %c0_i32 : i32, i32
  }
}

</mosaic_0001>

<sc_bundles>
// kernel: _run.6.cloned.1.call-start
scs
__scs_entry_jumppad:
0x0: {  	(pc) =	sbr.rel $0x88, $3  }
0x1: {  	(tag) =	ssettag $0x0;
	lr =	simm.s32 $0x1  }
0x2: {  	[smem:$0x3F99] =	sst lr;
	_ =	strace $0xD0000000  }
0x3: {  	_ = 	snop  }
0x4: {  	_ = 	snop  }
0x5: {  	_ = 	snop  }
0x6: {  	_ = 	snop  }
0x7: {  	_ = 	snop  }
__scs_overlays_trampoline_lowered:
0x8: {  	[smem:$0x3FA8] =	sst s0  }
0x9: {  	[smem:$0x3FA9] =	sst s1  }
0xa: {  	[smem:$0x3FAA] =	sst s2  }
0xb: {  	[smem:$0x3FAB] =	sst s3  }
0xc: {  	[smem:$0x3FAC] =	sst s4  }
0xd: {  	[smem:$0x3FAD] =	sst s5  }
0xe: {  	[smem:$0x3FAE] =	sst s6  }
0xf: {  	[smem:$0x3FAF] =	sst s7  }
0x10: {  	[smem:$0x3FB0] =	sst s8  }
0x11: {  	[smem:$0x3FB1] =	sst s9;
	s0 =	simm.s32 @!p0 $0x0  }
0x12: {  	s1 =	sld [smem:$0x3F97];
	s0 =	simm.s32 @p0 $0x1  }
0x13: {  	[smem:$0x3FB2] =	sst s0;
	s0 =	simm.s32 @!p1 $0x0  }
0x14: {  	s2 =	sld [smem:$0x3F96];
	s0 =	simm.s32 @p1 $0x1  }
0x15: {  	[smem:$0x3FB3] =	sst s0;
	s0 =	simm.s32 @!p2 $0x0  }
0x16: {  	s3 =	sld [smem:$0x3FDB];
	s0 =	simm.s32 @p2 $0x1  }
0x17: {  	s4 =	simm.s32 $0x1BF5;
	[smem:$0x3FB5] =	sst s0  }
0x18: {  	s0 =	sld [smem:$0x3F98];
	_ =	swait.ge [sflag:s4], $0x0  }
0x19: {  	s7 =	sld [smem:$0x3F99]  }
0x1a: {  	s8 =	sadd.s32 $0xFFFFE003, lr  }
0x1b: {  	s9 =	sadd.s32 $0xFFFFFEF7, lr;
	s5 =	simm.s32 $0xFFFFFFFF;
	p2 =	slt.u32 s8, $0xFFFFF086  }
0x1c: {  	p1 =	slt.u32 s9, $0xF7A;
	s5 =	simm.s32 @!p2 $0x0  }
0x1d: {  	s5 =	simm.s32 @p1 $0x1;
	p0 =	seq.s32 s7, s2  }
0x1e: {  	s7 =	smul.u32 @!p0 $0xF7A, s2;
	p2 =	seq.s32 @!p0 s5, $0x0  }
0x1f: {  	s9 =	smul.u32 $0xF7A, s1;
	s8 =	simm.s32 @!p0 $0x1BF5;
	p2 =	por !p2, p0  }
0x20: {  	[sflag:s8] =	ssyncset.s32 @!p0 $0xFFFFF086;
	s6 =	sadd.s32 @!p0 s3, s7;
	s7 =	simm.s32 @!p0 $0x108  }
0x21: {  	s3 =	sadd.s32 s3, s9;
	s6 =	sadd.s32 @!p0 $0x88, s6;
	s7 =	simm.s32 @p2 $0x1082  }
0x22: {  	[simem:s7], [sflag:s8] =	dma.local @!p0 [hbm:s6], $0xF7A  }
0x23: {  	s9 =	sor.u32 $0xD0000000, s2;
	s6 =	simm.s32 $0x108;
	_ =	swait.ge @!p0 [sflag:s8], $0x0  }
0x24: {  	s3 =	sadd.s32 $0x88, s3;
	s6 =	simm.s32 @!p1 $0x1082;
	[sflag:s4] =	ssyncset.s32 $0xFFFFF086  }
0x25: {  	[simem:s6], [sflag:s4] =	dma.local [hbm:s3], $0xF7A  }
0x26: {  	[smem:$0x3F99] =	sst s1;
	(tag) =	ssettag s2;
	_ =	strace s9  }
0x27: {  	s1 =	sld [smem:$0x3FA9]  }
0x28: {  	s2 =	sld [smem:$0x3FAA]  }
0x29: {  	s4 =	sld [smem:$0x3FAC]  }
0x2a: {  	p0 =	seq.s32 s5, $0x0;
	s5 =	sld [smem:$0x3FAD]  }
0x2b: {  	s6 =	sld [smem:$0x3FAE]  }
0x2c: {  	s7 =	sld [smem:$0x3FAF]  }
0x2d: {  	s3 =	simm.s32 $0x108;
	s8 =	sld [smem:$0x3FB0]  }
0x2e: {  	s3 =	simm.s32 @!p0 $0x1082;
	s9 =	sld [smem:$0x3FB1]  }
0x2f: {  	lr =	sadd.s32 s0, s3;
	s0 =	sld [smem:$0x3FA8]  }
0x30: {  	s3 =	sld [smem:$0x3FAB]  }
0x31: {  	[smem:$0x3FB4] =	sst s10  }
0x32: {  	s10 =	sld [smem:$0x3FB2];
	_ =	sdelay $0x3  }
0x33: {  	p0 =	seq.s32 s10, $0x1;
	s10 =	sld [smem:$0x3FB4];
	_ =	sdelay $0x3  }
0x34: {  	[smem:$0x3FB4] =	sst s10  }
0x35: {  	s10 =	sld [smem:$0x3FB3];
	_ =	sdelay $0x3  }
0x36: {  	p1 =	seq.s32 s10, $0x1;
	s10 =	sld [smem:$0x3FB4];
	_ =	sdelay $0x3  }
0x37: {  	[smem:$0x3FB4] =	sst s10  }
0x38: {  	s10 =	sld [smem:$0x3FB5]  }
0x39: {  	_ = 	snop;
	(pc) =	sbr.ind lr, $3  }
0x3a: {  	_ = 	snop  }
0x3b: {  	_ = 	snop  }
0x3c: {  	p2 =	seq.s32 s10, $0x1;
	s10 =	sld [smem:$0x3FB4]  }
0x3d: {  	_ =	shalt  }
0x3e: {  	_ =	shalt  }
0x3f: {  	_ =	shalt  }
0x40: {  	_ =	shalt  }
0x41: {  	_ =	shalt  }
0x42: {  	_ =	shalt  }
0x43: {  	_ =	shalt  }
0x44: {  	_ =	shalt  }
0x45: {  	_ =	shalt  }
0x46: {  	_ =	shalt  }
0x47: {  	_ =	shalt  }
0x48: {  	_ =	shalt  }
0x49: {  	_ =	shalt  }
0x4a: {  	_ =	shalt  }
0x4b: {  	_ =	shalt  }
0x4c: {  	_ =	shalt  }
0x4d: {  	_ =	shalt  }
0x4e: {  	_ =	shalt  }
0x4f: {  	_ =	shalt  }
0x50: {  	_ =	shalt  }
0x51: {  	_ =	shalt  }
0x52: {  	_ =	shalt  }
0x53: {  	_ =	shalt  }
0x54: {  	_ =	shalt  }
0x55: {  	_ =	shalt  }
0x56: {  	_ =	shalt  }
0x57: {  	_ =	shalt  }
0x58: {  	_ =	shalt  }
0x59: {  	_ =	shalt  }
0x5a: {  	_ =	shalt  }
0x5b: {  	_ =	shalt  }
0x5c: {  	_ =	shalt  }
0x5d: {  	_ =	shalt  }
0x5e: {  	_ =	shalt  }
0x5f: {  	_ =	shalt  }
0x60: {  	_ =	shalt  }
0x61: {  	_ =	shalt  }
0x62: {  	_ =	shalt  }
0x63: {  	_ =	shalt  }
0x64: {  	_ =	shalt  }
0x65: {  	_ =	shalt  }
0x66: {  	_ =	shalt  }
0x67: {  	_ =	shalt  }
0x68: {  	_ =	shalt  }
0x69: {  	_ =	shalt  }
0x6a: {  	_ =	shalt  }
0x6b: {  	_ =	shalt  }
0x6c: {  	_ =	shalt  }
0x6d: {  	_ =	shalt  }
0x6e: {  	_ =	shalt  }
0x6f: {  	_ =	shalt  }
0x70: {  	_ =	shalt  }
0x71: {  	_ =	shalt  }
0x72: {  	_ =	shalt  }
0x73: {  	_ =	shalt  }
0x74: {  	_ =	shalt  }
0x75: {  	_ =	shalt  }
0x76: {  	_ =	shalt  }
0x77: {  	_ =	shalt  }
0x78: {  	_ =	shalt  }
0x79: {  	_ =	shalt  }
0x7a: {  	_ =	shalt  }
0x7b: {  	_ =	shalt  }
0x7c: {  	_ =	shalt  }
0x7d: {  	_ =	shalt  }
0x7e: {  	_ =	shalt  }
0x7f: {  	_ =	shalt  }
0x80: {  	_ =	shalt  }
0x81: {  	_ =	shalt  }
0x82: {  	_ =	shalt  }
0x83: {  	_ =	shalt  }
0x84: {  	_ =	shalt  }
0x85: {  	_ =	shalt  }
0x86: {  	_ =	shalt  }
0x87: {  	_ =	shalt  }
.Lfunc_end0:
.L_simem_size_0:
called_computation_lowered:
.L_overlay_start_0:
0x88: {  	s2 =	sld [smem:$0x3FD9]  }
0x89: {  	s3 =	sld [smem:$0x3FFE];
	_ =	sdelay $0x1  }
0x8a: {  	s1 =	srdreg.scid  }
0x8b: {  	s0 =	sand.u32 $0x1, s1  }
0x8c: {  	s17 =	sshll.u32 s0, $0xA;
	s2 =	sadd.s32 s3, s2  }
0x8d: {  	s2 =	sadd.s32 s2, s17  }
0x8e: {  	[smem:$0x3FC0] =	sst s2  }
0x8f: {  	_ = 	snop  }
0x90: {  	s2 =	sld [smem:$0x3FD0];
	(tm) =	ssettm $0x1  }
0x91: {  	s18 =	sld [smem:$0x3FFB];
	_ =	sdelay $0x3  }
0x92: {  	_ =	strace s18  }
0x93: {  	s3 =	sld [smem:$0x3FFC];
	_ =	sdelay $0x3  }
0x94: {  	_ =	strace s3  }
0x95: {  	s3 =	sld [smem:$0x3FFD];
	_ =	sdelay $0x3  }
0x96: {  	_ =	strace s3  }
0x97: {  	_ =	strace $0x8FFFFFFF  }
0x98: {  	s19 =	sld [smem:$0x3FDB];
	_ =	sdelay $0x1  }
0x99: {  	s4 =	simm.s32 $_scs_section_size  }
0x9a: {  	s5 =	simm.s32 $_size__tile_overlayer_lowered;
	s6 =	simm.s32 $_tile_overlayer_lowered  }
0x9b: {  	s22 =	simm.s32 $0x1BFF;
	s21 =	sshll.u32 s6, $0x1;
	s3 =	sadd.s32 s4, s19  }
0x9c: {  	s7 =	simm.s32 $0x0;
	s20 =	sshll.u32 s5, $0x1;
	s5 =	sadd.s32 s21, s3  }
0x9d: {  	[timem:s7], [sflag:s22] =	dma.local [hbm:s5], s20  }
0x9e: {  	_ =	swait.ge [sflag:s22], s20  }
0x9f: {  	s4 =	ssub.s32 $0x0, s20;
	[sflag:s22] =	ssyncset.done $0x0  }
0xa0: {  	[sflag:s22] =	ssyncadd.s32 s4;
	_ =	sdelay $0x1  }
0xa1: {  	s23 =	simm.s32 $0x1B8B  }
0xa2: {  	_ =	swait.ge [sflag:s23], $0x1  }
0xa3: {  	[sflag:s23] =	ssyncset.done $0x0  }
0xa4: {  	s25 =	simm.s32 $0x1B8E;
	s24 =	sld [smem:$0x3FFE];
	[sflag:s23] =	ssyncadd.s32 $0xFFFFFFFF  }
0xa5: {  	s26 =	simm.s32 $execute0_lowered;
	[smem:$0x3FD2] =	sst s25  }
0xa6: {  	s5 =	sshll.u32 s26, $0x1;
	_ =	strace $0x80000046;
	[dreg:$0x1] =	wrdreg $0xFFFFFFFF  }
0xa7: {  	s28 =	simm.s32 $_size_execute0_lowered;
	s3 =	sadd.s32 s3, s5;
	[dreg:$0x0] =	wrdreg $0x0  }
0xa8: {  	s5 =	sshll.u32 s28, $0x1;
	[dreg:$0x2] =	wrdreg s3  }
0xa9: {  	[dreg:$0x3] =	wrdreg s5  }
0xaa: {  	[dreg:$0x4] =	wrdreg $0xC0  }
0xab: {  	_ =	task [dreg:s7], $0x5FFFF  }
0xac: {  	[dreg:$0x1] =	wrdreg $0xFFFFFFFF  }
0xad: {  	[dreg:$0x0] =	wrdreg $0x60  }
0xae: {  	[dreg:$0x2] =	wrdreg s24  }
0xaf: {  	[dreg:$0x3] =	wrdreg s2  }
0xb0: {  	[dreg:$0x4] =	wrdreg $0x4FB00  }
0xb1: {  	[dreg:$0x5] =	wrdreg $0x68200  }
0xb2: {  	[dreg:$0x6] =	wrdreg $0x9  }
0xb3: {  	_ =	task.clear_ibuf [dreg:s7], $0x7FFFF;
	_ =	strace $0x90000046  }
0xb4: {  	s29 =	simm.s32 $0x9;
	_ =	strace $0x80000048  }
0xb5: {  	_ =	swait.ge [sflag:s29], $0x1  }
0xb6: {  	[sflag:s29] =	ssyncadd.s32 $0xFFFFFFFF  }
0xb7: {  	_ =	strace $0x90000048  }
0xb8: {  	_ =	sfence  }
0xb9: {  	s30 =	sld [smem:$0x0];
	_ =	sdelay $0x2  }
0xba: {  	s31 =	sshll.u32 s1, $0xD;
	s1 =	sshrl.u32 s1, $0x2  }
0xbb: {  	s3 =	sand.u32 $0x4000, s31;
	s1 =	sadd.s32 s1, s30  }
0xbc: {  	s0 =	sor.u32 s3, s0;
	s1 =	sshll.u32 s1, $0x11  }
0xbd: {  	s0 =	sor.u32 s1, s0  }
0xbe: {  	s0 =	sadd.s32 $0x8F2B, s0  }
0xbf: {  	[sflag:s0] =	ssyncadd.remote.s32 $0x1  }
0xc0: {  	_ =	sfence.sel $0xFFFF  }
0xc1: {  	[dreg:$0x0] =	wrdreg $0xFFFFFFFF;
	(pc) =	sbr.abs _section_cstart, $3  }
0xc2: {  	[dreg:$0x1] =	wrdreg $0xFFFFFFFF  }
0xc3: {  	_ =	task.clear_ibuf [dreg:s7], $0x2FFFF;
	_ =	strace $0x9FFFFFFF  }
0xc4: {  	(tm) =	ssettm $0x7FFFFFFF  }
0xc5: {  	_ =	shalt  }
tec
execute0_lowered:
.L_overlay_start_1:
0x0: {  	(tag) =	ssettag $0x1  }
0x1: {  	s0 =	rddreg [dreg:$0x0]  }
0x2: {  	s2 =	rddreg [dreg:$0x2]  }
0x3: {  	s3 =	rddreg [dreg:$0x3];
	s4 =	simm.s32 $0x0  }
0x4: {  	s1 =	srdreg.scid;
	s15 =	stileid.u32;
	s30 =	simm.s32 $0x6  }
0x5: {  	s31 =	simm.s32 $0x1DB0;
	s28 =	simm.s32 $0xCD0;
	s29 =	simm.s32 $0xD20  }
0x6: {  	[smem:$0x7FF] =	sst s4;
	s1 =	sand.u32 $0x1, s1;
	s7 =	sadd.s32 $0x325C400, s0  }
0x7: {  	s5 =	sadd.s32 $0x1800, s0;
	s8 =	sadd.s32 $0x331FC00, s0;
	s10 =	sadd.s32 $0x3381800, s0  }
0x8: {  	s9 =	sadd.s32 $0x32BE000, s0;
	s11 =	sadd.s32 $0x33E3400, s0;
	s24 =	smul.u32 $0x18700, s15  }
0x9: {  	v0 =	vlaneseq.u32;
	s6 =	sshll.u32 s1, $0x4;
	s12 =	smul.u32 $0x30E00, s1;
	s1 =	ssub.s32 $0x2, s1  }
0xa: {  	s18 =	smul.u32 $0x61C00, s15;
	v0 =	vmul.u32 $0x10, v0;
	s6 =	sor.u32 s15, s6;
	s20 =	sshrl.u32 s1, $0x1  }
0xb: {  	s13 =	sadd.s32 $0x325C200, s0;
	s6 =	smul.u32 $0x186A0, s6;
	s1 =	ssub.s32 s1, s20  }
0xc: {  	_ =	strace $0x80000047;
	[dreg:$0x5] =	wrdreg s13;
	v2 =	vor.u32 $0x1800, v0;
	s1 =	smax.u32 s1, $0x1  }
0xd: {  	p0 =	sne.s32 s15, $0x0;
	[tilespmem:$0x1FF00] =	vst v2;
	v2 =	vor.u32 $0x1801, v0;
	s19 =	sadd.s32 $0x190, s6;
	[dreg:$0x10] =	wrdreg s1  }
0xe: {  	[tilespmem:$0x1FF10] =	vst v2;
	v2 =	vor.u32 $0x1802, v0;
	s14 =	sshrl.u32 s6, $0x3;
	s20 =	sadd.s32 $0x320, s6;
	[dreg:$0xe] =	wrdreg s19  }
0xf: {  	s15 =	simm.s32 $0x1;
	[tilespmem:$0x1FF20] =	vst v2;
	v2 =	vor.u32 $0x1803, v0;
	s21 =	sadd.s32 s5, s14;
	[dreg:$0xf] =	wrdreg s20  }
0x10: {  	s0 =	sadd.s32 s12, s0;
	s22 =	sadd.s32 s9, s14;
	[tilespmem:$0x1FF30] =	vst v2;
	v2 =	vor.u32 $0x1804, v0;
	[dreg:$0x6] =	wrdreg s21  }
0x11: {  	s0 =	sadd.s32 $0x63400, s0;
	s23 =	sadd.s32 s8, s14;
	[dreg:$0x7] =	wrdreg s22;
	[tilespmem:$0x1FF40] =	vst v2;
	v2 =	vor.u32 $0x1805, v0  }
0x12: {  	s6 =	simm.s32 $0x0;
	s25 =	sadd.s32 s10, s14;
	[dreg:$0x8] =	wrdreg s23;
	[tilespmem:$0x1FF50] =	vst v2;
	v2 =	vor.u32 $0x1806, v0  }
0x13: {  	s26 =	sadd.s32 s11, s14;
	s16 =	sadd.s32 s7, s14;
	[dreg:$0x9] =	wrdreg s25;
	[tilespmem:$0x1FF60] =	vst v2;
	v2 =	vor.u32 $0x1807, v0  }
0x14: {  	s14 =	sshrl.u32 s24, $0x3;
	s19 =	simm.s32 $0xDC0;
	[dreg:$0xa] =	wrdreg s26;
	[tilespmem:$0x1FF70] =	vst v2;
	v2 =	vor.u32 $0x1808, v0  }
0x15: {  	s20 =	simm.s32 $0x3;
	s17 =	sadd.s32 $0xA, s16;
	[dreg:$0xb] =	wrdreg s16;
	[tilespmem:$0x1FF80] =	vst v2;
	v2 =	vor.u32 $0x1809, v0  }
0x16: {  	s0 =	sadd.s32 s14, s0;
	s21 =	sadd.s32 s24, s3;
	[dreg:$0xc] =	wrdreg s17;
	[tilespmem:$0x1FF90] =	vst v2;
	v2 =	vor.u32 $0x180A, v0  }
0x17: {  	s22 =	sshrl.u32 s18, $0x2;
	s23 =	sadd.s32 $0x14, s16;
	[dreg:$0xd] =	wrdreg s0;
	[tilespmem:$0x1FFA0] =	vst v2;
	v2 =	vor.u32 $0x180B, v0  }
0x18: {  	s25 =	sadd.s32 $0x1E, s16;
	s26 =	sadd.s32 $0x28, s16;
	[dreg:$0x12] =	wrdreg s23;
	[tilespmem:$0x1FFB0] =	vst v2;
	v2 =	vor.u32 $0x180C, v0  }
0x19: {  	s16 =	simm.s32 $0x50;
	s18 =	simm.s32 $0xD70;
	[dreg:$0x13] =	wrdreg s25;
	[tilespmem:$0x1FFC0] =	vst v2;
	v2 =	vor.u32 $0x180D, v0  }
0x1a: {  	s24 =	sadd.s32 s22, s3;
	s0 =	sshrl.u32 s21, $0x3;
	[dreg:$0x14] =	wrdreg s26;
	[tilespmem:$0x1FFD0] =	vst v2;
	v2 =	vor.u32 $0x180E, v0  }
0x1b: {  	s26 =	simm.s32 $0x960;
	s21 =	simm.s32 $0xC80;
	s23 =	simm.s32 $0x2;
	[tilespmem:$0x1FFE0] =	vst v2;
	v2 =	vor.u32 $0x180F, v0  }
0x1c: {  	v1 =	vimm.f32 $0.0e+00;
	s25 =	simm.s32 $0x4;
	[dreg:$0x11] =	wrdreg s0;
	s0 =	simm.s32 $0x36B0;
	[tilespmem:$0x1FFF0] =	vst v2  }
.LBB2_1:
0x1d: {  	[dreg:$0x15] =	wrdreg s6  }
0x1e: {  	s1 =	rddreg [dreg:$0x5]  }
0x1f: {  	[tilespmem:s4], [sflag:$0x6] =	stream.linear.gather [hbm4b:s1+s4], $0x7D0, $0x38;
	[tilespmem:$0x1EF20] =	vst v63  }
0x20: {  	_ =	swait.ge [sflag:s30], $0x7D0  }
0x21: {  	[sflag:s30] =	ssyncset.done $0x0  }
0x22: {  	[sflag:s30] =	ssyncadd.s32 $0xFFFFF830  }
0x23: {  	s6 =	simm.s32 @!p0 $0x1C06;
	s1 =	sshrl.u32 @!p0 s2, $0x3;
	s12 =	rddreg [dreg:$0x1]  }
0x24: {  	[spmem:s1], [sflag:s6] =	dma.local @!p0 [hbm:s12], $0x30D4  }
0x25: {  	s1 =	simm.s32 @!p0 $0x6  }
0x26: {  	_ =	swait.ge @!p0 [sflag:s1], $0x30D4  }
0x27: {  	[sflag:s1] =	ssyncset.done @!p0 $0x0  }
0x28: {  	[sflag:s1] =	ssyncadd.s32 @!p0 $0xFFFFCF2C;
	s1 =	simm.s32 $0x0  }
.LBB2_2:
0x29: {  	p1 =	sne.s32 s1, $0x21C0  }
.Ltmp0:
0x2a: {  	_ = 	snop;
	(pc) =	sbr.rel @p1 .LBB2_2-.Ltmp0, $3  }
0x2b: {  	_ =	sdelay $0x1  }
0x2c: {  	s6 =	sshra.s32 s1, $0x2  }
0x2d: {  	s1 =	sadd.s32 $0x40, s1;
	[tilespmem:s6+$0x1DB0] =	vst v1  }
0x2e: {  	s1 =	sadd.s32 $0x0, s24  }
0x2f: {  	[spmem:s1] =	stream.linear.scatter [tilespmem:s31], [sflag:$0x6], $0x880, $0x38;
	[tilespmem:$0x1EF20] =	vst v63  }
0x30: {  	s1 =	simm.s32 $0x2200;
	_ =	swait.ge [sflag:s30], $0x880  }
.LBB2_4:
0x31: {  	s6 =	sshra.s32 s1, $0x2;
	[sflag:s30] =	ssyncset.done $0x0;
	p1 =	sne.s32 s1, $0x5FA00  }
.Ltmp1:
0x32: {  	s6 =	sadd.s32 s6, s24;
	[sflag:s30] =	ssyncadd.s32 $0xFFFFF780;
	(pc) =	sbr.rel @p1 .LBB2_4-.Ltmp1, $3  }
0x33: {  	[spmem:s6] =	stream.linear.scatter [tilespmem:s31], [sflag:$0x6], $0x880, $0x38;
	[tilespmem:$0x1EF20] =	vst v63  }
0x34: {  	s1 =	sadd.s32 $0x2200, s1;
	_ =	sdelay $0x1  }
0x35: {  	_ =	swait.ge [sflag:s30], $0x880  }
0x36: {  	[sflag:s30] =	ssyncset.done $0x0  }
0x37: {  	[sflag:s30] =	ssyncadd.s32 $0xFFFFF780  }
0x38: {  	[bflag:$0x0] =	sbarrier.arrive $0xFFFF  }
0x39: {  	s1 =	simm.s32 $0x0;
	s12 =	simm.s32 $0x7D0;
	s6 =	rddreg [dreg:$0x6]  }
0x3a: {  	[tilespmem:s12], [sflag:$0x1] =	stream.linear.gather [hbm4b:s6+s1], $0x190, $0x38;
	[tilespmem:$0x1EF20] =	vst v63  }
0x3b: {  	s22 =	simm.s32 $0xE10;
	s17 =	rddreg [dreg:$0x7]  }
0x3c: {  	[tilespmem:s22], [sflag:$0x1] =	stream.linear.gather [hbm4b:s17+s1], $0x190, $0x38;
	[tilespmem:$0x1EF20] =	vst v63  }
0x3d: {  	s14 =	simm.s32 $0x1130;
	s13 =	rddreg [dreg:$0x8]  }
0x3e: {  	[tilespmem:s14], [sflag:$0x1] =	stream.linear.gather [hbm4b:s13+s1], $0x190, $0x38;
	[tilespmem:$0x1EF20] =	vst v63  }
0x3f: {  	s17 =	rddreg [dreg:$0x9];
	s22 =	simm.s32 $0x12C0  }
0x40: {  	[tilespmem:s22], [sflag:$0x1] =	stream.linear.gather [hbm4b:s17+s1], $0x190, $0x38;
	[tilespmem:$0x1EF20] =	vst v63  }
0x41: {  	s13 =	rddreg [dreg:$0xa];
	s14 =	simm.s32 $0x1450  }
0x42: {  	[tilespmem:s14], [sflag:$0x1] =	stream.linear.gather [hbm4b:s13+s1], $0x190, $0x38;
	[tilespmem:$0x1EF20] =	vst v63  }
0x43: {  	s17 =	rddreg [dreg:$0xb];
	s22 =	simm.s32 $0xAF0  }
0x44: {  	[tilespmem:s22], [sflag:$0x1] =	stream.linear.gather [hbm4b:s17+s1], $0x50, $0x38;
	[tilespmem:$0x1EF20] =	vst v63  }
0x45: {  	s13 =	rddreg [dreg:$0xc];
	s14 =	simm.s32 $0xB40  }
0x46: {  	[tilespmem:s14], [sflag:$0x1] =	stream.linear.gather [hbm4b:s13+s1], $0x50, $0x38;
	[tilespmem:$0x1EF20] =	vst v63  }
0x47: {  	s17 =	rddreg [dreg:$0x12];
	s22 =	simm.s32 $0xB90  }
0x48: {  	[tilespmem:s22], [sflag:$0x1] =	stream.linear.gather [hbm4b:s17+s1], $0x50, $0x38;
	[tilespmem:$0x1EF20] =	vst v63  }
0x49: {  	s13 =	rddreg [dreg:$0x13];
	s14 =	simm.s32 $0xBE0  }
0x4a: {  	[tilespmem:s14], [sflag:$0x1] =	stream.linear.gather [hbm4b:s13+s1], $0x50, $0x38;
	[tilespmem:$0x1EF20] =	vst v63  }
0x4b: {  	s6 =	simm.s32 $0x0;
	s17 =	rddreg [dreg:$0x14];
	s22 =	simm.s32 $0xC30  }
0x4c: {  	[tilespmem:s22], [sflag:$0x1] =	stream.linear.gather [hbm4b:s17+s1], $0x50, $0x38;
	[tilespmem:$0x1EF20] =	vst v63  }
.LBB2_6:
0x4d: {  	_ =	swait.ge [sflag:s15], $0x190  }
0x4e: {  	[sflag:s15] =	ssyncset.done $0x0  }
0x4f: {  	[sflag:s15] =	ssyncadd.s32 $0xFFFFFE70  }
0x50: {  	_ =	swait.ge [sflag:s15], $0x190  }
0x51: {  	[sflag:s15] =	ssyncset.done $0x0  }
0x52: {  	[sflag:s15] =	ssyncadd.s32 $0xFFFFFE70  }
0x53: {  	_ =	swait.ge [sflag:s15], $0x190  }
0x54: {  	[sflag:s15] =	ssyncset.done $0x0  }
0x55: {  	[sflag:s15] =	ssyncadd.s32 $0xFFFFFE70  }
0x56: {  	_ =	swait.ge [sflag:s15], $0x190  }
0x57: {  	[sflag:s15] =	ssyncset.done $0x0  }
0x58: {  	[sflag:s15] =	ssyncadd.s32 $0xFFFFFE70  }
0x59: {  	_ =	swait.ge [sflag:s15], $0x190  }
0x5a: {  	[sflag:s15] =	ssyncset.done $0x0  }
0x5b: {  	[sflag:s15] =	ssyncadd.s32 $0xFFFFFE70  }
0x5c: {  	_ =	swait.ge [sflag:s15], $0x50  }
0x5d: {  	[sflag:s15] =	ssyncset.done $0x0  }
0x5e: {  	[sflag:s15] =	ssyncadd.s32 $0xFFFFFFB0  }
0x5f: {  	_ =	swait.ge [sflag:s15], $0x50  }
0x60: {  	[sflag:s15] =	ssyncset.done $0x0  }
0x61: {  	[sflag:s15] =	ssyncadd.s32 $0xFFFFFFB0  }
0x62: {  	_ =	swait.ge [sflag:s15], $0x50  }
0x63: {  	[sflag:s15] =	ssyncset.done $0x0  }
0x64: {  	[sflag:s15] =	ssyncadd.s32 $0xFFFFFFB0  }
0x65: {  	_ =	swait.ge [sflag:s15], $0x50  }
0x66: {  	[sflag:s15] =	ssyncset.done $0x0  }
0x67: {  	[sflag:s15] =	ssyncadd.s32 $0xFFFFFFB0  }
0x68: {  	_ =	swait.ge [sflag:s15], $0x50  }
0x69: {  	[sflag:s15] =	ssyncset.done $0x0  }
0x6a: {  	s12 =	simm.s32 $0x7D0;
	s13 =	simm.s32 $0x1A90;
	[sflag:s15] =	ssyncadd.s32 $0xFFFFFFB0  }
0x6b: {  	[tilespmem:s13], [sflag:$0x3] =	stream.indirect.gather [spmem:s2], $0x1, s12, s16, $0xb8;
	[tilespmem:$0x1EF20] =	vst v63  }
0x6c: {  	s17 =	simm.s32 $0x820;
	s22 =	simm.s32 $0x1AE0  }
0x6d: {  	[tilespmem:s22], [sflag:$0x3] =	stream.indirect.gather [spmem:s2], $0x1, s17, s16, $0xb8;
	[tilespmem:$0x1EF20] =	vst v63  }
0x6e: {  	s14 =	simm.s32 $0x1B30;
	s13 =	simm.s32 $0x870  }
0x6f: {  	[tilespmem:s14], [sflag:$0x3] =	stream.indirect.gather [spmem:s2], $0x1, s13, s16, $0xb8;
	[tilespmem:$0x1EF20] =	vst v63  }
0x70: {  	p1 =	seq.s32 s6, $0x0;
	s17 =	simm.s32 $0x8C0;
	s22 =	simm.s32 $0x1B80  }
0x71: {  	[tilespmem:s22], [sflag:$0x3] =	stream.indirect.gather [spmem:s2], $0x1, s17, s16, $0xb8;
	[tilespmem:$0x1EF20] =	vst v63  }
0x72: {  	s14 =	simm.s32 $0x910;
	s13 =	simm.s32 @!p1 $0x5;
	s17 =	simm.s32 $0x1BD0  }
0x73: {  	[tilespmem:s17], [sflag:$0x3] =	stream.indirect.gather [spmem:s2], $0x1, s14, s16, $0xb8;
	[tilespmem:$0x1EF20] =	vst v63  }
0x74: {  	_ =	swait.ge @!p1 [sflag:s13], $0x500  }
0x75: {  	[sflag:s13] =	ssyncset.done @!p1 $0x0  }
0x76: {  	[sflag:s13] =	ssyncadd.s32 @!p1 $0xFFFFFB00  }
0x77: {  	_ =	swait.ge @!p1 [sflag:s13], $0x500  }
0x78: {  	[sflag:s13] =	ssyncset.done @!p1 $0x0  }
0x79: {  	[sflag:s13] =	ssyncadd.s32 @!p1 $0xFFFFFB00  }
0x7a: {  	_ =	swait.ge @!p1 [sflag:s13], $0x500  }
0x7b: {  	[sflag:s13] =	ssyncset.done @!p1 $0x0  }
0x7c: {  	[sflag:s13] =	ssyncadd.s32 @!p1 $0xFFFFFB00  }
0x7d: {  	_ =	swait.ge @!p1 [sflag:s13], $0x500  }
0x7e: {  	[sflag:s13] =	ssyncset.done @!p1 $0x0  }
0x7f: {  	[sflag:s13] =	ssyncadd.s32 @!p1 $0xFFFFFB00  }
0x80: {  	s12 =	smul.u32 $0x320, s6;
	_ =	swait.ge @!p1 [sflag:s13], $0x500  }
0x81: {  	s14 =	rddreg [dreg:$0xe]  }
0x82: {  	s14 =	sadd.s32 s12, s14  }
0x83: {  	[sflag:s13] =	ssyncset.done @!p1 $0x0;
	s14 =	sshrl.u32 s14, $0x3  }
0x84: {  	[sflag:s13] =	ssyncadd.s32 @!p1 $0xFFFFFB00;
	s22 =	sadd.s32 s5, s14  }
0x85: {  	[tilespmem:s26], [sflag:$0x2] =	stream.linear.gather [hbm4b:s22+s1], $0x190, $0x38;
	[tilespmem:$0x1EF20] =	vst v63  }
0x86: {  	s17 =	simm.s32 $0xFA0;
	s26 =	sadd.s32 s9, s14  }
0x87: {  	[tilespmem:s17], [sflag:$0x2] =	stream.linear.gather [hbm4b:s26+s1], $0x190, $0x38;
	[tilespmem:$0x1EF20] =	vst v63  }
0x88: {  	s22 =	sadd.s32 s8, s14;
	s26 =	simm.s32 $0x15E0  }
0x89: {  	[tilespmem:s26], [sflag:$0x2] =	stream.linear.gather [hbm4b:s22+s1], $0x190, $0x38;
	[tilespmem:$0x1EF20] =	vst v63  }
0x8a: {  	s22 =	sadd.s32 s10, s14;
	s26 =	simm.s32 $0x1770  }
0x8b: {  	[tilespmem:s26], [sflag:$0x2] =	stream.linear.gather [hbm4b:s22+s1], $0x190, $0x38;
	[tilespmem:$0x1EF20] =	vst v63  }
0x8c: {  	s22 =	sadd.s32 s11, s14;
	s26 =	simm.s32 $0x1900  }
0x8d: {  	[tilespmem:s26], [sflag:$0x2] =	stream.linear.gather [hbm4b:s22+s1], $0x190, $0x38;
	[tilespmem:$0x1EF20] =	vst v63  }
0x8e: {  	s17 =	sadd.s32 s7, s14  }
0x8f: {  	[tilespmem:s21], [sflag:$0x2] =	stream.linear.gather [hbm4b:s17+s1], $0x50, $0x38;
	[tilespmem:$0x1EF20] =	vst v63  }
0x90: {  	s14 =	sadd.s32 $0xA, s17  }
0x91: {  	[tilespmem:s28], [sflag:$0x2] =	stream.linear.gather [hbm4b:s14+s1], $0x50, $0x38;
	[tilespmem:$0x1EF20] =	vst v63  }
0x92: {  	s22 =	sadd.s32 $0x14, s17  }
0x93: {  	[tilespmem:s29], [sflag:$0x2] =	stream.linear.gather [hbm4b:s22+s1], $0x50, $0x38;
	[tilespmem:$0x1EF20] =	vst v63  }
0x94: {  	s26 =	sadd.s32 $0x1E, s17  }
0x95: {  	[tilespmem:s18], [sflag:$0x2] =	stream.linear.gather [hbm4b:s26+s1], $0x50, $0x38;
	[tilespmem:$0x1EF20] =	vst v63  }
0x96: {  	s13 =	sadd.s32 $0x28, s17  }
0x97: {  	[tilespmem:s19], [sflag:$0x2] =	stream.linear.gather [hbm4b:s13+s1], $0x50, $0x38;
	[tilespmem:$0x1EF20] =	vst v63  }
0x98: {  	_ =	swait.ge [sflag:s20], $0x50  }
0x99: {  	[sflag:s20] =	ssyncset.done $0x0  }
0x9a: {  	[sflag:s20] =	ssyncadd.s32 $0xFFFFFFB0  }
0x9b: {  	_ =	swait.ge [sflag:s20], $0x50  }
0x9c: {  	[sflag:s20] =	ssyncset.done $0x0  }
0x9d: {  	[sflag:s20] =	ssyncadd.s32 $0xFFFFFFB0  }
0x9e: {  	_ =	swait.ge [sflag:s20], $0x50  }
0x9f: {  	[sflag:s20] =	ssyncset.done $0x0  }
0xa0: {  	[sflag:s20] =	ssyncadd.s32 $0xFFFFFFB0  }
0xa1: {  	_ =	swait.ge [sflag:s20], $0x50  }
0xa2: {  	[sflag:s20] =	ssyncset.done $0x0  }
0xa3: {  	[sflag:s20] =	ssyncadd.s32 $0xFFFFFFB0  }
0xa4: {  	s21 =	simm.s32 $0xE20;
	_ =	swait.ge [sflag:s20], $0x50  }
0xa5: {  	s17 =	simm.s32 $0x0;
	s14 =	simm.s32 $0x12D0;
	[sflag:s20] =	ssyncset.done $0x0  }
0xa6: {  	s22 =	simm.s32 $0x1AA0;
	s13 =	simm.s32 $0xFFFFFFFE;
	[sflag:s20] =	ssyncadd.s32 $0xFFFFFFB0  }
.LBB2_7:
0xa7: {  	v18 =	vld [tilespmem:s21+$0xFFFFFFF0];
	_ =	sdelay $0x3  }
0xa8: {  	v21 =	vld [tilespmem:s14+$0xFFFFFE60]  }
0xa9: {  	v25 =	vld [tilespmem:s14+$0xFFFFFFF0];
	v23 =	vadd.s32 $0x1, v18  }
0xaa: {  	v20 =	vld [tilespmem:s14+$0x180];
	v27 =	vadd.s32 $0x2, v18  }
0xab: {  	v29 =	vadd.s32 $0x3, v18  }
0xac: {  	v19 =	vld [tilespmem:s22+$0xFFFFFFF0];
	v30 =	vadd.s32 $0x4, v18  }
0xad: {  	v32 =	vadd.s32 $0x5, v18;
	v31 =	vld.idx.msk [tilespmem:v18+s4+$0x0], $0xffff  }
0xae: {  	v22 =	vsub.f32 $1.000000000e+00, v21;
	v33 =	vadd.s32 $0x6, v18;
	v23 =	vld.idx.msk [tilespmem:v23+s4+$0x0], $0xffff  }
0xaf: {  	v28 =	vsub.f32 $1.000000000e+00, v25;
	v26 =	vsub.f32 $1.000000000e+00, v20;
	v35 =	vadd.s32 $0x7, v18;
	v27 =	vld.idx.msk [tilespmem:v27+s4+$0x0], $0xffff  }
0xb0: {  	v36 =	vadd.s32 $0x8, v18;
	v37 =	vadd.s32 $0x9, v18;
	v38 =	vadd.s32 $0xA, v18;
	v29 =	vld.idx.msk [tilespmem:v29+s4+$0x0], $0xffff  }
0xb1: {  	v39 =	vadd.s32 $0xB, v18;
	v40 =	vadd.s32 $0xC, v18;
	v63 =	vadd.s32 $0xD, v18;
	v30 =	vld.idx.msk [tilespmem:v30+s4+$0x0], $0xffff  }
0xb2: {  	v5 =	vadd.s32 $0xE, v18;
	v43 =	vadd.s32 $0xF, v18;
	v44 =	vadd.s32 $0x10, v18;
	v32 =	vld.idx.msk [tilespmem:v32+s4+$0x0], $0xffff  }
0xb3: {  	v45 =	vadd.s32 $0x11, v18;
	v46 =	vadd.s32 $0x12, v18;
	v24 =	vmul.f32 v28, v22;
	v33 =	vld.idx.msk [tilespmem:v33+s4+$0x0], $0xffff  }
0xb4: {  	v48 =	vadd.s32 $0x13, v18;
	v6 =	vadd.s32 $0x14, v18;
	v22 =	vmul.f32 v25, v22;
	v35 =	vld.idx.msk [tilespmem:v35+s4+$0x0], $0xffff  }
0xb5: {  	v49 =	vadd.s32 $0x15, v18;
	v51 =	vadd.s32 $0x16, v18;
	v34 =	vmul.f32 v26, v24;
	v36 =	vld.idx.msk [tilespmem:v36+s4+$0x0], $0xffff  }
0xb6: {  	v52 =	vadd.s32 $0x17, v18;
	v56 =	vmul.f32 v26, v22;
	v24 =	vmul.f32 v24, v20;
	v62 =	vld.idx.msk [tilespmem:v37+s4+$0x0], $0xffff  }
0xb7: {  	v53 =	vadd.s32 $0x18, v18;
	v22 =	vmul.f32 v20, v22;
	v4 =	vld.idx.msk [tilespmem:v38+s4+$0x0], $0xffff;
	v34 =	vmul.f32 v34, v19  }
0xb8: {  	v7 =	vadd.s32 $0x19, v18;
	v54 =	vadd.s32 $0x1A, v18;
	v39 =	vld.idx.msk [tilespmem:v39+s4+$0x0], $0xffff;
	v24 =	vmul.f32 v24, v19  }
0xb9: {  	v55 =	vadd.s32 $0x1B, v18;
	v40 =	vld.idx.msk [tilespmem:v40+s4+$0x0], $0xffff;
	v22 =	vmul.f32 v22, v19;
	v31 =	vmul.f32 v34, v31  }
0xba: {  	v10 =	vadd.s32 $0x1C, v18;
	v37 =	vld.idx.msk [tilespmem:v63+s4+$0x0], $0xffff;
	v23 =	vmul.f32 v34, v23;
	v27 =	vmul.f32 v34, v27  }
0xbb: {  	v13 =	vadd.s32 $0x1D, v18;
	v38 =	vld.idx.msk [tilespmem:v5+s4+$0x0], $0xffff;
	v60 =	vmul.f32 v29, v34;
	v61 =	vmul.f32 v30, v34  }
0xbc: {  	v14 =	vadd.s32 $0x1E, v18;
	v43 =	vld.idx.msk [tilespmem:v43+s4+$0x0], $0xffff;
	v32 =	vmul.f32 v32, v34;
	v33 =	vmul.f32 v33, v34  }
0xbd: {  	v17 =	vadd.s32 $0x1F, v18;
	v44 =	vld.idx.msk [tilespmem:v44+s4+$0x0], $0xffff;
	v35 =	vmul.f32 v35, v34;
	v36 =	vmul.f32 v36, v34  }
0xbe: {  	v59 =	vadd.s32 $0x50, v18;
	v45 =	vld.idx.msk [tilespmem:v45+s4+$0x0], $0xffff;
	v30 =	vmul.f32 v62, v34;
	v47 =	vmul.f32 v4, v34  }
0xbf: {  	v46 =	vld.idx.msk [tilespmem:v46+s4+$0x0], $0xffff;
	v5 =	vadd.s32 $0x52, v18;
	v39 =	vmul.f32 v39, v34;
	v40 =	vmul.f32 v40, v34  }
0xc0: {  	v48 =	vld.idx.msk [tilespmem:v48+s4+$0x0], $0xffff;
	v31 =	vadd.f32 $0.0e+00, v31;
	v37 =	vmul.f32 v37, v34;
	v38 =	vmul.f32 v38, v34  }
0xc1: {  	v49 =	vld.idx.msk [tilespmem:v49+s4+$0x0], $0xffff;
	v34 =	vmul.f32 v43, v34;
	v41 =	vadd.f32 $0.0e+00, v23;
	v27 =	vadd.f32 $0.0e+00, v27  }
0xc2: {  	v51 =	vld.idx.msk [tilespmem:v51+s4+$0x0], $0xffff;
	v42 =	vadd.f32 $0.0e+00, v60;
	v29 =	vadd.f32 $0.0e+00, v61;
	v23 =	vmul.f32 v28, v21  }
0xc3: {  	v9 =	vld.idx.msk [tilespmem:v52+s4+$0x0], $0xffff;
	v62 =	vadd.s32 $0x51, v18;
	v32 =	vadd.f32 $0.0e+00, v32;
	v33 =	vadd.f32 $0.0e+00, v33  }
0xc4: {  	v12 =	vld.idx.msk [tilespmem:v53+s4+$0x0], $0xffff;
	v35 =	vadd.f32 $0.0e+00, v35;
	v36 =	vadd.f32 $0.0e+00, v36;
	v50 =	vmul.f32 v26, v23  }
0xc5: {  	v30 =	vadd.f32 $0.0e+00, v30;
	v47 =	vadd.f32 $0.0e+00, v47;
	v28 =	vld.idx.msk [tilespmem:v6+s4+$0x0], $0xffff;
	v21 =	vmul.f32 v25, v21  }
0xc6: {  	v16 =	vld.idx.msk [tilespmem:v54+s4+$0x0], $0xffff;
	v39 =	vadd.f32 $0.0e+00, v39;
	v40 =	vadd.f32 $0.0e+00, v40;
	v50 =	vmul.f32 v50, v19  }
0xc7: {  	v58 =	vld.idx.msk [tilespmem:v55+s4+$0x0], $0xffff;
	v37 =	vadd.f32 $0.0e+00, v37;
	v26 =	vmul.f32 v26, v21;
	v23 =	vmul.f32 v23, v20  }
0xc8: {  	v38 =	vadd.f32 $0.0e+00, v38;
	v61 =	vld.idx.msk [tilespmem:v10+s4+$0x0], $0xffff;
	v44 =	vmul.f32 v44, v50;
	v45 =	vmul.f32 v45, v50  }
0xc9: {  	v43 =	vld.idx.msk [tilespmem:v7+s4+$0x0], $0xffff;
	v34 =	vadd.f32 $0.0e+00, v34;
	v8 =	vmul.f32 v46, v50;
	v11 =	vmul.f32 v48, v50  }
0xca: {  	v4 =	vld.idx.msk [tilespmem:v13+s4+$0x0], $0xffff;
	v6 =	vadd.s32 $0x53, v18;
	v28 =	vmul.f32 v28, v50;
	v15 =	vmul.f32 v49, v50  }
0xcb: {  	v10 =	vld.idx.msk [tilespmem:v59+s4+$0x0], $0xffff;
	v59 =	vadd.s32 $0x63, v18;
	v57 =	vmul.f32 v51, v50;
	v60 =	vmul.f32 v9, v50  }
0xcc: {  	v53 =	vld.idx.msk [tilespmem:v5+s4+$0x0], $0xffff;
	v63 =	vmul.f32 v12, v50;
	v7 =	vmul.f32 v16, v50;
	v9 =	vadd.s32 $0x54, v18  }
0xcd: {  	v13 =	vld.idx.msk [tilespmem:v62+s4+$0x0], $0xffff;
	v12 =	vmul.f32 v58, v50;
	v46 =	vmul.f32 v61, v50;
	v16 =	vadd.s32 $0x58, v18  }
0xce: {  	v31 =	vadd.f32 v44, v31;
	v42 =	vadd.f32 v11, v42;
	v44 =	vld.idx.msk [tilespmem:v14+s4+$0x0], $0xffff;
	v11 =	vadd.s32 $0x55, v18  }
0xcf: {  	v41 =	vadd.f32 v45, v41;
	v27 =	vadd.f32 v8, v27;
	v8 =	vld.idx.msk [tilespmem:v17+s4+$0x0], $0xffff;
	v14 =	vadd.s32 $0x56, v18  }
0xd0: {  	v28 =	vadd.f32 v28, v29;
	v29 =	vadd.f32 v57, v33;
	v57 =	vadd.s32 $0x57, v18;
	v45 =	vld.idx.msk [tilespmem:v6+s4+$0x0], $0xffff  }
0xd1: {  	v32 =	vadd.f32 v15, v32;
	v33 =	vadd.f32 v63, v36;
	v17 =	vadd.s32 $0x59, v18;
	v54 =	vld.idx.msk [tilespmem:v9+s4+$0x0], $0xffff  }
0xd2: {  	v36 =	vadd.f32 v7, v47;
	v15 =	vmul.f32 v4, v50;
	v4 =	vadd.s32 $0x5A, v18;
	v7 =	vld.idx.msk [tilespmem:v16+s4+$0x0], $0xffff  }
0xd3: {  	v43 =	vmul.f32 v43, v50;
	v39 =	vadd.f32 v12, v39;
	v6 =	vadd.s32 $0x5B, v18;
	v61 =	vld.idx.msk [tilespmem:v11+s4+$0x0], $0xffff  }
0xd4: {  	v40 =	vadd.f32 v46, v40;
	v46 =	vmul.f32 v56, v19;
	v12 =	vadd.s32 $0x5E, v18;
	v63 =	vld.idx.msk [tilespmem:v14+s4+$0x0], $0xffff  }
0xd5: {  	v20 =	vmul.f32 v20, v21;
	v35 =	vadd.f32 v60, v35;
	v30 =	vadd.f32 v43, v30;
	v5 =	vld.idx.msk [tilespmem:v57+s4+$0x0], $0xffff  }
0xd6: {  	v43 =	vmul.f32 v10, v46;
	v60 =	vmul.f32 v8, v50;
	v8 =	vadd.s32 $0x5C, v18;
	v10 =	vld.idx.msk [tilespmem:v17+s4+$0x0], $0xffff  }
0xd7: {  	v26 =	vmul.f32 v26, v19;
	v62 =	vmul.f32 v13, v46;
	v11 =	vadd.s32 $0x5D, v18;
	v13 =	vld.idx.msk [tilespmem:v4+s4+$0x0], $0xffff  }
0xd8: {  	v23 =	vmul.f32 v23, v19;
	v19 =	vmul.f32 v20, v19;
	v14 =	vadd.s32 $0x5F, v18;
	v47 =	vld.idx.msk [tilespmem:v6+s4+$0x0], $0xffff  }
0xd9: {  	v37 =	vadd.f32 v15, v37;
	v15 =	vadd.s32 $0x60, v18;
	v16 =	vadd.s32 $0x61, v18;
	v58 =	vld.idx.msk [tilespmem:v12+s4+$0x0], $0xffff  }
0xda: {  	v31 =	vadd.f32 v43, v31;
	v57 =	vadd.s32 $0x62, v18;
	v43 =	vmul.f32 v7, v46;
	v7 =	vld.idx.msk [tilespmem:v59+s4+$0x0], $0xffff  }
0xdb: {  	v9 =	vmul.f32 v53, v46;
	v41 =	vadd.f32 v62, v41;
	v62 =	vadd.s32 $0x65, v18;
	v48 =	vld.idx.msk [tilespmem:v8+s4+$0x0], $0xffff  }
0xdc: {  	v44 =	vmul.f32 v44, v50;
	v45 =	vmul.f32 v45, v46;
	v4 =	vadd.s32 $0x66, v18;
	v17 =	vld.idx.msk [tilespmem:v11+s4+$0x0], $0xffff  }
0xdd: {  	v27 =	vadd.f32 v9, v27;
	v9 =	vadd.s32 $0x69, v18;
	v34 =	vadd.f32 v60, v34;
	v60 =	vld.idx.msk [tilespmem:v14+s4+$0x0], $0xffff  }
0xde: {  	v6 =	vadd.s32 $0x67, v18;
	v38 =	vadd.f32 v44, v38;
	v51 =	vmul.f32 v63, v46;
	v63 =	vld.idx.msk [tilespmem:v16+s4+$0x0], $0xffff  }
0xdf: {  	v42 =	vadd.f32 v45, v42;
	v54 =	vmul.f32 v54, v46;
	v44 =	vmul.f32 v5, v46;
	v5 =	vld.idx.msk [tilespmem:v57+s4+$0x0], $0xffff  }
0xe0: {  	v49 =	vmul.f32 v61, v46;
	v53 =	vmul.f32 v10, v46;
	v61 =	vadd.s32 $0x64, v18;
	v10 =	vld.idx.msk [tilespmem:v62+s4+$0x0], $0xffff  }
0xe1: {  	v28 =	vadd.f32 v54, v28;
	v33 =	vadd.f32 v43, v33;
	v8 =	vadd.s32 $0x68, v18;
	v12 =	vld.idx.msk [tilespmem:v4+s4+$0x0], $0xffff  }
0xe2: {  	v45 =	vmul.f32 v13, v46;
	v47 =	vmul.f32 v47, v46;
	v11 =	vadd.s32 $0x6A, v18;
	v57 =	vld.idx.msk [tilespmem:v9+s4+$0x0], $0xffff  }
0xe3: {  	v13 =	vadd.s32 $0x6B, v18;
	v16 =	vadd.s32 $0x6D, v18;
	v32 =	vadd.f32 v49, v32;
	v49 =	vld.idx.msk [tilespmem:v15+s4+$0x0], $0xffff  }
0xe4: {  	v4 =	vadd.s32 $0x191, v18;
	v9 =	vadd.s32 $0x193, v18;
	v39 =	vadd.f32 v47, v39;
	v47 =	vld.idx.msk [tilespmem:v6+s4+$0x0], $0xffff  }
0xe5: {  	v29 =	vadd.f32 v51, v29;
	v35 =	vadd.f32 v44, v35;
	v15 =	vadd.s32 $0x6C, v18;
	v50 =	vld.idx.msk [tilespmem:v61+s4+$0x0], $0xffff  }
0xe6: {  	v30 =	vadd.f32 v53, v30;
	v44 =	vmul.f32 v58, v46;
	v58 =	vadd.s32 $0x6E, v18;
	v51 =	vld.idx.msk [tilespmem:v8+s4+$0x0], $0xffff  }
0xe7: {  	v36 =	vadd.f32 v45, v36;
	v48 =	vmul.f32 v48, v46;
	v54 =	vmul.f32 v17, v46;
	v59 =	vld.idx.msk [tilespmem:v11+s4+$0x0], $0xffff  }
0xe8: {  	v38 =	vadd.f32 v44, v38;
	v43 =	vmul.f32 v60, v46;
	v25 =	vmul.f32 v63, v26;
	v62 =	vld.idx.msk [tilespmem:v13+s4+$0x0], $0xffff  }
0xe9: {  	v45 =	vmul.f32 v5, v26;
	v17 =	vmul.f32 v7, v26;
	v60 =	vadd.s32 $0x6F, v18;
	v6 =	vld.idx.msk [tilespmem:v16+s4+$0x0], $0xffff  }
0xea: {  	v63 =	vadd.s32 $0x190, v18;
	v46 =	vmul.f32 v10, v26;
	v14 =	vmul.f32 v49, v26;
	v49 =	vld.idx.msk [tilespmem:v15+s4+$0x0], $0xffff  }
0xeb: {  	v44 =	vmul.f32 v12, v26;
	v7 =	vadd.s32 $0x192, v18;
	v40 =	vadd.f32 v48, v40;
	v8 =	vld.idx.msk [tilespmem:v58+s4+$0x0], $0xffff  }
0xec: {  	v11 =	vadd.s32 $0x194, v18;
	v37 =	vadd.f32 v54, v37;
	v32 =	vadd.f32 v46, v32;
	v46 =	vld.idx.msk [tilespmem:v9+s4+$0x0], $0xffff  }
0xed: {  	v12 =	vadd.s32 $0x195, v18;
	v34 =	vadd.f32 v43, v34;
	v31 =	vadd.f32 v14, v31;
	v14 =	vld.idx.msk [tilespmem:v4+s4+$0x0], $0xffff  }
0xee: {  	v25 =	vadd.f32 v25, v41;
	v27 =	vadd.f32 v45, v27;
	v15 =	vadd.s32 $0x196, v18;
	v45 =	vld.idx.msk [tilespmem:v60+s4+$0x0], $0xffff  }
0xef: {  	v42 =	vadd.f32 v17, v42;
	v5 =	vmul.f32 v47, v26;
	v17 =	vadd.s32 $0x197, v18;
	v52 =	vld.idx.msk [tilespmem:v63+s4+$0x0], $0xffff  }
0xf0: {  	v29 =	vadd.f32 v44, v29;
	v58 =	vadd.s32 $0x198, v18;
	v61 =	vmul.f32 v50, v26;
	v16 =	vld.idx.msk [tilespmem:v7+s4+$0x0], $0xffff  }
0xf1: {  	v48 =	vmul.f32 v57, v26;
	v4 =	vadd.s32 $0x19B, v18;
	v10 =	vmul.f32 v51, v26;
	v51 =	vld.idx.msk [tilespmem:v11+s4+$0x0], $0xffff  }
0xf2: {  	v41 =	vmul.f32 v59, v26;
	v59 =	vadd.s32 $0x199, v18;
	v28 =	vadd.f32 v61, v28;
	v61 =	vld.idx.msk [tilespmem:v12+s4+$0x0], $0xffff  }
0xf3: {  	v35 =	vadd.f32 v5, v35;
	v13 =	vmul.f32 v62, v26;
	v62 =	vadd.s32 $0x19A, v18;
	v63 =	vld.idx.msk [tilespmem:v15+s4+$0x0], $0xffff  }
0xf4: {  	v30 =	vadd.f32 v48, v30;
	v47 =	vmul.f32 v6, v26;
	v6 =	vadd.s32 $0x19C, v18;
	v5 =	vld.idx.msk [tilespmem:v17+s4+$0x0], $0xffff  }
0xf5: {  	v11 =	vadd.s32 $0x19E, v18;
	v33 =	vadd.f32 v10, v33;
	v57 =	vmul.f32 v49, v26;
	v49 =	vld.idx.msk [tilespmem:v58+s4+$0x0], $0xffff  }
0xf6: {  	v36 =	vadd.f32 v41, v36;
	v60 =	vmul.f32 v8, v26;
	v8 =	vadd.s32 $0x19D, v18;
	v15 =	vld.idx.msk [tilespmem:v4+s4+$0x0], $0xffff  }
0xf7: {  	v39 =	vadd.f32 v13, v39;
	v37 =	vadd.f32 v47, v37;
	v13 =	vadd.s32 $0x19F, v18;
	v10 =	vld.idx.msk [tilespmem:v59+s4+$0x0], $0xffff  }
0xf8: {  	v17 =	vadd.s32 $0x1A1, v18;
	v40 =	vadd.f32 v57, v40;
	v38 =	vadd.f32 v60, v38;
	v12 =	vld.idx.msk [tilespmem:v62+s4+$0x0], $0xffff  }
0xf9: {  	v50 =	vmul.f32 v14, v24;
	v4 =	vadd.s32 $0x1A4, v18;
	v26 =	vmul.f32 v45, v26;
	v45 =	vld.idx.msk [tilespmem:v6+s4+$0x0], $0xffff  }
0xfa: {  	v14 =	vmul.f32 v46, v24;
	v9 =	vmul.f32 v16, v24;
	v16 =	vadd.s32 $0x1A0, v18;
	v60 =	vld.idx.msk [tilespmem:v11+s4+$0x0], $0xffff  }
0xfb: {  	v7 =	vmul.f32 v52, v24;
	v51 =	vmul.f32 v51, v24;
	v59 =	vadd.s32 $0x1A2, v18;
	v58 =	vld.idx.msk [tilespmem:v8+s4+$0x0], $0xffff  }
0xfc: {  	v44 =	vmul.f32 v61, v24;
	v57 =	vmul.f32 v63, v24;
	v61 =	vadd.s32 $0x1A3, v18;
	v63 =	vld.idx.msk [tilespmem:v13+s4+$0x0], $0xffff  }
0xfd: {  	v31 =	vadd.f32 v7, v31;
	v62 =	vmul.f32 v5, v24;
	v5 =	vadd.s32 $0x1A5, v18;
	v7 =	vld.idx.msk [tilespmem:v17+s4+$0x0], $0xffff  }
0xfe: {  	v25 =	vadd.f32 v50, v25;
	v26 =	vadd.f32 v26, v34;
	v8 =	vadd.s32 $0x1A6, v18;
	v50 =	vld.idx.msk [tilespmem:v4+s4+$0x0], $0xffff  }
0xff: {  	v27 =	vadd.f32 v9, v27;
	v34 =	vadd.f32 v14, v42;
	v13 =	vadd.s32 $0x1A8, v18;
	v53 =	vld.idx.msk [tilespmem:v16+s4+$0x0], $0xffff  }
0x100: {  	v28 =	vadd.f32 v51, v28;
	v49 =	vmul.f32 v49, v24;
	v14 =	vadd.s32 $0x1A9, v18;
	v9 =	vld.idx.msk [tilespmem:v59+s4+$0x0], $0xffff  }
0x101: {  	v17 =	vadd.s32 $0x1AA, v18;
	v32 =	vadd.f32 v44, v32;
	v6 =	vmul.f32 v12, v24;
	v12 =	vld.idx.msk [tilespmem:v61+s4+$0x0], $0xffff  }
0x102: {  	v29 =	vadd.f32 v57, v29;
	v41 =	vmul.f32 v10, v24;
	v10 =	vadd.s32 $0x1A7, v18;
	v16 =	vld.idx.msk [tilespmem:v5+s4+$0x0], $0xffff  }
0x103: {  	v11 =	vmul.f32 v15, v24;
	v15 =	vmul.f32 v58, v24;
	v57 =	vld.idx.msk [tilespmem:v8+s4+$0x0], $0xffff;
	v58 =	vadd.s32 $0x1AB, v18  }
0x104: {  	v35 =	vadd.f32 v62, v35;
	v45 =	vmul.f32 v45, v24;
	v61 =	vadd.s32 $0x1AC, v18;
	v51 =	vld.idx.msk [tilespmem:v13+s4+$0x0], $0xffff  }
0x105: {  	v59 =	vmul.f32 v60, v24;
	v24 =	vmul.f32 v63, v24;
	v63 =	vadd.s32 $0x1AD, v18;
	v5 =	vld.idx.msk [tilespmem:v14+s4+$0x0], $0xffff  }
0x106: {  	v36 =	vadd.f32 v6, v36;
	v4 =	vmul.f32 v7, v23;
	v6 =	vadd.s32 $0x1AE, v18;
	v7 =	vld.idx.msk [tilespmem:v17+s4+$0x0], $0xffff  }
0x107: {  	v33 =	vadd.f32 v49, v33;
	v39 =	vadd.f32 v11, v39;
	v8 =	vadd.s32 $0x1AF, v18;
	v60 =	vld.idx.msk [tilespmem:v10+s4+$0x0], $0xffff  }
0x108: {  	v11 =	vadd.s32 $0x1E1, v18;
	v30 =	vadd.f32 v41, v30;
	v41 =	vmul.f32 v9, v23;
	v9 =	vld.idx.msk [tilespmem:v58+s4+$0x0], $0xffff  }
0x109: {  	v40 =	vadd.f32 v45, v40;
	v38 =	vadd.f32 v59, v38;
	v14 =	vadd.s32 $0x1E2, v18;
	v49 =	vld.idx.msk [tilespmem:v61+s4+$0x0], $0xffff  }
0x10a: {  	v59 =	vadd.s32 $0x1E5, v18;
	v37 =	vadd.f32 v15, v37;
	v50 =	vmul.f32 v50, v23;
	v13 =	vld.idx.msk [tilespmem:v63+s4+$0x0], $0xffff  }
0x10b: {  	v24 =	vadd.f32 v24, v26;
	v25 =	vadd.f32 v4, v25;
	v4 =	vadd.s32 $0x1E7, v18;
	v15 =	vld.idx.msk [tilespmem:v6+s4+$0x0], $0xffff  }
0x10c: {  	v62 =	vmul.f32 v53, v23;
	v10 =	vadd.s32 $0x1E0, v18;
	v28 =	vadd.f32 v50, v28;
	v43 =	vld.idx.msk [tilespmem:v8+s4+$0x0], $0xffff  }
0x10d: {  	v46 =	vmul.f32 v12, v23;
	v12 =	vmul.f32 v16, v23;
	v16 =	vadd.s32 $0x1E3, v18;
	v61 =	vld.idx.msk [tilespmem:v11+s4+$0x0], $0xffff  }
0x10e: {  	v17 =	vmul.f32 v57, v23;
	v57 =	vadd.s32 $0x1E4, v18;
	v51 =	vmul.f32 v51, v23;
	v63 =	vld.idx.msk [tilespmem:v14+s4+$0x0], $0xffff  }
0x10f: {  	v26 =	vadd.f32 v62, v31;
	v27 =	vadd.f32 v41, v27;
	v62 =	vadd.s32 $0x1E6, v18;
	v8 =	vld.idx.msk [tilespmem:v59+s4+$0x0], $0xffff  }
0x110: {  	v31 =	vmul.f32 v7, v23;
	v6 =	vadd.s32 $0x1E8, v18;
	v33 =	vadd.f32 v51, v33;
	v51 =	vld.idx.msk [tilespmem:v4+s4+$0x0], $0xffff  }
0x111: {  	v7 =	vadd.s32 $0x1E9, v18;
	v11 =	vadd.s32 $0x1EB, v18;
	v34 =	vadd.f32 v46, v34;
	v58 =	vld.idx.msk [tilespmem:v10+s4+$0x0], $0xffff  }
0x112: {  	v32 =	vadd.f32 v12, v32;
	v44 =	vmul.f32 v60, v23;
	v60 =	vmul.f32 v5, v23;
	v5 =	vld.idx.msk [tilespmem:v16+s4+$0x0], $0xffff  }
0x113: {  	v14 =	vadd.s32 $0x1ED, v18;
	v29 =	vadd.f32 v17, v29;
	v31 =	vadd.f32 v31, v36;
	v45 =	vld.idx.msk [tilespmem:v57+s4+$0x0], $0xffff  }
0x114: {  	v12 =	vadd.s32 $0x1EC, v18;
	v17 =	vadd.s32 $0x1EE, v18;
	v35 =	vadd.f32 v44, v35;
	v10 =	vld.idx.msk [tilespmem:v62+s4+$0x0], $0xffff  }
0x115: {  	v30 =	vadd.f32 v60, v30;
	v42 =	vmul.f32 v9, v23;
	v47 =	vmul.f32 v13, v23;
	v13 =	vld.idx.msk [tilespmem:v6+s4+$0x0], $0xffff  }
0x116: {  	v49 =	vmul.f32 v49, v23;
	v9 =	vadd.s32 $0x1EA, v18;
	v46 =	vmul.f32 v15, v23;
	v16 =	vld.idx.msk [tilespmem:v7+s4+$0x0], $0xffff  }
0x117: {  	v23 =	vmul.f32 v43, v23;
	v59 =	vmul.f32 v61, v22;
	v60 =	vld.idx.msk [tilespmem:v11+s4+$0x0], $0xffff;
	v61 =	vadd.s32 $0x1F0, v18  }
0x118: {  	v44 =	vmul.f32 v63, v22;
	v63 =	vadd.s32 $0x1F1, v18;
	v4 =	vld.idx.msk [tilespmem:v14+s4+$0x0], $0xffff;
	v7 =	vadd.s32 $0x1F3, v18  }
0x119: {  	v36 =	vmul.f32 v8, v22;
	v39 =	vadd.f32 v42, v39;
	v40 =	vadd.f32 v49, v40;
	v62 =	vld.idx.msk [tilespmem:v12+s4+$0x0], $0xffff  }
0x11a: {  	v37 =	vadd.f32 v47, v37;
	v38 =	vadd.f32 v46, v38;
	v6 =	vld.idx.msk [tilespmem:v17+s4+$0x0], $0xffff;
	v17 =	vadd.s32 $0x1F8, v18  }
0x11b: {  	v23 =	vadd.f32 v23, v24;
	v25 =	vadd.f32 v59, v25;
	v59 =	vadd.s32 $0x1FA, v18;
	v57 =	vld.idx.msk [tilespmem:v9+s4+$0x0], $0xffff  }
0x11c: {  	v51 =	vmul.f32 v51, v22;
	v15 =	vmul.f32 v58, v22;
	v58 =	vadd.s32 $0x1EF, v18;
	v49 =	vld.idx.msk [tilespmem:v61+s4+$0x0], $0xffff  }
0x11d: {  	v27 =	vadd.f32 v44, v27;
	v41 =	vmul.f32 v5, v22;
	v5 =	vadd.s32 $0x1F2, v18;
	v12 =	vld.idx.msk [tilespmem:v63+s4+$0x0], $0xffff  }
0x11e: {  	v32 =	vadd.f32 v36, v32;
	v35 =	vadd.f32 v51, v35;
	v9 =	vadd.s32 $0x1F4, v18;
	v44 =	vld.idx.msk [tilespmem:v7+s4+$0x0], $0xffff  }
0x11f: {  	v26 =	vadd.f32 v15, v26;
	v42 =	vmul.f32 v10, v22;
	v10 =	vadd.s32 $0x1F5, v18;
	v63 =	vld.idx.msk [tilespmem:v17+s4+$0x0], $0xffff  }
0x120: {  	v45 =	vmul.f32 v45, v22;
	v11 =	vmul.f32 v13, v22;
	v15 =	vadd.s32 $0x1F7, v18;
	v54 =	vld.idx.msk [tilespmem:v59+s4+$0x0], $0xffff  }
0x121: {  	v16 =	vmul.f32 v16, v22;
	v48 =	vmul.f32 v60, v22;
	v60 =	vadd.s32 $0x1FB, v18;
	v8 =	vld.idx.msk [tilespmem:v58+s4+$0x0], $0xffff  }
0x122: {  	v47 =	vmul.f32 v4, v22;
	v4 =	vadd.s32 $0x1FD, v18;
	v34 =	vadd.f32 v41, v34;
	v14 =	vld.idx.msk [tilespmem:v5+s4+$0x0], $0xffff  }
0x123: {  	v13 =	vadd.s32 $0x1F6, v18;
	v28 =	vadd.f32 v45, v28;
	v29 =	vadd.f32 v42, v29;
	v46 =	vld.idx.msk [tilespmem:v9+s4+$0x0], $0xffff  }
0x124: {  	v7 =	vmov s17;
	v33 =	vadd.f32 v11, v33;
	v30 =	vadd.f32 v16, v30;
	v53 =	vld.idx.msk [tilespmem:v10+s4+$0x0], $0xffff  }
0x125: {  	v48 =	vadd.f32 v48, v39;
	v24 =	vmul.f32 v57, v22;
	v57 =	vadd.s32 $0x1F9, v18;
	v61 =	vld.idx.msk [tilespmem:v15+s4+$0x0], $0xffff  }
0x126: {  	v41 =	vmul.f32 v6, v22;
	v58 =	vmul.f32 v62, v22;
	v62 =	vadd.s32 $0x1FC, v18;
	v11 =	vld.idx.msk [tilespmem:v60+s4+$0x0], $0xffff  }
0x127: {  	v6 =	vadd.s32 $0x1FE, v18;
	v37 =	vadd.f32 v47, v37;
	v9 =	vmul.f32 v49, v19;
	v51 =	vld.idx.msk [tilespmem:v4+s4+$0x0], $0xffff  }
0x128: {  	v36 =	vadd.f32 v58, v40;
	v10 =	vmul.f32 v12, v19;
	v15 =	vadd.s32 $0x1FF, v18;
	v18 =	vld [tilespmem:s21+$0x0]  }
0x129: {  	v24 =	vadd.f32 v24, v31;
	v31 =	vld.idx.msk [tilespmem:v13+s4+$0x0], $0xffff;
	v13 =	vmul.f32 v44, v19;
	v56 =	vadd.f32 v9, v26  }
0x12a: {  	v44 =	vadd.f32 v10, v25;
	v59 =	vmul.f32 v63, v19;
	v22 =	vmul.f32 v8, v22;
	v5 =	vld.idx.msk [tilespmem:v57+s4+$0x0], $0xffff  }
0x12b: {  	v60 =	vmul.f32 v54, v19;
	v8 =	vadd.f32 v41, v38;
	v12 =	vmul.f32 v14, v19;
	v14 =	vld.idx.msk [tilespmem:v62+s4+$0x0], $0xffff  }
0x12c: {  	v22 =	vadd.f32 v22, v23;
	v46 =	vmul.f32 v46, v19;
	v53 =	vmul.f32 v53, v19;
	v57 =	vld.idx.msk [tilespmem:v6+s4+$0x0], $0xffff  }
0x12d: {  	v21 =	vmul.f32 v61, v19;
	v61 =	vld.idx.msk [tilespmem:v15+s4+$0x0], $0xffff;
	v62 =	vshll.u32 v7, $0x4;
	v63 =	vmul.f32 v11, v19  }
0x12e: {  	v23 =	vmul.f32 v51, v19;
	v6 =	vadd.s32 $0x1, v18;
	v58 =	vmul.f32 v31, v19;
	v31 =	vld [tilespmem:s14+$0x0]  }
0x12f: {  	v7 =	vadd.s32 $0x2, v18;
	v40 =	vadd.f32 v46, v28;
	v28 =	vadd.f32 v21, v35;
	v21 =	vld [tilespmem:s14+$0x190]  }
0x130: {  	v9 =	vadd.s32 $0x4, v18;
	v11 =	vadd.s32 $0x5, v18;
	v16 =	vadd.s32 $0x8, v18;
	v10 =	vld.idx.msk [tilespmem:v18+s4+$0x0], $0xffff  }
0x131: {  	v38 =	vadd.f32 v58, v29;
	v29 =	vld [tilespmem:s14+$0xFFFFFE70];
	v20 =	vmul.f32 v5, v19;
	v4 =	vmul.f32 v14, v19  }
0x132: {  	v42 =	vadd.f32 v12, v27;
	v5 =	vmul.f32 v57, v19;
	v27 =	vmul.f32 v61, v19;
	v19 =	vld [tilespmem:s22+$0x0]  }
0x133: {  	v41 =	vadd.f32 v13, v34;
	v1 =	vadd.s32 $0xB, v18;
	v39 =	vadd.f32 v53, v32;
	v25 =	vld.idx.msk [tilespmem:v6+s4+$0x0], $0xffff  }
0x134: {  	v35 =	vadd.f32 v59, v33;
	v33 =	vadd.f32 v63, v48;
	v12 =	vadd.s32 $0x6, v18;
	v13 =	vld.idx.msk [tilespmem:v7+s4+$0x0], $0xffff  }
0x135: {  	v23 =	vadd.f32 v23, v37;
	v58 =	vadd.s32 $0x9, v18;
	v14 =	vadd.s32 $0x7, v18;
	v45 =	vld.idx.msk [tilespmem:v9+s4+$0x0], $0xffff  }
0x136: {  	v48 =	vld.idx.msk [tilespmem:v11+s4+$0x0], $0xffff;
	v61 =	vadd.s32 $0xA, v18;
	v6 =	vadd.s32 $0xE, v18;
	v7 =	vadd.s32 $0x10, v18  }
0x137: {  	v55 =	vld.idx.msk [tilespmem:v16+s4+$0x0], $0xffff;
	v9 =	vadd.s32 $0xF, v18;
	v34 =	vadd.f32 v20, v30;
	v20 =	vadd.f32 v5, v8  }
0x138: {  	v1 =	vld.idx.msk [tilespmem:v1+s4+$0x0], $0xffff;
	v8 =	vadd.s32 $0x3, v18;
	v46 =	vsub.f32 $1.000000000e+00, v31;
	v37 =	vsub.f32 $1.000000000e+00, v29  }
0x139: {  	v11 =	vadd.s32 $0x12, v18;
	v16 =	vadd.s32 $0x16, v18;
	v30 =	vadd.f32 v60, v24;
	v50 =	vld.idx.msk [tilespmem:v12+s4+$0x0], $0xffff  }
0x13a: {  	v22 =	vadd.f32 v27, v22;
	v32 =	vsub.f32 $1.000000000e+00, v21;
	v58 =	vld.idx.msk [tilespmem:v58+s4+$0x0], $0xffff;
	v27 =	vmul.f32 v46, v37  }
0x13b: {  	v26 =	vadd.f32 v4, v36;
	v24 =	vor.u32 v0, v62;
	v4 =	vadd.s32 $0xC, v18;
	v3 =	vld.idx.msk [tilespmem:v14+s4+$0x0], $0xffff  }
0x13c: {  	v5 =	vadd.s32 $0xD, v18;
	v49 =	vor.u32 $0x1, v24;
	v61 =	vld.idx.msk [tilespmem:v61+s4+$0x0], $0xffff;
	v17 =	vmul.f32 v32, v27  }
0x13d: {  	v52 =	vor.u32 $0x2, v24;
	v53 =	vor.u32 $0x3, v24;
	v57 =	vor.u32 $0x4, v24;
	v15 =	vld.idx.msk [tilespmem:v8+s4+$0x0], $0xffff  }
0x13e: {  	v59 =	vor.u32 $0x5, v24;
	v60 =	vor.u32 $0x6, v24;
	v6 =	vld.idx.msk [tilespmem:v6+s4+$0x0], $0xffff;
	v63 =	vmul.f32 v17, v19  }
0x13f: {  	v62 =	vor.u32 $0x7, v24;
	v2 =	vor.u32 $0x8, v24;
	v43 =	vor.u32 $0x9, v24;
	v9 =	vld.idx.msk [tilespmem:v9+s4+$0x0], $0xffff  }
0x140: {  	v36 =	vor.u32 $0xA, v24;
	v14 =	vadd.s32 $0x14, v18;
	v4 =	vld.idx.msk [tilespmem:v4+s4+$0x0], $0xffff;
	v47 =	vmul.f32 v63, v10  }
0x141: {  	v5 =	vld.idx.msk [tilespmem:v5+s4+$0x0], $0xffff;
	[tilespmem:v24+s31+$0x0] =	vst.idx.msk $0xffff, v56;
	v25 =	vmul.f32 v63, v25;
	v51 =	vmul.f32 v63, v13  }
0x142: {  	v56 =	vadd.s32 $0x18, v18;
	[tilespmem:v49+s31+$0x0] =	vst.idx.msk $0xffff, v44;
	v54 =	vmul.f32 v15, v63;
	v45 =	vmul.f32 v45, v63  }
0x143: {  	[tilespmem:v52+s31+$0x0] =	vst.idx.msk $0xffff, v42;
	v17 =	vadd.s32 $0x17, v18;
	v48 =	vmul.f32 v48, v63;
	v50 =	vmul.f32 v50, v63  }
0x144: {  	[tilespmem:v53+s31+$0x0] =	vst.idx.msk $0xffff, v41;
	v53 =	vadd.s32 $0x51, v18;
	v3 =	vmul.f32 v3, v63;
	v55 =	vmul.f32 v55, v63  }
0x145: {  	[tilespmem:v57+s31+$0x0] =	vst.idx.msk $0xffff, v40;
	v57 =	vadd.s32 $0x1E, v18;
	v58 =	vmul.f32 v58, v63;
	v61 =	vmul.f32 v61, v63  }
0x146: {  	v10 =	vadd.s32 $0x11, v18;
	v1 =	vmul.f32 v1, v63;
	v4 =	vmul.f32 v4, v63  }
0x147: {  	v15 =	vadd.s32 $0x15, v18;
	v5 =	vmul.f32 v5, v63;
	v6 =	vmul.f32 v6, v63  }
0x148: {  	v9 =	vmul.f32 v9, v63;
	v63 =	vadd.s32 $0x19, v18;
	v47 =	vadd.f32 $0.0e+00, v47  }
0x149: {  	v7 =	vld.idx.msk [tilespmem:v7+s4+$0x0], $0xffff;
	[tilespmem:v59+s31+$0x0] =	vst.idx.msk $0xffff, v39;
	v59 =	vadd.s32 $0x1F, v18;
	v8 =	vadd.f32 $0.0e+00, v25;
	v51 =	vadd.f32 $0.0e+00, v51  }
0x14a: {  	v11 =	vld.idx.msk [tilespmem:v11+s4+$0x0], $0xffff;
	v54 =	vadd.f32 $0.0e+00, v54;
	v12 =	vadd.f32 $0.0e+00, v45;
	v25 =	vmul.f32 v46, v29  }
0x14b: {  	v16 =	vld.idx.msk [tilespmem:v16+s4+$0x0], $0xffff;
	v46 =	vadd.s32 $0x13, v18;
	v48 =	vadd.f32 $0.0e+00, v48;
	v50 =	vadd.f32 $0.0e+00, v50  }
0x14c: {  	v14 =	vld.idx.msk [tilespmem:v14+s4+$0x0], $0xffff;
	v45 =	vor.u32 $0xB, v24;
	v3 =	vadd.f32 $0.0e+00, v3;
	v44 =	vadd.f32 $0.0e+00, v55  }
0x14d: {  	v49 =	vld.idx.msk [tilespmem:v56+s4+$0x0], $0xffff;
	v42 =	vadd.f32 $0.0e+00, v58;
	v41 =	vadd.f32 $0.0e+00, v61;
	v13 =	vmul.f32 v32, v25  }
0x14e: {  	[tilespmem:v60+s31+$0x0] =	vst.idx.msk $0xffff, v38;
	v58 =	vadd.s32 $0x1C, v18;
	v1 =	vadd.f32 $0.0e+00, v1;
	v4 =	vadd.f32 $0.0e+00, v4;
	v17 =	vld.idx.msk [tilespmem:v17+s4+$0x0], $0xffff  }
0x14f: {  	v5 =	vadd.f32 $0.0e+00, v5;
	v6 =	vadd.f32 $0.0e+00, v6;
	[tilespmem:v62+s31+$0x0] =	vst.idx.msk $0xffff, v28;
	v62 =	vld.idx.msk [tilespmem:v53+s4+$0x0], $0xffff;
	v13 =	vmul.f32 v13, v19  }
0x150: {  	v28 =	vmul.f32 v31, v37;
	v9 =	vadd.f32 $0.0e+00, v9;
	v25 =	vmul.f32 v25, v21;
	v10 =	vld.idx.msk [tilespmem:v10+s4+$0x0], $0xffff  }
0x151: {  	v29 =	vmul.f32 v31, v29;
	[tilespmem:v2+s31+$0x0] =	vst.idx.msk $0xffff, v35;
	v46 =	vld.idx.msk [tilespmem:v46+s4+$0x0], $0xffff;
	v7 =	vmul.f32 v7, v13  }
0x152: {  	v53 =	vadd.s32 $0x59, v18;
	v38 =	vld.idx.msk [tilespmem:v57+s4+$0x0], $0xffff;
	v57 =	vadd.s32 $0x54, v18;
	[tilespmem:v43+s31+$0x0] =	vst.idx.msk $0xffff, v34;
	v25 =	vmul.f32 v25, v19  }
0x153: {  	v15 =	vld.idx.msk [tilespmem:v15+s4+$0x0], $0xffff;
	v11 =	vmul.f32 v11, v13;
	v7 =	vadd.f32 v7, v47;
	v47 =	vadd.s32 $0x1A, v18  }
0x154: {  	v52 =	vld.idx.msk [tilespmem:v63+s4+$0x0], $0xffff;
	v63 =	vadd.s32 $0x1D, v18;
	v14 =	vmul.f32 v14, v13;
	v16 =	vmul.f32 v16, v13  }
0x155: {  	[tilespmem:v36+s31+$0x0] =	vst.idx.msk $0xffff, v30;
	v30 =	vor.u32 $0xD, v24;
	v17 =	vmul.f32 v17, v13;
	v60 =	vmul.f32 v49, v13  }
0x156: {  	v58 =	vld.idx.msk [tilespmem:v58+s4+$0x0], $0xffff;
	v10 =	vmul.f32 v10, v13;
	v55 =	vmul.f32 v46, v13;
	v46 =	vadd.s32 $0x1B, v18  }
0x157: {  	v37 =	vld.idx.msk [tilespmem:v53+s4+$0x0], $0xffff;
	v53 =	vadd.s32 $0x5F, v18;
	v38 =	vmul.f32 v38, v13;
	v11 =	vadd.f32 v11, v51  }
0x158: {  	v15 =	vmul.f32 v15, v13;
	v8 =	vadd.f32 v10, v8;
	v10 =	vadd.f32 v55, v54;
	v55 =	vld.idx.msk [tilespmem:v47+s4+$0x0], $0xffff  }
0x159: {  	v12 =	vadd.f32 v14, v12;
	v16 =	vadd.f32 v16, v50;
	v61 =	vld.idx.msk [tilespmem:v63+s4+$0x0], $0xffff;
	v50 =	vadd.s32 $0x57, v18  }
0x15a: {  	v63 =	vadd.s32 $0x50, v18;
	v52 =	vmul.f32 v52, v13;
	v54 =	vadd.s32 $0x52, v18  }
0x15b: {  	v2 =	vadd.f32 v17, v3;
	v3 =	vadd.f32 v60, v44;
	v60 =	vadd.s32 $0x55, v18;
	v56 =	vld.idx.msk [tilespmem:v46+s4+$0x0], $0xffff  }
0x15c: {  	[tilespmem:v45+s31+$0x0] =	vst.idx.msk $0xffff, v33;
	v6 =	vadd.f32 v38, v6;
	v38 =	vor.u32 $0xC, v24;
	v39 =	vmul.f32 v58, v13  }
0x15d: {  	v35 =	vadd.f32 v52, v42;
	v52 =	vld.idx.msk [tilespmem:v57+s4+$0x0], $0xffff;
	v40 =	vmul.f32 v55, v13;
	v55 =	vadd.s32 $0x53, v18  }
0x15e: {  	v51 =	vadd.s32 $0x58, v18;
	v4 =	vadd.f32 v39, v4;
	v58 =	vmul.f32 v61, v13;
	v39 =	vld.idx.msk [tilespmem:v50+s4+$0x0], $0xffff  }
0x15f: {  	v15 =	vadd.f32 v15, v48;
	v61 =	vmul.f32 v32, v28;
	v32 =	vmul.f32 v32, v29;
	v17 =	vld.idx.msk [tilespmem:v54+s4+$0x0], $0xffff  }
0x160: {  	v5 =	vadd.f32 v58, v5;
	v58 =	vadd.s32 $0x5A, v18;
	v14 =	vmul.f32 v56, v13;
	v56 =	vld.idx.msk [tilespmem:v59+s4+$0x0], $0xffff  }
0x161: {  	v44 =	vadd.s32 $0x1FA, v18;
	v50 =	vadd.s32 $0x5E, v18;
	v28 =	vmul.f32 v21, v28;
	[tilespmem:v38+s31+$0x0] =	vst.idx.msk $0xffff, v26;
	v59 =	vld.idx.msk [tilespmem:v63+s4+$0x0], $0xffff  }
0x162: {  	v32 =	vmul.f32 v32, v19;
	v40 =	vadd.f32 v40, v41;
	v63 =	vadd.s32 $0x56, v18;
	v41 =	vld.idx.msk [tilespmem:v55+s4+$0x0], $0xffff  }
0x163: {  	v1 =	vadd.f32 v14, v1;
	v14 =	vmul.f32 v61, v19;
	v61 =	vadd.s32 $0x5C, v18;
	v55 =	vld.idx.msk [tilespmem:v60+s4+$0x0], $0xffff  }
0x164: {  	v26 =	vor.u32 $0xE, v24;
	v28 =	vmul.f32 v28, v19;
	[tilespmem:v30+s31+$0x0] =	vst.idx.msk $0xffff, v23;
	v23 =	vor.u32 $0xF, v24;
	v60 =	vld.idx.msk [tilespmem:v51+s4+$0x0], $0xffff  }
0x165: {  	v17 =	vmul.f32 v17, v14;
	v48 =	vmul.f32 v52, v14;
	v52 =	vld.idx.msk [tilespmem:v58+s4+$0x0], $0xffff;
	v58 =	vadd.s32 $0x62, v18  }
0x166: {  	v13 =	vmul.f32 v56, v13;
	v54 =	vmul.f32 v59, v14;
	v59 =	vadd.s32 $0x5B, v18  }
0x167: {  	v56 =	vmul.f32 v62, v14;
	v57 =	vld.idx.msk [tilespmem:v63+s4+$0x0], $0xffff;
	v63 =	vadd.s32 $0x5D, v18;
	v11 =	vadd.f32 v17, v11  }
0x168: {  	v37 =	vmul.f32 v37, v14;
	v12 =	vadd.f32 v48, v12;
	v9 =	vadd.f32 v13, v9;
	v36 =	vld.idx.msk [tilespmem:v61+s4+$0x0], $0xffff  }
0x169: {  	v8 =	vadd.f32 v56, v8;
	v61 =	vld.idx.msk [tilespmem:v53+s4+$0x0], $0xffff;
	v49 =	vmul.f32 v55, v14;
	v55 =	vadd.s32 $0x60, v18  }
0x16a: {  	v56 =	vmul.f32 v39, v14;
	v13 =	vmul.f32 v60, v14;
	v60 =	vadd.s32 $0x63, v18;
	v42 =	vld.idx.msk [tilespmem:v58+s4+$0x0], $0xffff  }
0x16b: {  	v7 =	vadd.f32 v54, v7;
	v53 =	vadd.s32 $0x68, v18;
	v62 =	vmul.f32 v41, v14;
	v54 =	vld.idx.msk [tilespmem:v59+s4+$0x0], $0xffff  }
0x16c: {  	v2 =	vadd.f32 v56, v2;
	v56 =	vadd.s32 $0x6A, v18;
	v58 =	vadd.s32 $0x6B, v18;
	v41 =	vld.idx.msk [tilespmem:v63+s4+$0x0], $0xffff  }
0x16d: {  	v10 =	vadd.f32 v62, v10;
	v51 =	vmul.f32 v57, v14;
	v57 =	vadd.s32 $0x61, v18;
	v59 =	vld.idx.msk [tilespmem:v50+s4+$0x0], $0xffff  }
0x16e: {  	v15 =	vadd.f32 v49, v15;
	v62 =	vadd.s32 $0x64, v18;
	v36 =	vmul.f32 v36, v14;
	v48 =	vld.idx.msk [tilespmem:v55+s4+$0x0], $0xffff  }
0x16f: {  	v3 =	vadd.f32 v13, v3;
	v63 =	vmul.f32 v52, v14;
	v49 =	vadd.s32 $0x65, v18;
	v52 =	vld.idx.msk [tilespmem:v60+s4+$0x0], $0xffff  }
0x170: {  	v13 =	vadd.f32 v37, v35;
	v50 =	vadd.s32 $0x66, v18;
	v4 =	vadd.f32 v36, v4;
	v36 =	vld.idx.msk [tilespmem:v53+s4+$0x0], $0xffff  }
0x171: {  	v16 =	vadd.f32 v51, v16;
	v40 =	vadd.f32 v63, v40;
	v51 =	vadd.s32 $0x67, v18;
	v35 =	vld.idx.msk [tilespmem:v56+s4+$0x0], $0xffff  }
0x172: {  	v63 =	vadd.s32 $0x6E, v18;
	v55 =	vadd.s32 $0x69, v18;
	v42 =	vmul.f32 v42, v32;
	v39 =	vld.idx.msk [tilespmem:v57+s4+$0x0], $0xffff  }
0x173: {  	v60 =	vadd.s32 $0x6C, v18;
	v33 =	vmul.f32 v54, v14;
	v54 =	vmul.f32 v41, v14;
	v37 =	vld.idx.msk [tilespmem:v62+s4+$0x0], $0xffff  }
0x174: {  	v53 =	vadd.s32 $0x191, v18;
	v17 =	vmul.f32 v59, v14;
	v14 =	vmul.f32 v61, v14;
	v34 =	vld.idx.msk [tilespmem:v49+s4+$0x0], $0xffff  }
0x175: {  	v57 =	vld.idx.msk [tilespmem:v50+s4+$0x0], $0xffff;
	v62 =	vadd.s32 $0x6D, v18;
	v11 =	vadd.f32 v42, v11;
	v1 =	vadd.f32 v33, v1  }
0x176: {  	v49 =	vadd.s32 $0x6F, v18;
	v50 =	vld.idx.msk [tilespmem:v58+s4+$0x0], $0xffff;
	v5 =	vadd.f32 v54, v5;
	v6 =	vadd.f32 v17, v6  }
0x177: {  	v9 =	vadd.f32 v14, v9;
	v59 =	vld.idx.msk [tilespmem:v51+s4+$0x0], $0xffff;
	v51 =	vadd.s32 $0x190, v18;
	v31 =	vmul.f32 v48, v32  }
0x178: {  	v54 =	vadd.s32 $0x192, v18;
	v56 =	vld.idx.msk [tilespmem:v63+s4+$0x0], $0xffff;
	v63 =	vadd.s32 $0x196, v18;
	v33 =	vmul.f32 v52, v32  }
0x179: {  	v41 =	vld.idx.msk [tilespmem:v55+s4+$0x0], $0xffff;
	v55 =	vmul.f32 v36, v32;
	v35 =	vmul.f32 v35, v32;
	v7 =	vadd.f32 v31, v7  }
0x17a: {  	v17 =	vld.idx.msk [tilespmem:v60+s4+$0x0], $0xffff;
	v61 =	vmul.f32 v39, v32;
	v48 =	vmul.f32 v37, v32;
	v10 =	vadd.f32 v33, v10  }
0x17b: {  	v52 =	vmul.f32 v34, v32;
	v38 =	vmul.f32 v57, v32;
	v39 =	vld.idx.msk [tilespmem:v62+s4+$0x0], $0xffff;
	v57 =	vadd.s32 $0x193, v18  }
0x17c: {  	v58 =	vld.idx.msk [tilespmem:v49+s4+$0x0], $0xffff;
	v62 =	vadd.s32 $0x195, v18;
	v33 =	vmul.f32 v50, v32;
	v49 =	vadd.s32 $0x197, v18  }
0x17d: {  	v34 =	vld.idx.msk [tilespmem:v53+s4+$0x0], $0xffff;
	v3 =	vadd.f32 v55, v3;
	v35 =	vadd.f32 v35, v40;
	v55 =	vadd.s32 $0x19A, v18  }
0x17e: {  	v8 =	vadd.f32 v61, v8;
	v12 =	vadd.f32 v48, v12;
	v14 =	vmul.f32 v59, v32;
	v61 =	vld.idx.msk [tilespmem:v51+s4+$0x0], $0xffff  }
0x17f: {  	v15 =	vadd.f32 v52, v15;
	v16 =	vadd.f32 v38, v16;
	v59 =	vadd.s32 $0x194, v18;
	v48 =	vld.idx.msk [tilespmem:v54+s4+$0x0], $0xffff  }
0x180: {  	v51 =	vadd.s32 $0x198, v18;
	v36 =	vmul.f32 v56, v32;
	v56 =	vld.idx.msk [tilespmem:v63+s4+$0x0], $0xffff;
	v17 =	vmul.f32 v17, v32  }
0x181: {  	v1 =	vadd.f32 v33, v1;
	v52 =	vmul.f32 v27, v21;
	v54 =	vadd.s32 $0x199, v18;
	v50 =	vld.idx.msk [tilespmem:v57+s4+$0x0], $0xffff  }
0x182: {  	v60 =	vmul.f32 v41, v32;
	v2 =	vadd.f32 v14, v2;
	v4 =	vadd.f32 v17, v4;
	v41 =	vld.idx.msk [tilespmem:v62+s4+$0x0], $0xffff  }
0x183: {  	v14 =	vmul.f32 v58, v32;
	v17 =	vmul.f32 v52, v19;
	v57 =	vadd.s32 $0x19B, v18;
	v58 =	vld.idx.msk [tilespmem:v49+s4+$0x0], $0xffff  }
0x184: {  	v63 =	vadd.s32 $0x19E, v18;
	v39 =	vmul.f32 v39, v32;
	v62 =	vadd.s32 $0x19D, v18;
	v53 =	vld.idx.msk [tilespmem:v59+s4+$0x0], $0xffff  }
0x185: {  	v6 =	vadd.f32 v36, v6;
	v13 =	vadd.f32 v60, v13;
	v60 =	vmul.f32 v61, v17;
	v61 =	vld.idx.msk [tilespmem:v51+s4+$0x0], $0xffff  }
0x186: {  	v49 =	vadd.s32 $0x19F, v18;
	v5 =	vadd.f32 v39, v5;
	v59 =	vadd.s32 $0x19C, v18;
	v37 =	vld.idx.msk [tilespmem:v54+s4+$0x0], $0xffff  }
0x187: {  	v9 =	vadd.f32 v14, v9;
	v34 =	vmul.f32 v34, v17;
	v31 =	vmul.f32 v48, v17;
	v48 =	vld.idx.msk [tilespmem:v55+s4+$0x0], $0xffff  }
0x188: {  	v51 =	vadd.s32 $0x1A0, v18;
	v32 =	vmul.f32 v56, v17;
	v47 =	vmul.f32 v50, v17;
	v50 =	vld.idx.msk [tilespmem:v57+s4+$0x0], $0xffff  }
0x189: {  	v54 =	vadd.s32 $0x1A1, v18;
	v7 =	vadd.f32 v60, v7;
	v8 =	vadd.f32 v34, v8;
	v40 =	vld.idx.msk [tilespmem:v62+s4+$0x0], $0xffff  }
0x18a: {  	v55 =	vadd.s32 $0x1A2, v18;
	v11 =	vadd.f32 v31, v11;
	v16 =	vadd.f32 v32, v16;
	v57 =	vld.idx.msk [tilespmem:v63+s4+$0x0], $0xffff  }
0x18b: {  	v60 =	vadd.s32 $0x1A4, v18;
	v41 =	vmul.f32 v41, v17;
	v52 =	vmul.f32 v53, v17;
	v53 =	vld.idx.msk [tilespmem:v59+s4+$0x0], $0xffff  }
0x18c: {  	v56 =	vmul.f32 v58, v17;
	v58 =	vadd.s32 $0x1A3, v18;
	v62 =	vadd.s32 $0x1A5, v18;
	v59 =	vld.idx.msk [tilespmem:v49+s4+$0x0], $0xffff  }
0x18d: {  	v63 =	vadd.s32 $0x1A6, v18;
	v10 =	vadd.f32 v47, v10;
	v15 =	vadd.f32 v41, v15;
	v34 =	vld.idx.msk [tilespmem:v51+s4+$0x0], $0xffff  }
0x18e: {  	v2 =	vadd.f32 v56, v2;
	v61 =	vmul.f32 v61, v17;
	v37 =	vmul.f32 v37, v17;
	v39 =	vld.idx.msk [tilespmem:v54+s4+$0x0], $0xffff  }
0x18f: {  	v33 =	vmul.f32 v48, v17;
	v49 =	vld.idx.msk [tilespmem:v55+s4+$0x0], $0xffff;
	v51 =	vadd.s32 $0x1A8, v18;
	v54 =	vadd.s32 $0x1AA, v18  }
0x190: {  	v56 =	vadd.s32 $0x1AB, v18;
	v47 =	vadd.s32 $0x1F1, v18;
	v12 =	vadd.f32 v52, v12;
	v27 =	vld.idx.msk [tilespmem:v60+s4+$0x0], $0xffff  }
0x191: {  	v33 =	vadd.f32 v33, v35;
	v48 =	vmul.f32 v50, v17;
	v50 =	vadd.s32 $0x1A7, v18;
	v35 =	vld.idx.msk [tilespmem:v58+s4+$0x0], $0xffff  }
0x192: {  	v3 =	vadd.f32 v61, v3;
	v13 =	vadd.f32 v37, v13;
	v40 =	vmul.f32 v40, v17;
	v38 =	vld.idx.msk [tilespmem:v62+s4+$0x0], $0xffff  }
0x193: {  	v55 =	vmul.f32 v57, v17;
	v36 =	vld.idx.msk [tilespmem:v63+s4+$0x0], $0xffff;
	v62 =	vadd.s32 $0x1AE, v18;
	v1 =	vadd.f32 v48, v1  }
0x194: {  	v52 =	vmul.f32 v53, v17;
	v53 =	vadd.s32 $0x1A9, v18;
	v58 =	vmul.f32 v59, v17;
	v17 =	vld.idx.msk [tilespmem:v51+s4+$0x0], $0xffff  }
0x195: {  	v57 =	vadd.s32 $0x1AC, v18;
	v5 =	vadd.f32 v40, v5;
	v6 =	vadd.f32 v55, v6;
	v48 =	vld.idx.msk [tilespmem:v54+s4+$0x0], $0xffff  }
0x196: {  	v59 =	vadd.s32 $0x1AD, v18;
	v34 =	vmul.f32 v34, v25;
	v60 =	vmul.f32 v39, v25;
	v40 =	vld.idx.msk [tilespmem:v50+s4+$0x0], $0xffff  }
0x197: {  	v63 =	vmul.f32 v49, v25;
	v49 =	vadd.s32 $0x1AF, v18;
	v51 =	vadd.s32 $0x1E0, v18;
	v50 =	vld.idx.msk [tilespmem:v56+s4+$0x0], $0xffff  }
0x198: {  	v54 =	vadd.s32 $0x1E1, v18;
	v4 =	vadd.f32 v52, v4;
	v56 =	vmul.f32 v36, v25;
	v36 =	vld.idx.msk [tilespmem:v62+s4+$0x0], $0xffff  }
0x199: {  	v55 =	vadd.s32 $0x1E2, v18;
	v9 =	vadd.f32 v58, v9;
	v7 =	vadd.f32 v34, v7;
	v61 =	vld.idx.msk [tilespmem:v53+s4+$0x0], $0xffff  }
0x19a: {  	v8 =	vadd.f32 v60, v8;
	v11 =	vadd.f32 v63, v11;
	v27 =	vmul.f32 v27, v25;
	v53 =	vld.idx.msk [tilespmem:v57+s4+$0x0], $0xffff  }
0x19b: {  	v63 =	vadd.s32 $0x1E7, v18;
	v52 =	vmul.f32 v35, v25;
	v38 =	vmul.f32 v38, v25;
	v32 =	vld.idx.msk [tilespmem:v59+s4+$0x0], $0xffff  }
0x19c: {  	v58 =	vadd.s32 $0x1E4, v18;
	v60 =	vadd.s32 $0x1E5, v18;
	v12 =	vadd.f32 v27, v12;
	v27 =	vld.idx.msk [tilespmem:v49+s4+$0x0], $0xffff  }
0x19d: {  	v10 =	vadd.f32 v52, v10;
	v57 =	vadd.s32 $0x1E3, v18;
	v15 =	vadd.f32 v38, v15;
	v37 =	vld.idx.msk [tilespmem:v51+s4+$0x0], $0xffff  }
0x19e: {  	v14 =	vadd.f32 v56, v16;
	v17 =	vmul.f32 v17, v25;
	v42 =	vld.idx.msk [tilespmem:v54+s4+$0x0], $0xffff;
	v62 =	vmul.f32 v48, v25  }
0x19f: {  	v31 =	vld.idx.msk [tilespmem:v55+s4+$0x0], $0xffff;
	v48 =	vadd.s32 $0x1E8, v18;
	v51 =	vadd.s32 $0x1E9, v18;
	v52 =	vadd.s32 $0x1EA, v18  }
0x1a0: {  	v54 =	vadd.s32 $0x1EB, v18;
	v56 =	vadd.s32 $0x1EC, v18;
	v3 =	vadd.f32 v17, v3;
	v55 =	vld.idx.msk [tilespmem:v63+s4+$0x0], $0xffff  }
0x1a1: {  	v16 =	vadd.f32 v62, v33;
	v59 =	vmul.f32 v40, v25;
	v49 =	vmul.f32 v50, v25;
	v50 =	vld.idx.msk [tilespmem:v58+s4+$0x0], $0xffff  }
0x1a2: {  	v63 =	vadd.s32 $0x1F0, v18;
	v40 =	vld.idx.msk [tilespmem:v60+s4+$0x0], $0xffff;
	v36 =	vmul.f32 v36, v25;
	v39 =	vmul.f32 v61, v25  }
0x1a3: {  	v61 =	vadd.s32 $0x1E6, v18;
	v2 =	vadd.f32 v59, v2;
	v17 =	vld.idx.msk [tilespmem:v57+s4+$0x0], $0xffff;
	v35 =	vmul.f32 v53, v25  }
0x1a4: {  	v32 =	vmul.f32 v32, v25;
	v1 =	vadd.f32 v49, v1;
	v58 =	vmul.f32 v27, v25;
	v25 =	vld.idx.msk [tilespmem:v51+s4+$0x0], $0xffff  }
0x1a5: {  	v57 =	vadd.s32 $0x1ED, v18;
	v6 =	vadd.f32 v36, v6;
	v60 =	vmul.f32 v37, v28;
	v36 =	vld.idx.msk [tilespmem:v52+s4+$0x0], $0xffff  }
0x1a6: {  	v59 =	vadd.s32 $0x1EE, v18;
	v62 =	vmul.f32 v42, v28;
	v38 =	vld.idx.msk [tilespmem:v54+s4+$0x0], $0xffff;
	v45 =	vmul.f32 v31, v28  }
0x1a7: {  	v46 =	vld.idx.msk [tilespmem:v56+s4+$0x0], $0xffff;
	v52 =	vadd.s32 $0x1F4, v18;
	v54 =	vadd.s32 $0x1F5, v18;
	v13 =	vadd.f32 v39, v13  }
0x1a8: {  	v56 =	vadd.s32 $0x1F6, v18;
	v4 =	vadd.f32 v35, v4;
	v5 =	vadd.f32 v32, v5;
	v39 =	vld.idx.msk [tilespmem:v48+s4+$0x0], $0xffff  }
0x1a9: {  	v9 =	vadd.f32 v58, v9;
	v7 =	vadd.f32 v60, v7;
	v33 =	vld.idx.msk [tilespmem:v63+s4+$0x0], $0xffff;
	v55 =	vmul.f32 v55, v28  }
0x1aa: {  	v8 =	vadd.f32 v62, v8;
	v48 =	vadd.s32 $0x1F2, v18;
	v11 =	vadd.f32 v45, v11;
	v32 =	vld.idx.msk [tilespmem:v47+s4+$0x0], $0xffff  }
0x1ab: {  	v58 =	vadd.s32 $0x1F7, v18;
	v60 =	vadd.s32 $0x1F8, v18;
	v2 =	vadd.f32 v55, v2;
	v55 =	vld.idx.msk [tilespmem:v44+s4+$0x0], $0xffff  }
0x1ac: {  	v62 =	vadd.s32 $0x1F9, v18;
	v47 =	vadd.s32 $0x1FB, v18;
	v49 =	vmul.f32 v50, v28;
	v53 =	vld.idx.msk [tilespmem:v61+s4+$0x0], $0xffff  }
0x1ad: {  	v50 =	vadd.s32 $0x1F3, v18;
	v51 =	vmul.f32 v40, v28;
	v61 =	vadd.s32 $0x1EF, v18;
	v24 =	vld.idx.msk [tilespmem:v57+s4+$0x0], $0xffff  }
0x1ae: {  	v17 =	vmul.f32 v17, v28;
	v27 =	vld.idx.msk [tilespmem:v59+s4+$0x0], $0xffff;
	v12 =	vadd.f32 v49, v12;
	v59 =	vmul.f32 v25, v28  }
0x1af: {  	v15 =	vadd.f32 v51, v15;
	v63 =	vmul.f32 v38, v28;
	v38 =	vld.idx.msk [tilespmem:v54+s4+$0x0], $0xffff;
	v45 =	vmul.f32 v46, v28  }
0x1b0: {  	v46 =	vld.idx.msk [tilespmem:v56+s4+$0x0], $0xffff;
	v49 =	vadd.s32 $0x1FC, v18;
	v10 =	vadd.f32 v17, v10;
	v57 =	vmul.f32 v39, v28  }
0x1b1: {  	s26 =	sadd.s32 $0x10, s17;
	v39 =	vld.idx.msk [tilespmem:v48+s4+$0x0], $0xffff;
	v13 =	vadd.f32 v59, v13;
	v1 =	vadd.f32 v63, v1;
	v48 =	vmul.f32 v21, v29  }
0x1b2: {  	[tilespmem:v26+s31+$0x0] =	vst.idx.msk $0xffff, v20;
	v4 =	vadd.f32 v45, v4;
	v25 =	vld.idx.msk [tilespmem:v50+s4+$0x0], $0xffff;
	v50 =	vmov s26;
	v3 =	vadd.f32 v57, v3  }
0x1b3: {  	v17 =	vmul.f32 v48, v19;
	v20 =	vshll.u32 v50, $0x4;
	v37 =	vld.idx.msk [tilespmem:v61+s4+$0x0], $0xffff;
	v53 =	vmul.f32 v53, v28  }
0x1b4: {  	v61 =	vmul.f32 v36, v28;
	v36 =	vld.idx.msk [tilespmem:v52+s4+$0x0], $0xffff;
	v52 =	vadd.s32 $0x1FD, v18;
	v24 =	vmul.f32 v24, v28  }
0x1b5: {  	v21 =	vld.idx.msk [tilespmem:v58+s4+$0x0], $0xffff;
	v54 =	vmul.f32 v27, v28;
	v20 =	vor.u32 v0, v20;
	v57 =	vmul.f32 v33, v17  }
0x1b6: {  	v51 =	vld.idx.msk [tilespmem:v60+s4+$0x0], $0xffff;
	v58 =	vor.u32 $0x1, v20;
	v14 =	vadd.f32 v53, v14;
	v53 =	vadd.s32 $0x1FE, v18  }
0x1b7: {  	[tilespmem:v23+s31+$0x0] =	vst.idx.msk $0xffff, v22;
	v19 =	vld.idx.msk [tilespmem:v62+s4+$0x0], $0xffff;
	v59 =	vmul.f32 v32, v17;
	v60 =	vor.u32 $0x2, v20;
	v18 =	vadd.s32 $0x1FF, v18  }
0x1b8: {  	v27 =	vld.idx.msk [tilespmem:v47+s4+$0x0], $0xffff;
	v63 =	vor.u32 $0x3, v20;
	v43 =	vmul.f32 v38, v17;
	v46 =	vmul.f32 v46, v17  }
0x1b9: {  	v41 =	vor.u32 $0x5, v20;
	v55 =	vmul.f32 v55, v17;
	v56 =	vmul.f32 v37, v28;
	v28 =	vld.idx.msk [tilespmem:v49+s4+$0x0], $0xffff  }
0x1ba: {  	v16 =	vadd.f32 v61, v16;
	v61 =	vmul.f32 v39, v17;
	v7 =	vadd.f32 v57, v7;
	v30 =	vld.idx.msk [tilespmem:v52+s4+$0x0], $0xffff  }
0x1bb: {  	v39 =	vor.u32 $0x4, v20;
	v8 =	vadd.f32 v59, v8;
	v37 =	vmul.f32 v25, v17;
	v62 =	vld.idx.msk [tilespmem:v53+s4+$0x0], $0xffff  }
0x1bc: {  	v11 =	vadd.f32 v61, v11;
	v40 =	vmul.f32 v36, v17;
	v18 =	vld.idx.msk [tilespmem:v18+s4+$0x0], $0xffff;
	[tilespmem:v20+s31+$0x0] =	vst.idx.msk $0xffff, v7  }
0x1bd: {  	v44 =	vor.u32 $0x6, v20;
	v5 =	vadd.f32 v24, v5;
	v42 =	vadd.f32 v37, v10;
	[tilespmem:v58+s31+$0x0] =	vst.idx.msk $0xffff, v8  }
0x1be: {  	v47 =	vor.u32 $0x7, v20;
	v6 =	vadd.f32 v54, v6;
	v45 =	vadd.f32 v40, v12;
	[tilespmem:v60+s31+$0x0] =	vst.idx.msk $0xffff, v11  }
0x1bf: {  	v50 =	vor.u32 $0x8, v20;
	v48 =	vadd.f32 v43, v15;
	v49 =	vmul.f32 v21, v17;
	[tilespmem:v63+s31+$0x0] =	vst.idx.msk $0xffff, v42  }
0x1c0: {  	v51 =	vmul.f32 v51, v17;
	v52 =	vor.u32 $0x9, v20;
	v12 =	vadd.f32 v46, v14;
	[tilespmem:v39+s31+$0x0] =	vst.idx.msk $0xffff, v45  }
0x1c1: {  	v54 =	vor.u32 $0xA, v20;
	v2 =	vadd.f32 v49, v2;
	v53 =	vmul.f32 v19, v17;
	[tilespmem:v41+s31+$0x0] =	vst.idx.msk $0xffff, v48  }
0x1c2: {  	v3 =	vadd.f32 v51, v3;
	v9 =	vadd.f32 v56, v9;
	v56 =	vor.u32 $0xB, v20;
	[tilespmem:v44+s31+$0x0] =	vst.idx.msk $0xffff, v12  }
0x1c3: {  	v57 =	vmul.f32 v27, v17;
	v10 =	vadd.f32 v53, v13;
	[tilespmem:v47+s31+$0x0] =	vst.idx.msk $0xffff, v2;
	v2 =	vor.u32 $0xC, v20  }
0x1c4: {  	v8 =	vadd.f32 v55, v16;
	v58 =	vmul.f32 v28, v17;
	[tilespmem:v50+s31+$0x0] =	vst.idx.msk $0xffff, v3;
	v3 =	vor.u32 $0xD, v20  }
0x1c5: {  	s13 =	sadd.s32 $0x2, s13;
	v1 =	vadd.f32 v57, v1;
	v60 =	vor.u32 $0xE, v20;
	v59 =	vmul.f32 v30, v17;
	[tilespmem:v52+s31+$0x0] =	vst.idx.msk $0xffff, v10  }
0x1c6: {  	p1 =	slt.u32 s13, $0x16;
	v4 =	vadd.f32 v58, v4;
	v61 =	vmul.f32 v62, v17;
	v62 =	vor.u32 $0xF, v20;
	[tilespmem:v54+s31+$0x0] =	vst.idx.msk $0xffff, v8  }
.Ltmp2:
0x1c7: {  	v5 =	vadd.f32 v59, v5;
	v63 =	vmul.f32 v18, v17;
	[tilespmem:v56+s31+$0x0] =	vst.idx.msk $0xffff, v1;
	(pc) =	sbr.rel @p1 .LBB2_7-.Ltmp2, $4  }
0x1c8: {  	v1 =	vadd.f32 v61, v6;
	[tilespmem:v2+s31+$0x0] =	vst.idx.msk $0xffff, v4  }
0x1c9: {  	v2 =	vadd.f32 v63, v9;
	[tilespmem:v3+s31+$0x0] =	vst.idx.msk $0xffff, v5  }
0x1ca: {  	s17 =	sadd.s32 $0x20, s17;
	[tilespmem:v60+s31+$0x0] =	vst.idx.msk $0xffff, v1  }
0x1cb: {  	s21 =	sadd.s32 $0x20, s21;
	s14 =	sadd.s32 $0x20, s14;
	s22 =	sadd.s32 $0x20, s22;
	[tilespmem:v62+s31+$0x0] =	vst.idx.msk $0xffff, v2  }
0x1cc: {  	v18 =	vld [tilespmem:$0xF90];
	_ =	sdelay $0x4  }
0x1cd: {  	v24 =	vld [tilespmem:$0x12B0];
	v1 =	vadd.s32 $0x1, v18  }
0x1ce: {  	v25 =	vld [tilespmem:$0x1440];
	v2 =	vadd.s32 $0x2, v18  }
0x1cf: {  	v20 =	vld [tilespmem:$0x15D0];
	v4 =	vadd.s32 $0x3, v18  }
0x1d0: {  	v19 =	vld [tilespmem:$0x1C10];
	v5 =	vadd.s32 $0x4, v18  }
0x1d1: {  	v7 =	vadd.s32 $0x5, v18;
	v6 =	vld.idx.msk [tilespmem:v18+s4+$0x0], $0xffff  }
0x1d2: {  	v8 =	vadd.s32 $0x6, v18;
	v1 =	vld.idx.msk [tilespmem:v1+s4+$0x0], $0xffff  }
0x1d3: {  	v10 =	vadd.s32 $0x7, v18;
	v2 =	vld.idx.msk [tilespmem:v2+s4+$0x0], $0xffff  }
0x1d4: {  	v11 =	vadd.s32 $0x8, v18;
	v4 =	vld.idx.msk [tilespmem:v4+s4+$0x0], $0xffff  }
0x1d5: {  	v12 =	vadd.s32 $0x9, v18;
	v5 =	vld.idx.msk [tilespmem:v5+s4+$0x0], $0xffff  }
0x1d6: {  	v13 =	vadd.s32 $0xA, v18;
	v7 =	vld.idx.msk [tilespmem:v7+s4+$0x0], $0xffff  }
0x1d7: {  	v14 =	vadd.s32 $0xB, v18;
	v8 =	vld.idx.msk [tilespmem:v8+s4+$0x0], $0xffff  }
0x1d8: {  	v15 =	vadd.s32 $0xC, v18;
	v10 =	vld.idx.msk [tilespmem:v10+s4+$0x0], $0xffff  }
0x1d9: {  	v16 =	vadd.s32 $0xD, v18;
	v11 =	vld.idx.msk [tilespmem:v11+s4+$0x0], $0xffff  }
0x1da: {  	v17 =	vadd.s32 $0xE, v18;
	v12 =	vld.idx.msk [tilespmem:v12+s4+$0x0], $0xffff  }
0x1db: {  	v22 =	vsub.f32 $1.000000000e+00, v24;
	v21 =	vadd.s32 $0xF, v18;
	v13 =	vld.idx.msk [tilespmem:v13+s4+$0x0], $0xffff  }
0x1dc: {  	v3 =	vsub.f32 $1.000000000e+00, v25;
	v26 =	vsub.f32 $1.000000000e+00, v20;
	v27 =	vadd.s32 $0x10, v18;
	v14 =	vld.idx.msk [tilespmem:v14+s4+$0x0], $0xffff  }
0x1dd: {  	v28 =	vadd.s32 $0x11, v18;
	v29 =	vadd.s32 $0x12, v18;
	v30 =	vadd.s32 $0x13, v18;
	v15 =	vld.idx.msk [tilespmem:v15+s4+$0x0], $0xffff  }
0x1de: {  	v32 =	vadd.s32 $0x14, v18;
	v33 =	vadd.s32 $0x15, v18;
	v34 =	vadd.s32 $0x16, v18;
	v16 =	vld.idx.msk [tilespmem:v16+s4+$0x0], $0xffff  }
0x1df: {  	v49 =	vadd.s32 $0x17, v18;
	v35 =	vadd.s32 $0x18, v18;
	v37 =	vadd.s32 $0x19, v18;
	v17 =	vld.idx.msk [tilespmem:v17+s4+$0x0], $0xffff  }
0x1e0: {  	v38 =	vadd.s32 $0x1A, v18;
	v39 =	vadd.s32 $0x1B, v18;
	v23 =	vmul.f32 v3, v22;
	v31 =	vld.idx.msk [tilespmem:v21+s4+$0x0], $0xffff  }
0x1e1: {  	v50 =	vadd.s32 $0x1C, v18;
	v40 =	vadd.s32 $0x1D, v18;
	v41 =	vadd.s32 $0x1E, v18;
	v27 =	vld.idx.msk [tilespmem:v27+s4+$0x0], $0xffff  }
0x1e2: {  	v52 =	vadd.s32 $0x1F, v18;
	v22 =	vmul.f32 v25, v22;
	v9 =	vmul.f32 v26, v23;
	v28 =	vld.idx.msk [tilespmem:v28+s4+$0x0], $0xffff  }
0x1e3: {  	v54 =	vadd.s32 $0x50, v18;
	v23 =	vmul.f32 v23, v20;
	v21 =	vmul.f32 v3, v24;
	v3 =	vld.idx.msk [tilespmem:v29+s4+$0x0], $0xffff  }
0x1e4: {  	v55 =	vadd.s32 $0x51, v18;
	v42 =	vmul.f32 v26, v22;
	v30 =	vld.idx.msk [tilespmem:v30+s4+$0x0], $0xffff;
	v24 =	vmul.f32 v25, v24  }
0x1e5: {  	v58 =	vadd.s32 $0x52, v18;
	v32 =	vld.idx.msk [tilespmem:v32+s4+$0x0], $0xffff;
	v9 =	vmul.f32 v9, v19;
	v23 =	vmul.f32 v23, v19  }
0x1e6: {  	v60 =	vadd.s32 $0x53, v18;
	v33 =	vld.idx.msk [tilespmem:v33+s4+$0x0], $0xffff;
	v36 =	vmul.f32 v26, v21;
	v26 =	vmul.f32 v26, v24  }
0x1e7: {  	v62 =	vadd.s32 $0x54, v18;
	v34 =	vld.idx.msk [tilespmem:v34+s4+$0x0], $0xffff;
	v21 =	vmul.f32 v21, v20;
	v6 =	vmul.f32 v9, v6  }
0x1e8: {  	v63 =	vadd.s32 $0x55, v18;
	v29 =	vld.idx.msk [tilespmem:v49+s4+$0x0], $0xffff;
	v36 =	vmul.f32 v36, v19;
	v26 =	vmul.f32 v26, v19  }
0x1e9: {  	v46 =	vadd.s32 $0x56, v18;
	v37 =	vld.idx.msk [tilespmem:v37+s4+$0x0], $0xffff;
	v21 =	vmul.f32 v21, v19;
	v1 =	vmul.f32 v9, v1  }
0x1ea: {  	v48 =	vadd.s32 $0x57, v18;
	v51 =	vld.idx.msk [tilespmem:v38+s4+$0x0], $0xffff;
	v2 =	vmul.f32 v9, v2;
	v4 =	vmul.f32 v4, v9  }
0x1eb: {  	v43 =	vadd.s32 $0x5A, v18;
	v59 =	vld.idx.msk [tilespmem:v41+s4+$0x0], $0xffff;
	v5 =	vmul.f32 v5, v9;
	v7 =	vmul.f32 v7, v9  }
0x1ec: {  	v38 =	vld.idx.msk [tilespmem:v54+s4+$0x0], $0xffff;
	v54 =	vadd.s32 $0x5C, v18;
	v8 =	vmul.f32 v8, v9;
	v10 =	vmul.f32 v10, v9  }
0x1ed: {  	v45 =	vld.idx.msk [tilespmem:v55+s4+$0x0], $0xffff;
	v55 =	vadd.s32 $0x5D, v18;
	v11 =	vmul.f32 v11, v9;
	v12 =	vmul.f32 v12, v9  }
0x1ee: {  	v47 =	vld.idx.msk [tilespmem:v58+s4+$0x0], $0xffff;
	v58 =	vadd.s32 $0x5F, v18;
	v13 =	vmul.f32 v13, v9;
	v14 =	vmul.f32 v14, v9  }
0x1ef: {  	v49 =	vld.idx.msk [tilespmem:v60+s4+$0x0], $0xffff;
	v60 =	vadd.s32 $0x60, v18;
	v15 =	vmul.f32 v15, v9;
	v16 =	vmul.f32 v16, v9  }
0x1f0: {  	v41 =	vld.idx.msk [tilespmem:v63+s4+$0x0], $0xffff;
	v63 =	vadd.s32 $0x62, v18;
	v17 =	vmul.f32 v17, v9;
	v9 =	vmul.f32 v31, v9  }
0x1f1: {  	v57 =	vld.idx.msk [tilespmem:v40+s4+$0x0], $0xffff;
	v6 =	vadd.f32 $0.0e+00, v6;
	v28 =	vmul.f32 v28, v36;
	v3 =	vmul.f32 v3, v36  }
0x1f2: {  	v31 =	vld.idx.msk [tilespmem:v50+s4+$0x0], $0xffff;
	v50 =	vadd.s32 $0x58, v18;
	v33 =	vmul.f32 v33, v36;
	v56 =	vmul.f32 v34, v36  }
0x1f3: {  	v35 =	vld.idx.msk [tilespmem:v35+s4+$0x0], $0xffff;
	v61 =	vmul.f32 v29, v36;
	v1 =	vadd.f32 $0.0e+00, v1;
	v2 =	vadd.f32 $0.0e+00, v2  }
0x1f4: {  	v53 =	vld.idx.msk [tilespmem:v39+s4+$0x0], $0xffff;
	v37 =	vmul.f32 v37, v36;
	v4 =	vadd.f32 $0.0e+00, v4;
	v5 =	vadd.f32 $0.0e+00, v5  }
0x1f5: {  	v44 =	vmul.f32 v51, v36;
	v29 =	vld.idx.msk [tilespmem:v62+s4+$0x0], $0xffff;
	v7 =	vadd.f32 $0.0e+00, v7;
	v8 =	vadd.f32 $0.0e+00, v8  }
0x1f6: {  	v34 =	vmul.f32 v57, v36;
	v57 =	vld.idx.msk [tilespmem:v43+s4+$0x0], $0xffff;
	v10 =	vadd.f32 $0.0e+00, v10;
	v11 =	vadd.f32 $0.0e+00, v11  }
0x1f7: {  	v51 =	vadd.s32 $0x59, v18;
	v12 =	vadd.f32 $0.0e+00, v12;
	v1 =	vadd.f32 v28, v1;
	v28 =	vld.idx.msk [tilespmem:v52+s4+$0x0], $0xffff  }
0x1f8: {  	v35 =	vmul.f32 v35, v36;
	v15 =	vadd.f32 $0.0e+00, v15;
	v16 =	vadd.f32 $0.0e+00, v16;
	v52 =	vld.idx.msk [tilespmem:v46+s4+$0x0], $0xffff  }
0x1f9: {  	v62 =	vadd.s32 $0x61, v18;
	v2 =	vadd.f32 v3, v2;
	v12 =	vadd.f32 v37, v12;
	v37 =	vld.idx.msk [tilespmem:v48+s4+$0x0], $0xffff  }
0x1fa: {  	v3 =	vmul.f32 v30, v36;
	v16 =	vadd.f32 v34, v16;
	v34 =	vmul.f32 v42, v19;
	v42 =	vld [tilespmem:$0x1FF10]  }
0x1fb: {  	v27 =	vmul.f32 v27, v36;
	v7 =	vadd.f32 v33, v7;
	v11 =	vadd.f32 v35, v11;
	v33 =	vld.idx.msk [tilespmem:v50+s4+$0x0], $0xffff  }
0x1fc: {  	v30 =	vmul.f32 v53, v36;
	v53 =	vadd.s32 $0x5B, v18;
	v3 =	vadd.f32 v3, v4;
	v40 =	vld.idx.msk [tilespmem:v51+s4+$0x0], $0xffff  }
0x1fd: {  	v32 =	vmul.f32 v32, v36;
	v4 =	vadd.f32 v56, v8;
	v8 =	vadd.f32 v61, v10;
	v61 =	vld.idx.msk [tilespmem:v54+s4+$0x0], $0xffff  }
0x1fe: {  	v46 =	vadd.s32 $0x63, v18;
	v31 =	vmul.f32 v31, v36;
	v35 =	vmul.f32 v47, v34;
	v47 =	vld.idx.msk [tilespmem:v58+s4+$0x0], $0xffff  }
0x1ff: {  	v13 =	vadd.f32 $0.0e+00, v13;
	v14 =	vadd.f32 $0.0e+00, v14;
	v48 =	vadd.s32 $0x64, v18;
	v39 =	vld.idx.msk [tilespmem:v62+s4+$0x0], $0xffff  }
0x200: {  	v17 =	vadd.f32 $0.0e+00, v17;
	v50 =	vadd.s32 $0x66, v18;
	v15 =	vadd.f32 v31, v15;
	v31 =	vld.idx.msk [tilespmem:v60+s4+$0x0], $0xffff  }
0x201: {  	v5 =	vadd.f32 v32, v5;
	v32 =	vmul.f32 v59, v36;
	v56 =	vadd.s32 $0x5E, v18;
	v59 =	vld.idx.msk [tilespmem:v53+s4+$0x0], $0xffff  }
0x202: {  	v10 =	vadd.f32 v44, v13;
	v14 =	vadd.f32 v30, v14;
	v28 =	vmul.f32 v28, v36;
	v36 =	vld.idx.msk [tilespmem:v55+s4+$0x0], $0xffff  }
0x203: {  	v13 =	vmul.f32 v49, v34;
	v49 =	vadd.s32 $0x65, v18;
	v30 =	vmul.f32 v52, v34;
	v52 =	vld.idx.msk [tilespmem:v46+s4+$0x0], $0xffff  }
0x204: {  	v9 =	vadd.f32 $0.0e+00, v9;
	v6 =	vadd.f32 v27, v6;
	v51 =	vadd.s32 $0x67, v18;
	v54 =	vld.idx.msk [tilespmem:v48+s4+$0x0], $0xffff  }
0x205: {  	v38 =	vmul.f32 v38, v34;
	v27 =	vmul.f32 v45, v34;
	v62 =	vadd.s32 $0x6D, v18;
	v58 =	vld.idx.msk [tilespmem:v50+s4+$0x0], $0xffff  }
0x206: {  	v17 =	vadd.f32 v32, v17;
	v29 =	vmul.f32 v29, v34;
	v53 =	vadd.s32 $0x68, v18;
	v45 =	vld.idx.msk [tilespmem:v56+s4+$0x0], $0xffff  }
0x207: {  	v41 =	vmul.f32 v41, v34;
	v55 =	vadd.s32 $0x69, v18;
	v4 =	vadd.f32 v30, v4;
	v30 =	vld.idx.msk [tilespmem:v63+s4+$0x0], $0xffff  }
0x208: {  	v6 =	vadd.f32 v38, v6;
	v46 =	vadd.s32 $0x6F, v18;
	v38 =	vmul.f32 v61, v34;
	v56 =	vld.idx.msk [tilespmem:v49+s4+$0x0], $0xffff  }
0x209: {  	v44 =	vadd.s32 $0x199, v18;
	v1 =	vadd.f32 v27, v1;
	v48 =	vadd.s32 $0x190, v18;
	v60 =	vld.idx.msk [tilespmem:v51+s4+$0x0], $0xffff  }
0x20a: {  	v2 =	vadd.f32 v35, v2;
	v50 =	vadd.s32 $0x191, v18;
	v15 =	vadd.f32 v38, v15;
	v38 =	vld.idx.msk [tilespmem:v62+s4+$0x0], $0xffff  }
0x20b: {  	v9 =	vadd.f32 v28, v9;
	v28 =	vmul.f32 v57, v34;
	v57 =	vadd.s32 $0x6A, v18;
	v35 =	vld.idx.msk [tilespmem:v53+s4+$0x0], $0xffff  }
0x20c: {  	v5 =	vadd.f32 v29, v5;
	v61 =	vadd.s32 $0x6C, v18;
	v29 =	vmul.f32 v47, v34;
	v32 =	vld.idx.msk [tilespmem:v55+s4+$0x0], $0xffff  }
0x20d: {  	v37 =	vmul.f32 v37, v34;
	v63 =	vadd.s32 $0x6E, v18;
	v25 =	vmul.f32 v54, v26;
	v54 =	vld.idx.msk [tilespmem:v46+s4+$0x0], $0xffff  }
0x20e: {  	v3 =	vadd.f32 v13, v3;
	v33 =	vmul.f32 v33, v34;
	v9 =	vadd.f32 v29, v9;
	v29 =	vld.idx.msk [tilespmem:v48+s4+$0x0], $0xffff  }
0x20f: {  	v8 =	vadd.f32 v37, v8;
	v49 =	vmul.f32 v39, v26;
	v62 =	vadd.s32 $0x198, v18;
	v39 =	vld.idx.msk [tilespmem:v50+s4+$0x0], $0xffff  }
0x210: {  	v27 =	vmul.f32 v59, v34;
	v59 =	vadd.s32 $0x6B, v18;
	v13 =	vmul.f32 v45, v34;
	v45 =	vld.idx.msk [tilespmem:v57+s4+$0x0], $0xffff  }
0x211: {  	v51 =	vadd.s32 $0x192, v18;
	v11 =	vadd.f32 v33, v11;
	v33 =	vmul.f32 v52, v26;
	v37 =	vld.idx.msk [tilespmem:v61+s4+$0x0], $0xffff  }
0x212: {  	v7 =	vadd.f32 v41, v7;
	v40 =	vmul.f32 v40, v34;
	v53 =	vadd.s32 $0x193, v18;
	v52 =	vld.idx.msk [tilespmem:v63+s4+$0x0], $0xffff  }
0x213: {  	v31 =	vmul.f32 v31, v26;
	v55 =	vadd.s32 $0x194, v18;
	v3 =	vadd.f32 v33, v3;
	v33 =	vld.idx.msk [tilespmem:v44+s4+$0x0], $0xffff  }
0x214: {  	v12 =	vadd.f32 v40, v12;
	v46 =	vadd.s32 $0x19A, v18;
	v5 =	vadd.f32 v25, v5;
	v25 =	vld.idx.msk [tilespmem:v62+s4+$0x0], $0xffff  }
0x215: {  	v10 =	vadd.f32 v28, v10;
	v1 =	vadd.f32 v49, v1;
	v48 =	vadd.s32 $0x19B, v18;
	v47 =	vld.idx.msk [tilespmem:v59+s4+$0x0], $0xffff  }
0x216: {  	v36 =	vmul.f32 v36, v34;
	v57 =	vadd.s32 $0x195, v18;
	v59 =	vmul.f32 v35, v26;
	v35 =	vld.idx.msk [tilespmem:v51+s4+$0x0], $0xffff  }
0x217: {  	v14 =	vadd.f32 v27, v14;
	v27 =	vmul.f32 v60, v26;
	v60 =	vadd.s32 $0x197, v18;
	v61 =	vld.idx.msk [tilespmem:v53+s4+$0x0], $0xffff  }
0x218: {  	v28 =	vmul.f32 v58, v26;
	v58 =	vadd.s32 $0x196, v18;
	v63 =	vmul.f32 v32, v26;
	v32 =	vld.idx.msk [tilespmem:v55+s4+$0x0], $0xffff  }
0x219: {  	v6 =	vadd.f32 v31, v6;
	v50 =	vadd.s32 $0x19C, v18;
	v56 =	vmul.f32 v56, v26;
	v53 =	vld.idx.msk [tilespmem:v46+s4+$0x0], $0xffff  }
0x21a: {  	v16 =	vadd.f32 v36, v16;
	v30 =	vmul.f32 v30, v26;
	v51 =	vadd.s32 $0x19D, v18;
	v55 =	vld.idx.msk [tilespmem:v48+s4+$0x0], $0xffff  }
0x21b: {  	v13 =	vadd.f32 v13, v17;
	v7 =	vadd.f32 v56, v7;
	v56 =	vadd.s32 $0x1A0, v18;
	v36 =	vld.idx.msk [tilespmem:v57+s4+$0x0], $0xffff  }
0x21c: {  	v11 =	vadd.f32 v59, v11;
	v49 =	vld.idx.msk [tilespmem:v60+s4+$0x0], $0xffff;
	v31 =	vmul.f32 v52, v26;
	v52 =	vadd.s32 $0x19E, v18  }
0x21d: {  	v59 =	vadd.s32 $0x1A1, v18;
	v17 =	vmul.f32 v47, v26;
	v47 =	vmul.f32 v37, v26;
	v37 =	vld.idx.msk [tilespmem:v58+s4+$0x0], $0xffff  }
0x21e: {  	v4 =	vadd.f32 v28, v4;
	v45 =	vmul.f32 v45, v26;
	v60 =	vadd.s32 $0x1A2, v18;
	v58 =	vld.idx.msk [tilespmem:v50+s4+$0x0], $0xffff  }
0x21f: {  	v2 =	vadd.f32 v30, v2;
	v12 =	vadd.f32 v63, v12;
	v63 =	vadd.s32 $0x1A3, v18;
	v28 =	vld.idx.msk [tilespmem:v51+s4+$0x0], $0xffff  }
0x220: {  	v10 =	vadd.f32 v45, v10;
	v45 =	vadd.s32 $0x1A4, v18;
	v46 =	vmul.f32 v32, v23;
	v32 =	vld.idx.msk [tilespmem:v56+s4+$0x0], $0xffff  }
0x221: {  	v38 =	vmul.f32 v38, v26;
	v26 =	vmul.f32 v54, v26;
	v54 =	vadd.s32 $0x19F, v18;
	v62 =	vld.idx.msk [tilespmem:v52+s4+$0x0], $0xffff  }
0x222: {  	v48 =	vadd.s32 $0x1A6, v18;
	v35 =	vmul.f32 v35, v23;
	v36 =	vmul.f32 v36, v23;
	v34 =	vld.idx.msk [tilespmem:v59+s4+$0x0], $0xffff  }
0x223: {  	v50 =	vadd.s32 $0x1A8, v18;
	v51 =	vmul.f32 v25, v23;
	v9 =	vadd.f32 v26, v9;
	v26 =	vld.idx.msk [tilespmem:v60+s4+$0x0], $0xffff  }
0x224: {  	v15 =	vadd.f32 v47, v15;
	v47 =	vadd.s32 $0x1A5, v18;
	v7 =	vadd.f32 v36, v7;
	v36 =	vld.idx.msk [tilespmem:v63+s4+$0x0], $0xffff  }
0x225: {  	v14 =	vadd.f32 v17, v14;
	v17 =	vmul.f32 v49, v23;
	v49 =	vadd.s32 $0x1A7, v18;
	v25 =	vld.idx.msk [tilespmem:v45+s4+$0x0], $0xffff  }
0x226: {  	v39 =	vmul.f32 v39, v23;
	v2 =	vadd.f32 v35, v2;
	v52 =	vadd.s32 $0x1A9, v18;
	v35 =	vld.idx.msk [tilespmem:v54+s4+$0x0], $0xffff  }
0x227: {  	v30 =	vmul.f32 v53, v23;
	v53 =	vadd.s32 $0x1AA, v18;
	v54 =	vmul.f32 v55, v23;
	v55 =	vld.idx.msk [tilespmem:v48+s4+$0x0], $0xffff  }
0x228: {  	v16 =	vadd.f32 v38, v16;
	v57 =	vmul.f32 v29, v23;
	v56 =	vadd.s32 $0x1AB, v18;
	v29 =	vld.idx.msk [tilespmem:v50+s4+$0x0], $0xffff  }
0x229: {  	v33 =	vmul.f32 v33, v23;
	v1 =	vadd.f32 v39, v1;
	v60 =	vadd.s32 $0x1AE, v18;
	v38 =	vld.idx.msk [tilespmem:v47+s4+$0x0], $0xffff  }
0x22a: {  	v61 =	vmul.f32 v61, v23;
	v10 =	vadd.f32 v30, v10;
	v63 =	vadd.s32 $0x1AF, v18;
	v30 =	vld.idx.msk [tilespmem:v49+s4+$0x0], $0xffff  }
0x22b: {  	v6 =	vadd.f32 v57, v6;
	v45 =	vadd.s32 $0x1E0, v18;
	v28 =	vmul.f32 v28, v23;
	v39 =	vld.idx.msk [tilespmem:v52+s4+$0x0], $0xffff  }
0x22c: {  	v57 =	vadd.s32 $0x1AC, v18;
	v3 =	vadd.f32 v61, v3;
	v61 =	vmul.f32 v62, v23;
	v62 =	vld.idx.msk [tilespmem:v53+s4+$0x0], $0xffff  }
0x22d: {  	v59 =	vadd.s32 $0x1AD, v18;
	v32 =	vmul.f32 v32, v21;
	v16 =	vadd.f32 v28, v16;
	v28 =	vld.idx.msk [tilespmem:v56+s4+$0x0], $0xffff  }
0x22e: {  	v5 =	vadd.f32 v46, v5;
	v48 =	vadd.s32 $0x1E2, v18;
	v49 =	vmul.f32 v26, v21;
	v26 =	vld.idx.msk [tilespmem:v60+s4+$0x0], $0xffff  }
0x22f: {  	v11 =	vadd.f32 v51, v11;
	v50 =	vadd.s32 $0x1E3, v18;
	v6 =	vadd.f32 v32, v6;
	v32 =	vld.idx.msk [tilespmem:v63+s4+$0x0], $0xffff  }
0x230: {  	v37 =	vmul.f32 v37, v23;
	v47 =	vadd.s32 $0x1E1, v18;
	v52 =	vmul.f32 v36, v21;
	v36 =	vld.idx.msk [tilespmem:v45+s4+$0x0], $0xffff  }
0x231: {  	v51 =	vadd.s32 $0x1E4, v18;
	v58 =	vmul.f32 v58, v23;
	v46 =	vmul.f32 v35, v23;
	v23 =	vld.idx.msk [tilespmem:v57+s4+$0x0], $0xffff  }
0x232: {  	v22 =	vmul.f32 v20, v22;
	v53 =	vadd.s32 $0x1E5, v18;
	v25 =	vmul.f32 v25, v21;
	v35 =	vld.idx.msk [tilespmem:v59+s4+$0x0], $0xffff  }
0x233: {  	v13 =	vadd.f32 v31, v13;
	v14 =	vadd.f32 v54, v14;
	v54 =	vadd.s32 $0x1E6, v18;
	v31 =	vld.idx.msk [tilespmem:v48+s4+$0x0], $0xffff  }
0x234: {  	v22 =	vmul.f32 v22, v19;
	v56 =	vadd.s32 $0x1E7, v18;
	v5 =	vadd.f32 v25, v5;
	v25 =	vld.idx.msk [tilespmem:v50+s4+$0x0], $0xffff  }
0x235: {  	v8 =	vadd.f32 v27, v8;
	v12 =	vadd.f32 v33, v12;
	v63 =	vadd.s32 $0x1EC, v18;
	v33 =	vld.idx.msk [tilespmem:v47+s4+$0x0], $0xffff  }
0x236: {  	v15 =	vadd.f32 v58, v15;
	v57 =	vadd.s32 $0x1E8, v18;
	v58 =	vmul.f32 v30, v21;
	v30 =	vld.idx.msk [tilespmem:v51+s4+$0x0], $0xffff  }
0x237: {  	v34 =	vmul.f32 v34, v21;
	v59 =	vadd.s32 $0x1E9, v18;
	v29 =	vmul.f32 v29, v21;
	v40 =	vld.idx.msk [tilespmem:v53+s4+$0x0], $0xffff  }
0x238: {  	v8 =	vadd.f32 v17, v8;
	v60 =	vadd.s32 $0x1EA, v18;
	v13 =	vadd.f32 v61, v13;
	v27 =	vld.idx.msk [tilespmem:v54+s4+$0x0], $0xffff  }
0x239: {  	v1 =	vadd.f32 v34, v1;
	v50 =	vadd.s32 $0x1F0, v18;
	v11 =	vadd.f32 v29, v11;
	v29 =	vld.idx.msk [tilespmem:v56+s4+$0x0], $0xffff  }
0x23a: {  	v3 =	vadd.f32 v52, v3;
	v52 =	vadd.s32 $0x1F1, v18;
	v51 =	vmul.f32 v26, v21;
	v26 =	vld.idx.msk [tilespmem:v63+s4+$0x0], $0xffff  }
0x23b: {  	v61 =	vmul.f32 v62, v21;
	v62 =	vadd.s32 $0x1EB, v18;
	v45 =	vmul.f32 v28, v21;
	v28 =	vld.idx.msk [tilespmem:v57+s4+$0x0], $0xffff  }
0x23c: {  	v2 =	vadd.f32 v49, v2;
	v9 =	vadd.f32 v46, v9;
	v46 =	vadd.s32 $0x1ED, v18;
	v34 =	vld.idx.msk [tilespmem:v59+s4+$0x0], $0xffff  }
0x23d: {  	v49 =	vadd.s32 $0x1EF, v18;
	v47 =	vadd.s32 $0x1EE, v18;
	v48 =	vmul.f32 v35, v21;
	v35 =	vld.idx.msk [tilespmem:v60+s4+$0x0], $0xffff  }
0x23e: {  	v8 =	vadd.f32 v58, v8;
	v23 =	vmul.f32 v23, v21;
	v58 =	vmul.f32 v31, v22;
	v31 =	vld.idx.msk [tilespmem:v50+s4+$0x0], $0xffff  }
0x23f: {  	v4 =	vadd.f32 v37, v4;
	v55 =	vmul.f32 v55, v21;
	v54 =	vadd.s32 $0x1F2, v18;
	v37 =	vld.idx.msk [tilespmem:v52+s4+$0x0], $0xffff  }
0x240: {  	v38 =	vmul.f32 v38, v21;
	v39 =	vmul.f32 v39, v21;
	v15 =	vadd.f32 v23, v15;
	v23 =	vld.idx.msk [tilespmem:v62+s4+$0x0], $0xffff  }
0x241: {  	v56 =	vadd.s32 $0x1F3, v18;
	v53 =	vmul.f32 v36, v22;
	v21 =	vmul.f32 v32, v21;
	v36 =	vld.idx.msk [tilespmem:v46+s4+$0x0], $0xffff  }
0x242: {  	v4 =	vadd.f32 v55, v4;
	v63 =	vadd.s32 $0x1F8, v18;
	v55 =	vmul.f32 v33, v22;
	v33 =	vld.idx.msk [tilespmem:v47+s4+$0x0], $0xffff  }
0x243: {  	v14 =	vadd.f32 v45, v14;
	v45 =	vadd.s32 $0x1F9, v18;
	v9 =	vadd.f32 v21, v9;
	v21 =	vld.idx.msk [tilespmem:v49+s4+$0x0], $0xffff  }
0x244: {  	v7 =	vadd.f32 v38, v7;
	v25 =	vmul.f32 v25, v22;
	v38 =	vld.idx.msk [tilespmem:v54+s4+$0x0], $0xffff  }
0x245: {  	v10 =	vadd.f32 v61, v10;
	v61 =	vmul.f32 v40, v22;
	v40 =	vld [tilespmem:$0x1FF00]  }
0x246: {  	v57 =	vadd.s32 $0x1F4, v18;
	v3 =	vadd.f32 v25, v3;
	v25 =	vld.idx.msk [tilespmem:v56+s4+$0x0], $0xffff  }
0x247: {  	v59 =	vadd.s32 $0x1F5, v18;
	v44 =	vmul.f32 v27, v22;
	v54 =	vld.idx.msk [tilespmem:v63+s4+$0x0], $0xffff  }
0x248: {  	v60 =	vadd.s32 $0x1F6, v18;
	v32 =	vld.idx.msk [tilespmem:v45+s4+$0x0], $0xffff  }
0x249: {  	v50 =	vadd.s32 $0x1FB, v18;
	v4 =	vadd.f32 v44, v4;
	v44 =	vld [tilespmem:$0x1FF20]  }
0x24a: {  	v52 =	vadd.s32 $0x1FC, v18;
	v45 =	vld [tilespmem:$0x1FF30]  }
0x24b: {  	v62 =	vadd.s32 $0x1F7, v18;
	v27 =	vld.idx.msk [tilespmem:v57+s4+$0x0], $0xffff  }
0x24c: {  	v47 =	vadd.s32 $0x1FA, v18;
	v46 =	vld.idx.msk [tilespmem:v59+s4+$0x0], $0xffff  }
0x24d: {  	v6 =	vadd.f32 v53, v6;
	v53 =	vmul.f32 v20, v24;
	v29 =	vmul.f32 v29, v22;
	v49 =	vld.idx.msk [tilespmem:v60+s4+$0x0], $0xffff  }
0x24e: {  	v1 =	vadd.f32 v55, v1;
	v7 =	vadd.f32 v61, v7;
	v55 =	vadd.s32 $0x1FD, v18;
	v61 =	vld.idx.msk [tilespmem:v50+s4+$0x0], $0xffff  }
0x24f: {  	v17 =	vmul.f32 v53, v19;
	v8 =	vadd.f32 v29, v8;
	v57 =	vadd.s32 $0x1FE, v18;
	v29 =	vld.idx.msk [tilespmem:v52+s4+$0x0], $0xffff  }
0x250: {  	v12 =	vadd.f32 v39, v12;
	v13 =	vadd.f32 v51, v13;
	v18 =	vadd.s32 $0x1FF, v18;
	v51 =	vld.idx.msk [tilespmem:v62+s4+$0x0], $0xffff  }
0x251: {  	v16 =	vadd.f32 v48, v16;
	v30 =	vmul.f32 v30, v22;
	v31 =	vmul.f32 v31, v17;
	v59 =	vld.idx.msk [tilespmem:v47+s4+$0x0], $0xffff  }
0x252: {  	v2 =	vadd.f32 v58, v2;
	v63 =	vmul.f32 v37, v17;
	v60 =	vmul.f32 v36, v22;
	v47 =	vld [tilespmem:$0x1FF40]  }
0x253: {  	v62 =	vmul.f32 v33, v22;
	v36 =	vmul.f32 v38, v17;
	v6 =	vadd.f32 v31, v6;
	v33 =	vld.idx.msk [tilespmem:v55+s4+$0x0], $0xffff  }
0x254: {  	v5 =	vadd.f32 v30, v5;
	v58 =	vmul.f32 v26, v22;
	v1 =	vadd.f32 v63, v1;
	v37 =	vld.idx.msk [tilespmem:v57+s4+$0x0], $0xffff  }
0x255: {  	v28 =	vmul.f32 v28, v22;
	v2 =	vadd.f32 v36, v2;
	v18 =	vld.idx.msk [tilespmem:v18+s4+$0x0], $0xffff;
	[tilespmem:v40+s31+$0x0] =	vst.idx.msk $0xffff, v6  }
0x256: {  	v48 =	vmul.f32 v34, v22;
	v43 =	vmul.f32 v49, v17;
	v49 =	vld [tilespmem:$0x1FF50];
	[tilespmem:v42+s31+$0x0] =	vst.idx.msk $0xffff, v1  }
0x257: {  	v56 =	vmul.f32 v35, v22;
	[tilespmem:v44+s31+$0x0] =	vst.idx.msk $0xffff, v2;
	v2 =	vmul.f32 v51, v17;
	v51 =	vld [tilespmem:$0x1FF60]  }
0x258: {  	v53 =	vld [tilespmem:$0x1FF70];
	v15 =	vadd.f32 v58, v15;
	v11 =	vadd.f32 v28, v11;
	v38 =	vmul.f32 v25, v17  }
0x259: {  	v12 =	vadd.f32 v48, v12;
	v23 =	vmul.f32 v23, v22;
	v55 =	vld [tilespmem:$0x1FF80];
	v41 =	vmul.f32 v27, v17  }
0x25a: {  	v10 =	vadd.f32 v56, v10;
	v3 =	vadd.f32 v38, v3;
	v57 =	vld [tilespmem:$0x1FF90];
	v1 =	vmul.f32 v46, v17  }
0x25b: {  	v13 =	vadd.f32 v62, v13;
	v5 =	vadd.f32 v41, v5;
	v50 =	vmul.f32 v59, v17;
	v59 =	vld [tilespmem:$0x1FFA0]  }
0x25c: {  	v52 =	vmul.f32 v61, v17;
	v61 =	vld [tilespmem:$0x1FFB0];
	v1 =	vadd.f32 v1, v7;
	[tilespmem:v45+s31+$0x0] =	vst.idx.msk $0xffff, v3  }
0x25d: {  	v62 =	vld [tilespmem:$0x1FFC0];
	v46 =	vmul.f32 v54, v17;
	v3 =	vadd.f32 v43, v4;
	[tilespmem:v47+s31+$0x0] =	vst.idx.msk $0xffff, v5  }
0x25e: {  	v63 =	vld [tilespmem:$0x1FFD0];
	v48 =	vmul.f32 v32, v17;
	v2 =	vadd.f32 v2, v8;
	[tilespmem:v49+s31+$0x0] =	vst.idx.msk $0xffff, v1  }
0x25f: {  	v14 =	vadd.f32 v23, v14;
	v1 =	vadd.f32 v46, v11;
	[tilespmem:v51+s31+$0x0] =	vst.idx.msk $0xffff, v3  }
0x260: {  	v16 =	vadd.f32 v60, v16;
	v3 =	vadd.f32 v48, v12;
	[tilespmem:v53+s31+$0x0] =	vst.idx.msk $0xffff, v2  }
0x261: {  	v54 =	vmul.f32 v29, v17;
	v2 =	vadd.f32 v50, v10;
	[tilespmem:v55+s31+$0x0] =	vst.idx.msk $0xffff, v1  }
0x262: {  	v56 =	vmul.f32 v33, v17;
	v1 =	vadd.f32 v52, v14;
	[tilespmem:v57+s31+$0x0] =	vst.idx.msk $0xffff, v3  }
0x263: {  	v3 =	vadd.f32 v54, v15;
	[tilespmem:v59+s31+$0x0] =	vst.idx.msk $0xffff, v2  }
0x264: {  	v2 =	vadd.f32 v56, v16;
	[tilespmem:v61+s31+$0x0] =	vst.idx.msk $0xffff, v1  }
0x265: {  	[tilespmem:v62+s31+$0x0] =	vst.idx.msk $0xffff, v3  }
0x266: {  	[tilespmem:v63+s31+$0x0] =	vst.idx.msk $0xffff, v2;
	v2 =	vld [tilespmem:$0x1FFE0];
	_ =	sdelay $0x3  }
0x267: {  	v58 =	vmul.f32 v37, v17;
	_ =	sdelay $0x1  }
0x268: {  	v1 =	vadd.f32 v58, v13;
	_ =	sdelay $0x1  }
0x269: {  	[tilespmem:v2+s31+$0x0] =	vst.idx.msk $0xffff, v1;
	v1 =	vld [tilespmem:$0x1FFF0];
	_ =	sdelay $0x1  }
0x26a: {  	v21 =	vmul.f32 v21, v22;
	_ =	sdelay $0x1  }
0x26b: {  	v9 =	vadd.f32 v21, v9;
	v60 =	vmul.f32 v18, v17;
	_ =	sdelay $0x1  }
0x26c: {  	v3 =	vadd.f32 v60, v9;
	_ =	sdelay $0x1  }
0x26d: {  	s13 =	simm.s32 $0xAF0;
	[tilespmem:v1+s31+$0x0] =	vst.idx.msk $0xffff, v3  }
0x26e: {  	[spmem:s3] =	stream.indirect.scatter.add.f32 [tilespmem:s31], [sflag:$0x4], $0x10, s13, s16, $0xb8;
	[tilespmem:$0x1EF20] =	vst v63  }
0x26f: {  	s26 =	simm.s32 $0xB40;
	s14 =	simm.s32 $0x22B0  }
0x270: {  	[spmem:s3] =	stream.indirect.scatter.add.f32 [tilespmem:s14], [sflag:$0x4], $0x10, s26, s16, $0xb8;
	[tilespmem:$0x1EF20] =	vst v63  }
0x271: {  	s17 =	simm.s32 $0xB90;
	s21 =	simm.s32 $0x27B0  }
0x272: {  	[spmem:s3] =	stream.indirect.scatter.add.f32 [tilespmem:s21], [sflag:$0x4], $0x10, s17, s16, $0xb8;
	[tilespmem:$0x1EF20] =	vst v63  }
0x273: {  	s22 =	simm.s32 $0xBE0;
	s26 =	simm.s32 $0x2CB0  }
0x274: {  	[spmem:s3] =	stream.indirect.scatter.add.f32 [tilespmem:s26], [sflag:$0x4], $0x10, s22, s16, $0xb8;
	[tilespmem:$0x1EF20] =	vst v63  }
0x275: {  	s17 =	simm.s32 $0xC30;
	s21 =	simm.s32 $0x31B0  }
0x276: {  	[spmem:s3] =	stream.indirect.scatter.add.f32 [tilespmem:s21], [sflag:$0x4], $0x10, s17, s16, $0xb8;
	[tilespmem:$0x1EF20] =	vst v63  }
0x277: {  	_ =	swait.ge [sflag:s23], $0x190  }
0x278: {  	[sflag:s23] =	ssyncset.done $0x0  }
0x279: {  	[sflag:s23] =	ssyncadd.s32 $0xFFFFFE70  }
0x27a: {  	_ =	swait.ge [sflag:s23], $0x190  }
0x27b: {  	[sflag:s23] =	ssyncset.done $0x0  }
0x27c: {  	[sflag:s23] =	ssyncadd.s32 $0xFFFFFE70  }
0x27d: {  	_ =	swait.ge [sflag:s23], $0x190  }
0x27e: {  	[sflag:s23] =	ssyncset.done $0x0  }
0x27f: {  	[sflag:s23] =	ssyncadd.s32 $0xFFFFFE70  }
0x280: {  	_ =	swait.ge [sflag:s23], $0x190  }
0x281: {  	[sflag:s23] =	ssyncset.done $0x0  }
0x282: {  	[sflag:s23] =	ssyncadd.s32 $0xFFFFFE70  }
0x283: {  	_ =	swait.ge [sflag:s23], $0x190  }
0x284: {  	[sflag:s23] =	ssyncset.done $0x0  }
0x285: {  	[sflag:s23] =	ssyncadd.s32 $0xFFFFFE70  }
0x286: {  	_ =	swait.ge [sflag:s23], $0x50  }
0x287: {  	[sflag:s23] =	ssyncset.done $0x0  }
0x288: {  	[sflag:s23] =	ssyncadd.s32 $0xFFFFFFB0  }
0x289: {  	_ =	swait.ge [sflag:s23], $0x50  }
0x28a: {  	[sflag:s23] =	ssyncset.done $0x0  }
0x28b: {  	[sflag:s23] =	ssyncadd.s32 $0xFFFFFFB0  }
0x28c: {  	_ =	swait.ge [sflag:s23], $0x50  }
0x28d: {  	[sflag:s23] =	ssyncset.done $0x0  }
0x28e: {  	[sflag:s23] =	ssyncadd.s32 $0xFFFFFFB0  }
0x28f: {  	_ =	swait.ge [sflag:s23], $0x50  }
0x290: {  	[sflag:s23] =	ssyncset.done $0x0  }
0x291: {  	[sflag:s23] =	ssyncadd.s32 $0xFFFFFFB0  }
0x292: {  	_ =	swait.ge [sflag:s23], $0x50  }
0x293: {  	[sflag:s23] =	ssyncset.done $0x0  }
0x294: {  	s26 =	simm.s32 $0x960;
	s22 =	simm.s32 $0x1C20;
	[sflag:s23] =	ssyncadd.s32 $0xFFFFFFB0  }
0x295: {  	[tilespmem:s22], [sflag:$0x3] =	stream.indirect.gather [spmem:s2], $0x1, s26, s16, $0xb8;
	[tilespmem:$0x1EF20] =	vst v63  }
0x296: {  	s14 =	simm.s32 $0x9B0;
	s17 =	simm.s32 $0x1C70  }
0x297: {  	[tilespmem:s17], [sflag:$0x3] =	stream.indirect.gather [spmem:s2], $0x1, s14, s16, $0xb8;
	[tilespmem:$0x1EF20] =	vst v63  }
0x298: {  	s21 =	simm.s32 $0xA00;
	s22 =	simm.s32 $0x1CC0  }
0x299: {  	[tilespmem:s22], [sflag:$0x3] =	stream.indirect.gather [spmem:s2], $0x1, s21, s16, $0xb8;
	[tilespmem:$0x1EF20] =	vst v63  }
0x29a: {  	s14 =	simm.s32 $0xA50;
	s17 =	simm.s32 $0x1D10  }
0x29b: {  	[tilespmem:s17], [sflag:$0x3] =	stream.indirect.gather [spmem:s2], $0x1, s14, s16, $0xb8;
	[tilespmem:$0x1EF20] =	vst v63  }
0x29c: {  	s21 =	simm.s32 $0xAA0;
	s22 =	simm.s32 $0x1D60  }
0x29d: {  	[tilespmem:s22], [sflag:$0x3] =	stream.indirect.gather [spmem:s2], $0x1, s21, s16, $0xb8;
	[tilespmem:$0x1EF20] =	vst v63  }
0x29e: {  	_ =	swait.ge [sflag:s25], $0x500  }
0x29f: {  	[sflag:s25] =	ssyncset.done $0x0  }
0x2a0: {  	[sflag:s25] =	ssyncadd.s32 $0xFFFFFB00  }
0x2a1: {  	_ =	swait.ge [sflag:s25], $0x500  }
0x2a2: {  	[sflag:s25] =	ssyncset.done $0x0  }
0x2a3: {  	[sflag:s25] =	ssyncadd.s32 $0xFFFFFB00  }
0x2a4: {  	_ =	swait.ge [sflag:s25], $0x500  }
0x2a5: {  	[sflag:s25] =	ssyncset.done $0x0  }
0x2a6: {  	[sflag:s25] =	ssyncadd.s32 $0xFFFFFB00  }
0x2a7: {  	_ =	swait.ge [sflag:s25], $0x500  }
0x2a8: {  	[sflag:s25] =	ssyncset.done $0x0  }
0x2a9: {  	[sflag:s25] =	ssyncadd.s32 $0xFFFFFB00  }
0x2aa: {  	_ =	swait.ge [sflag:s25], $0x500  }
0x2ab: {  	p1 =	seq.s32 s6, $0x7C;
	s13 =	rddreg [dreg:$0xf]  }
0x2ac: {  	s12 =	sadd.s32 @!p1 s12, s13  }
0x2ad: {  	s14 =	simm.s32 @!p1 $0x0;
	[sflag:s25] =	ssyncset.done $0x0;
	s12 =	sshrl.u32 @!p1 s12, $0x3  }
0x2ae: {  	s17 =	simm.s32 @!p1 $0x7D0;
	[sflag:s25] =	ssyncadd.s32 $0xFFFFFB00;
	s13 =	sadd.s32 @!p1 s5, s12  }
0x2af: {  	[tilespmem:s17], [sflag:$0x1] =	stream.linear.gather @!p1 [hbm4b:s13+s14], $0x190, $0x38;
	[tilespmem:$0x1EF20] =	vst v63  }
0x2b0: {  	s13 =	sadd.s32 @!p1 s9, s12;
	s17 =	simm.s32 @!p1 $0xE10  }
0x2b1: {  	[tilespmem:s17], [sflag:$0x1] =	stream.linear.gather @!p1 [hbm4b:s13+s14], $0x190, $0x38;
	[tilespmem:$0x1EF20] =	vst v63  }
0x2b2: {  	s13 =	sadd.s32 @!p1 s8, s12;
	s17 =	simm.s32 @!p1 $0x1130  }
0x2b3: {  	[tilespmem:s17], [sflag:$0x1] =	stream.linear.gather @!p1 [hbm4b:s13+s14], $0x190, $0x38;
	[tilespmem:$0x1EF20] =	vst v63  }
0x2b4: {  	s13 =	sadd.s32 @!p1 s10, s12;
	s17 =	simm.s32 @!p1 $0x12C0  }
0x2b5: {  	[tilespmem:s17], [sflag:$0x1] =	stream.linear.gather @!p1 [hbm4b:s13+s14], $0x190, $0x38;
	[tilespmem:$0x1EF20] =	vst v63  }
0x2b6: {  	s13 =	sadd.s32 @!p1 s11, s12;
	s17 =	simm.s32 @!p1 $0x1450  }
0x2b7: {  	[tilespmem:s17], [sflag:$0x1] =	stream.linear.gather @!p1 [hbm4b:s13+s14], $0x190, $0x38;
	[tilespmem:$0x1EF20] =	vst v63  }
0x2b8: {  	s12 =	sadd.s32 @!p1 s7, s12;
	s13 =	simm.s32 @!p1 $0xAF0  }
0x2b9: {  	[tilespmem:s13], [sflag:$0x1] =	stream.linear.gather @!p1 [hbm4b:s12+s14], $0x50, $0x38;
	[tilespmem:$0x1EF20] =	vst v63  }
0x2ba: {  	s17 =	simm.s32 @!p1 $0xB40;
	s13 =	sadd.s32 @!p1 $0xA, s12  }
0x2bb: {  	[tilespmem:s17], [sflag:$0x1] =	stream.linear.gather @!p1 [hbm4b:s13+s14], $0x50, $0x38;
	[tilespmem:$0x1EF20] =	vst v63  }
0x2bc: {  	s13 =	sadd.s32 @!p1 $0x14, s12;
	s17 =	simm.s32 @!p1 $0xB90  }
0x2bd: {  	[tilespmem:s17], [sflag:$0x1] =	stream.linear.gather @!p1 [hbm4b:s13+s14], $0x50, $0x38;
	[tilespmem:$0x1EF20] =	vst v63  }
0x2be: {  	s13 =	sadd.s32 @!p1 $0x1E, s12;
	s17 =	simm.s32 @!p1 $0xBE0  }
0x2bf: {  	[tilespmem:s17], [sflag:$0x1] =	stream.linear.gather @!p1 [hbm4b:s13+s14], $0x50, $0x38;
	[tilespmem:$0x1EF20] =	vst v63  }
0x2c0: {  	s12 =	sadd.s32 @!p1 $0x28, s12;
	s13 =	simm.s32 @!p1 $0xC30  }
0x2c1: {  	[tilespmem:s13], [sflag:$0x1] =	stream.linear.gather @!p1 [hbm4b:s12+s14], $0x50, $0x38;
	[tilespmem:$0x1EF20] =	vst v63  }
0x2c2: {  	_ =	swait.ge [sflag:s20], $0x50  }
0x2c3: {  	[sflag:s20] =	ssyncset.done $0x0  }
0x2c4: {  	[sflag:s20] =	ssyncadd.s32 $0xFFFFFFB0  }
0x2c5: {  	_ =	swait.ge [sflag:s20], $0x50  }
0x2c6: {  	[sflag:s20] =	ssyncset.done $0x0  }
0x2c7: {  	[sflag:s20] =	ssyncadd.s32 $0xFFFFFFB0  }
0x2c8: {  	_ =	swait.ge [sflag:s20], $0x50  }
0x2c9: {  	[sflag:s20] =	ssyncset.done $0x0  }
0x2ca: {  	[sflag:s20] =	ssyncadd.s32 $0xFFFFFFB0  }
0x2cb: {  	_ =	swait.ge [sflag:s20], $0x50  }
0x2cc: {  	[sflag:s20] =	ssyncset.done $0x0  }
0x2cd: {  	[sflag:s20] =	ssyncadd.s32 $0xFFFFFFB0  }
0x2ce: {  	s21 =	simm.s32 $0xFB0;
	_ =	swait.ge [sflag:s20], $0x50  }
0x2cf: {  	s17 =	simm.s32 $0x1C30;
	s12 =	simm.s32 $0xFFFFFFFE;
	[sflag:s20] =	ssyncset.done $0x0  }
0x2d0: {  	s13 =	simm.s32 $0x0;
	s14 =	simm.s32 $0x1780;
	[sflag:s20] =	ssyncadd.s32 $0xFFFFFFB0  }
.LBB2_9:
0x2d1: {  	v18 =	vld [tilespmem:s21+$0xFFFFFFF0];
	_ =	sdelay $0x4  }
0x2d2: {  	v21 =	vld [tilespmem:s14+$0xFFFFFE60];
	v1 =	vadd.s32 $0x1, v18  }
0x2d3: {  	v25 =	vld [tilespmem:s14+$0xFFFFFFF0];
	v2 =	vadd.s32 $0x2, v18  }
0x2d4: {  	v20 =	vld [tilespmem:s14+$0x180];
	v4 =	vadd.s32 $0x3, v18  }
0x2d5: {  	v19 =	vld [tilespmem:s17+$0xFFFFFFF0];
	v5 =	vadd.s32 $0x4, v18  }
0x2d6: {  	v7 =	vadd.s32 $0x5, v18;
	v6 =	vld.idx.msk [tilespmem:v18+s4+$0x0], $0xffff  }
0x2d7: {  	v8 =	vadd.s32 $0x6, v18;
	v1 =	vld.idx.msk [tilespmem:v1+s4+$0x0], $0xffff  }
0x2d8: {  	v10 =	vadd.s32 $0x7, v18;
	v2 =	vld.idx.msk [tilespmem:v2+s4+$0x0], $0xffff  }
0x2d9: {  	v11 =	vadd.s32 $0x8, v18;
	v4 =	vld.idx.msk [tilespmem:v4+s4+$0x0], $0xffff  }
0x2da: {  	v12 =	vadd.s32 $0x9, v18;
	v5 =	vld.idx.msk [tilespmem:v5+s4+$0x0], $0xffff  }
0x2db: {  	v13 =	vadd.s32 $0xA, v18;
	v7 =	vld.idx.msk [tilespmem:v7+s4+$0x0], $0xffff  }
0x2dc: {  	v22 =	vsub.f32 $1.000000000e+00, v21;
	v14 =	vadd.s32 $0xB, v18;
	v8 =	vld.idx.msk [tilespmem:v8+s4+$0x0], $0xffff  }
0x2dd: {  	v3 =	vsub.f32 $1.000000000e+00, v25;
	v26 =	vsub.f32 $1.000000000e+00, v20;
	v15 =	vadd.s32 $0xC, v18;
	v10 =	vld.idx.msk [tilespmem:v10+s4+$0x0], $0xffff  }
0x2de: {  	v16 =	vadd.s32 $0xD, v18;
	v17 =	vadd.s32 $0xE, v18;
	v23 =	vadd.s32 $0xF, v18;
	v11 =	vld.idx.msk [tilespmem:v11+s4+$0x0], $0xffff  }
0x2df: {  	v27 =	vadd.s32 $0x10, v18;
	v28 =	vadd.s32 $0x11, v18;
	v24 =	vmul.f32 v3, v22;
	v12 =	vld.idx.msk [tilespmem:v12+s4+$0x0], $0xffff  }
0x2e0: {  	v29 =	vadd.s32 $0x12, v18;
	v30 =	vadd.s32 $0x13, v18;
	v22 =	vmul.f32 v25, v22;
	v13 =	vld.idx.msk [tilespmem:v13+s4+$0x0], $0xffff  }
0x2e1: {  	v32 =	vadd.s32 $0x15, v18;
	v34 =	vadd.s32 $0x16, v18;
	v9 =	vmul.f32 v26, v24;
	v14 =	vld.idx.msk [tilespmem:v14+s4+$0x0], $0xffff  }
0x2e2: {  	v35 =	vadd.s32 $0x17, v18;
	v39 =	vmul.f32 v26, v22;
	v24 =	vmul.f32 v24, v20;
	v15 =	vld.idx.msk [tilespmem:v15+s4+$0x0], $0xffff  }
0x2e3: {  	v36 =	vadd.s32 $0x18, v18;
	v31 =	vld.idx.msk [tilespmem:v23+s4+$0x0], $0xffff;
	v23 =	vmul.f32 v3, v21;
	v21 =	vmul.f32 v25, v21  }
0x2e4: {  	v60 =	vadd.s32 $0x19, v18;
	v16 =	vld.idx.msk [tilespmem:v16+s4+$0x0], $0xffff;
	v9 =	vmul.f32 v9, v19;
	v24 =	vmul.f32 v24, v19  }
0x2e5: {  	v37 =	vadd.s32 $0x1A, v18;
	v17 =	vld.idx.msk [tilespmem:v17+s4+$0x0], $0xffff;
	v33 =	vmul.f32 v26, v23;
	v26 =	vmul.f32 v26, v21  }
0x2e6: {  	v38 =	vadd.s32 $0x1B, v18;
	v27 =	vld.idx.msk [tilespmem:v27+s4+$0x0], $0xffff;
	v23 =	vmul.f32 v23, v20;
	v6 =	vmul.f32 v9, v6  }
0x2e7: {  	v63 =	vadd.s32 $0x1C, v18;
	v28 =	vld.idx.msk [tilespmem:v28+s4+$0x0], $0xffff;
	v33 =	vmul.f32 v33, v19;
	v26 =	vmul.f32 v26, v19  }
0x2e8: {  	v42 =	vadd.s32 $0x1D, v18;
	v29 =	vld.idx.msk [tilespmem:v29+s4+$0x0], $0xffff;
	v23 =	vmul.f32 v23, v19;
	v1 =	vmul.f32 v9, v1  }
0x2e9: {  	v44 =	vadd.s32 $0x1E, v18;
	v30 =	vld.idx.msk [tilespmem:v30+s4+$0x0], $0xffff;
	v2 =	vmul.f32 v9, v2;
	v4 =	vmul.f32 v4, v9  }
0x2ea: {  	v47 =	vadd.s32 $0x1F, v18;
	v32 =	vld.idx.msk [tilespmem:v32+s4+$0x0], $0xffff;
	v5 =	vmul.f32 v5, v9;
	v7 =	vmul.f32 v7, v9  }
0x2eb: {  	v50 =	vadd.s32 $0x50, v18;
	v34 =	vld.idx.msk [tilespmem:v34+s4+$0x0], $0xffff;
	v8 =	vmul.f32 v8, v9;
	v10 =	vmul.f32 v10, v9  }
0x2ec: {  	v56 =	vadd.s32 $0x52, v18;
	v62 =	vld.idx.msk [tilespmem:v35+s4+$0x0], $0xffff;
	v11 =	vmul.f32 v11, v9;
	v12 =	vmul.f32 v12, v9  }
0x2ed: {  	v53 =	vadd.s32 $0x51, v18;
	v41 =	vld.idx.msk [tilespmem:v36+s4+$0x0], $0xffff;
	v13 =	vmul.f32 v13, v9;
	v14 =	vmul.f32 v14, v9  }
0x2ee: {  	v58 =	vadd.s32 $0x53, v18;
	v46 =	vld.idx.msk [tilespmem:v37+s4+$0x0], $0xffff;
	v15 =	vmul.f32 v15, v9;
	v16 =	vmul.f32 v16, v9  }
0x2ef: {  	v3 =	vadd.s32 $0x14, v18;
	v49 =	vld.idx.msk [tilespmem:v38+s4+$0x0], $0xffff;
	v17 =	vmul.f32 v17, v9;
	v9 =	vmul.f32 v31, v9  }
0x2f0: {  	v52 =	vld.idx.msk [tilespmem:v63+s4+$0x0], $0xffff;
	v63 =	vadd.s32 $0x55, v18;
	v27 =	vmul.f32 v27, v33;
	v28 =	vmul.f32 v28, v33  }
0x2f1: {  	v36 =	vld.idx.msk [tilespmem:v56+s4+$0x0], $0xffff;
	v56 =	vadd.s32 $0x5A, v18;
	v61 =	vmul.f32 v29, v33;
	v40 =	vmul.f32 v30, v33  }
0x2f2: {  	v55 =	vld.idx.msk [tilespmem:v42+s4+$0x0], $0xffff;
	v42 =	vadd.s32 $0x5E, v18;
	v45 =	vmul.f32 v32, v33;
	v48 =	vmul.f32 v34, v33  }
0x2f3: {  	v6 =	vadd.f32 $0.0e+00, v6;
	v51 =	vmul.f32 v62, v33;
	v54 =	vmul.f32 v41, v33  }
0x2f4: {  	v43 =	vld.idx.msk [tilespmem:v60+s4+$0x0], $0xffff;
	v59 =	vmul.f32 v46, v33;
	v1 =	vadd.f32 $0.0e+00, v1;
	v2 =	vadd.f32 $0.0e+00, v2  }
0x2f5: {  	v57 =	vld.idx.msk [tilespmem:v44+s4+$0x0], $0xffff;
	v44 =	vmul.f32 v49, v33;
	v4 =	vadd.f32 $0.0e+00, v4;
	v5 =	vadd.f32 $0.0e+00, v5  }
0x2f6: {  	v60 =	vld.idx.msk [tilespmem:v47+s4+$0x0], $0xffff;
	v46 =	vadd.s32 $0x56, v18;
	v7 =	vadd.f32 $0.0e+00, v7;
	v8 =	vadd.f32 $0.0e+00, v8  }
0x2f7: {  	v29 =	vmul.f32 v52, v33;
	v10 =	vadd.f32 $0.0e+00, v10;
	v11 =	vadd.f32 $0.0e+00, v11  }
0x2f8: {  	v47 =	vmul.f32 v55, v33;
	v12 =	vadd.f32 $0.0e+00, v12;
	v13 =	vadd.f32 $0.0e+00, v13  }
0x2f9: {  	v49 =	vadd.s32 $0x58, v18;
	v14 =	vadd.f32 $0.0e+00, v14;
	v15 =	vadd.f32 $0.0e+00, v15  }
0x2fa: {  	v62 =	vld.idx.msk [tilespmem:v50+s4+$0x0], $0xffff;
	v50 =	vadd.s32 $0x59, v18;
	v16 =	vadd.f32 $0.0e+00, v16;
	v17 =	vadd.f32 $0.0e+00, v17  }
0x2fb: {  	v3 =	vld.idx.msk [tilespmem:v3+s4+$0x0], $0xffff;
	v52 =	vmul.f32 v60, v33;
	v9 =	vadd.f32 $0.0e+00, v9;
	v6 =	vadd.f32 v27, v6  }
0x2fc: {  	v60 =	vadd.s32 $0x5C, v18;
	v1 =	vadd.f32 v28, v1;
	v2 =	vadd.f32 v61, v2  }
0x2fd: {  	v27 =	vmul.f32 v43, v33;
	v43 =	vld.idx.msk [tilespmem:v56+s4+$0x0], $0xffff;
	v4 =	vadd.f32 v40, v4;
	v7 =	vadd.f32 v45, v7  }
0x2fe: {  	v10 =	vadd.f32 v51, v10;
	v61 =	vadd.s32 $0x54, v18;
	v45 =	vld.idx.msk [tilespmem:v53+s4+$0x0], $0xffff;
	v40 =	vadd.s32 $0x57, v18  }
0x2ff: {  	v15 =	vadd.f32 v29, v15;
	v29 =	vmul.f32 v39, v19;
	v51 =	vmul.f32 v57, v33;
	v53 =	vld.idx.msk [tilespmem:v63+s4+$0x0], $0xffff  }
0x300: {  	v9 =	vadd.f32 v52, v9;
	v63 =	vadd.s32 $0x5D, v18;
	v3 =	vmul.f32 v3, v33;
	v55 =	vld.idx.msk [tilespmem:v46+s4+$0x0], $0xffff  }
0x301: {  	v52 =	vadd.s32 $0x64, v18;
	v12 =	vadd.f32 v27, v12;
	v27 =	vmul.f32 v62, v29;
	v62 =	vld.idx.msk [tilespmem:v50+s4+$0x0], $0xffff  }
0x302: {  	v31 =	vld.idx.msk [tilespmem:v60+s4+$0x0], $0xffff;
	v46 =	vadd.s32 $0x61, v18;
	v3 =	vadd.f32 v3, v5;
	v5 =	vadd.f32 v48, v8  }
0x303: {  	v50 =	vadd.s32 $0x63, v18;
	v8 =	vadd.f32 v54, v11;
	v11 =	vadd.f32 v59, v13;
	v48 =	vld.idx.msk [tilespmem:v58+s4+$0x0], $0xffff  }
0x304: {  	v60 =	vadd.s32 $0x69, v18;
	v13 =	vadd.f32 v44, v14;
	v14 =	vadd.f32 v47, v16;
	v59 =	vld.idx.msk [tilespmem:v49+s4+$0x0], $0xffff  }
0x305: {  	v16 =	vadd.f32 v51, v17;
	v58 =	vadd.s32 $0x5B, v18;
	v44 =	vadd.s32 $0x5F, v18;
	v49 =	vld.idx.msk [tilespmem:v42+s4+$0x0], $0xffff  }
0x306: {  	v42 =	vadd.s32 $0x6C, v18;
	v6 =	vadd.f32 v27, v6;
	v37 =	vld.idx.msk [tilespmem:v61+s4+$0x0], $0xffff;
	v54 =	vmul.f32 v45, v29  }
0x307: {  	v57 =	vld.idx.msk [tilespmem:v40+s4+$0x0], $0xffff;
	v61 =	vmul.f32 v36, v29;
	v32 =	vmul.f32 v53, v29;
	v45 =	vadd.s32 $0x60, v18  }
0x308: {  	v53 =	vadd.s32 $0x65, v18;
	v33 =	vld.idx.msk [tilespmem:v52+s4+$0x0], $0xffff;
	v40 =	vadd.s32 $0x6B, v18;
	v52 =	vadd.s32 $0x191, v18  }
0x309: {  	v47 =	vld.idx.msk [tilespmem:v63+s4+$0x0], $0xffff;
	v1 =	vadd.f32 v54, v1;
	v2 =	vadd.f32 v61, v2;
	v34 =	vmul.f32 v55, v29  }
0x30a: {  	v7 =	vadd.f32 v32, v7;
	v36 =	vmul.f32 v62, v29;
	v31 =	vmul.f32 v31, v29;
	v54 =	vld.idx.msk [tilespmem:v46+s4+$0x0], $0xffff  }
0x30b: {  	v55 =	vadd.s32 $0x66, v18;
	v62 =	vadd.s32 $0x6A, v18;
	v46 =	vadd.s32 $0x6E, v18;
	v28 =	vld.idx.msk [tilespmem:v58+s4+$0x0], $0xffff  }
0x30c: {  	v30 =	vmul.f32 v48, v29;
	v27 =	vmul.f32 v59, v29;
	v48 =	vadd.s32 $0x62, v18;
	v51 =	vld.idx.msk [tilespmem:v44+s4+$0x0], $0xffff  }
0x30d: {  	v58 =	vld.idx.msk [tilespmem:v50+s4+$0x0], $0xffff;
	v59 =	vadd.s32 $0x68, v18;
	v5 =	vadd.f32 v34, v5;
	v12 =	vadd.f32 v36, v12  }
0x30e: {  	v15 =	vadd.f32 v31, v15;
	v37 =	vmul.f32 v37, v29;
	v4 =	vadd.f32 v30, v4;
	v32 =	vld.idx.msk [tilespmem:v45+s4+$0x0], $0xffff  }
0x30f: {  	v17 =	vmul.f32 v57, v29;
	v8 =	vadd.f32 v27, v8;
	v30 =	vmul.f32 v43, v29;
	v61 =	vld.idx.msk [tilespmem:v53+s4+$0x0], $0xffff  }
0x310: {  	v57 =	vadd.s32 $0x67, v18;
	v43 =	vadd.s32 $0x6D, v18;
	v45 =	vld.idx.msk [tilespmem:v60+s4+$0x0], $0xffff;
	v60 =	vadd.s32 $0x195, v18  }
0x311: {  	v50 =	vld.idx.msk [tilespmem:v40+s4+$0x0], $0xffff;
	v3 =	vadd.f32 v37, v3;
	v10 =	vadd.f32 v17, v10;
	v37 =	vmul.f32 v47, v29  }
0x312: {  	v11 =	vadd.f32 v30, v11;
	v17 =	vmul.f32 v49, v29;
	v63 =	vld.idx.msk [tilespmem:v55+s4+$0x0], $0xffff;
	v25 =	vmul.f32 v54, v26  }
0x313: {  	v47 =	vld.idx.msk [tilespmem:v62+s4+$0x0], $0xffff;
	v49 =	vmul.f32 v33, v26;
	v55 =	vadd.s32 $0x192, v18;
	v28 =	vmul.f32 v28, v29  }
0x314: {  	v62 =	vld.idx.msk [tilespmem:v52+s4+$0x0], $0xffff;
	v52 =	vadd.s32 $0x19C, v18;
	v27 =	vmul.f32 v51, v29;
	v44 =	vmul.f32 v58, v26  }
0x315: {  	v56 =	vld.idx.msk [tilespmem:v48+s4+$0x0], $0xffff;
	v48 =	vadd.s32 $0x6F, v18;
	v14 =	vadd.f32 v37, v14;
	v16 =	vadd.f32 v17, v16  }
0x316: {  	v34 =	vld.idx.msk [tilespmem:v59+s4+$0x0], $0xffff;
	v51 =	vadd.s32 $0x190, v18;
	v1 =	vadd.f32 v25, v1;
	v3 =	vadd.f32 v49, v3  }
0x317: {  	v59 =	vadd.s32 $0x194, v18;
	v13 =	vadd.f32 v28, v13;
	v9 =	vadd.f32 v27, v9;
	v30 =	vld.idx.msk [tilespmem:v57+s4+$0x0], $0xffff  }
0x318: {  	v41 =	vmul.f32 v32, v26;
	v4 =	vadd.f32 v44, v4;
	v29 =	vmul.f32 v61, v26;
	v32 =	vld.idx.msk [tilespmem:v42+s4+$0x0], $0xffff  }
0x319: {  	v54 =	vld.idx.msk [tilespmem:v43+s4+$0x0], $0xffff;
	v57 =	vadd.s32 $0x193, v18;
	v31 =	vmul.f32 v45, v26;
	v61 =	vmul.f32 v50, v26  }
0x31a: {  	v43 =	vadd.s32 $0x198, v18;
	v44 =	vadd.s32 $0x199, v18;
	v45 =	vld.idx.msk [tilespmem:v60+s4+$0x0], $0xffff;
	v6 =	vadd.f32 v41, v6  }
0x31b: {  	v17 =	vmul.f32 v63, v26;
	v7 =	vadd.f32 v29, v7;
	v25 =	vmul.f32 v47, v26;
	v40 =	vld.idx.msk [tilespmem:v55+s4+$0x0], $0xffff  }
0x31c: {  	v63 =	vadd.s32 $0x196, v18;
	v12 =	vadd.f32 v31, v12;
	v28 =	vmul.f32 v56, v26;
	v56 =	vld.idx.msk [tilespmem:v46+s4+$0x0], $0xffff  }
0x31d: {  	v41 =	vadd.s32 $0x197, v18;
	v13 =	vadd.f32 v61, v13;
	v33 =	vmul.f32 v62, v24;
	v35 =	vld.idx.msk [tilespmem:v51+s4+$0x0], $0xffff  }
0x31e: {  	v62 =	vadd.s32 $0x1A0, v18;
	v58 =	vmul.f32 v34, v26;
	v34 =	vld.idx.msk [tilespmem:v59+s4+$0x0], $0xffff;
	v46 =	vadd.s32 $0x19A, v18  }
0x31f: {  	v59 =	vadd.s32 $0x19F, v18;
	v5 =	vadd.f32 v17, v5;
	v2 =	vadd.f32 v28, v2;
	v28 =	vld.idx.msk [tilespmem:v48+s4+$0x0], $0xffff  }
0x320: {  	v51 =	vadd.s32 $0x1A3, v18;
	v11 =	vadd.f32 v25, v11;
	v1 =	vadd.f32 v33, v1;
	v29 =	vld.idx.msk [tilespmem:v57+s4+$0x0], $0xffff  }
0x321: {  	v53 =	vmul.f32 v30, v26;
	v8 =	vadd.f32 v58, v8;
	v42 =	vmul.f32 v32, v26;
	v32 =	vld.idx.msk [tilespmem:v43+s4+$0x0], $0xffff  }
0x322: {  	v30 =	vmul.f32 v54, v26;
	v48 =	vadd.s32 $0x19B, v18;
	v54 =	vadd.s32 $0x19D, v18;
	v47 =	vld.idx.msk [tilespmem:v63+s4+$0x0], $0xffff  }
0x323: {  	v57 =	vadd.s32 $0x19E, v18;
	v27 =	vmul.f32 v45, v24;
	v10 =	vadd.f32 v53, v10;
	v50 =	vld.idx.msk [tilespmem:v41+s4+$0x0], $0xffff  }
0x324: {  	v15 =	vadd.f32 v42, v15;
	v14 =	vadd.f32 v30, v14;
	v55 =	vmul.f32 v40, v24;
	v36 =	vld.idx.msk [tilespmem:v62+s4+$0x0], $0xffff  }
0x325: {  	v63 =	vadd.s32 $0x1A1, v18;
	v42 =	vadd.s32 $0x1A2, v18;
	v17 =	vmul.f32 v56, v26;
	v56 =	vld.idx.msk [tilespmem:v44+s4+$0x0], $0xffff  }
0x326: {  	v7 =	vadd.f32 v27, v7;
	v53 =	vmul.f32 v35, v24;
	v58 =	vld.idx.msk [tilespmem:v46+s4+$0x0], $0xffff;
	v34 =	vmul.f32 v34, v24  }
0x327: {  	v44 =	vadd.s32 $0x1A7, v18;
	v46 =	vld.idx.msk [tilespmem:v51+s4+$0x0], $0xffff;
	v51 =	vadd.s32 $0x1AA, v18;
	v2 =	vadd.f32 v55, v2  }
0x328: {  	v55 =	vadd.s32 $0x1A5, v18;
	v16 =	vadd.f32 v17, v16;
	v49 =	vmul.f32 v28, v26;
	v61 =	vld.idx.msk [tilespmem:v48+s4+$0x0], $0xffff  }
0x329: {  	v6 =	vadd.f32 v53, v6;
	v60 =	vmul.f32 v29, v24;
	v28 =	vld.idx.msk [tilespmem:v52+s4+$0x0], $0xffff;
	v3 =	vadd.f32 v34, v3  }
0x32a: {  	v41 =	vld.idx.msk [tilespmem:v54+s4+$0x0], $0xffff;
	v54 =	vadd.s32 $0x1A4, v18;
	v32 =	vmul.f32 v32, v24;
	v48 =	vadd.s32 $0x1A9, v18  }
0x32b: {  	v43 =	vld.idx.msk [tilespmem:v57+s4+$0x0], $0xffff;
	v9 =	vadd.f32 v49, v9;
	v4 =	vadd.f32 v60, v4;
	v40 =	vmul.f32 v47, v24  }
0x32c: {  	v53 =	vld.idx.msk [tilespmem:v59+s4+$0x0], $0xffff;
	v52 =	vmul.f32 v50, v24;
	v8 =	vadd.f32 v32, v8;
	v47 =	vadd.s32 $0x1A8, v18  }
0x32d: {  	v57 =	vld.idx.msk [tilespmem:v63+s4+$0x0], $0xffff;
	v60 =	vadd.s32 $0x1AB, v18;
	v63 =	vadd.s32 $0x1AC, v18;
	v25 =	vmul.f32 v56, v24  }
0x32e: {  	v56 =	vmul.f32 v58, v24;
	v58 =	vadd.s32 $0x1A6, v18;
	v62 =	vld.idx.msk [tilespmem:v44+s4+$0x0], $0xffff;
	v44 =	vadd.s32 $0x1AE, v18  }
0x32f: {  	v59 =	vld.idx.msk [tilespmem:v42+s4+$0x0], $0xffff;
	v29 =	vmul.f32 v46, v23;
	v46 =	vadd.s32 $0x1E3, v18;
	v5 =	vadd.f32 v40, v5  }
0x330: {  	v10 =	vadd.f32 v52, v10;
	v50 =	vld.idx.msk [tilespmem:v55+s4+$0x0], $0xffff;
	v40 =	vmul.f32 v36, v23;
	v45 =	vmul.f32 v61, v24  }
0x331: {  	v12 =	vadd.f32 v25, v12;
	v28 =	vmul.f32 v28, v24;
	v33 =	vld.idx.msk [tilespmem:v54+s4+$0x0], $0xffff;
	v49 =	vmul.f32 v41, v24  }
0x332: {  	v11 =	vadd.f32 v56, v11;
	v61 =	vmul.f32 v43, v24;
	v24 =	vmul.f32 v53, v24;
	v43 =	vld.idx.msk [tilespmem:v48+s4+$0x0], $0xffff  }
0x333: {  	v41 =	vadd.s32 $0x1AD, v18;
	v53 =	vadd.s32 $0x1AF, v18;
	v56 =	vadd.s32 $0x1E0, v18;
	v34 =	vld.idx.msk [tilespmem:v47+s4+$0x0], $0xffff  }
0x334: {  	v4 =	vadd.f32 v29, v4;
	v48 =	vadd.s32 $0x1E4, v18;
	v13 =	vadd.f32 v45, v13;
	v45 =	vld.idx.msk [tilespmem:v51+s4+$0x0], $0xffff  }
0x335: {  	v6 =	vadd.f32 v40, v6;
	v40 =	vadd.s32 $0x1E7, v18;
	v15 =	vadd.f32 v28, v15;
	v55 =	vld.idx.msk [tilespmem:v60+s4+$0x0], $0xffff  }
0x336: {  	v14 =	vadd.f32 v49, v14;
	v16 =	vadd.f32 v61, v16;
	v42 =	vmul.f32 v57, v23;
	v32 =	vld.idx.msk [tilespmem:v63+s4+$0x0], $0xffff  }
0x337: {  	v9 =	vadd.f32 v24, v9;
	v54 =	vmul.f32 v59, v23;
	v57 =	vadd.s32 $0x1E1, v18;
	v52 =	vld.idx.msk [tilespmem:v58+s4+$0x0], $0xffff  }
0x338: {  	v60 =	vadd.s32 $0x1E2, v18;
	v61 =	vld.idx.msk [tilespmem:v44+s4+$0x0], $0xffff;
	v27 =	vmul.f32 v62, v23;
	v62 =	vadd.s32 $0x1E6, v18  }
0x339: {  	v44 =	vadd.s32 $0x1E9, v18;
	v1 =	vadd.f32 v42, v1;
	v2 =	vadd.f32 v54, v2;
	v42 =	vld.idx.msk [tilespmem:v46+s4+$0x0], $0xffff  }
0x33a: {  	v58 =	vmul.f32 v50, v23;
	v50 =	vadd.s32 $0x1E5, v18;
	v33 =	vmul.f32 v33, v23;
	v59 =	vld.idx.msk [tilespmem:v41+s4+$0x0], $0xffff  }
0x33b: {  	v26 =	vld.idx.msk [tilespmem:v53+s4+$0x0], $0xffff;
	v51 =	vmul.f32 v43, v23;
	v10 =	vadd.f32 v27, v10;
	v43 =	vadd.s32 $0x1E8, v18  }
0x33c: {  	v49 =	vld.idx.msk [tilespmem:v56+s4+$0x0], $0xffff;
	v53 =	vadd.s32 $0x1EA, v18;
	v56 =	vadd.s32 $0x1EC, v18;
	v7 =	vadd.f32 v58, v7  }
0x33d: {  	v28 =	vld.idx.msk [tilespmem:v48+s4+$0x0], $0xffff;
	v58 =	vadd.s32 $0x1ED, v18;
	v34 =	vmul.f32 v34, v23;
	v41 =	vmul.f32 v45, v23  }
0x33e: {  	v3 =	vadd.f32 v33, v3;
	v63 =	vld.idx.msk [tilespmem:v60+s4+$0x0], $0xffff;
	v25 =	vmul.f32 v55, v23;
	v32 =	vmul.f32 v32, v23  }
0x33f: {  	v12 =	vadd.f32 v51, v12;
	v45 =	vmul.f32 v20, v22;
	v20 =	vmul.f32 v20, v21;
	v21 =	vld [tilespmem:s14+$0x190]  }
0x340: {  	v55 =	vadd.s32 $0x1EB, v18;
	v47 =	vmul.f32 v52, v23;
	v52 =	vld.idx.msk [tilespmem:v57+s4+$0x0], $0xffff;
	v29 =	vmul.f32 v61, v23  }
0x341: {  	v54 =	vld.idx.msk [tilespmem:v62+s4+$0x0], $0xffff;
	v61 =	vadd.s32 $0x1EE, v18;
	v8 =	vadd.f32 v34, v8;
	v11 =	vadd.f32 v41, v11  }
0x342: {  	v60 =	vld.idx.msk [tilespmem:v44+s4+$0x0], $0xffff;
	v44 =	vadd.s32 $0x1F5, v18;
	v13 =	vadd.f32 v25, v13;
	v15 =	vadd.f32 v32, v15  }
0x343: {  	v46 =	vld.idx.msk [tilespmem:v50+s4+$0x0], $0xffff;
	v17 =	vmul.f32 v45, v19;
	v50 =	vadd.s32 $0x1F0, v18;
	v41 =	vadd.s32 $0x1F3, v18  }
0x344: {  	v19 =	vmul.f32 v20, v19;
	v5 =	vadd.f32 v47, v5;
	v30 =	vmul.f32 v59, v23;
	v57 =	vld.idx.msk [tilespmem:v43+s4+$0x0], $0xffff  }
0x345: {  	v23 =	vmul.f32 v26, v23;
	v16 =	vadd.f32 v29, v16;
	v62 =	vld.idx.msk [tilespmem:v53+s4+$0x0], $0xffff;
	v47 =	vadd.s32 $0x1EF, v18  }
0x346: {  	v51 =	vld.idx.msk [tilespmem:v56+s4+$0x0], $0xffff;
	v43 =	vadd.s32 $0x1F4, v18;
	v56 =	vadd.s32 $0x1F7, v18;
	v59 =	vmul.f32 v49, v17  }
0x347: {  	v24 =	vmul.f32 v42, v17;
	v28 =	vmul.f32 v28, v17;
	v53 =	vld.idx.msk [tilespmem:v58+s4+$0x0], $0xffff;
	v58 =	vadd.s32 $0x1F8, v18  }
0x348: {  	v34 =	vld.idx.msk [tilespmem:v40+s4+$0x0], $0xffff;
	v14 =	vadd.f32 v30, v14;
	v9 =	vadd.f32 v23, v9;
	v27 =	vmul.f32 v63, v17  }
0x349: {  	v49 =	vld.idx.msk [tilespmem:v55+s4+$0x0], $0xffff;
	v63 =	vadd.s32 $0x1F2, v18;
	v6 =	vadd.f32 v59, v6;
	v48 =	vmul.f32 v52, v17  }
0x34a: {  	v52 =	vadd.s32 $0x1F1, v18;
	v4 =	vadd.f32 v24, v4;
	v40 =	vld.idx.msk [tilespmem:v61+s4+$0x0], $0xffff;
	v3 =	vadd.f32 v28, v3  }
0x34b: {  	v25 =	vmul.f32 v54, v17;
	v54 =	vadd.s32 $0x1F6, v18;
	v59 =	vadd.s32 $0x1F9, v18;
	v36 =	vld.idx.msk [tilespmem:v44+s4+$0x0], $0xffff  }
0x34c: {  	v61 =	vadd.s32 $0x1FA, v18;
	v2 =	vadd.f32 v27, v2;
	v22 =	vmul.f32 v46, v17;
	v32 =	vld.idx.msk [tilespmem:v50+s4+$0x0], $0xffff  }
0x34d: {  	v34 =	vmul.f32 v34, v17;
	v27 =	vld.idx.msk [tilespmem:v41+s4+$0x0], $0xffff;
	v1 =	vadd.f32 v48, v1;
	v45 =	vmul.f32 v57, v17  }
0x34e: {  	v42 =	vld.idx.msk [tilespmem:v47+s4+$0x0], $0xffff;
	v5 =	vadd.f32 v25, v5;
	v57 =	vmul.f32 v60, v17;
	v23 =	vmul.f32 v62, v17  }
0x34f: {  	v29 =	vld.idx.msk [tilespmem:v43+s4+$0x0], $0xffff;
	v60 =	vmul.f32 v51, v17;
	v47 =	vadd.s32 $0x1FC, v18;
	v51 =	vadd.s32 $0x1FE, v18  }
0x350: {  	v38 =	vld.idx.msk [tilespmem:v56+s4+$0x0], $0xffff;
	v7 =	vadd.f32 v22, v7;
	v10 =	vadd.f32 v34, v10;
	v30 =	vmul.f32 v53, v17  }
0x351: {  	v48 =	vld.idx.msk [tilespmem:v58+s4+$0x0], $0xffff;
	v8 =	vadd.f32 v45, v8;
	v31 =	vmul.f32 v49, v17;
	v12 =	vadd.f32 v57, v12  }
0x352: {  	v55 =	vld.idx.msk [tilespmem:v63+s4+$0x0], $0xffff;
	v11 =	vadd.f32 v23, v11;
	v63 =	vadd.s32 $0x1FB, v18;
	v15 =	vadd.f32 v60, v15  }
0x353: {  	v49 =	vadd.s32 $0x1FD, v18;
	v46 =	vld.idx.msk [tilespmem:v52+s4+$0x0], $0xffff;
	v24 =	vmul.f32 v40, v17;
	v52 =	vmov s13  }
0x354: {  	v62 =	vld.idx.msk [tilespmem:v54+s4+$0x0], $0xffff;
	v14 =	vadd.f32 v30, v14;
	v13 =	vadd.f32 v31, v13;
	v54 =	vmul.f32 v32, v19  }
0x355: {  	v50 =	vld.idx.msk [tilespmem:v59+s4+$0x0], $0xffff;
	v27 =	vmul.f32 v27, v19;
	v59 =	vshll.u32 v52, $0x4;
	v32 =	vsub.f32 $1.000000000e+00, v21  }
0x356: {  	v17 =	vmul.f32 v42, v17;
	v16 =	vadd.f32 v24, v16;
	v22 =	vld.idx.msk [tilespmem:v47+s4+$0x0], $0xffff;
	v24 =	vor.u32 v0, v59  }
0x357: {  	v57 =	vld.idx.msk [tilespmem:v51+s4+$0x0], $0xffff;
	v6 =	vadd.f32 v54, v6;
	v41 =	vadd.f32 v27, v4;
	v47 =	vor.u32 $0x6, v24  }
0x358: {  	v25 =	vmul.f32 v55, v19;
	v55 =	vadd.s32 $0x1FF, v18;
	v18 =	vld [tilespmem:s21+$0x0];
	v26 =	vmul.f32 v46, v19  }
0x359: {  	v43 =	vor.u32 $0x9, v24;
	v9 =	vadd.f32 v17, v9;
	v56 =	vld.idx.msk [tilespmem:v49+s4+$0x0], $0xffff;
	v49 =	vor.u32 $0x8, v24  }
0x35a: {  	v53 =	vld.idx.msk [tilespmem:v61+s4+$0x0], $0xffff;
	v58 =	vmul.f32 v50, v19;
	v44 =	vadd.f32 v26, v1;
	v1 =	vmul.f32 v29, v19  }
0x35b: {  	v46 =	vor.u32 $0x5, v24;
	v42 =	vadd.f32 v25, v2;
	v2 =	vmul.f32 v36, v19  }
0x35c: {  	v31 =	vld.idx.msk [tilespmem:v63+s4+$0x0], $0xffff;
	v36 =	vor.u32 $0xA, v24;
	v34 =	vadd.f32 v58, v12;
	v40 =	vadd.f32 v1, v3  }
0x35d: {  	v1 =	vmul.f32 v62, v19;
	v3 =	vmul.f32 v38, v19;
	v61 =	vadd.s32 $0x1, v18  }
0x35e: {  	v29 =	vld [tilespmem:s14+$0xFFFFFE70];
	v4 =	vmul.f32 v57, v19;
	v62 =	vadd.s32 $0x4, v18;
	v57 =	vadd.s32 $0x7, v18  }
0x35f: {  	v38 =	vadd.f32 v1, v5;
	v28 =	vadd.f32 v3, v10;
	v1 =	vmul.f32 v53, v19;
	v3 =	vld.idx.msk [tilespmem:v55+s4+$0x0], $0xffff  }
0x360: {  	v39 =	vadd.f32 v2, v7;
	v2 =	vmul.f32 v48, v19;
	v58 =	vadd.s32 $0x8, v18;
	v54 =	vld.idx.msk [tilespmem:v18+s4+$0x0], $0xffff  }
0x361: {  	v50 =	vadd.s32 $0xC, v18;
	v30 =	vadd.f32 v1, v11;
	v1 =	vmul.f32 v31, v19;
	v31 =	vld [tilespmem:s14+$0x0]  }
0x362: {  	v12 =	vor.u32 $0x2, v24;
	v51 =	vadd.s32 $0xD, v18;
	v35 =	vadd.f32 v2, v8;
	v8 =	vld.idx.msk [tilespmem:v61+s4+$0x0], $0xffff  }
0x363: {  	v60 =	vmul.f32 v56, v19;
	v20 =	vadd.f32 v4, v16;
	v2 =	vmul.f32 v22, v19;
	v4 =	vld.idx.msk [tilespmem:v62+s4+$0x0], $0xffff  }
0x364: {  	v48 =	vor.u32 $0x7, v24;
	v56 =	vadd.s32 $0x6, v18;
	v55 =	vadd.s32 $0x5, v18;
	v11 =	vld.idx.msk [tilespmem:v57+s4+$0x0], $0xffff  }
0x365: {  	v23 =	vadd.f32 v60, v14;
	v26 =	vadd.f32 v2, v15;
	v2 =	vadd.s32 $0x3, v18;
	v14 =	vld.idx.msk [tilespmem:v58+s4+$0x0], $0xffff  }
0x366: {  	v45 =	vadd.s32 $0xB, v18;
	v50 =	vld.idx.msk [tilespmem:v50+s4+$0x0], $0xffff;
	v33 =	vadd.f32 v1, v13;
	v1 =	vadd.s32 $0x2, v18  }
0x367: {  	v52 =	vadd.s32 $0xE, v18;
	v37 =	vsub.f32 $1.000000000e+00, v29;
	v51 =	vld.idx.msk [tilespmem:v51+s4+$0x0], $0xffff;
	v63 =	vsub.f32 $1.000000000e+00, v31  }
0x368: {  	v60 =	vadd.s32 $0x9, v18;
	v5 =	vadd.s32 $0x13, v18;
	v3 =	vmul.f32 v3, v19;
	v19 =	vld [tilespmem:s17+$0x0]  }
0x369: {  	v15 =	vor.u32 $0x4, v24;
	v61 =	vadd.s32 $0xA, v18;
	v10 =	vld.idx.msk [tilespmem:v55+s4+$0x0], $0xffff;
	v27 =	vmul.f32 v63, v37  }
0x36a: {  	[tilespmem:v24+s0+$0x0] =	vst.idx.msk $0xffff, v6;
	v57 =	vadd.s32 $0x11, v18;
	v58 =	vadd.s32 $0x12, v18;
	v62 =	vadd.s32 $0x16, v18;
	v2 =	vld.idx.msk [tilespmem:v2+s4+$0x0], $0xffff  }
0x36b: {  	v13 =	vor.u32 $0x3, v24;
	v1 =	vld.idx.msk [tilespmem:v1+s4+$0x0], $0xffff;
	v25 =	vmul.f32 v63, v29;
	v59 =	vmul.f32 v32, v27  }
0x36c: {  	v55 =	vld.idx.msk [tilespmem:v45+s4+$0x0], $0xffff;
	v45 =	vor.u32 $0xB, v24;
	v29 =	vmul.f32 v31, v29;
	v27 =	vmul.f32 v27, v21  }
0x36d: {  	v22 =	vadd.f32 v3, v9;
	v9 =	vld.idx.msk [tilespmem:v56+s4+$0x0], $0xffff;
	v16 =	vmul.f32 v59, v19;
	v59 =	vmul.f32 v32, v25  }
0x36e: {  	v17 =	vld.idx.msk [tilespmem:v60+s4+$0x0], $0xffff;
	v56 =	vadd.s32 $0xF, v18;
	v27 =	vmul.f32 v27, v19;
	v25 =	vmul.f32 v25, v21  }
0x36f: {  	v3 =	vor.u32 $0x1, v24;
	v53 =	vld.idx.msk [tilespmem:v61+s4+$0x0], $0xffff;
	v7 =	vmul.f32 v16, v54;
	v8 =	vmul.f32 v16, v8  }
0x370: {  	v52 =	vld.idx.msk [tilespmem:v52+s4+$0x0], $0xffff;
	v60 =	vadd.s32 $0x14, v18;
	v1 =	vmul.f32 v16, v1;
	v2 =	vmul.f32 v2, v16  }
0x371: {  	v5 =	vld.idx.msk [tilespmem:v5+s4+$0x0], $0xffff;
	v61 =	vadd.s32 $0x15, v18;
	v4 =	vmul.f32 v4, v16;
	v10 =	vmul.f32 v10, v16  }
0x372: {  	v58 =	vld.idx.msk [tilespmem:v58+s4+$0x0], $0xffff;
	v54 =	vadd.s32 $0x10, v18;
	v9 =	vmul.f32 v9, v16;
	v11 =	vmul.f32 v11, v16  }
0x373: {  	v63 =	vadd.s32 $0x17, v18;
	v56 =	vld.idx.msk [tilespmem:v56+s4+$0x0], $0xffff;
	v14 =	vmul.f32 v14, v16;
	v17 =	vmul.f32 v17, v16  }
0x374: {  	[tilespmem:v3+s0+$0x0] =	vst.idx.msk $0xffff, v44;
	v44 =	vld.idx.msk [tilespmem:v62+s4+$0x0], $0xffff;
	v53 =	vmul.f32 v53, v16;
	v59 =	vmul.f32 v59, v19  }
0x375: {  	v62 =	vadd.s32 $0x1C, v18;
	[tilespmem:v12+s0+$0x0] =	vst.idx.msk $0xffff, v42;
	v55 =	vmul.f32 v55, v16;
	v50 =	vmul.f32 v50, v16  }
0x376: {  	[tilespmem:v13+s0+$0x0] =	vst.idx.msk $0xffff, v41;
	v6 =	vmul.f32 v51, v16;
	v52 =	vmul.f32 v52, v16;
	v7 =	vadd.f32 $0.0e+00, v7  }
0x377: {  	[tilespmem:v15+s0+$0x0] =	vst.idx.msk $0xffff, v40;
	v25 =	vmul.f32 v25, v19;
	v8 =	vadd.f32 $0.0e+00, v8;
	v1 =	vadd.f32 $0.0e+00, v1;
	v54 =	vld.idx.msk [tilespmem:v54+s4+$0x0], $0xffff  }
0x378: {  	[tilespmem:v46+s0+$0x0] =	vst.idx.msk $0xffff, v39;
	v46 =	vadd.s32 $0x1F0, v18;
	v2 =	vadd.f32 $0.0e+00, v2;
	v4 =	vadd.f32 $0.0e+00, v4  }
0x379: {  	v57 =	vld.idx.msk [tilespmem:v57+s4+$0x0], $0xffff;
	v10 =	vadd.f32 $0.0e+00, v10;
	v9 =	vadd.f32 $0.0e+00, v9;
	v16 =	vmul.f32 v56, v16  }
0x37a: {  	v56 =	vld.idx.msk [tilespmem:v60+s4+$0x0], $0xffff;
	v60 =	vadd.s32 $0x19, v18;
	v13 =	vadd.f32 $0.0e+00, v53;
	v53 =	vadd.s32 $0x1D, v18  }
0x37b: {  	v3 =	vadd.f32 $0.0e+00, v11;
	v11 =	vadd.f32 $0.0e+00, v14;
	v14 =	vmul.f32 v58, v59  }
0x37c: {  	v5 =	vmul.f32 v5, v59;
	v58 =	vadd.s32 $0x1B, v18;
	v51 =	vmul.f32 v54, v59  }
0x37d: {  	v12 =	vadd.f32 $0.0e+00, v17;
	v15 =	vadd.f32 $0.0e+00, v55;
	v17 =	vld.idx.msk [tilespmem:v62+s4+$0x0], $0xffff;
	v54 =	vadd.s32 $0x18, v18  }
0x37e: {  	v7 =	vadd.f32 v51, v7;
	v51 =	vmul.f32 v57, v59;
	v57 =	vld.idx.msk [tilespmem:v61+s4+$0x0], $0xffff;
	v61 =	vadd.s32 $0x1A, v18  }
0x37f: {  	v40 =	vadd.f32 $0.0e+00, v50;
	v6 =	vadd.f32 $0.0e+00, v6;
	v44 =	vmul.f32 v44, v59;
	[tilespmem:v47+s0+$0x0] =	vst.idx.msk $0xffff, v38;
	v41 =	vld.idx.msk [tilespmem:v53+s4+$0x0], $0xffff  }
0x380: {  	v38 =	vadd.f32 $0.0e+00, v52;
	v62 =	vadd.s32 $0x50, v18;
	[tilespmem:v48+s0+$0x0] =	vst.idx.msk $0xffff, v28;
	v8 =	vadd.f32 v51, v8;
	v51 =	vld.idx.msk [tilespmem:v63+s4+$0x0], $0xffff  }
0x381: {  	v28 =	vmul.f32 v31, v37;
	v1 =	vadd.f32 v14, v1;
	v2 =	vadd.f32 v5, v2;
	v63 =	vld.idx.msk [tilespmem:v60+s4+$0x0], $0xffff  }
0x382: {  	v52 =	vadd.s32 $0x51, v18;
	v9 =	vadd.f32 v44, v9;
	[tilespmem:v49+s0+$0x0] =	vst.idx.msk $0xffff, v35;
	v60 =	vadd.s32 $0x1F, v18;
	v14 =	vld.idx.msk [tilespmem:v54+s4+$0x0], $0xffff  }
0x383: {  	v47 =	vadd.s32 $0x1A5, v18;
	v49 =	vadd.s32 $0x58, v18;
	[tilespmem:v43+s0+$0x0] =	vst.idx.msk $0xffff, v34;
	v17 =	vmul.f32 v17, v59;
	v55 =	vld.idx.msk [tilespmem:v61+s4+$0x0], $0xffff  }
0x384: {  	v54 =	vmul.f32 v56, v59;
	v56 =	vmul.f32 v57, v59;
	v57 =	vld.idx.msk [tilespmem:v58+s4+$0x0], $0xffff;
	v58 =	vadd.s32 $0x1E, v18  }
0x385: {  	v16 =	vadd.f32 $0.0e+00, v16;
	[tilespmem:v36+s0+$0x0] =	vst.idx.msk $0xffff, v30;
	v30 =	vor.u32 $0xD, v24;
	v53 =	vadd.s32 $0x52, v18  }
0x386: {  	v17 =	vadd.f32 v17, v40;
	v41 =	vmul.f32 v41, v59;
	v61 =	vmul.f32 v51, v59  }
0x387: {  	v10 =	vadd.f32 v56, v10;
	v5 =	vmul.f32 v63, v59;
	v39 =	vld.idx.msk [tilespmem:v60+s4+$0x0], $0xffff;
	v56 =	vadd.s32 $0x54, v18  }
0x388: {  	v3 =	vadd.f32 v61, v3;
	v61 =	vld.idx.msk [tilespmem:v52+s4+$0x0], $0xffff;
	v63 =	vmul.f32 v55, v59;
	v55 =	vadd.s32 $0x53, v18  }
0x389: {  	v4 =	vadd.f32 v54, v4;
	v14 =	vmul.f32 v14, v59;
	v54 =	vld.idx.msk [tilespmem:v58+s4+$0x0], $0xffff;
	v58 =	vadd.s32 $0x55, v18  }
0x38a: {  	v60 =	vmul.f32 v32, v28;
	v42 =	vmul.f32 v57, v59;
	v57 =	vld.idx.msk [tilespmem:v62+s4+$0x0], $0xffff;
	v62 =	vadd.s32 $0x56, v18  }
0x38b: {  	v6 =	vadd.f32 v41, v6;
	v51 =	vadd.s32 $0x59, v18;
	v11 =	vadd.f32 v14, v11;
	v14 =	vld.idx.msk [tilespmem:v53+s4+$0x0], $0xffff  }
0x38c: {  	v32 =	vmul.f32 v32, v29;
	v5 =	vadd.f32 v5, v12;
	v41 =	vmul.f32 v60, v19;
	v37 =	vld.idx.msk [tilespmem:v56+s4+$0x0], $0xffff  }
0x38d: {  	v12 =	vadd.f32 v63, v13;
	v63 =	vadd.s32 $0x57, v18;
	v50 =	vmul.f32 v39, v59;
	v35 =	vld.idx.msk [tilespmem:v55+s4+$0x0], $0xffff  }
0x38e: {  	v32 =	vmul.f32 v32, v19;
	v15 =	vadd.f32 v42, v15;
	v56 =	vadd.s32 $0x5A, v18;
	v53 =	vld.idx.msk [tilespmem:v58+s4+$0x0], $0xffff  }
0x38f: {  	v16 =	vadd.f32 v50, v16;
	v52 =	vmul.f32 v57, v41;
	v55 =	vld.idx.msk [tilespmem:v62+s4+$0x0], $0xffff;
	v57 =	vadd.s32 $0x5B, v18  }
0x390: {  	v13 =	vmul.f32 v54, v59;
	v54 =	vmul.f32 v61, v41;
	v58 =	vld.idx.msk [tilespmem:v49+s4+$0x0], $0xffff;
	v59 =	vadd.s32 $0x5C, v18  }
0x391: {  	[tilespmem:v45+s0+$0x0] =	vst.idx.msk $0xffff, v33;
	v14 =	vmul.f32 v14, v41;
	v61 =	vld.idx.msk [tilespmem:v51+s4+$0x0], $0xffff;
	v62 =	vadd.s32 $0x5D, v18;
	v49 =	vadd.s32 $0x5E, v18  }
0x392: {  	v13 =	vadd.f32 v13, v38;
	v38 =	vor.u32 $0xC, v24;
	v7 =	vadd.f32 v52, v7;
	v40 =	vld.idx.msk [tilespmem:v63+s4+$0x0], $0xffff  }
0x393: {  	v8 =	vadd.f32 v54, v8;
	v63 =	vmul.f32 v37, v41;
	v51 =	vld.idx.msk [tilespmem:v56+s4+$0x0], $0xffff;
	v52 =	vadd.s32 $0x5F, v18  }
0x394: {  	v1 =	vadd.f32 v14, v1;
	v54 =	vadd.s32 $0x60, v18;
	v48 =	vmul.f32 v53, v41;
	v53 =	vld.idx.msk [tilespmem:v57+s4+$0x0], $0xffff  }
0x395: {  	v56 =	vadd.s32 $0x61, v18;
	v4 =	vadd.f32 v63, v4;
	v60 =	vmul.f32 v35, v41;
	v36 =	vld.idx.msk [tilespmem:v59+s4+$0x0], $0xffff  }
0x396: {  	v50 =	vmul.f32 v55, v41;
	v34 =	vmul.f32 v58, v41;
	v39 =	vld.idx.msk [tilespmem:v62+s4+$0x0], $0xffff;
	v57 =	vadd.s32 $0x62, v18  }
0x397: {  	v35 =	vmul.f32 v61, v41;
	v58 =	vld.idx.msk [tilespmem:v49+s4+$0x0], $0xffff;
	v59 =	vadd.s32 $0x63, v18;
	v2 =	vadd.f32 v60, v2  }
0x398: {  	v61 =	vadd.s32 $0x64, v18;
	v10 =	vadd.f32 v48, v10;
	v9 =	vadd.f32 v50, v9;
	v60 =	vld.idx.msk [tilespmem:v52+s4+$0x0], $0xffff  }
0x399: {  	v49 =	vadd.s32 $0x66, v18;
	v55 =	vmul.f32 v40, v41;
	[tilespmem:v38+s0+$0x0] =	vst.idx.msk $0xffff, v26;
	v26 =	vor.u32 $0xE, v24;
	v63 =	vld.idx.msk [tilespmem:v54+s4+$0x0], $0xffff  }
0x39a: {  	v11 =	vadd.f32 v34, v11;
	v62 =	vmul.f32 v51, v41;
	v48 =	vadd.s32 $0x65, v18;
	v40 =	vld.idx.msk [tilespmem:v56+s4+$0x0], $0xffff  }
0x39b: {  	v5 =	vadd.f32 v35, v5;
	v51 =	vadd.s32 $0x67, v18;
	v56 =	vadd.s32 $0x6A, v18;
	[tilespmem:v30+s0+$0x0] =	vst.idx.msk $0xffff, v23;
	v50 =	vld.idx.msk [tilespmem:v57+s4+$0x0], $0xffff  }
0x39c: {  	v23 =	vor.u32 $0xF, v24;
	v3 =	vadd.f32 v55, v3;
	v12 =	vadd.f32 v62, v12;
	v52 =	vld.idx.msk [tilespmem:v59+s4+$0x0], $0xffff  }
0x39d: {  	v55 =	vadd.s32 $0x69, v18;
	v62 =	vadd.s32 $0x6D, v18;
	v33 =	vmul.f32 v53, v41;
	v35 =	vld.idx.msk [tilespmem:v61+s4+$0x0], $0xffff  }
0x39e: {  	v36 =	vmul.f32 v36, v41;
	v53 =	vadd.s32 $0x68, v18;
	v54 =	vmul.f32 v39, v41;
	v57 =	vld.idx.msk [tilespmem:v49+s4+$0x0], $0xffff  }
0x39f: {  	v14 =	vmul.f32 v58, v41;
	v58 =	vadd.s32 $0x6B, v18;
	v15 =	vadd.f32 v33, v15;
	v37 =	vld.idx.msk [tilespmem:v48+s4+$0x0], $0xffff  }
0x3a0: {  	v17 =	vadd.f32 v36, v17;
	v34 =	vmul.f32 v60, v41;
	v6 =	vadd.f32 v54, v6;
	v59 =	vld.idx.msk [tilespmem:v51+s4+$0x0], $0xffff  }
0x3a1: {  	v31 =	vmul.f32 v63, v32;
	v60 =	vadd.s32 $0x6C, v18;
	v61 =	vmul.f32 v40, v32;
	v49 =	vld.idx.msk [tilespmem:v56+s4+$0x0], $0xffff  }
0x3a2: {  	v13 =	vadd.f32 v14, v13;
	v63 =	vadd.s32 $0x6E, v18;
	v14 =	vadd.f32 v34, v16;
	v39 =	vld.idx.msk [tilespmem:v55+s4+$0x0], $0xffff  }
0x3a3: {  	v54 =	vadd.s32 $0x191, v18;
	v7 =	vadd.f32 v31, v7;
	v8 =	vadd.f32 v61, v8;
	v40 =	vld.idx.msk [tilespmem:v62+s4+$0x0], $0xffff  }
0x3a4: {  	v55 =	vadd.s32 $0x192, v18;
	v36 =	vld.idx.msk [tilespmem:v53+s4+$0x0], $0xffff;
	v42 =	vmul.f32 v50, v32;
	v50 =	vadd.s32 $0x6F, v18  }
0x3a5: {  	v33 =	vmul.f32 v52, v32;
	v48 =	vmul.f32 v35, v32;
	v51 =	vld.idx.msk [tilespmem:v58+s4+$0x0], $0xffff;
	v52 =	vadd.s32 $0x190, v18  }
0x3a6: {  	v38 =	vmul.f32 v57, v32;
	v58 =	vadd.s32 $0x193, v18;
	v1 =	vadd.f32 v42, v1;
	v34 =	vld.idx.msk [tilespmem:v60+s4+$0x0], $0xffff  }
0x3a7: {  	v2 =	vadd.f32 v33, v2;
	v4 =	vadd.f32 v48, v4;
	v53 =	vmul.f32 v37, v32;
	v57 =	vld.idx.msk [tilespmem:v63+s4+$0x0], $0xffff  }
0x3a8: {  	v16 =	vmul.f32 v59, v32;
	v9 =	vadd.f32 v38, v9;
	v60 =	vadd.s32 $0x194, v18;
	v37 =	vld.idx.msk [tilespmem:v54+s4+$0x0], $0xffff  }
0x3a9: {  	v63 =	vadd.s32 $0x195, v18;
	v35 =	vmul.f32 v49, v32;
	v48 =	vadd.s32 $0x196, v18;
	v59 =	vld.idx.msk [tilespmem:v50+s4+$0x0], $0xffff  }
0x3aa: {  	v10 =	vadd.f32 v53, v10;
	v3 =	vadd.f32 v16, v3;
	v61 =	vmul.f32 v39, v32;
	v62 =	vld.idx.msk [tilespmem:v52+s4+$0x0], $0xffff  }
0x3ab: {  	v12 =	vadd.f32 v35, v12;
	v53 =	vadd.s32 $0x198, v18;
	v40 =	vmul.f32 v40, v32;
	v50 =	vld.idx.msk [tilespmem:v55+s4+$0x0], $0xffff  }
0x3ac: {  	v56 =	vmul.f32 v36, v32;
	v33 =	vmul.f32 v51, v32;
	v51 =	vadd.s32 $0x197, v18;
	v52 =	vld.idx.msk [tilespmem:v58+s4+$0x0], $0xffff  }
0x3ad: {  	v55 =	vadd.s32 $0x199, v18;
	v58 =	vadd.s32 $0x19B, v18;
	v5 =	vadd.f32 v61, v5;
	v54 =	vld.idx.msk [tilespmem:v60+s4+$0x0], $0xffff  }
0x3ae: {  	v6 =	vadd.f32 v40, v6;
	v11 =	vadd.f32 v56, v11;
	v49 =	vmul.f32 v34, v32;
	v41 =	vld.idx.msk [tilespmem:v63+s4+$0x0], $0xffff  }
0x3af: {  	v15 =	vadd.f32 v33, v15;
	v36 =	vmul.f32 v57, v32;
	v57 =	vld.idx.msk [tilespmem:v48+s4+$0x0], $0xffff;
	v37 =	vmul.f32 v37, v27  }
0x3b0: {  	v56 =	vadd.s32 $0x19A, v18;
	v60 =	vadd.s32 $0x19C, v18;
	v17 =	vadd.f32 v49, v17;
	v35 =	vld.idx.msk [tilespmem:v53+s4+$0x0], $0xffff  }
0x3b1: {  	v63 =	vadd.s32 $0x19E, v18;
	v13 =	vadd.f32 v36, v13;
	v8 =	vadd.f32 v37, v8;
	v37 =	vld.idx.msk [tilespmem:v47+s4+$0x0], $0xffff  }
0x3b2: {  	v16 =	vmul.f32 v59, v32;
	v59 =	vld.idx.msk [tilespmem:v51+s4+$0x0], $0xffff;
	v61 =	vmul.f32 v62, v27;
	v62 =	vadd.s32 $0x19D, v18  }
0x3b3: {  	v34 =	vmul.f32 v50, v27;
	v38 =	vld.idx.msk [tilespmem:v55+s4+$0x0], $0xffff;
	v48 =	vmul.f32 v52, v27;
	v50 =	vadd.s32 $0x19F, v18  }
0x3b4: {  	v51 =	vld.idx.msk [tilespmem:v58+s4+$0x0], $0xffff;
	v52 =	vadd.s32 $0x1A0, v18;
	v55 =	vadd.s32 $0x1A1, v18;
	v14 =	vadd.f32 v16, v14  }
0x3b5: {  	v7 =	vadd.f32 v61, v7;
	v49 =	vld.idx.msk [tilespmem:v56+s4+$0x0], $0xffff;
	v1 =	vadd.f32 v34, v1;
	v53 =	vmul.f32 v54, v27  }
0x3b6: {  	v2 =	vadd.f32 v48, v2;
	v54 =	vld.idx.msk [tilespmem:v60+s4+$0x0], $0xffff;
	v41 =	vmul.f32 v41, v27;
	v32 =	vmul.f32 v57, v27  }
0x3b7: {  	v56 =	vadd.s32 $0x1A2, v18;
	v58 =	vld.idx.msk [tilespmem:v63+s4+$0x0], $0xffff;
	v61 =	vadd.s32 $0x1A4, v18;
	v4 =	vadd.f32 v53, v4  }
0x3b8: {  	v48 =	vadd.s32 $0x1A6, v18;
	v10 =	vadd.f32 v41, v10;
	v9 =	vadd.f32 v32, v9;
	v39 =	vld.idx.msk [tilespmem:v62+s4+$0x0], $0xffff  }
0x3b9: {  	v37 =	vmul.f32 v37, v25;
	v57 =	vmul.f32 v59, v27;
	v59 =	vadd.s32 $0x1A3, v18;
	v60 =	vld.idx.msk [tilespmem:v50+s4+$0x0], $0xffff  }
0x3ba: {  	v62 =	vmul.f32 v35, v27;
	v63 =	vld.idx.msk [tilespmem:v52+s4+$0x0], $0xffff;
	v38 =	vmul.f32 v38, v27;
	v52 =	vadd.s32 $0x1A8, v18  }
0x3bb: {  	v40 =	vld.idx.msk [tilespmem:v55+s4+$0x0], $0xffff;
	v55 =	vadd.s32 $0x1AA, v18;
	v10 =	vadd.f32 v37, v10;
	v3 =	vadd.f32 v57, v3  }
0x3bc: {  	v33 =	vmul.f32 v49, v27;
	v11 =	vadd.f32 v62, v11;
	v49 =	vmul.f32 v51, v27;
	v50 =	vld.idx.msk [tilespmem:v56+s4+$0x0], $0xffff  }
0x3bd: {  	v51 =	vadd.s32 $0x1A7, v18;
	v5 =	vadd.f32 v38, v5;
	v53 =	vmul.f32 v54, v27;
	v31 =	vld.idx.msk [tilespmem:v61+s4+$0x0], $0xffff  }
0x3be: {  	v54 =	vadd.s32 $0x1A9, v18;
	v56 =	vmul.f32 v58, v27;
	v57 =	vld.idx.msk [tilespmem:v48+s4+$0x0], $0xffff;
	v58 =	vadd.s32 $0x1AB, v18  }
0x3bf: {  	v61 =	vadd.s32 $0x1AD, v18;
	v12 =	vadd.f32 v33, v12;
	v15 =	vadd.f32 v49, v15;
	v33 =	vld.idx.msk [tilespmem:v59+s4+$0x0], $0xffff  }
0x3c0: {  	v16 =	vadd.f32 v53, v17;
	v39 =	vmul.f32 v39, v27;
	v60 =	vmul.f32 v60, v27;
	v27 =	vld.idx.msk [tilespmem:v52+s4+$0x0], $0xffff  }
0x3c1: {  	v13 =	vadd.f32 v56, v13;
	v56 =	vadd.s32 $0x1E2, v18;
	v59 =	vadd.s32 $0x1AC, v18;
	v49 =	vld.idx.msk [tilespmem:v55+s4+$0x0], $0xffff  }
0x3c2: {  	v35 =	vmul.f32 v63, v25;
	v62 =	vmul.f32 v40, v25;
	v6 =	vadd.f32 v39, v6;
	v39 =	vld.idx.msk [tilespmem:v51+s4+$0x0], $0xffff  }
0x3c3: {  	v63 =	vadd.s32 $0x1AE, v18;
	v52 =	vadd.s32 $0x1E0, v18;
	v55 =	vadd.s32 $0x1E1, v18;
	v40 =	vld.idx.msk [tilespmem:v54+s4+$0x0], $0xffff  }
0x3c4: {  	v14 =	vadd.f32 v60, v14;
	v48 =	vmul.f32 v50, v25;
	v50 =	vadd.s32 $0x1AF, v18;
	v51 =	vld.idx.msk [tilespmem:v58+s4+$0x0], $0xffff  }
0x3c5: {  	v7 =	vadd.f32 v35, v7;
	v8 =	vadd.f32 v62, v8;
	v31 =	vmul.f32 v31, v25;
	v32 =	vld.idx.msk [tilespmem:v61+s4+$0x0], $0xffff  }
0x3c6: {  	v57 =	vmul.f32 v57, v25;
	v58 =	vadd.s32 $0x1E3, v18;
	v60 =	vadd.s32 $0x1E4, v18;
	v34 =	vld.idx.msk [tilespmem:v56+s4+$0x0], $0xffff  }
0x3c7: {  	v62 =	vadd.s32 $0x1E5, v18;
	v1 =	vadd.f32 v48, v1;
	v4 =	vadd.f32 v31, v4;
	v31 =	vld.idx.msk [tilespmem:v46+s4+$0x0], $0xffff  }
0x3c8: {  	v9 =	vadd.f32 v57, v9;
	v48 =	vadd.s32 $0x1E7, v18;
	v57 =	vadd.s32 $0x1EC, v18;
	v54 =	vld.idx.msk [tilespmem:v59+s4+$0x0], $0xffff  }
0x3c9: {  	v46 =	vadd.s32 $0x1FA, v18;
	v53 =	vmul.f32 v33, v25;
	v36 =	vld.idx.msk [tilespmem:v63+s4+$0x0], $0xffff;
	v27 =	vmul.f32 v27, v25  }
0x3ca: {  	v38 =	vld.idx.msk [tilespmem:v52+s4+$0x0], $0xffff;
	v63 =	vadd.s32 $0x1E6, v18;
	v47 =	vmul.f32 v49, v25;
	v49 =	vadd.s32 $0x1E8, v18  }
0x3cb: {  	v42 =	vld.idx.msk [tilespmem:v55+s4+$0x0], $0xffff;
	v52 =	vadd.s32 $0x1E9, v18;
	v55 =	vadd.s32 $0x1EB, v18;
	v2 =	vadd.f32 v53, v2  }
0x3cc: {  	v59 =	vld.idx.msk [tilespmem:v50+s4+$0x0], $0xffff;
	v61 =	vmul.f32 v39, v25;
	v40 =	vmul.f32 v40, v25;
	v11 =	vadd.f32 v27, v11  }
0x3cd: {  	v27 =	vld.idx.msk [tilespmem:v58+s4+$0x0], $0xffff;
	v12 =	vadd.f32 v47, v12;
	v50 =	vmul.f32 v51, v25;
	v32 =	vmul.f32 v32, v25  }
0x3ce: {  	v51 =	vld.idx.msk [tilespmem:v60+s4+$0x0], $0xffff;
	v53 =	vadd.s32 $0x1EA, v18;
	v58 =	vadd.s32 $0x1ED, v18;
	v60 =	vadd.s32 $0x1EE, v18  }
0x3cf: {  	v39 =	vld.idx.msk [tilespmem:v62+s4+$0x0], $0xffff;
	v62 =	vadd.s32 $0x1EF, v18;
	v3 =	vadd.f32 v61, v3;
	v5 =	vadd.f32 v40, v5  }
0x3d0: {  	v15 =	vadd.f32 v50, v15;
	v6 =	vadd.f32 v32, v6;
	v56 =	vld.idx.msk [tilespmem:v48+s4+$0x0], $0xffff;
	v48 =	vadd.s32 $0x1F1, v18  }
0x3d1: {  	v50 =	vadd.s32 $0x1F2, v18;
	v33 =	vmul.f32 v54, v25;
	v54 =	vmul.f32 v21, v28;
	v28 =	vld.idx.msk [tilespmem:v63+s4+$0x0], $0xffff  }
0x3d2: {  	v36 =	vmul.f32 v36, v25;
	v45 =	vld.idx.msk [tilespmem:v55+s4+$0x0], $0xffff;
	v55 =	vadd.s32 $0x1F5, v18;
	v21 =	vmul.f32 v21, v29  }
0x3d3: {  	v40 =	vld.idx.msk [tilespmem:v49+s4+$0x0], $0xffff;
	v16 =	vadd.f32 v33, v16;
	v17 =	vmul.f32 v54, v19;
	v59 =	vmul.f32 v59, v25  }
0x3d4: {  	v25 =	vld.idx.msk [tilespmem:v52+s4+$0x0], $0xffff;
	v13 =	vadd.f32 v36, v13;
	v52 =	vadd.s32 $0x1F3, v18;
	v19 =	vmul.f32 v21, v19  }
0x3d5: {  	v36 =	vld.idx.msk [tilespmem:v53+s4+$0x0], $0xffff;
	v54 =	vadd.s32 $0x1F4, v18;
	v61 =	vmul.f32 v38, v17;
	v63 =	vmul.f32 v42, v17  }
0x3d6: {  	v33 =	vld.idx.msk [tilespmem:v57+s4+$0x0], $0xffff;
	v57 =	vadd.s32 $0x1F6, v18;
	v47 =	vmul.f32 v34, v17;
	v49 =	vmul.f32 v27, v17  }
0x3d7: {  	v30 =	vld.idx.msk [tilespmem:v60+s4+$0x0], $0xffff;
	v14 =	vadd.f32 v59, v14;
	v51 =	vmul.f32 v51, v17;
	v53 =	vmul.f32 v39, v17  }
0x3d8: {  	v37 =	vld.idx.msk [tilespmem:v62+s4+$0x0], $0xffff;
	v56 =	vmul.f32 v56, v17;
	v59 =	vadd.s32 $0x1F7, v18;
	v7 =	vadd.f32 v61, v7  }
0x3d9: {  	v27 =	vld.idx.msk [tilespmem:v58+s4+$0x0], $0xffff;
	v28 =	vmul.f32 v28, v17;
	v8 =	vadd.f32 v63, v8;
	v1 =	vadd.f32 v47, v1  }
0x3da: {  	v32 =	vld.idx.msk [tilespmem:v48+s4+$0x0], $0xffff;
	v58 =	vmul.f32 v40, v17;
	v2 =	vadd.f32 v49, v2;
	v4 =	vadd.f32 v51, v4  }
0x3db: {  	v40 =	vld.idx.msk [tilespmem:v50+s4+$0x0], $0xffff;
	v44 =	vmul.f32 v45, v17;
	v10 =	vadd.f32 v53, v10;
	v3 =	vadd.f32 v56, v3  }
0x3dc: {  	v45 =	vld.idx.msk [tilespmem:v55+s4+$0x0], $0xffff;
	v61 =	vadd.s32 $0x1F8, v18;
	v63 =	vadd.s32 $0x1F9, v18;
	v49 =	vadd.s32 $0x1FB, v18  }
0x3dd: {  	v51 =	vadd.s32 $0x1FC, v18;
	v56 =	vadd.s32 $0x1FE, v18;
	v60 =	vmul.f32 v25, v17;
	v25 =	vld.idx.msk [tilespmem:v52+s4+$0x0], $0xffff  }
0x3de: {  	s22 =	sadd.s32 $0x10, s13;
	v9 =	vadd.f32 v28, v9;
	v11 =	vadd.f32 v58, v11;
	v62 =	vmul.f32 v36, v17;
	v36 =	vld.idx.msk [tilespmem:v54+s4+$0x0], $0xffff  }
0x3df: {  	v47 =	vmul.f32 v33, v17;
	v48 =	vld.idx.msk [tilespmem:v57+s4+$0x0], $0xffff;
	v15 =	vadd.f32 v44, v15;
	v52 =	vmov s22  }
0x3e0: {  	[tilespmem:v26+s0+$0x0] =	vst.idx.msk $0xffff, v20;
	v54 =	vadd.s32 $0x1FD, v18;
	v57 =	vmul.f32 v30, v17;
	v58 =	vld.idx.msk [tilespmem:v46+s4+$0x0], $0xffff;
	v18 =	vadd.s32 $0x1FF, v18  }
0x3e1: {  	v20 =	vshll.u32 v52, $0x4;
	v5 =	vadd.f32 v60, v5;
	v12 =	vadd.f32 v62, v12;
	v50 =	vld.idx.msk [tilespmem:v59+s4+$0x0], $0xffff  }
0x3e2: {  	v16 =	vadd.f32 v47, v16;
	v27 =	vmul.f32 v27, v17;
	v17 =	vmul.f32 v37, v17;
	v53 =	vld.idx.msk [tilespmem:v61+s4+$0x0], $0xffff  }
0x3e3: {  	v20 =	vor.u32 v0, v20;
	v13 =	vadd.f32 v57, v13;
	v60 =	vmul.f32 v31, v19;
	v55 =	vld.idx.msk [tilespmem:v63+s4+$0x0], $0xffff  }
0x3e4: {  	v62 =	vmul.f32 v32, v19;
	v37 =	vmul.f32 v40, v19;
	v59 =	vld.idx.msk [tilespmem:v49+s4+$0x0], $0xffff;
	v61 =	vor.u32 $0x1, v20  }
0x3e5: {  	[tilespmem:v23+s0+$0x0] =	vst.idx.msk $0xffff, v22;
	v40 =	vor.u32 $0x3, v20;
	v42 =	vor.u32 $0x4, v20;
	v29 =	vld.idx.msk [tilespmem:v51+s4+$0x0], $0xffff;
	v63 =	vor.u32 $0x2, v20  }
0x3e6: {  	v44 =	vor.u32 $0x5, v20;
	v45 =	vmul.f32 v45, v19;
	v7 =	vadd.f32 v60, v7;
	v39 =	vld.idx.msk [tilespmem:v56+s4+$0x0], $0xffff  }
0x3e7: {  	v6 =	vadd.f32 v27, v6;
	v8 =	vadd.f32 v62, v8;
	v28 =	vld.idx.msk [tilespmem:v54+s4+$0x0], $0xffff;
	v41 =	vmul.f32 v25, v19  }
0x3e8: {  	v18 =	vld.idx.msk [tilespmem:v18+s4+$0x0], $0xffff;
	v1 =	vadd.f32 v37, v1;
	v43 =	vmul.f32 v36, v19;
	[tilespmem:v20+s0+$0x0] =	vst.idx.msk $0xffff, v7  }
0x3e9: {  	v46 =	vor.u32 $0x6, v20;
	v14 =	vadd.f32 v17, v14;
	v2 =	vadd.f32 v41, v2;
	[tilespmem:v61+s0+$0x0] =	vst.idx.msk $0xffff, v8  }
0x3ea: {  	v47 =	vmul.f32 v48, v19;
	v48 =	vor.u32 $0x7, v20;
	[tilespmem:v63+s0+$0x0] =	vst.idx.msk $0xffff, v1;
	v1 =	vadd.f32 v43, v4  }
0x3eb: {  	v49 =	vmul.f32 v50, v19;
	v50 =	vor.u32 $0x8, v20;
	[tilespmem:v40+s0+$0x0] =	vst.idx.msk $0xffff, v2;
	v2 =	vadd.f32 v45, v10  }
0x3ec: {  	v51 =	vmul.f32 v53, v19;
	v4 =	vadd.f32 v47, v9;
	[tilespmem:v42+s0+$0x0] =	vst.idx.msk $0xffff, v1;
	v1 =	vor.u32 $0x9, v20  }
0x3ed: {  	v3 =	vadd.f32 v49, v3;
	v52 =	vmul.f32 v55, v19;
	[tilespmem:v44+s0+$0x0] =	vst.idx.msk $0xffff, v2;
	v2 =	vor.u32 $0xA, v20  }
0x3ee: {  	v54 =	vmul.f32 v58, v19;
	v55 =	vor.u32 $0xB, v20;
	v53 =	vadd.f32 v51, v11;
	[tilespmem:v46+s0+$0x0] =	vst.idx.msk $0xffff, v4  }
0x3ef: {  	v56 =	vmul.f32 v59, v19;
	v5 =	vadd.f32 v52, v5;
	[tilespmem:v48+s0+$0x0] =	vst.idx.msk $0xffff, v3;
	v3 =	vor.u32 $0xC, v20  }
0x3f0: {  	v58 =	vor.u32 $0xD, v20;
	v57 =	vmul.f32 v29, v19;
	v9 =	vadd.f32 v54, v12;
	[tilespmem:v50+s0+$0x0] =	vst.idx.msk $0xffff, v53  }
0x3f1: {  	s12 =	sadd.s32 $0x2, s12;
	v59 =	vmul.f32 v28, v19;
	v8 =	vadd.f32 v56, v15;
	[tilespmem:v1+s0+$0x0] =	vst.idx.msk $0xffff, v5;
	v1 =	vor.u32 $0xE, v20  }
0x3f2: {  	p1 =	slt.u32 s12, $0x16;
	v61 =	vmul.f32 v39, v19;
	v60 =	vadd.f32 v57, v16;
	[tilespmem:v2+s0+$0x0] =	vst.idx.msk $0xffff, v9;
	v2 =	vor.u32 $0xF, v20  }
.Ltmp3:
0x3f3: {  	v62 =	vmul.f32 v18, v19;
	v6 =	vadd.f32 v59, v6;
	[tilespmem:v55+s0+$0x0] =	vst.idx.msk $0xffff, v8;
	(pc) =	sbr.rel @p1 .LBB2_9-.Ltmp3, $4  }
0x3f4: {  	v63 =	vadd.f32 v61, v13;
	[tilespmem:v3+s0+$0x0] =	vst.idx.msk $0xffff, v60  }
0x3f5: {  	v3 =	vadd.f32 v62, v14;
	[tilespmem:v58+s0+$0x0] =	vst.idx.msk $0xffff, v6  }
0x3f6: {  	s13 =	sadd.s32 $0x20, s13;
	[tilespmem:v1+s0+$0x0] =	vst.idx.msk $0xffff, v63  }
0x3f7: {  	s21 =	sadd.s32 $0x20, s21;
	s14 =	sadd.s32 $0x20, s14;
	s17 =	sadd.s32 $0x20, s17;
	[tilespmem:v2+s0+$0x0] =	vst.idx.msk $0xffff, v3  }
0x3f8: {  	v18 =	vld [tilespmem:$0x1120];
	_ =	sdelay $0x4  }
0x3f9: {  	v24 =	vld [tilespmem:$0x1760];
	v1 =	vadd.s32 $0x1, v18  }
0x3fa: {  	v25 =	vld [tilespmem:$0x18F0];
	v2 =	vadd.s32 $0x2, v18  }
0x3fb: {  	v20 =	vld [tilespmem:$0x1A80];
	v4 =	vadd.s32 $0x3, v18  }
0x3fc: {  	v19 =	vld [tilespmem:$0x1DA0];
	v5 =	vadd.s32 $0x4, v18  }
0x3fd: {  	v7 =	vadd.s32 $0x5, v18;
	v6 =	vld.idx.msk [tilespmem:v18+s4+$0x0], $0xffff  }
0x3fe: {  	v8 =	vadd.s32 $0x6, v18;
	v1 =	vld.idx.msk [tilespmem:v1+s4+$0x0], $0xffff  }
0x3ff: {  	v10 =	vadd.s32 $0x7, v18;
	v2 =	vld.idx.msk [tilespmem:v2+s4+$0x0], $0xffff  }
0x400: {  	v11 =	vadd.s32 $0x8, v18;
	v4 =	vld.idx.msk [tilespmem:v4+s4+$0x0], $0xffff  }
0x401: {  	v12 =	vadd.s32 $0x9, v18;
	v5 =	vld.idx.msk [tilespmem:v5+s4+$0x0], $0xffff  }
0x402: {  	v13 =	vadd.s32 $0xA, v18;
	v7 =	vld.idx.msk [tilespmem:v7+s4+$0x0], $0xffff  }
0x403: {  	v14 =	vadd.s32 $0xB, v18;
	v8 =	vld.idx.msk [tilespmem:v8+s4+$0x0], $0xffff  }
0x404: {  	v15 =	vadd.s32 $0xC, v18;
	v10 =	vld.idx.msk [tilespmem:v10+s4+$0x0], $0xffff  }
0x405: {  	v16 =	vadd.s32 $0xD, v18;
	v11 =	vld.idx.msk [tilespmem:v11+s4+$0x0], $0xffff  }
0x406: {  	v17 =	vadd.s32 $0xE, v18;
	v12 =	vld.idx.msk [tilespmem:v12+s4+$0x0], $0xffff  }
0x407: {  	v22 =	vsub.f32 $1.000000000e+00, v24;
	v21 =	vadd.s32 $0xF, v18;
	v13 =	vld.idx.msk [tilespmem:v13+s4+$0x0], $0xffff  }
0x408: {  	v3 =	vsub.f32 $1.000000000e+00, v25;
	v26 =	vsub.f32 $1.000000000e+00, v20;
	v27 =	vadd.s32 $0x10, v18;
	v14 =	vld.idx.msk [tilespmem:v14+s4+$0x0], $0xffff  }
0x409: {  	v28 =	vadd.s32 $0x11, v18;
	v29 =	vadd.s32 $0x12, v18;
	v30 =	vadd.s32 $0x13, v18;
	v15 =	vld.idx.msk [tilespmem:v15+s4+$0x0], $0xffff  }
0x40a: {  	v32 =	vadd.s32 $0x14, v18;
	v33 =	vadd.s32 $0x15, v18;
	v34 =	vadd.s32 $0x16, v18;
	v16 =	vld.idx.msk [tilespmem:v16+s4+$0x0], $0xffff  }
0x40b: {  	v49 =	vadd.s32 $0x17, v18;
	v35 =	vadd.s32 $0x18, v18;
	v37 =	vadd.s32 $0x19, v18;
	v17 =	vld.idx.msk [tilespmem:v17+s4+$0x0], $0xffff  }
0x40c: {  	v38 =	vadd.s32 $0x1A, v18;
	v39 =	vadd.s32 $0x1B, v18;
	v23 =	vmul.f32 v3, v22;
	v31 =	vld.idx.msk [tilespmem:v21+s4+$0x0], $0xffff  }
0x40d: {  	v50 =	vadd.s32 $0x1C, v18;
	v40 =	vadd.s32 $0x1D, v18;
	v41 =	vadd.s32 $0x1E, v18;
	v27 =	vld.idx.msk [tilespmem:v27+s4+$0x0], $0xffff  }
0x40e: {  	v52 =	vadd.s32 $0x1F, v18;
	v22 =	vmul.f32 v25, v22;
	v9 =	vmul.f32 v26, v23;
	v28 =	vld.idx.msk [tilespmem:v28+s4+$0x0], $0xffff  }
0x40f: {  	v54 =	vadd.s32 $0x50, v18;
	v23 =	vmul.f32 v23, v20;
	v21 =	vmul.f32 v3, v24;
	v3 =	vld.idx.msk [tilespmem:v29+s4+$0x0], $0xffff  }
0x410: {  	v55 =	vadd.s32 $0x51, v18;
	v42 =	vmul.f32 v26, v22;
	v30 =	vld.idx.msk [tilespmem:v30+s4+$0x0], $0xffff;
	v24 =	vmul.f32 v25, v24  }
0x411: {  	v58 =	vadd.s32 $0x52, v18;
	v32 =	vld.idx.msk [tilespmem:v32+s4+$0x0], $0xffff;
	v9 =	vmul.f32 v9, v19;
	v23 =	vmul.f32 v23, v19  }
0x412: {  	v60 =	vadd.s32 $0x53, v18;
	v33 =	vld.idx.msk [tilespmem:v33+s4+$0x0], $0xffff;
	v36 =	vmul.f32 v26, v21;
	v26 =	vmul.f32 v26, v24  }
0x413: {  	v62 =	vadd.s32 $0x54, v18;
	v34 =	vld.idx.msk [tilespmem:v34+s4+$0x0], $0xffff;
	v21 =	vmul.f32 v21, v20;
	v6 =	vmul.f32 v9, v6  }
0x414: {  	v63 =	vadd.s32 $0x55, v18;
	v29 =	vld.idx.msk [tilespmem:v49+s4+$0x0], $0xffff;
	v36 =	vmul.f32 v36, v19;
	v26 =	vmul.f32 v26, v19  }
0x415: {  	v46 =	vadd.s32 $0x56, v18;
	v37 =	vld.idx.msk [tilespmem:v37+s4+$0x0], $0xffff;
	v21 =	vmul.f32 v21, v19;
	v1 =	vmul.f32 v9, v1  }
0x416: {  	v48 =	vadd.s32 $0x57, v18;
	v51 =	vld.idx.msk [tilespmem:v38+s4+$0x0], $0xffff;
	v2 =	vmul.f32 v9, v2;
	v4 =	vmul.f32 v4, v9  }
0x417: {  	v43 =	vadd.s32 $0x5A, v18;
	v59 =	vld.idx.msk [tilespmem:v41+s4+$0x0], $0xffff;
	v5 =	vmul.f32 v5, v9;
	v7 =	vmul.f32 v7, v9  }
0x418: {  	v38 =	vld.idx.msk [tilespmem:v54+s4+$0x0], $0xffff;
	v54 =	vadd.s32 $0x5C, v18;
	v8 =	vmul.f32 v8, v9;
	v10 =	vmul.f32 v10, v9  }
0x419: {  	v45 =	vld.idx.msk [tilespmem:v55+s4+$0x0], $0xffff;
	v55 =	vadd.s32 $0x5D, v18;
	v11 =	vmul.f32 v11, v9;
	v12 =	vmul.f32 v12, v9  }
0x41a: {  	v47 =	vld.idx.msk [tilespmem:v58+s4+$0x0], $0xffff;
	v58 =	vadd.s32 $0x5F, v18;
	v13 =	vmul.f32 v13, v9;
	v14 =	vmul.f32 v14, v9  }
0x41b: {  	v49 =	vld.idx.msk [tilespmem:v60+s4+$0x0], $0xffff;
	v60 =	vadd.s32 $0x60, v18;
	v15 =	vmul.f32 v15, v9;
	v16 =	vmul.f32 v16, v9  }
0x41c: {  	v41 =	vld.idx.msk [tilespmem:v63+s4+$0x0], $0xffff;
	v63 =	vadd.s32 $0x62, v18;
	v17 =	vmul.f32 v17, v9;
	v9 =	vmul.f32 v31, v9  }
0x41d: {  	v57 =	vld.idx.msk [tilespmem:v40+s4+$0x0], $0xffff;
	v6 =	vadd.f32 $0.0e+00, v6;
	v28 =	vmul.f32 v28, v36;
	v3 =	vmul.f32 v3, v36  }
0x41e: {  	v31 =	vld.idx.msk [tilespmem:v50+s4+$0x0], $0xffff;
	v50 =	vadd.s32 $0x58, v18;
	v33 =	vmul.f32 v33, v36;
	v56 =	vmul.f32 v34, v36  }
0x41f: {  	v35 =	vld.idx.msk [tilespmem:v35+s4+$0x0], $0xffff;
	v61 =	vmul.f32 v29, v36;
	v1 =	vadd.f32 $0.0e+00, v1;
	v2 =	vadd.f32 $0.0e+00, v2  }
0x420: {  	v53 =	vld.idx.msk [tilespmem:v39+s4+$0x0], $0xffff;
	v37 =	vmul.f32 v37, v36;
	v4 =	vadd.f32 $0.0e+00, v4;
	v5 =	vadd.f32 $0.0e+00, v5  }
0x421: {  	v44 =	vmul.f32 v51, v36;
	v29 =	vld.idx.msk [tilespmem:v62+s4+$0x0], $0xffff;
	v7 =	vadd.f32 $0.0e+00, v7;
	v8 =	vadd.f32 $0.0e+00, v8  }
0x422: {  	v34 =	vmul.f32 v57, v36;
	v57 =	vld.idx.msk [tilespmem:v43+s4+$0x0], $0xffff;
	v10 =	vadd.f32 $0.0e+00, v10;
	v11 =	vadd.f32 $0.0e+00, v11  }
0x423: {  	v51 =	vadd.s32 $0x59, v18;
	v12 =	vadd.f32 $0.0e+00, v12;
	v1 =	vadd.f32 v28, v1;
	v28 =	vld.idx.msk [tilespmem:v52+s4+$0x0], $0xffff  }
0x424: {  	v35 =	vmul.f32 v35, v36;
	v15 =	vadd.f32 $0.0e+00, v15;
	v16 =	vadd.f32 $0.0e+00, v16;
	v52 =	vld.idx.msk [tilespmem:v46+s4+$0x0], $0xffff  }
0x425: {  	v62 =	vadd.s32 $0x61, v18;
	v2 =	vadd.f32 v3, v2;
	v12 =	vadd.f32 v37, v12;
	v37 =	vld.idx.msk [tilespmem:v48+s4+$0x0], $0xffff  }
0x426: {  	v3 =	vmul.f32 v30, v36;
	v16 =	vadd.f32 v34, v16;
	v34 =	vmul.f32 v42, v19;
	v42 =	vld [tilespmem:$0x1FF10]  }
0x427: {  	v27 =	vmul.f32 v27, v36;
	v7 =	vadd.f32 v33, v7;
	v11 =	vadd.f32 v35, v11;
	v33 =	vld.idx.msk [tilespmem:v50+s4+$0x0], $0xffff  }
0x428: {  	v30 =	vmul.f32 v53, v36;
	v53 =	vadd.s32 $0x5B, v18;
	v3 =	vadd.f32 v3, v4;
	v40 =	vld.idx.msk [tilespmem:v51+s4+$0x0], $0xffff  }
0x429: {  	v32 =	vmul.f32 v32, v36;
	v4 =	vadd.f32 v56, v8;
	v8 =	vadd.f32 v61, v10;
	v61 =	vld.idx.msk [tilespmem:v54+s4+$0x0], $0xffff  }
0x42a: {  	v46 =	vadd.s32 $0x63, v18;
	v31 =	vmul.f32 v31, v36;
	v35 =	vmul.f32 v47, v34;
	v47 =	vld.idx.msk [tilespmem:v58+s4+$0x0], $0xffff  }
0x42b: {  	v13 =	vadd.f32 $0.0e+00, v13;
	v14 =	vadd.f32 $0.0e+00, v14;
	v48 =	vadd.s32 $0x64, v18;
	v39 =	vld.idx.msk [tilespmem:v62+s4+$0x0], $0xffff  }
0x42c: {  	v17 =	vadd.f32 $0.0e+00, v17;
	v50 =	vadd.s32 $0x66, v18;
	v15 =	vadd.f32 v31, v15;
	v31 =	vld.idx.msk [tilespmem:v60+s4+$0x0], $0xffff  }
0x42d: {  	v5 =	vadd.f32 v32, v5;
	v32 =	vmul.f32 v59, v36;
	v56 =	vadd.s32 $0x5E, v18;
	v59 =	vld.idx.msk [tilespmem:v53+s4+$0x0], $0xffff  }
0x42e: {  	v10 =	vadd.f32 v44, v13;
	v14 =	vadd.f32 v30, v14;
	v28 =	vmul.f32 v28, v36;
	v36 =	vld.idx.msk [tilespmem:v55+s4+$0x0], $0xffff  }
0x42f: {  	v13 =	vmul.f32 v49, v34;
	v49 =	vadd.s32 $0x65, v18;
	v30 =	vmul.f32 v52, v34;
	v52 =	vld.idx.msk [tilespmem:v46+s4+$0x0], $0xffff  }
0x430: {  	v9 =	vadd.f32 $0.0e+00, v9;
	v6 =	vadd.f32 v27, v6;
	v51 =	vadd.s32 $0x67, v18;
	v54 =	vld.idx.msk [tilespmem:v48+s4+$0x0], $0xffff  }
0x431: {  	v38 =	vmul.f32 v38, v34;
	v27 =	vmul.f32 v45, v34;
	v62 =	vadd.s32 $0x6D, v18;
	v58 =	vld.idx.msk [tilespmem:v50+s4+$0x0], $0xffff  }
0x432: {  	v17 =	vadd.f32 v32, v17;
	v29 =	vmul.f32 v29, v34;
	v53 =	vadd.s32 $0x68, v18;
	v45 =	vld.idx.msk [tilespmem:v56+s4+$0x0], $0xffff  }
0x433: {  	v41 =	vmul.f32 v41, v34;
	v55 =	vadd.s32 $0x69, v18;
	v4 =	vadd.f32 v30, v4;
	v30 =	vld.idx.msk [tilespmem:v63+s4+$0x0], $0xffff  }
0x434: {  	v6 =	vadd.f32 v38, v6;
	v46 =	vadd.s32 $0x6F, v18;
	v38 =	vmul.f32 v61, v34;
	v56 =	vld.idx.msk [tilespmem:v49+s4+$0x0], $0xffff  }
0x435: {  	v44 =	vadd.s32 $0x199, v18;
	v1 =	vadd.f32 v27, v1;
	v48 =	vadd.s32 $0x190, v18;
	v60 =	vld.idx.msk [tilespmem:v51+s4+$0x0], $0xffff  }
0x436: {  	v2 =	vadd.f32 v35, v2;
	v50 =	vadd.s32 $0x191, v18;
	v15 =	vadd.f32 v38, v15;
	v38 =	vld.idx.msk [tilespmem:v62+s4+$0x0], $0xffff  }
0x437: {  	v9 =	vadd.f32 v28, v9;
	v28 =	vmul.f32 v57, v34;
	v57 =	vadd.s32 $0x6A, v18;
	v35 =	vld.idx.msk [tilespmem:v53+s4+$0x0], $0xffff  }
0x438: {  	v5 =	vadd.f32 v29, v5;
	v61 =	vadd.s32 $0x6C, v18;
	v29 =	vmul.f32 v47, v34;
	v32 =	vld.idx.msk [tilespmem:v55+s4+$0x0], $0xffff  }
0x439: {  	v37 =	vmul.f32 v37, v34;
	v63 =	vadd.s32 $0x6E, v18;
	v25 =	vmul.f32 v54, v26;
	v54 =	vld.idx.msk [tilespmem:v46+s4+$0x0], $0xffff  }
0x43a: {  	v3 =	vadd.f32 v13, v3;
	v33 =	vmul.f32 v33, v34;
	v9 =	vadd.f32 v29, v9;
	v29 =	vld.idx.msk [tilespmem:v48+s4+$0x0], $0xffff  }
0x43b: {  	v8 =	vadd.f32 v37, v8;
	v49 =	vmul.f32 v39, v26;
	v62 =	vadd.s32 $0x198, v18;
	v39 =	vld.idx.msk [tilespmem:v50+s4+$0x0], $0xffff  }
0x43c: {  	v27 =	vmul.f32 v59, v34;
	v59 =	vadd.s32 $0x6B, v18;
	v13 =	vmul.f32 v45, v34;
	v45 =	vld.idx.msk [tilespmem:v57+s4+$0x0], $0xffff  }
0x43d: {  	v51 =	vadd.s32 $0x192, v18;
	v11 =	vadd.f32 v33, v11;
	v33 =	vmul.f32 v52, v26;
	v37 =	vld.idx.msk [tilespmem:v61+s4+$0x0], $0xffff  }
0x43e: {  	v7 =	vadd.f32 v41, v7;
	v40 =	vmul.f32 v40, v34;
	v53 =	vadd.s32 $0x193, v18;
	v52 =	vld.idx.msk [tilespmem:v63+s4+$0x0], $0xffff  }
0x43f: {  	v31 =	vmul.f32 v31, v26;
	v55 =	vadd.s32 $0x194, v18;
	v3 =	vadd.f32 v33, v3;
	v33 =	vld.idx.msk [tilespmem:v44+s4+$0x0], $0xffff  }
0x440: {  	v12 =	vadd.f32 v40, v12;
	v46 =	vadd.s32 $0x19A, v18;
	v5 =	vadd.f32 v25, v5;
	v25 =	vld.idx.msk [tilespmem:v62+s4+$0x0], $0xffff  }
0x441: {  	v10 =	vadd.f32 v28, v10;
	v1 =	vadd.f32 v49, v1;
	v48 =	vadd.s32 $0x19B, v18;
	v47 =	vld.idx.msk [tilespmem:v59+s4+$0x0], $0xffff  }
0x442: {  	v36 =	vmul.f32 v36, v34;
	v57 =	vadd.s32 $0x195, v18;
	v59 =	vmul.f32 v35, v26;
	v35 =	vld.idx.msk [tilespmem:v51+s4+$0x0], $0xffff  }
0x443: {  	v14 =	vadd.f32 v27, v14;
	v27 =	vmul.f32 v60, v26;
	v60 =	vadd.s32 $0x197, v18;
	v61 =	vld.idx.msk [tilespmem:v53+s4+$0x0], $0xffff  }
0x444: {  	v28 =	vmul.f32 v58, v26;
	v58 =	vadd.s32 $0x196, v18;
	v63 =	vmul.f32 v32, v26;
	v32 =	vld.idx.msk [tilespmem:v55+s4+$0x0], $0xffff  }
0x445: {  	v6 =	vadd.f32 v31, v6;
	v50 =	vadd.s32 $0x19C, v18;
	v56 =	vmul.f32 v56, v26;
	v53 =	vld.idx.msk [tilespmem:v46+s4+$0x0], $0xffff  }
0x446: {  	v16 =	vadd.f32 v36, v16;
	v30 =	vmul.f32 v30, v26;
	v51 =	vadd.s32 $0x19D, v18;
	v55 =	vld.idx.msk [tilespmem:v48+s4+$0x0], $0xffff  }
0x447: {  	v13 =	vadd.f32 v13, v17;
	v7 =	vadd.f32 v56, v7;
	v56 =	vadd.s32 $0x1A0, v18;
	v36 =	vld.idx.msk [tilespmem:v57+s4+$0x0], $0xffff  }
0x448: {  	v11 =	vadd.f32 v59, v11;
	v49 =	vld.idx.msk [tilespmem:v60+s4+$0x0], $0xffff;
	v31 =	vmul.f32 v52, v26;
	v52 =	vadd.s32 $0x19E, v18  }
0x449: {  	v59 =	vadd.s32 $0x1A1, v18;
	v17 =	vmul.f32 v47, v26;
	v47 =	vmul.f32 v37, v26;
	v37 =	vld.idx.msk [tilespmem:v58+s4+$0x0], $0xffff  }
0x44a: {  	v4 =	vadd.f32 v28, v4;
	v45 =	vmul.f32 v45, v26;
	v60 =	vadd.s32 $0x1A2, v18;
	v58 =	vld.idx.msk [tilespmem:v50+s4+$0x0], $0xffff  }
0x44b: {  	v2 =	vadd.f32 v30, v2;
	v12 =	vadd.f32 v63, v12;
	v63 =	vadd.s32 $0x1A3, v18;
	v28 =	vld.idx.msk [tilespmem:v51+s4+$0x0], $0xffff  }
0x44c: {  	v10 =	vadd.f32 v45, v10;
	v45 =	vadd.s32 $0x1A4, v18;
	v46 =	vmul.f32 v32, v23;
	v32 =	vld.idx.msk [tilespmem:v56+s4+$0x0], $0xffff  }
0x44d: {  	v38 =	vmul.f32 v38, v26;
	v26 =	vmul.f32 v54, v26;
	v54 =	vadd.s32 $0x19F, v18;
	v62 =	vld.idx.msk [tilespmem:v52+s4+$0x0], $0xffff  }
0x44e: {  	v48 =	vadd.s32 $0x1A6, v18;
	v35 =	vmul.f32 v35, v23;
	v36 =	vmul.f32 v36, v23;
	v34 =	vld.idx.msk [tilespmem:v59+s4+$0x0], $0xffff  }
0x44f: {  	v50 =	vadd.s32 $0x1A8, v18;
	v51 =	vmul.f32 v25, v23;
	v9 =	vadd.f32 v26, v9;
	v26 =	vld.idx.msk [tilespmem:v60+s4+$0x0], $0xffff  }
0x450: {  	v15 =	vadd.f32 v47, v15;
	v47 =	vadd.s32 $0x1A5, v18;
	v7 =	vadd.f32 v36, v7;
	v36 =	vld.idx.msk [tilespmem:v63+s4+$0x0], $0xffff  }
0x451: {  	v14 =	vadd.f32 v17, v14;
	v17 =	vmul.f32 v49, v23;
	v49 =	vadd.s32 $0x1A7, v18;
	v25 =	vld.idx.msk [tilespmem:v45+s4+$0x0], $0xffff  }
0x452: {  	v39 =	vmul.f32 v39, v23;
	v2 =	vadd.f32 v35, v2;
	v52 =	vadd.s32 $0x1A9, v18;
	v35 =	vld.idx.msk [tilespmem:v54+s4+$0x0], $0xffff  }
0x453: {  	v30 =	vmul.f32 v53, v23;
	v53 =	vadd.s32 $0x1AA, v18;
	v54 =	vmul.f32 v55, v23;
	v55 =	vld.idx.msk [tilespmem:v48+s4+$0x0], $0xffff  }
0x454: {  	v16 =	vadd.f32 v38, v16;
	v57 =	vmul.f32 v29, v23;
	v56 =	vadd.s32 $0x1AB, v18;
	v29 =	vld.idx.msk [tilespmem:v50+s4+$0x0], $0xffff  }
0x455: {  	v33 =	vmul.f32 v33, v23;
	v1 =	vadd.f32 v39, v1;
	v60 =	vadd.s32 $0x1AE, v18;
	v38 =	vld.idx.msk [tilespmem:v47+s4+$0x0], $0xffff  }
0x456: {  	v61 =	vmul.f32 v61, v23;
	v10 =	vadd.f32 v30, v10;
	v63 =	vadd.s32 $0x1AF, v18;
	v30 =	vld.idx.msk [tilespmem:v49+s4+$0x0], $0xffff  }
0x457: {  	v6 =	vadd.f32 v57, v6;
	v45 =	vadd.s32 $0x1E0, v18;
	v28 =	vmul.f32 v28, v23;
	v39 =	vld.idx.msk [tilespmem:v52+s4+$0x0], $0xffff  }
0x458: {  	v57 =	vadd.s32 $0x1AC, v18;
	v3 =	vadd.f32 v61, v3;
	v61 =	vmul.f32 v62, v23;
	v62 =	vld.idx.msk [tilespmem:v53+s4+$0x0], $0xffff  }
0x459: {  	v59 =	vadd.s32 $0x1AD, v18;
	v32 =	vmul.f32 v32, v21;
	v16 =	vadd.f32 v28, v16;
	v28 =	vld.idx.msk [tilespmem:v56+s4+$0x0], $0xffff  }
0x45a: {  	v5 =	vadd.f32 v46, v5;
	v48 =	vadd.s32 $0x1E2, v18;
	v49 =	vmul.f32 v26, v21;
	v26 =	vld.idx.msk [tilespmem:v60+s4+$0x0], $0xffff  }
0x45b: {  	v11 =	vadd.f32 v51, v11;
	v50 =	vadd.s32 $0x1E3, v18;
	v6 =	vadd.f32 v32, v6;
	v32 =	vld.idx.msk [tilespmem:v63+s4+$0x0], $0xffff  }
0x45c: {  	v37 =	vmul.f32 v37, v23;
	v47 =	vadd.s32 $0x1E1, v18;
	v52 =	vmul.f32 v36, v21;
	v36 =	vld.idx.msk [tilespmem:v45+s4+$0x0], $0xffff  }
0x45d: {  	v51 =	vadd.s32 $0x1E4, v18;
	v58 =	vmul.f32 v58, v23;
	v46 =	vmul.f32 v35, v23;
	v23 =	vld.idx.msk [tilespmem:v57+s4+$0x0], $0xffff  }
0x45e: {  	v22 =	vmul.f32 v20, v22;
	v53 =	vadd.s32 $0x1E5, v18;
	v25 =	vmul.f32 v25, v21;
	v35 =	vld.idx.msk [tilespmem:v59+s4+$0x0], $0xffff  }
0x45f: {  	v13 =	vadd.f32 v31, v13;
	v14 =	vadd.f32 v54, v14;
	v54 =	vadd.s32 $0x1E6, v18;
	v31 =	vld.idx.msk [tilespmem:v48+s4+$0x0], $0xffff  }
0x460: {  	v22 =	vmul.f32 v22, v19;
	v56 =	vadd.s32 $0x1E7, v18;
	v5 =	vadd.f32 v25, v5;
	v25 =	vld.idx.msk [tilespmem:v50+s4+$0x0], $0xffff  }
0x461: {  	v8 =	vadd.f32 v27, v8;
	v12 =	vadd.f32 v33, v12;
	v63 =	vadd.s32 $0x1EC, v18;
	v33 =	vld.idx.msk [tilespmem:v47+s4+$0x0], $0xffff  }
0x462: {  	v15 =	vadd.f32 v58, v15;
	v57 =	vadd.s32 $0x1E8, v18;
	v58 =	vmul.f32 v30, v21;
	v30 =	vld.idx.msk [tilespmem:v51+s4+$0x0], $0xffff  }
0x463: {  	v34 =	vmul.f32 v34, v21;
	v59 =	vadd.s32 $0x1E9, v18;
	v29 =	vmul.f32 v29, v21;
	v40 =	vld.idx.msk [tilespmem:v53+s4+$0x0], $0xffff  }
0x464: {  	v8 =	vadd.f32 v17, v8;
	v60 =	vadd.s32 $0x1EA, v18;
	v13 =	vadd.f32 v61, v13;
	v27 =	vld.idx.msk [tilespmem:v54+s4+$0x0], $0xffff  }
0x465: {  	v1 =	vadd.f32 v34, v1;
	v50 =	vadd.s32 $0x1F0, v18;
	v11 =	vadd.f32 v29, v11;
	v29 =	vld.idx.msk [tilespmem:v56+s4+$0x0], $0xffff  }
0x466: {  	v3 =	vadd.f32 v52, v3;
	v52 =	vadd.s32 $0x1F1, v18;
	v51 =	vmul.f32 v26, v21;
	v26 =	vld.idx.msk [tilespmem:v63+s4+$0x0], $0xffff  }
0x467: {  	v61 =	vmul.f32 v62, v21;
	v62 =	vadd.s32 $0x1EB, v18;
	v45 =	vmul.f32 v28, v21;
	v28 =	vld.idx.msk [tilespmem:v57+s4+$0x0], $0xffff  }
0x468: {  	v2 =	vadd.f32 v49, v2;
	v9 =	vadd.f32 v46, v9;
	v46 =	vadd.s32 $0x1ED, v18;
	v34 =	vld.idx.msk [tilespmem:v59+s4+$0x0], $0xffff  }
0x469: {  	v49 =	vadd.s32 $0x1EF, v18;
	v47 =	vadd.s32 $0x1EE, v18;
	v48 =	vmul.f32 v35, v21;
	v35 =	vld.idx.msk [tilespmem:v60+s4+$0x0], $0xffff  }
0x46a: {  	v8 =	vadd.f32 v58, v8;
	v23 =	vmul.f32 v23, v21;
	v58 =	vmul.f32 v31, v22;
	v31 =	vld.idx.msk [tilespmem:v50+s4+$0x0], $0xffff  }
0x46b: {  	v4 =	vadd.f32 v37, v4;
	v55 =	vmul.f32 v55, v21;
	v54 =	vadd.s32 $0x1F2, v18;
	v37 =	vld.idx.msk [tilespmem:v52+s4+$0x0], $0xffff  }
0x46c: {  	v38 =	vmul.f32 v38, v21;
	v39 =	vmul.f32 v39, v21;
	v15 =	vadd.f32 v23, v15;
	v23 =	vld.idx.msk [tilespmem:v62+s4+$0x0], $0xffff  }
0x46d: {  	v56 =	vadd.s32 $0x1F3, v18;
	v53 =	vmul.f32 v36, v22;
	v21 =	vmul.f32 v32, v21;
	v36 =	vld.idx.msk [tilespmem:v46+s4+$0x0], $0xffff  }
0x46e: {  	v4 =	vadd.f32 v55, v4;
	v63 =	vadd.s32 $0x1F8, v18;
	v55 =	vmul.f32 v33, v22;
	v33 =	vld.idx.msk [tilespmem:v47+s4+$0x0], $0xffff  }
0x46f: {  	v14 =	vadd.f32 v45, v14;
	v45 =	vadd.s32 $0x1F9, v18;
	v9 =	vadd.f32 v21, v9;
	v21 =	vld.idx.msk [tilespmem:v49+s4+$0x0], $0xffff  }
0x470: {  	v7 =	vadd.f32 v38, v7;
	v25 =	vmul.f32 v25, v22;
	v38 =	vld.idx.msk [tilespmem:v54+s4+$0x0], $0xffff  }
0x471: {  	v10 =	vadd.f32 v61, v10;
	v61 =	vmul.f32 v40, v22;
	v40 =	vld [tilespmem:$0x1FF00]  }
0x472: {  	v57 =	vadd.s32 $0x1F4, v18;
	v3 =	vadd.f32 v25, v3;
	v25 =	vld.idx.msk [tilespmem:v56+s4+$0x0], $0xffff  }
0x473: {  	v59 =	vadd.s32 $0x1F5, v18;
	v44 =	vmul.f32 v27, v22;
	v54 =	vld.idx.msk [tilespmem:v63+s4+$0x0], $0xffff  }
0x474: {  	v60 =	vadd.s32 $0x1F6, v18;
	v32 =	vld.idx.msk [tilespmem:v45+s4+$0x0], $0xffff  }
0x475: {  	v50 =	vadd.s32 $0x1FB, v18;
	v4 =	vadd.f32 v44, v4;
	v44 =	vld [tilespmem:$0x1FF20]  }
0x476: {  	v52 =	vadd.s32 $0x1FC, v18;
	v45 =	vld [tilespmem:$0x1FF30]  }
0x477: {  	v62 =	vadd.s32 $0x1F7, v18;
	v27 =	vld.idx.msk [tilespmem:v57+s4+$0x0], $0xffff  }
0x478: {  	v47 =	vadd.s32 $0x1FA, v18;
	v46 =	vld.idx.msk [tilespmem:v59+s4+$0x0], $0xffff  }
0x479: {  	v6 =	vadd.f32 v53, v6;
	v53 =	vmul.f32 v20, v24;
	v29 =	vmul.f32 v29, v22;
	v49 =	vld.idx.msk [tilespmem:v60+s4+$0x0], $0xffff  }
0x47a: {  	v1 =	vadd.f32 v55, v1;
	v7 =	vadd.f32 v61, v7;
	v55 =	vadd.s32 $0x1FD, v18;
	v61 =	vld.idx.msk [tilespmem:v50+s4+$0x0], $0xffff  }
0x47b: {  	v17 =	vmul.f32 v53, v19;
	v8 =	vadd.f32 v29, v8;
	v57 =	vadd.s32 $0x1FE, v18;
	v29 =	vld.idx.msk [tilespmem:v52+s4+$0x0], $0xffff  }
0x47c: {  	v12 =	vadd.f32 v39, v12;
	v13 =	vadd.f32 v51, v13;
	v18 =	vadd.s32 $0x1FF, v18;
	v51 =	vld.idx.msk [tilespmem:v62+s4+$0x0], $0xffff  }
0x47d: {  	v16 =	vadd.f32 v48, v16;
	v30 =	vmul.f32 v30, v22;
	v31 =	vmul.f32 v31, v17;
	v59 =	vld.idx.msk [tilespmem:v47+s4+$0x0], $0xffff  }
0x47e: {  	v2 =	vadd.f32 v58, v2;
	v63 =	vmul.f32 v37, v17;
	v60 =	vmul.f32 v36, v22;
	v47 =	vld [tilespmem:$0x1FF40]  }
0x47f: {  	v62 =	vmul.f32 v33, v22;
	v36 =	vmul.f32 v38, v17;
	v6 =	vadd.f32 v31, v6;
	v33 =	vld.idx.msk [tilespmem:v55+s4+$0x0], $0xffff  }
0x480: {  	v5 =	vadd.f32 v30, v5;
	v58 =	vmul.f32 v26, v22;
	v1 =	vadd.f32 v63, v1;
	v37 =	vld.idx.msk [tilespmem:v57+s4+$0x0], $0xffff  }
0x481: {  	v28 =	vmul.f32 v28, v22;
	v2 =	vadd.f32 v36, v2;
	v18 =	vld.idx.msk [tilespmem:v18+s4+$0x0], $0xffff;
	[tilespmem:v40+s0+$0x0] =	vst.idx.msk $0xffff, v6  }
0x482: {  	v48 =	vmul.f32 v34, v22;
	v43 =	vmul.f32 v49, v17;
	v49 =	vld [tilespmem:$0x1FF50];
	[tilespmem:v42+s0+$0x0] =	vst.idx.msk $0xffff, v1  }
0x483: {  	v56 =	vmul.f32 v35, v22;
	[tilespmem:v44+s0+$0x0] =	vst.idx.msk $0xffff, v2;
	v2 =	vmul.f32 v51, v17;
	v51 =	vld [tilespmem:$0x1FF60]  }
0x484: {  	v53 =	vld [tilespmem:$0x1FF70];
	v15 =	vadd.f32 v58, v15;
	v11 =	vadd.f32 v28, v11;
	v38 =	vmul.f32 v25, v17  }
0x485: {  	v12 =	vadd.f32 v48, v12;
	v23 =	vmul.f32 v23, v22;
	v55 =	vld [tilespmem:$0x1FF80];
	v41 =	vmul.f32 v27, v17  }
0x486: {  	v10 =	vadd.f32 v56, v10;
	v3 =	vadd.f32 v38, v3;
	v57 =	vld [tilespmem:$0x1FF90];
	v1 =	vmul.f32 v46, v17  }
0x487: {  	v13 =	vadd.f32 v62, v13;
	v5 =	vadd.f32 v41, v5;
	v50 =	vmul.f32 v59, v17;
	v59 =	vld [tilespmem:$0x1FFA0]  }
0x488: {  	v52 =	vmul.f32 v61, v17;
	v61 =	vld [tilespmem:$0x1FFB0];
	v1 =	vadd.f32 v1, v7;
	[tilespmem:v45+s0+$0x0] =	vst.idx.msk $0xffff, v3  }
0x489: {  	v62 =	vld [tilespmem:$0x1FFC0];
	v46 =	vmul.f32 v54, v17;
	v3 =	vadd.f32 v43, v4;
	[tilespmem:v47+s0+$0x0] =	vst.idx.msk $0xffff, v5  }
0x48a: {  	v63 =	vld [tilespmem:$0x1FFD0];
	v48 =	vmul.f32 v32, v17;
	v2 =	vadd.f32 v2, v8;
	[tilespmem:v49+s0+$0x0] =	vst.idx.msk $0xffff, v1  }
0x48b: {  	v14 =	vadd.f32 v23, v14;
	v1 =	vadd.f32 v46, v11;
	[tilespmem:v51+s0+$0x0] =	vst.idx.msk $0xffff, v3  }
0x48c: {  	v16 =	vadd.f32 v60, v16;
	v3 =	vadd.f32 v48, v12;
	[tilespmem:v53+s0+$0x0] =	vst.idx.msk $0xffff, v2  }
0x48d: {  	v54 =	vmul.f32 v29, v17;
	v2 =	vadd.f32 v50, v10;
	[tilespmem:v55+s0+$0x0] =	vst.idx.msk $0xffff, v1  }
0x48e: {  	v56 =	vmul.f32 v33, v17;
	v1 =	vadd.f32 v52, v14;
	[tilespmem:v57+s0+$0x0] =	vst.idx.msk $0xffff, v3  }
0x48f: {  	v3 =	vadd.f32 v54, v15;
	[tilespmem:v59+s0+$0x0] =	vst.idx.msk $0xffff, v2  }
0x490: {  	v2 =	vadd.f32 v56, v16;
	[tilespmem:v61+s0+$0x0] =	vst.idx.msk $0xffff, v1  }
0x491: {  	[tilespmem:v62+s0+$0x0] =	vst.idx.msk $0xffff, v3  }
0x492: {  	[tilespmem:v63+s0+$0x0] =	vst.idx.msk $0xffff, v2;
	v2 =	vld [tilespmem:$0x1FFE0];
	_ =	sdelay $0x3  }
0x493: {  	v58 =	vmul.f32 v37, v17;
	_ =	sdelay $0x1  }
0x494: {  	v1 =	vadd.f32 v58, v13;
	_ =	sdelay $0x1  }
0x495: {  	[tilespmem:v2+s0+$0x0] =	vst.idx.msk $0xffff, v1;
	v1 =	vld [tilespmem:$0x1FFF0];
	_ =	sdelay $0x1  }
0x496: {  	v21 =	vmul.f32 v21, v22;
	_ =	sdelay $0x1  }
0x497: {  	v9 =	vadd.f32 v21, v9;
	v60 =	vmul.f32 v18, v17;
	_ =	sdelay $0x1  }
0x498: {  	v3 =	vadd.f32 v60, v9;
	_ =	sdelay $0x1  }
0x499: {  	s21 =	simm.s32 $0xC80;
	[tilespmem:v1+s0+$0x0] =	vst.idx.msk $0xffff, v3  }
0x49a: {  	[spmem:s3] =	stream.indirect.scatter.add.f32 [tilespmem:s0], [sflag:$0x5], $0x10, s21, s16, $0xb8;
	[tilespmem:$0x1EF20] =	vst v63  }
0x49b: {  	s12 =	simm.s32 $0x3BB0;
	s6 =	sadd.s32 $0x1, s6  }
0x49c: {  	[spmem:s3] =	stream.indirect.scatter.add.f32 [tilespmem:s12], [sflag:$0x5], $0x10, s28, s16, $0xb8;
	[tilespmem:$0x1EF20] =	vst v63  }
0x49d: {  	s14 =	simm.s32 $0x40B0;
	p1 =	sne.s32 s6, $0x7D  }
0x49e: {  	[spmem:s3] =	stream.indirect.scatter.add.f32 [tilespmem:s14], [sflag:$0x5], $0x10, s29, s16, $0xb8;
	[tilespmem:$0x1EF20] =	vst v63  }
.Ltmp4:
0x49f: {  	_ = 	snop;
	(pc) =	sbr.rel @p1 .LBB2_6-.Ltmp4, $4  }
0x4a0: {  	s17 =	simm.s32 $0x45B0  }
0x4a1: {  	[spmem:s3] =	stream.indirect.scatter.add.f32 [tilespmem:s17], [sflag:$0x5], $0x10, s18, s16, $0xb8;
	[tilespmem:$0x1EF20] =	vst v63  }
0x4a2: {  	s22 =	simm.s32 $0x4AB0  }
0x4a3: {  	[spmem:s3] =	stream.indirect.scatter.add.f32 [tilespmem:s22], [sflag:$0x5], $0x10, s19, s16, $0xb8;
	[tilespmem:$0x1EF20] =	vst v63  }
0x4a4: {  	s1 =	simm.s32 $0x5  }
0x4a5: {  	_ =	swait.ge [sflag:s1], $0x500  }
0x4a6: {  	[sflag:s1] =	ssyncset.done $0x0  }
0x4a7: {  	[sflag:s1] =	ssyncadd.s32 $0xFFFFFB00  }
0x4a8: {  	_ =	swait.ge [sflag:s1], $0x500  }
0x4a9: {  	[sflag:s1] =	ssyncset.done $0x0  }
0x4aa: {  	[sflag:s1] =	ssyncadd.s32 $0xFFFFFB00  }
0x4ab: {  	_ =	swait.ge [sflag:s1], $0x500  }
0x4ac: {  	[sflag:s1] =	ssyncset.done $0x0  }
0x4ad: {  	[sflag:s1] =	ssyncadd.s32 $0xFFFFFB00  }
0x4ae: {  	_ =	swait.ge [sflag:s1], $0x500  }
0x4af: {  	[sflag:s1] =	ssyncset.done $0x0  }
0x4b0: {  	[sflag:s1] =	ssyncadd.s32 $0xFFFFFB00  }
0x4b1: {  	_ =	swait.ge [sflag:s1], $0x500  }
0x4b2: {  	[sflag:s1] =	ssyncset.done $0x0  }
0x4b3: {  	[sflag:s1] =	ssyncadd.s32 $0xFFFFFB00  }
0x4b4: {  	s14 =	stileid.u32;
	[bflag:$0x0] =	sbarrier.arrive $0xFFFF  }
0x4b5: {  	s1 =	sshll.u32 s14, $0x6;
	s6 =	rddreg [dreg:$0xd]  }
0x4b6: {  	s1 =	sor.u32 $0x1C06, s1;
	s12 =	rddreg [dreg:$0x11]  }
0x4b7: {  	[hbm:s6], [sflag:s1] =	dma.local [spmem:s12], $0x30E0  }
0x4b8: {  	_ =	swait.ge [sflag:s30], $0x30E0  }
0x4b9: {  	s17 =	rddreg [dreg:$0x15]  }
0x4ba: {  	s22 =	rddreg [dreg:$0x10];
	s6 =	sadd.s32 $0x1, s17  }
0x4bb: {  	p1 =	sne.s32 s6, s22  }
.Ltmp5:
0x4bc: {  	_ = 	snop;
	(pc) =	sbr.rel @p1 .LBB2_1-.Ltmp5, $3  }
0x4bd: {  	_ =	sdelay $0x1  }
0x4be: {  	[sflag:s30] =	ssyncset.done $0x0  }
0x4bf: {  	v1 =	vimm.f32 $0.0e+00;
	[sflag:s30] =	ssyncadd.s32 $0xFFFFCF20  }
0x4c0: {  	_ =	sfence.sel $0x180000  }
0x4c1: {  	[bflag:$0x0] =	sbarrier.arrive $0xFFFF  }
0x4c2: {  	_ =	strace $0x90000047  }
0x4c3: {  	[bflag:$0x2] =	sbarrier.arrive $0xFFFF  }
0x4c4: {  	s0 =	rddreg [dreg:$0x4]  }
0x4c5: {  	s0 =	sadd.s32 @!p0 $0x100000, s0  }
0x4c6: {  	[sflag:s0] =	ssyncadd.tile.s32 @!p0 $0x1;
	_ =	shalt  }
.Lfunc_end2:
_tile_overlayer_lowered:
.L_overlay_start_2:
0x4c7: {  	(tag) =	ssettag $0x2  }
0x4c8: {  	s0 =	rddreg [dreg:$0x0];
	s2 =	stileid.u32  }
0x4c9: {  	s1 =	rddreg [dreg:$0x1];
	p0 =	sne.s32 s2, $0x0  }
0x4ca: {  	s3 =	rddreg [dreg:$0x2];
	[bflag:$0x3] =	sbarrier.arrive $0xFFFF;
	s2 =	simm.s32 @!p0 $0x1C06  }
0x4cb: {  	[timem:s3], [sflag:s2] =	dma.local @!p0 [hbm:s0], s1  }
0x4cc: {  	s0 =	simm.s32 @!p0 $0x6  }
0x4cd: {  	_ =	swait.ge @!p0 [sflag:s0], s1  }
0x4ce: {  	s1 =	ssub.s32 @!p0 $0x0, s1;
	[sflag:s0] =	ssyncset.done @!p0 $0x0  }
0x4cf: {  	[sflag:s0] =	ssyncadd.s32 @!p0 s1  }
0x4d0: {  	[bflag:$0x3] =	sbarrier.arrive $0xFFFF  }
0x4d1: {  	_ =	shalt  }

</sc_bundles>
